<compile_context>
chip_gen: v7x
topology: tpu7x:2x2x1
jax: 0.10.2.dev20260603
libtpu: 0.0.44.dev20260713+nightly
codegen_flags: <defaults>
</compile_context>

<pallas_src>
import functools

import jax
import jax.numpy as jnp
from jax import lax
from jax.experimental import pallas as pl
from jax.experimental.pallas import tpu as pltpu
from jax.experimental.pallas import tpu_sc as plsc

N_NODES = 10000
D = 128
E = 320000

NC, NS = 2, 16
NW = NC * NS
NP = 10112
RPT = NP // NS
K = 80
EPT = 10000
R = EPT // K
G = 25
NG = R // G
NBUF = 2

RB = 632
GRID = NP // RB

_sc_mesh = plsc.VectorSubcoreMesh(core_axis_name="c", subcore_axis_name="s")


@functools.partial(
    pl.kernel,
    out_type=jax.ShapeDtypeStruct((NC, NP, D), jnp.float32),
    mesh=_sc_mesh,
    scratch_types=(
        [pltpu.VMEM((R, K), jnp.int32)]
        + [pltpu.VMEM((G, K), jnp.int32)]
        + [pltpu.VMEM((K, D), jnp.float32)] * NBUF
        + [pltpu.VMEM_SHARED((NP, D), jnp.float32)]
        + [pltpu.SemaphoreType.DMA] * NBUF
        + [pltpu.SemaphoreType.DMA]
    ),
)
def _edge_pass(g_hbm, src_hbm, dst_hbm, zeros_hbm, out_hbm,
               dst_v, sbuf, *rest):
    rows = rest[:NBUF]
    acc = rest[NBUF]
    gsem = rest[NBUF + 1:2 * NBUF + 1]
    ssem = rest[2 * NBUF + 1]
    cid = lax.axis_index("c")
    sid = lax.axis_index("s")
    w = cid * NS + sid
    r0 = sid * RPT
    pltpu.sync_copy(zeros_hbm, acc.at[pl.ds(r0, RPT)])
    pltpu.sync_copy(dst_hbm.at[w], dst_v)
    plsc.subcore_barrier()

    def group(g, carry):
        pltpu.sync_copy(src_hbm.at[w].at[g], sbuf)
        c0 = g * G
        descs = [
            pltpu.async_copy(g_hbm.at[sbuf.at[b]], rows[b], gsem[b])
            for b in range(NBUF)
        ]
        for j in range(G):
            b = j % NBUF
            descs[b].wait()
            pltpu.async_copy(rows[b], acc.at[dst_v.at[c0 + j]], ssem,
                             add=True).wait()
            if j < G - NBUF:
                descs[b] = pltpu.async_copy(
                    g_hbm.at[sbuf.at[j + NBUF]], rows[b], gsem[b])
        return carry

    lax.fori_loop(0, NG, group, 0)
    plsc.subcore_barrier()
    pltpu.sync_copy(acc.at[pl.ds(r0, RPT)], out_hbm.at[cid].at[pl.ds(r0, RPT)])


@functools.partial(
    pl.kernel,
    out_type=jax.ShapeDtypeStruct((NC, NP, D), jnp.float32),
    mesh=_sc_mesh,
    scratch_types=[
        pltpu.VMEM((R, K), jnp.int32),
        pltpu.VMEM((K, D), jnp.float32),
        pltpu.VMEM_SHARED((NP, D), jnp.float32),
        pltpu.SemaphoreType.DMA,
        pltpu.SemaphoreType.DMA,
    ],
)
def _deg_pass(dst_hbm, zeros_hbm, ones_hbm, out_hbm,
              dst_v, ones_v, acc, ds0, ds1):
    dsem = (ds0, ds1)
    cid = lax.axis_index("c")
    sid = lax.axis_index("s")
    w = cid * NS + sid
    r0 = sid * RPT
    pltpu.sync_copy(zeros_hbm, acc.at[pl.ds(r0, RPT)])
    pltpu.sync_copy(dst_hbm.at[w], dst_v)
    pltpu.sync_copy(ones_hbm, ones_v)
    plsc.subcore_barrier()

    def body(g, carry):
        c0 = g * G
        descs = [
            pltpu.async_copy(ones_v, acc.at[dst_v.at[c0 + b]], dsem[b],
                             add=True)
            for b in range(2)
        ]
        for j in range(G):
            b = j % 2
            descs[b].wait()
            if j < G - 2:
                descs[b] = pltpu.async_copy(
                    ones_v, acc.at[dst_v.at[c0 + j + 2]], dsem[b], add=True)
        return carry

    lax.fori_loop(0, NG, body, 0)
    plsc.subcore_barrier()
    pltpu.sync_copy(acc.at[pl.ds(r0, RPT)], out_hbm.at[cid].at[pl.ds(r0, RPT)])


def _dis_from_counts(dc_ref):
    deg = dc_ref[0, :, 0] + dc_ref[1, :, 0] + 1.0
    return lax.rsqrt(deg)


def _tc1_body(x_ref, w1_ref, dc_ref, g1_ref, dis8_ref):
    dis = _dis_from_counts(dc_ref)
    h = jnp.dot(x_ref[...], w1_ref[...], preferred_element_type=jnp.float32)
    g1_ref[...] = h * dis[:, None]
    dis8_ref[...] = jnp.broadcast_to(dis[:, None], (RB, 8))


def _tc2_body(p_ref, g1_ref, dis8_ref, b1_ref, w2_ref, g2_ref):
    dis = dis8_ref[:, 0]
    s = (p_ref[0] + p_ref[1] + g1_ref[...]) * dis[:, None] + b1_ref[...]
    h = jnp.maximum(s, 0.0)
    g2_ref[...] = jnp.dot(h, w2_ref[...],
                          preferred_element_type=jnp.float32) * dis[:, None]


def _tc3_body(p_ref, g2_ref, dis8_ref, b2_ref, o_ref):
    dis = dis8_ref[:, 0]
    z = (p_ref[0] + p_ref[1] + g2_ref[...]) * dis[:, None] + b2_ref[...]
    m = jnp.max(z, axis=-1, keepdims=True)
    lse = jnp.log(jnp.sum(jnp.exp(z - m), axis=-1, keepdims=True)) + m
    o_ref[...] = z - lse


_row_spec = pl.BlockSpec((RB, D), lambda i: (i, 0))
_dc_spec = pl.BlockSpec((2, RB, D), lambda i: (0, i, 0))
_w_spec = pl.BlockSpec((D, D), lambda i: (0, 0))
_b_spec = pl.BlockSpec((1, D), lambda i: (0, 0))
_p_spec = pl.BlockSpec((2, RB, D), lambda i: (0, i, 0))
_out_f32 = jax.ShapeDtypeStruct((NP, D), jnp.float32)

_dis8_spec = pl.BlockSpec((RB, 8), lambda i: (i, 0))

_tc1 = pl.pallas_call(
    _tc1_body, grid=(GRID,),
    in_specs=[_row_spec, _w_spec, _dc_spec],
    out_specs=[_row_spec, _dis8_spec],
    out_shape=[_out_f32, jax.ShapeDtypeStruct((NP, 8), jnp.float32)])

_tc2 = pl.pallas_call(
    _tc2_body, grid=(GRID,),
    in_specs=[_p_spec, _row_spec, _dis8_spec, _b_spec, _w_spec],
    out_specs=_row_spec, out_shape=_out_f32)

RB3 = 400
GRID3 = N_NODES // RB3
_row3_spec = pl.BlockSpec((RB3, D), lambda i: (i, 0))
_dis8_3_spec = pl.BlockSpec((RB3, 8), lambda i: (i, 0))
_p3_spec = pl.BlockSpec((2, RB3, D), lambda i: (0, i, 0))
_b3_spec = pl.BlockSpec((1, D), lambda i: (0, 0))

_tc3 = pl.pallas_call(
    _tc3_body, grid=(GRID3,),
    in_specs=[_p3_spec, _row3_spec, _dis8_3_spec, _b3_spec],
    out_specs=_row3_spec,
    out_shape=jax.ShapeDtypeStruct((N_NODES, D), jnp.float32))


def _pad_edges(idx):
    per_tile = idx.astype(jnp.int32).reshape(NW, E // NW)
    if EPT > E // NW:
        per_tile = jnp.pad(per_tile, ((0, 0), (0, EPT - E // NW)),
                           constant_values=NP - 1)
    return per_tile.reshape(NW, NG, G, K)


def kernel(x, edge_index, new_edge_indexs, W1, b1, W2, b2):
    src = _pad_edges(edge_index[0])
    dst = _pad_edges(edge_index[1])
    dst_flat = dst.reshape(NW, R, K)
    xp = jnp.zeros((NP, D), jnp.float32).at[:N_NODES].set(x)
    zeros_full = jnp.zeros((RPT, D), jnp.float32)

    ones_rows = jnp.ones((K, D), jnp.float32)
    dc = _deg_pass(dst_flat, zeros_full, ones_rows)
    g1, dis8 = _tc1(xp, W1, dc)
    p1 = _edge_pass(g1, src, dst_flat, zeros_full)
    g2 = _tc2(p1, g1, dis8, b1.reshape(1, D), W2)
    p2 = _edge_pass(g2, src, dst_flat, zeros_full)
    return _tc3(p2, g2, dis8, b2.reshape(1, D))

# --- scband reference (transcript-rebuilt; emitter-appended) ---
"""Pipeline reference for scband-gcn-12352325943364 (READ-ONLY COPY).

The authoritative reference and input builder live on the scoring server;
editing this copy changes nothing except your own understanding.
"""

import jax, jax.numpy as jnp
import numpy as np

N_NODES = 10000
N_EDGES = 320000
D_IN = 128
D_HID = 128
D_OUT = 128


def setup_inputs(seed: int = 0) -> dict:
    key = jax.random.key(seed)
    k1, k2, k3, k4, k5, k6, k7 = jax.random.split(key, 7)
    x = jax.random.normal(k1, (N_NODES, D_IN), dtype=jnp.float32)
    edge_index = jax.random.randint(k2, (2, N_EDGES), 0, N_NODES, dtype=jnp.int64)
    new_edge_indexs = jax.random.randint(k3, (2, N_EDGES), 0, N_NODES, dtype=jnp.int64)
    # GCNConv parameters (glorot-ish init)
    W1 = jax.random.normal(k4, (D_IN, D_HID), dtype=jnp.float32) * (1.0 / np.sqrt(D_IN))
    b1 = jnp.zeros((D_HID,), dtype=jnp.float32)
    W2 = jax.random.normal(k5, (D_HID, D_OUT), dtype=jnp.float32) * (1.0 / np.sqrt(D_HID))
    b2 = jnp.zeros((D_OUT,), dtype=jnp.float32)
    return {"x": x, "edge_index": edge_index, "new_edge_indexs": new_edge_indexs,
            "W1": W1, "b1": b1, "W2": W2, "b2": b2}


def _gcn_conv(x, W, b, edge_index, num_nodes):
    # Faithful GCNConv: h = D^{-1/2} (A + I) D^{-1/2} (x W) + b
    h = x @ W
    src = edge_index[0]
    dst = edge_index[1]
    loop = jnp.arange(num_nodes, dtype=src.dtype)
    src = jnp.concatenate([src, loop])
    dst = jnp.concatenate([dst, loop])
    deg = jnp.zeros((num_nodes,), dtype=h.dtype).at[dst].add(1.0)
    deg_inv_sqrt = jnp.where(deg > 0, jax.lax.rsqrt(deg), 0.0)
    norm = deg_inv_sqrt[src] * deg_inv_sqrt[dst]
    msg = h[src] * norm[:, None]
    out = jnp.zeros((num_nodes, h.shape[1]), dtype=h.dtype).at[dst].add(msg)
    return out + b


def reference(x, edge_index, new_edge_indexs, W1, b1, W2, b2):
    n = x.shape[0]
    h = _gcn_conv(x, W1, b1, edge_index, n)
    h = jax.nn.relu(h)
    # F.dropout(p=0.5, training=self.training): identity in eval mode
    h = _gcn_conv(h, W2, b2, edge_index, n)
    return jax.nn.log_softmax(h, axis=-1)

if __name__ == "__main__":
    import jax
    _d = setup_inputs()
    print(jax.jit(kernel)(*tuple(_d.values())))

</pallas_src>

<mosaic_0001>
#map = affine_map<(d0, d1) -> (0, 0)>
#map1 = affine_map<(d0, d1) -> (0, 0, 0, 0)>
#map2 = affine_map<(d0, d1) -> (0, 0, 0)>
module attributes {stable_mosaic.version = 14 : i64} {
  func.func @_edge_pass(%arg0: i32, %arg1: i32, %arg2: memref<10112x128xf32, #tpu.memory_space<hbm>>, %arg3: memref<32x5x25x80xi32, #tpu.memory_space<hbm>>, %arg4: memref<32x125x80xi32, #tpu.memory_space<hbm>>, %arg5: memref<632x128xf32, #tpu.memory_space<hbm>>, %arg6: memref<2x10112x128xf32, #tpu.memory_space<hbm>>, %arg7: memref<125x80xi32, #tpu.memory_space<vmem>>, %arg8: memref<25x80xi32, #tpu.memory_space<vmem>>, %arg9: memref<80x128xf32, #tpu.memory_space<vmem>>, %arg10: memref<80x128xf32, #tpu.memory_space<vmem>>, %arg11: memref<10112x128xf32, #tpu.memory_space<vmem_shared>>, %arg12: memref<!tpu.dma_semaphore, #tpu.memory_space<semaphore_mem>>, %arg13: memref<!tpu.dma_semaphore, #tpu.memory_space<semaphore_mem>>, %arg14: memref<!tpu.dma_semaphore, #tpu.memory_space<semaphore_mem>>) attributes {dimension_semantics = [#tpu.dimension_semantics<core_parallel>, #tpu.dimension_semantics<subcore_parallel>], iteration_bounds = array<i64: 2, 16>, scalar_prefetch = 0 : i64, scratch_operands = 8 : i64, tpu.core_type = #tpu.core_type<sc_vector_subcore>, window_params = [{transform_indices = #map}, {transform_indices = #map1}, {transform_indices = #map2}, {transform_indices = #map}, {transform_indices = #map2}]} {
    %mul3A = arith.constant 16 : i32
    %mul3A_0 = arith.muli %arg0, %mul3A : i32
    %add3A = arith.addi %mul3A_0, %arg1 : i32
    %mul3A_1 = arith.constant 632 : i32
    %mul3A_2 = arith.muli %arg1, %mul3A_1 : i32
    "tpu.region"() ({
      %run_scoped3A = tpu.sem_alloc : memref<!tpu.dma_semaphore, #tpu.memory_space<semaphore_mem>>
      %dma_start3A = arith.constant 0 : i32
      %dma_start3A_9 = tpu.memref_slice %arg11[%mul3A_2, %dma_start3A] : memref<10112x128xf32, #tpu.memory_space<vmem_shared>> -> memref<632x128xf32, #tpu.memory_space<vmem_shared>>
      tpu.enqueue_dma source(%arg5 : memref<632x128xf32, #tpu.memory_space<hbm>>) target(%dma_start3A_9 : memref<632x128xf32, #tpu.memory_space<vmem_shared>>) target_semaphore(%run_scoped3A : memref<!tpu.dma_semaphore, #tpu.memory_space<semaphore_mem>>)
      %dma_wait3A = arith.constant 0 : i32
      %dma_wait3A_10 = tpu.memref_slice %arg11[%mul3A_2, %dma_wait3A] : memref<10112x128xf32, #tpu.memory_space<vmem_shared>> -> memref<632x128xf32, #tpu.memory_space<vmem_shared>>
      tpu.wait_dma2 semaphore(%run_scoped3A : memref<!tpu.dma_semaphore, #tpu.memory_space<semaphore_mem>>) src(%arg5 : memref<632x128xf32, #tpu.memory_space<hbm>>) dst(%dma_wait3A_10 : memref<632x128xf32, #tpu.memory_space<vmem_shared>>)
      tpu.yield
    }) : () -> ()
    "tpu.region"() ({
      %run_scoped3A = tpu.sem_alloc : memref<!tpu.dma_semaphore, #tpu.memory_space<semaphore_mem>>
      %dma_start3A = arith.constant 0 : i32
      %dma_start3A_9 = arith.constant 0 : i32
      %dma_start3A_10 = tpu.memref_slice %arg4[%add3A, %dma_start3A, %dma_start3A_9] : memref<32x125x80xi32, #tpu.memory_space<hbm>> -> memref<1x125x80xi32, #tpu.memory_space<hbm>>
      %dma_start3A_11 = tpu.memref_squeeze %dma_start3A_10 : memref<1x125x80xi32, #tpu.memory_space<hbm>> -> memref<125x80xi32, #tpu.memory_space<hbm>>
      %dma_start3A_12 = arith.constant 0 : i32
      %dma_start3A_13 = arith.constant 0 : i32
      %dma_start3A_14 = tpu.memref_slice %arg4[%add3A, %dma_start3A_12, %dma_start3A_13] : memref<32x125x80xi32, #tpu.memory_space<hbm>> -> memref<1x125x80xi32, #tpu.memory_space<hbm>>
      %dma_start3A_15 = tpu.memref_squeeze %dma_start3A_14 : memref<1x125x80xi32, #tpu.memory_space<hbm>> -> memref<125x80xi32, #tpu.memory_space<hbm>>
      tpu.enqueue_dma source(%dma_start3A_15 : memref<125x80xi32, #tpu.memory_space<hbm>>) target(%arg7 : memref<125x80xi32, #tpu.memory_space<vmem>>) target_semaphore(%run_scoped3A : memref<!tpu.dma_semaphore, #tpu.memory_space<semaphore_mem>>)
      %dma_wait3A = arith.constant 0 : i32
      %dma_wait3A_16 = arith.constant 0 : i32
      %dma_wait3A_17 = tpu.memref_slice %arg4[%add3A, %dma_wait3A, %dma_wait3A_16] : memref<32x125x80xi32, #tpu.memory_space<hbm>> -> memref<1x125x80xi32, #tpu.memory_space<hbm>>
      %dma_wait3A_18 = tpu.memref_squeeze %dma_wait3A_17 : memref<1x125x80xi32, #tpu.memory_space<hbm>> -> memref<125x80xi32, #tpu.memory_space<hbm>>
      %dma_wait3A_19 = arith.constant 0 : i32
      %dma_wait3A_20 = arith.constant 0 : i32
      %dma_wait3A_21 = tpu.memref_slice %arg4[%add3A, %dma_wait3A_19, %dma_wait3A_20] : memref<32x125x80xi32, #tpu.memory_space<hbm>> -> memref<1x125x80xi32, #tpu.memory_space<hbm>>
      %dma_wait3A_22 = tpu.memref_squeeze %dma_wait3A_21 : memref<1x125x80xi32, #tpu.memory_space<hbm>> -> memref<125x80xi32, #tpu.memory_space<hbm>>
      tpu.wait_dma2 semaphore(%run_scoped3A : memref<!tpu.dma_semaphore, #tpu.memory_space<semaphore_mem>>) src(%dma_wait3A_22 : memref<125x80xi32, #tpu.memory_space<hbm>>) dst(%arg7 : memref<125x80xi32, #tpu.memory_space<vmem>>)
      tpu.yield
    }) : () -> ()
    %barrier3A = arith.constant 0 : index
    tpu.barrier barrier_id(%barrier3A)
    %scan3A = arith.constant 0 : i32
    %scan3A_3 = arith.constant 0 : i32
    %scan3A_4 = arith.constant 5 : i32
    %scan3A_5 = arith.addi %scan3A_3, %scan3A_4 : i32
    %scan3A_6 = arith.constant 1 : i32
    scf.for %scan3A_9 = %scan3A_3 to %scan3A_5 step %scan3A_6  : i32 {
      "tpu.region"() ({
        %run_scoped3A = tpu.sem_alloc : memref<!tpu.dma_semaphore, #tpu.memory_space<semaphore_mem>>
        %dma_start3A_710 = arith.constant 0 : i32
        %dma_start3A_711 = arith.constant 0 : i32
        %dma_start3A_712 = arith.constant 0 : i32
        %dma_start3A_713 = tpu.memref_slice %arg3[%add3A, %dma_start3A_710, %dma_start3A_711, %dma_start3A_712] : memref<32x5x25x80xi32, #tpu.memory_space<hbm>> -> memref<1x5x25x80xi32, #tpu.memory_space<hbm>>
        %dma_start3A_714 = tpu.memref_squeeze %dma_start3A_713 : memref<1x5x25x80xi32, #tpu.memory_space<hbm>> -> memref<5x25x80xi32, #tpu.memory_space<hbm>>
        %dma_start3A_715 = arith.constant 0 : i32
        %dma_start3A_716 = arith.constant 0 : i32
        %dma_start3A_717 = tpu.memref_slice %dma_start3A_714[%scan3A_9, %dma_start3A_715, %dma_start3A_716] : memref<5x25x80xi32, #tpu.memory_space<hbm>> -> memref<1x25x80xi32, #tpu.memory_space<hbm>>
        %dma_start3A_718 = tpu.memref_squeeze %dma_start3A_717 : memref<1x25x80xi32, #tpu.memory_space<hbm>> -> memref<25x80xi32, #tpu.memory_space<hbm>>
        %dma_start3A_719 = arith.constant 0 : i32
        %dma_start3A_720 = arith.constant 0 : i32
        %dma_start3A_721 = arith.constant 0 : i32
        %dma_start3A_722 = tpu.memref_slice %arg3[%add3A, %dma_start3A_719, %dma_start3A_720, %dma_start3A_721] : memref<32x5x25x80xi32, #tpu.memory_space<hbm>> -> memref<1x5x25x80xi32, #tpu.memory_space<hbm>>
        %dma_start3A_723 = tpu.memref_squeeze %dma_start3A_722 : memref<1x5x25x80xi32, #tpu.memory_space<hbm>> -> memref<5x25x80xi32, #tpu.memory_space<hbm>>
        %dma_start3A_724 = arith.constant 0 : i32
        %dma_start3A_725 = arith.constant 0 : i32
        %dma_start3A_726 = tpu.memref_slice %dma_start3A_723[%scan3A_9, %dma_start3A_724, %dma_start3A_725] : memref<5x25x80xi32, #tpu.memory_space<hbm>> -> memref<1x25x80xi32, #tpu.memory_space<hbm>>
        %dma_start3A_727 = tpu.memref_squeeze %dma_start3A_726 : memref<1x25x80xi32, #tpu.memory_space<hbm>> -> memref<25x80xi32, #tpu.memory_space<hbm>>
        tpu.enqueue_dma source(%dma_start3A_727 : memref<25x80xi32, #tpu.memory_space<hbm>>) target(%arg8 : memref<25x80xi32, #tpu.memory_space<vmem>>) target_semaphore(%run_scoped3A : memref<!tpu.dma_semaphore, #tpu.memory_space<semaphore_mem>>)
        %dma_wait3A_728 = arith.constant 0 : i32
        %dma_wait3A_729 = arith.constant 0 : i32
        %dma_wait3A_730 = arith.constant 0 : i32
        %dma_wait3A_731 = tpu.memref_slice %arg3[%add3A, %dma_wait3A_728, %dma_wait3A_729, %dma_wait3A_730] : memref<32x5x25x80xi32, #tpu.memory_space<hbm>> -> memref<1x5x25x80xi32, #tpu.memory_space<hbm>>
        %dma_wait3A_732 = tpu.memref_squeeze %dma_wait3A_731 : memref<1x5x25x80xi32, #tpu.memory_space<hbm>> -> memref<5x25x80xi32, #tpu.memory_space<hbm>>
        %dma_wait3A_733 = arith.constant 0 : i32
        %dma_wait3A_734 = arith.constant 0 : i32
        %dma_wait3A_735 = tpu.memref_slice %dma_wait3A_732[%scan3A_9, %dma_wait3A_733, %dma_wait3A_734] : memref<5x25x80xi32, #tpu.memory_space<hbm>> -> memref<1x25x80xi32, #tpu.memory_space<hbm>>
        %dma_wait3A_736 = tpu.memref_squeeze %dma_wait3A_735 : memref<1x25x80xi32, #tpu.memory_space<hbm>> -> memref<25x80xi32, #tpu.memory_space<hbm>>
        %dma_wait3A_737 = arith.constant 0 : i32
        %dma_wait3A_738 = arith.constant 0 : i32
        %dma_wait3A_739 = arith.constant 0 : i32
        %dma_wait3A_740 = tpu.memref_slice %arg3[%add3A, %dma_wait3A_737, %dma_wait3A_738, %dma_wait3A_739] : memref<32x5x25x80xi32, #tpu.memory_space<hbm>> -> memref<1x5x25x80xi32, #tpu.memory_space<hbm>>
        %dma_wait3A_741 = tpu.memref_squeeze %dma_wait3A_740 : memref<1x5x25x80xi32, #tpu.memory_space<hbm>> -> memref<5x25x80xi32, #tpu.memory_space<hbm>>
        %dma_wait3A_742 = arith.constant 0 : i32
        %dma_wait3A_743 = arith.constant 0 : i32
        %dma_wait3A_744 = tpu.memref_slice %dma_wait3A_741[%scan3A_9, %dma_wait3A_742, %dma_wait3A_743] : memref<5x25x80xi32, #tpu.memory_space<hbm>> -> memref<1x25x80xi32, #tpu.memory_space<hbm>>
        %dma_wait3A_745 = tpu.memref_squeeze %dma_wait3A_744 : memref<1x25x80xi32, #tpu.memory_space<hbm>> -> memref<25x80xi32, #tpu.memory_space<hbm>>
        tpu.wait_dma2 semaphore(%run_scoped3A : memref<!tpu.dma_semaphore, #tpu.memory_space<semaphore_mem>>) src(%dma_wait3A_745 : memref<25x80xi32, #tpu.memory_space<hbm>>) dst(%arg8 : memref<25x80xi32, #tpu.memory_space<vmem>>)
        tpu.yield
      }) : () -> ()
      %mul3A_10 = arith.constant 25 : i32
      %mul3A_11 = arith.muli %scan3A_9, %mul3A_10 : i32
      %dma_start3A = arith.constant 0 : i32
      %dma_start3A_12 = arith.constant 0 : i32
      %dma_start3A_13 = tpu.memref_slice %arg8[%dma_start3A, %dma_start3A_12] : memref<25x80xi32, #tpu.memory_space<vmem>> -> memref<1x80xi32, #tpu.memory_space<vmem>>
      %dma_start3A_14 = tpu.memref_squeeze %dma_start3A_13 : memref<1x80xi32, #tpu.memory_space<vmem>> -> memref<80xi32, #tpu.memory_space<vmem>>
      %dma_start3A_15 = arith.constant 0 : i32
      %dma_start3A_16 = arith.constant 0 : i32
      %dma_start3A_17 = tpu.memref_slice %arg2[%dma_start3A_15, %dma_start3A_16] : memref<10112x128xf32, #tpu.memory_space<hbm>> -> memref<10112x128xf32, #tpu.memory_space<hbm>>
      tpu.enqueue_indirect_dma source(%dma_start3A_17 : memref<10112x128xf32, #tpu.memory_space<hbm>>) target(%arg9 : memref<80x128xf32, #tpu.memory_space<vmem>>) offsets(%dma_start3A_14 : memref<80xi32, #tpu.memory_space<vmem>>) semaphore(%arg12 : memref<!tpu.dma_semaphore, #tpu.memory_space<semaphore_mem>>)
      %dma_start3A_18 = arith.constant 1 : i32
      %dma_start3A_19 = arith.constant 0 : i32
      %dma_start3A_20 = tpu.memref_slice %arg8[%dma_start3A_18, %dma_start3A_19] : memref<25x80xi32, #tpu.memory_space<vmem>> -> memref<1x80xi32, #tpu.memory_space<vmem>>
      %dma_start3A_21 = tpu.memref_squeeze %dma_start3A_20 : memref<1x80xi32, #tpu.memory_space<vmem>> -> memref<80xi32, #tpu.memory_space<vmem>>
      %dma_start3A_22 = arith.constant 0 : i32
      %dma_start3A_23 = arith.constant 0 : i32
      %dma_start3A_24 = tpu.memref_slice %arg2[%dma_start3A_22, %dma_start3A_23] : memref<10112x128xf32, #tpu.memory_space<hbm>> -> memref<10112x128xf32, #tpu.memory_space<hbm>>
      tpu.enqueue_indirect_dma source(%dma_start3A_24 : memref<10112x128xf32, #tpu.memory_space<hbm>>) target(%arg10 : memref<80x128xf32, #tpu.memory_space<vmem>>) offsets(%dma_start3A_21 : memref<80xi32, #tpu.memory_space<vmem>>) semaphore(%arg13 : memref<!tpu.dma_semaphore, #tpu.memory_space<semaphore_mem>>)
      %dma_wait3A = arith.constant 0 : i32
      %dma_wait3A_25 = arith.constant 0 : i32
      %dma_wait3A_26 = tpu.memref_slice %arg8[%dma_wait3A, %dma_wait3A_25] : memref<25x80xi32, #tpu.memory_space<vmem>> -> memref<1x80xi32, #tpu.memory_space<vmem>>
      %dma_wait3A_27 = tpu.memref_squeeze %dma_wait3A_26 : memref<1x80xi32, #tpu.memory_space<vmem>> -> memref<80xi32, #tpu.memory_space<vmem>>
      %dma_wait3A_28 = arith.constant 0 : i32
      %dma_wait3A_29 = arith.constant 0 : i32
      %dma_wait3A_30 = tpu.memref_slice %arg2[%dma_wait3A_28, %dma_wait3A_29] : memref<10112x128xf32, #tpu.memory_space<hbm>> -> memref<10112x128xf32, #tpu.memory_space<hbm>>
      tpu.wait_indirect_dma semaphore(%arg12 : memref<!tpu.dma_semaphore, #tpu.memory_space<semaphore_mem>>) src(%dma_wait3A_30 : memref<10112x128xf32, #tpu.memory_space<hbm>>) dst(%arg9 : memref<80x128xf32, #tpu.memory_space<vmem>>)
      %add3A_31 = arith.constant 0 : i32
      %add3A_32 = arith.addi %mul3A_11, %add3A_31 : i32
      %dma_start3A_33 = arith.constant 0 : i32
      %dma_start3A_34 = tpu.memref_slice %arg7[%add3A_32, %dma_start3A_33] : memref<125x80xi32, #tpu.memory_space<vmem>> -> memref<1x80xi32, #tpu.memory_space<vmem>>
      %dma_start3A_35 = tpu.memref_squeeze %dma_start3A_34 : memref<1x80xi32, #tpu.memory_space<vmem>> -> memref<80xi32, #tpu.memory_space<vmem>>
      %dma_start3A_36 = arith.constant 0 : i32
      %dma_start3A_37 = arith.constant 0 : i32
      %dma_start3A_38 = tpu.memref_slice %arg11[%dma_start3A_36, %dma_start3A_37] : memref<10112x128xf32, #tpu.memory_space<vmem_shared>> -> memref<10112x128xf32, #tpu.memory_space<vmem_shared>>
      tpu.enqueue_indirect_dma source(%arg9 : memref<80x128xf32, #tpu.memory_space<vmem>>) target(%dma_start3A_38 : memref<10112x128xf32, #tpu.memory_space<vmem_shared>>) offsets(%dma_start3A_35 : memref<80xi32, #tpu.memory_space<vmem>>) semaphore(%arg14 : memref<!tpu.dma_semaphore, #tpu.memory_space<semaphore_mem>>) {add = true}
      %dma_wait3A_39 = arith.constant 0 : i32
      %dma_wait3A_40 = tpu.memref_slice %arg7[%add3A_32, %dma_wait3A_39] : memref<125x80xi32, #tpu.memory_space<vmem>> -> memref<1x80xi32, #tpu.memory_space<vmem>>
      %dma_wait3A_41 = tpu.memref_squeeze %dma_wait3A_40 : memref<1x80xi32, #tpu.memory_space<vmem>> -> memref<80xi32, #tpu.memory_space<vmem>>
      %dma_wait3A_42 = arith.constant 0 : i32
      %dma_wait3A_43 = arith.constant 0 : i32
      %dma_wait3A_44 = tpu.memref_slice %arg11[%dma_wait3A_42, %dma_wait3A_43] : memref<10112x128xf32, #tpu.memory_space<vmem_shared>> -> memref<10112x128xf32, #tpu.memory_space<vmem_shared>>
      tpu.wait_indirect_dma semaphore(%arg14 : memref<!tpu.dma_semaphore, #tpu.memory_space<semaphore_mem>>) src(%arg9 : memref<80x128xf32, #tpu.memory_space<vmem>>) dst(%dma_wait3A_44 : memref<10112x128xf32, #tpu.memory_space<vmem_shared>>)
      %dma_start3A_45 = arith.constant 2 : i32
      %dma_start3A_46 = arith.constant 0 : i32
      %dma_start3A_47 = tpu.memref_slice %arg8[%dma_start3A_45, %dma_start3A_46] : memref<25x80xi32, #tpu.memory_space<vmem>> -> memref<1x80xi32, #tpu.memory_space<vmem>>
      %dma_start3A_48 = tpu.memref_squeeze %dma_start3A_47 : memref<1x80xi32, #tpu.memory_space<vmem>> -> memref<80xi32, #tpu.memory_space<vmem>>
      %dma_start3A_49 = arith.constant 0 : i32
      %dma_start3A_50 = arith.constant 0 : i32
      %dma_start3A_51 = tpu.memref_slice %arg2[%dma_start3A_49, %dma_start3A_50] : memref<10112x128xf32, #tpu.memory_space<hbm>> -> memref<10112x128xf32, #tpu.memory_space<hbm>>
      tpu.enqueue_indirect_dma source(%dma_start3A_51 : memref<10112x128xf32, #tpu.memory_space<hbm>>) target(%arg9 : memref<80x128xf32, #tpu.memory_space<vmem>>) offsets(%dma_start3A_48 : memref<80xi32, #tpu.memory_space<vmem>>) semaphore(%arg12 : memref<!tpu.dma_semaphore, #tpu.memory_space<semaphore_mem>>)
      %dma_wait3A_52 = arith.constant 1 : i32
      %dma_wait3A_53 = arith.constant 0 : i32
      %dma_wait3A_54 = tpu.memref_slice %arg8[%dma_wait3A_52, %dma_wait3A_53] : memref<25x80xi32, #tpu.memory_space<vmem>> -> memref<1x80xi32, #tpu.memory_space<vmem>>
      %dma_wait3A_55 = tpu.memref_squeeze %dma_wait3A_54 : memref<1x80xi32, #tpu.memory_space<vmem>> -> memref<80xi32, #tpu.memory_space<vmem>>
      %dma_wait3A_56 = arith.constant 0 : i32
      %dma_wait3A_57 = arith.constant 0 : i32
      %dma_wait3A_58 = tpu.memref_slice %arg2[%dma_wait3A_56, %dma_wait3A_57] : memref<10112x128xf32, #tpu.memory_space<hbm>> -> memref<10112x128xf32, #tpu.memory_space<hbm>>
      tpu.wait_indirect_dma semaphore(%arg13 : memref<!tpu.dma_semaphore, #tpu.memory_space<semaphore_mem>>) src(%dma_wait3A_58 : memref<10112x128xf32, #tpu.memory_space<hbm>>) dst(%arg10 : memref<80x128xf32, #tpu.memory_space<vmem>>)
      %add3A_59 = arith.constant 1 : i32
      %add3A_60 = arith.addi %mul3A_11, %add3A_59 : i32
      %dma_start3A_61 = arith.constant 0 : i32
      %dma_start3A_62 = tpu.memref_slice %arg7[%add3A_60, %dma_start3A_61] : memref<125x80xi32, #tpu.memory_space<vmem>> -> memref<1x80xi32, #tpu.memory_space<vmem>>
      %dma_start3A_63 = tpu.memref_squeeze %dma_start3A_62 : memref<1x80xi32, #tpu.memory_space<vmem>> -> memref<80xi32, #tpu.memory_space<vmem>>
      %dma_start3A_64 = arith.constant 0 : i32
      %dma_start3A_65 = arith.constant 0 : i32
      %dma_start3A_66 = tpu.memref_slice %arg11[%dma_start3A_64, %dma_start3A_65] : memref<10112x128xf32, #tpu.memory_space<vmem_shared>> -> memref<10112x128xf32, #tpu.memory_space<vmem_shared>>
      tpu.enqueue_indirect_dma source(%arg10 : memref<80x128xf32, #tpu.memory_space<vmem>>) target(%dma_start3A_66 : memref<10112x128xf32, #tpu.memory_space<vmem_shared>>) offsets(%dma_start3A_63 : memref<80xi32, #tpu.memory_space<vmem>>) semaphore(%arg14 : memref<!tpu.dma_semaphore, #tpu.memory_space<semaphore_mem>>) {add = true}
      %dma_wait3A_67 = arith.constant 0 : i32
      %dma_wait3A_68 = tpu.memref_slice %arg7[%add3A_60, %dma_wait3A_67] : memref<125x80xi32, #tpu.memory_space<vmem>> -> memref<1x80xi32, #tpu.memory_space<vmem>>
      %dma_wait3A_69 = tpu.memref_squeeze %dma_wait3A_68 : memref<1x80xi32, #tpu.memory_space<vmem>> -> memref<80xi32, #tpu.memory_space<vmem>>
      %dma_wait3A_70 = arith.constant 0 : i32
      %dma_wait3A_71 = arith.constant 0 : i32
      %dma_wait3A_72 = tpu.memref_slice %arg11[%dma_wait3A_70, %dma_wait3A_71] : memref<10112x128xf32, #tpu.memory_space<vmem_shared>> -> memref<10112x128xf32, #tpu.memory_space<vmem_shared>>
      tpu.wait_indirect_dma semaphore(%arg14 : memref<!tpu.dma_semaphore, #tpu.memory_space<semaphore_mem>>) src(%arg10 : memref<80x128xf32, #tpu.memory_space<vmem>>) dst(%dma_wait3A_72 : memref<10112x128xf32, #tpu.memory_space<vmem_shared>>)
      %dma_start3A_73 = arith.constant 3 : i32
      %dma_start3A_74 = arith.constant 0 : i32
      %dma_start3A_75 = tpu.memref_slice %arg8[%dma_start3A_73, %dma_start3A_74] : memref<25x80xi32, #tpu.memory_space<vmem>> -> memref<1x80xi32, #tpu.memory_space<vmem>>
      %dma_start3A_76 = tpu.memref_squeeze %dma_start3A_75 : memref<1x80xi32, #tpu.memory_space<vmem>> -> memref<80xi32, #tpu.memory_space<vmem>>
      %dma_start3A_77 = arith.constant 0 : i32
      %dma_start3A_78 = arith.constant 0 : i32
      %dma_start3A_79 = tpu.memref_slice %arg2[%dma_start3A_77, %dma_start3A_78] : memref<10112x128xf32, #tpu.memory_space<hbm>> -> memref<10112x128xf32, #tpu.memory_space<hbm>>
      tpu.enqueue_indirect_dma source(%dma_start3A_79 : memref<10112x128xf32, #tpu.memory_space<hbm>>) target(%arg10 : memref<80x128xf32, #tpu.memory_space<vmem>>) offsets(%dma_start3A_76 : memref<80xi32, #tpu.memory_space<vmem>>) semaphore(%arg13 : memref<!tpu.dma_semaphore, #tpu.memory_space<semaphore_mem>>)
      %dma_wait3A_80 = arith.constant 2 : i32
      %dma_wait3A_81 = arith.constant 0 : i32
      %dma_wait3A_82 = tpu.memref_slice %arg8[%dma_wait3A_80, %dma_wait3A_81] : memref<25x80xi32, #tpu.memory_space<vmem>> -> memref<1x80xi32, #tpu.memory_space<vmem>>
      %dma_wait3A_83 = tpu.memref_squeeze %dma_wait3A_82 : memref<1x80xi32, #tpu.memory_space<vmem>> -> memref<80xi32, #tpu.memory_space<vmem>>
      %dma_wait3A_84 = arith.constant 0 : i32
      %dma_wait3A_85 = arith.constant 0 : i32
      %dma_wait3A_86 = tpu.memref_slice %arg2[%dma_wait3A_84, %dma_wait3A_85] : memref<10112x128xf32, #tpu.memory_space<hbm>> -> memref<10112x128xf32, #tpu.memory_space<hbm>>
      tpu.wait_indirect_dma semaphore(%arg12 : memref<!tpu.dma_semaphore, #tpu.memory_space<semaphore_mem>>) src(%dma_wait3A_86 : memref<10112x128xf32, #tpu.memory_space<hbm>>) dst(%arg9 : memref<80x128xf32, #tpu.memory_space<vmem>>)
      %add3A_87 = arith.constant 2 : i32
      %add3A_88 = arith.addi %mul3A_11, %add3A_87 : i32
      %dma_start3A_89 = arith.constant 0 : i32
      %dma_start3A_90 = tpu.memref_slice %arg7[%add3A_88, %dma_start3A_89] : memref<125x80xi32, #tpu.memory_space<vmem>> -> memref<1x80xi32, #tpu.memory_space<vmem>>
      %dma_start3A_91 = tpu.memref_squeeze %dma_start3A_90 : memref<1x80xi32, #tpu.memory_space<vmem>> -> memref<80xi32, #tpu.memory_space<vmem>>
      %dma_start3A_92 = arith.constant 0 : i32
      %dma_start3A_93 = arith.constant 0 : i32
      %dma_start3A_94 = tpu.memref_slice %arg11[%dma_start3A_92, %dma_start3A_93] : memref<10112x128xf32, #tpu.memory_space<vmem_shared>> -> memref<10112x128xf32, #tpu.memory_space<vmem_shared>>
      tpu.enqueue_indirect_dma source(%arg9 : memref<80x128xf32, #tpu.memory_space<vmem>>) target(%dma_start3A_94 : memref<10112x128xf32, #tpu.memory_space<vmem_shared>>) offsets(%dma_start3A_91 : memref<80xi32, #tpu.memory_space<vmem>>) semaphore(%arg14 : memref<!tpu.dma_semaphore, #tpu.memory_space<semaphore_mem>>) {add = true}
      %dma_wait3A_95 = arith.constant 0 : i32
      %dma_wait3A_96 = tpu.memref_slice %arg7[%add3A_88, %dma_wait3A_95] : memref<125x80xi32, #tpu.memory_space<vmem>> -> memref<1x80xi32, #tpu.memory_space<vmem>>
      %dma_wait3A_97 = tpu.memref_squeeze %dma_wait3A_96 : memref<1x80xi32, #tpu.memory_space<vmem>> -> memref<80xi32, #tpu.memory_space<vmem>>
      %dma_wait3A_98 = arith.constant 0 : i32
      %dma_wait3A_99 = arith.constant 0 : i32
      %dma_wait3A_100 = tpu.memref_slice %arg11[%dma_wait3A_98, %dma_wait3A_99] : memref<10112x128xf32, #tpu.memory_space<vmem_shared>> -> memref<10112x128xf32, #tpu.memory_space<vmem_shared>>
      tpu.wait_indirect_dma semaphore(%arg14 : memref<!tpu.dma_semaphore, #tpu.memory_space<semaphore_mem>>) src(%arg9 : memref<80x128xf32, #tpu.memory_space<vmem>>) dst(%dma_wait3A_100 : memref<10112x128xf32, #tpu.memory_space<vmem_shared>>)
      %dma_start3A_101 = arith.constant 4 : i32
      %dma_start3A_102 = arith.constant 0 : i32
      %dma_start3A_103 = tpu.memref_slice %arg8[%dma_start3A_101, %dma_start3A_102] : memref<25x80xi32, #tpu.memory_space<vmem>> -> memref<1x80xi32, #tpu.memory_space<vmem>>
      %dma_start3A_104 = tpu.memref_squeeze %dma_start3A_103 : memref<1x80xi32, #tpu.memory_space<vmem>> -> memref<80xi32, #tpu.memory_space<vmem>>
      %dma_start3A_105 = arith.constant 0 : i32
      %dma_start3A_106 = arith.constant 0 : i32
      %dma_start3A_107 = tpu.memref_slice %arg2[%dma_start3A_105, %dma_start3A_106] : memref<10112x128xf32, #tpu.memory_space<hbm>> -> memref<10112x128xf32, #tpu.memory_space<hbm>>
      tpu.enqueue_indirect_dma source(%dma_start3A_107 : memref<10112x128xf32, #tpu.memory_space<hbm>>) target(%arg9 : memref<80x128xf32, #tpu.memory_space<vmem>>) offsets(%dma_start3A_104 : memref<80xi32, #tpu.memory_space<vmem>>) semaphore(%arg12 : memref<!tpu.dma_semaphore, #tpu.memory_space<semaphore_mem>>)
      %dma_wait3A_108 = arith.constant 3 : i32
      %dma_wait3A_109 = arith.constant 0 : i32
      %dma_wait3A_110 = tpu.memref_slice %arg8[%dma_wait3A_108, %dma_wait3A_109] : memref<25x80xi32, #tpu.memory_space<vmem>> -> memref<1x80xi32, #tpu.memory_space<vmem>>
      %dma_wait3A_111 = tpu.memref_squeeze %dma_wait3A_110 : memref<1x80xi32, #tpu.memory_space<vmem>> -> memref<80xi32, #tpu.memory_space<vmem>>
      %dma_wait3A_112 = arith.constant 0 : i32
      %dma_wait3A_113 = arith.constant 0 : i32
      %dma_wait3A_114 = tpu.memref_slice %arg2[%dma_wait3A_112, %dma_wait3A_113] : memref<10112x128xf32, #tpu.memory_space<hbm>> -> memref<10112x128xf32, #tpu.memory_space<hbm>>
      tpu.wait_indirect_dma semaphore(%arg13 : memref<!tpu.dma_semaphore, #tpu.memory_space<semaphore_mem>>) src(%dma_wait3A_114 : memref<10112x128xf32, #tpu.memory_space<hbm>>) dst(%arg10 : memref<80x128xf32, #tpu.memory_space<vmem>>)
      %add3A_115 = arith.constant 3 : i32
      %add3A_116 = arith.addi %mul3A_11, %add3A_115 : i32
      %dma_start3A_117 = arith.constant 0 : i32
      %dma_start3A_118 = tpu.memref_slice %arg7[%add3A_116, %dma_start3A_117] : memref<125x80xi32, #tpu.memory_space<vmem>> -> memref<1x80xi32, #tpu.memory_space<vmem>>
      %dma_start3A_119 = tpu.memref_squeeze %dma_start3A_118 : memref<1x80xi32, #tpu.memory_space<vmem>> -> memref<80xi32, #tpu.memory_space<vmem>>
      %dma_start3A_120 = arith.constant 0 : i32
      %dma_start3A_121 = arith.constant 0 : i32
      %dma_start3A_122 = tpu.memref_slice %arg11[%dma_start3A_120, %dma_start3A_121] : memref<10112x128xf32, #tpu.memory_space<vmem_shared>> -> memref<10112x128xf32, #tpu.memory_space<vmem_shared>>
      tpu.enqueue_indirect_dma source(%arg10 : memref<80x128xf32, #tpu.memory_space<vmem>>) target(%dma_start3A_122 : memref<10112x128xf32, #tpu.memory_space<vmem_shared>>) offsets(%dma_start3A_119 : memref<80xi32, #tpu.memory_space<vmem>>) semaphore(%arg14 : memref<!tpu.dma_semaphore, #tpu.memory_space<semaphore_mem>>) {add = true}
      %dma_wait3A_123 = arith.constant 0 : i32
      %dma_wait3A_124 = tpu.memref_slice %arg7[%add3A_116, %dma_wait3A_123] : memref<125x80xi32, #tpu.memory_space<vmem>> -> memref<1x80xi32, #tpu.memory_space<vmem>>
      %dma_wait3A_125 = tpu.memref_squeeze %dma_wait3A_124 : memref<1x80xi32, #tpu.memory_space<vmem>> -> memref<80xi32, #tpu.memory_space<vmem>>
      %dma_wait3A_126 = arith.constant 0 : i32
      %dma_wait3A_127 = arith.constant 0 : i32
      %dma_wait3A_128 = tpu.memref_slice %arg11[%dma_wait3A_126, %dma_wait3A_127] : memref<10112x128xf32, #tpu.memory_space<vmem_shared>> -> memref<10112x128xf32, #tpu.memory_space<vmem_shared>>
      tpu.wait_indirect_dma semaphore(%arg14 : memref<!tpu.dma_semaphore, #tpu.memory_space<semaphore_mem>>) src(%arg10 : memref<80x128xf32, #tpu.memory_space<vmem>>) dst(%dma_wait3A_128 : memref<10112x128xf32, #tpu.memory_space<vmem_shared>>)
      %dma_start3A_129 = arith.constant 5 : i32
      %dma_start3A_130 = arith.constant 0 : i32
      %dma_start3A_131 = tpu.memref_slice %arg8[%dma_start3A_129, %dma_start3A_130] : memref<25x80xi32, #tpu.memory_space<vmem>> -> memref<1x80xi32, #tpu.memory_space<vmem>>
      %dma_start3A_132 = tpu.memref_squeeze %dma_start3A_131 : memref<1x80xi32, #tpu.memory_space<vmem>> -> memref<80xi32, #tpu.memory_space<vmem>>
      %dma_start3A_133 = arith.constant 0 : i32
      %dma_start3A_134 = arith.constant 0 : i32
      %dma_start3A_135 = tpu.memref_slice %arg2[%dma_start3A_133, %dma_start3A_134] : memref<10112x128xf32, #tpu.memory_space<hbm>> -> memref<10112x128xf32, #tpu.memory_space<hbm>>
      tpu.enqueue_indirect_dma source(%dma_start3A_135 : memref<10112x128xf32, #tpu.memory_space<hbm>>) target(%arg10 : memref<80x128xf32, #tpu.memory_space<vmem>>) offsets(%dma_start3A_132 : memref<80xi32, #tpu.memory_space<vmem>>) semaphore(%arg13 : memref<!tpu.dma_semaphore, #tpu.memory_space<semaphore_mem>>)
      %dma_wait3A_136 = arith.constant 4 : i32
      %dma_wait3A_137 = arith.constant 0 : i32
      %dma_wait3A_138 = tpu.memref_slice %arg8[%dma_wait3A_136, %dma_wait3A_137] : memref<25x80xi32, #tpu.memory_space<vmem>> -> memref<1x80xi32, #tpu.memory_space<vmem>>
      %dma_wait3A_139 = tpu.memref_squeeze %dma_wait3A_138 : memref<1x80xi32, #tpu.memory_space<vmem>> -> memref<80xi32, #tpu.memory_space<vmem>>
      %dma_wait3A_140 = arith.constant 0 : i32
      %dma_wait3A_141 = arith.constant 0 : i32
      %dma_wait3A_142 = tpu.memref_slice %arg2[%dma_wait3A_140, %dma_wait3A_141] : memref<10112x128xf32, #tpu.memory_space<hbm>> -> memref<10112x128xf32, #tpu.memory_space<hbm>>
      tpu.wait_indirect_dma semaphore(%arg12 : memref<!tpu.dma_semaphore, #tpu.memory_space<semaphore_mem>>) src(%dma_wait3A_142 : memref<10112x128xf32, #tpu.memory_space<hbm>>) dst(%arg9 : memref<80x128xf32, #tpu.memory_space<vmem>>)
      %add3A_143 = arith.constant 4 : i32
      %add3A_144 = arith.addi %mul3A_11, %add3A_143 : i32
      %dma_start3A_145 = arith.constant 0 : i32
      %dma_start3A_146 = tpu.memref_slice %arg7[%add3A_144, %dma_start3A_145] : memref<125x80xi32, #tpu.memory_space<vmem>> -> memref<1x80xi32, #tpu.memory_space<vmem>>
      %dma_start3A_147 = tpu.memref_squeeze %dma_start3A_146 : memref<1x80xi32, #tpu.memory_space<vmem>> -> memref<80xi32, #tpu.memory_space<vmem>>
      %dma_start3A_148 = arith.constant 0 : i32
      %dma_start3A_149 = arith.constant 0 : i32
      %dma_start3A_150 = tpu.memref_slice %arg11[%dma_start3A_148, %dma_start3A_149] : memref<10112x128xf32, #tpu.memory_space<vmem_shared>> -> memref<10112x128xf32, #tpu.memory_space<vmem_shared>>
      tpu.enqueue_indirect_dma source(%arg9 : memref<80x128xf32, #tpu.memory_space<vmem>>) target(%dma_start3A_150 : memref<10112x128xf32, #tpu.memory_space<vmem_shared>>) offsets(%dma_start3A_147 : memref<80xi32, #tpu.memory_space<vmem>>) semaphore(%arg14 : memref<!tpu.dma_semaphore, #tpu.memory_space<semaphore_mem>>) {add = true}
      %dma_wait3A_151 = arith.constant 0 : i32
      %dma_wait3A_152 = tpu.memref_slice %arg7[%add3A_144, %dma_wait3A_151] : memref<125x80xi32, #tpu.memory_space<vmem>> -> memref<1x80xi32, #tpu.memory_space<vmem>>
      %dma_wait3A_153 = tpu.memref_squeeze %dma_wait3A_152 : memref<1x80xi32, #tpu.memory_space<vmem>> -> memref<80xi32, #tpu.memory_space<vmem>>
      %dma_wait3A_154 = arith.constant 0 : i32
      %dma_wait3A_155 = arith.constant 0 : i32
      %dma_wait3A_156 = tpu.memref_slice %arg11[%dma_wait3A_154, %dma_wait3A_155] : memref<10112x128xf32, #tpu.memory_space<vmem_shared>> -> memref<10112x128xf32, #tpu.memory_space<vmem_shared>>
      tpu.wait_indirect_dma semaphore(%arg14 : memref<!tpu.dma_semaphore, #tpu.memory_space<semaphore_mem>>) src(%arg9 : memref<80x128xf32, #tpu.memory_space<vmem>>) dst(%dma_wait3A_156 : memref<10112x128xf32, #tpu.memory_space<vmem_shared>>)
      %dma_start3A_157 = arith.constant 6 : i32
      %dma_start3A_158 = arith.constant 0 : i32
      %dma_start3A_159 = tpu.memref_slice %arg8[%dma_start3A_157, %dma_start3A_158] : memref<25x80xi32, #tpu.memory_space<vmem>> -> memref<1x80xi32, #tpu.memory_space<vmem>>
      %dma_start3A_160 = tpu.memref_squeeze %dma_start3A_159 : memref<1x80xi32, #tpu.memory_space<vmem>> -> memref<80xi32, #tpu.memory_space<vmem>>
      %dma_start3A_161 = arith.constant 0 : i32
      %dma_start3A_162 = arith.constant 0 : i32
      %dma_start3A_163 = tpu.memref_slice %arg2[%dma_start3A_161, %dma_start3A_162] : memref<10112x128xf32, #tpu.memory_space<hbm>> -> memref<10112x128xf32, #tpu.memory_space<hbm>>
      tpu.enqueue_indirect_dma source(%dma_start3A_163 : memref<10112x128xf32, #tpu.memory_space<hbm>>) target(%arg9 : memref<80x128xf32, #tpu.memory_space<vmem>>) offsets(%dma_start3A_160 : memref<80xi32, #tpu.memory_space<vmem>>) semaphore(%arg12 : memref<!tpu.dma_semaphore, #tpu.memory_space<semaphore_mem>>)
      %dma_wait3A_164 = arith.constant 5 : i32
      %dma_wait3A_165 = arith.constant 0 : i32
      %dma_wait3A_166 = tpu.memref_slice %arg8[%dma_wait3A_164, %dma_wait3A_165] : memref<25x80xi32, #tpu.memory_space<vmem>> -> memref<1x80xi32, #tpu.memory_space<vmem>>
      %dma_wait3A_167 = tpu.memref_squeeze %dma_wait3A_166 : memref<1x80xi32, #tpu.memory_space<vmem>> -> memref<80xi32, #tpu.memory_space<vmem>>
      %dma_wait3A_168 = arith.constant 0 : i32
      %dma_wait3A_169 = arith.constant 0 : i32
      %dma_wait3A_170 = tpu.memref_slice %arg2[%dma_wait3A_168, %dma_wait3A_169] : memref<10112x128xf32, #tpu.memory_space<hbm>> -> memref<10112x128xf32, #tpu.memory_space<hbm>>
      tpu.wait_indirect_dma semaphore(%arg13 : memref<!tpu.dma_semaphore, #tpu.memory_space<semaphore_mem>>) src(%dma_wait3A_170 : memref<10112x128xf32, #tpu.memory_space<hbm>>) dst(%arg10 : memref<80x128xf32, #tpu.memory_space<vmem>>)
      %add3A_171 = arith.constant 5 : i32
      %add3A_172 = arith.addi %mul3A_11, %add3A_171 : i32
      %dma_start3A_173 = arith.constant 0 : i32
      %dma_start3A_174 = tpu.memref_slice %arg7[%add3A_172, %dma_start3A_173] : memref<125x80xi32, #tpu.memory_space<vmem>> -> memref<1x80xi32, #tpu.memory_space<vmem>>
      %dma_start3A_175 = tpu.memref_squeeze %dma_start3A_174 : memref<1x80xi32, #tpu.memory_space<vmem>> -> memref<80xi32, #tpu.memory_space<vmem>>
      %dma_start3A_176 = arith.constant 0 : i32
      %dma_start3A_177 = arith.constant 0 : i32
      %dma_start3A_178 = tpu.memref_slice %arg11[%dma_start3A_176, %dma_start3A_177] : memref<10112x128xf32, #tpu.memory_space<vmem_shared>> -> memref<10112x128xf32, #tpu.memory_space<vmem_shared>>
      tpu.enqueue_indirect_dma source(%arg10 : memref<80x128xf32, #tpu.memory_space<vmem>>) target(%dma_start3A_178 : memref<10112x128xf32, #tpu.memory_space<vmem_shared>>) offsets(%dma_start3A_175 : memref<80xi32, #tpu.memory_space<vmem>>) semaphore(%arg14 : memref<!tpu.dma_semaphore, #tpu.memory_space<semaphore_mem>>) {add = true}
      %dma_wait3A_179 = arith.constant 0 : i32
      %dma_wait3A_180 = tpu.memref_slice %arg7[%add3A_172, %dma_wait3A_179] : memref<125x80xi32, #tpu.memory_space<vmem>> -> memref<1x80xi32, #tpu.memory_space<vmem>>
      %dma_wait3A_181 = tpu.memref_squeeze %dma_wait3A_180 : memref<1x80xi32, #tpu.memory_space<vmem>> -> memref<80xi32, #tpu.memory_space<vmem>>
      %dma_wait3A_182 = arith.constant 0 : i32
      %dma_wait3A_183 = arith.constant 0 : i32
      %dma_wait3A_184 = tpu.memref_slice %arg11[%dma_wait3A_182, %dma_wait3A_183] : memref<10112x128xf32, #tpu.memory_space<vmem_shared>> -> memref<10112x128xf32, #tpu.memory_space<vmem_shared>>
      tpu.wait_indirect_dma semaphore(%arg14 : memref<!tpu.dma_semaphore, #tpu.memory_space<semaphore_mem>>) src(%arg10 : memref<80x128xf32, #tpu.memory_space<vmem>>) dst(%dma_wait3A_184 : memref<10112x128xf32, #tpu.memory_space<vmem_shared>>)
      %dma_start3A_185 = arith.constant 7 : i32
      %dma_start3A_186 = arith.constant 0 : i32
      %dma_start3A_187 = tpu.memref_slice %arg8[%dma_start3A_185, %dma_start3A_186] : memref<25x80xi32, #tpu.memory_space<vmem>> -> memref<1x80xi32, #tpu.memory_space<vmem>>
      %dma_start3A_188 = tpu.memref_squeeze %dma_start3A_187 : memref<1x80xi32, #tpu.memory_space<vmem>> -> memref<80xi32, #tpu.memory_space<vmem>>
      %dma_start3A_189 = arith.constant 0 : i32
      %dma_start3A_190 = arith.constant 0 : i32
      %dma_start3A_191 = tpu.memref_slice %arg2[%dma_start3A_189, %dma_start3A_190] : memref<10112x128xf32, #tpu.memory_space<hbm>> -> memref<10112x128xf32, #tpu.memory_space<hbm>>
      tpu.enqueue_indirect_dma source(%dma_start3A_191 : memref<10112x128xf32, #tpu.memory_space<hbm>>) target(%arg10 : memref<80x128xf32, #tpu.memory_space<vmem>>) offsets(%dma_start3A_188 : memref<80xi32, #tpu.memory_space<vmem>>) semaphore(%arg13 : memref<!tpu.dma_semaphore, #tpu.memory_space<semaphore_mem>>)
      %dma_wait3A_192 = arith.constant 6 : i32
      %dma_wait3A_193 = arith.constant 0 : i32
      %dma_wait3A_194 = tpu.memref_slice %arg8[%dma_wait3A_192, %dma_wait3A_193] : memref<25x80xi32, #tpu.memory_space<vmem>> -> memref<1x80xi32, #tpu.memory_space<vmem>>
      %dma_wait3A_195 = tpu.memref_squeeze %dma_wait3A_194 : memref<1x80xi32, #tpu.memory_space<vmem>> -> memref<80xi32, #tpu.memory_space<vmem>>
      %dma_wait3A_196 = arith.constant 0 : i32
      %dma_wait3A_197 = arith.constant 0 : i32
      %dma_wait3A_198 = tpu.memref_slice %arg2[%dma_wait3A_196, %dma_wait3A_197] : memref<10112x128xf32, #tpu.memory_space<hbm>> -> memref<10112x128xf32, #tpu.memory_space<hbm>>
      tpu.wait_indirect_dma semaphore(%arg12 : memref<!tpu.dma_semaphore, #tpu.memory_space<semaphore_mem>>) src(%dma_wait3A_198 : memref<10112x128xf32, #tpu.memory_space<hbm>>) dst(%arg9 : memref<80x128xf32, #tpu.memory_space<vmem>>)
      %add3A_199 = arith.constant 6 : i32
      %add3A_200 = arith.addi %mul3A_11, %add3A_199 : i32
      %dma_start3A_201 = arith.constant 0 : i32
      %dma_start3A_202 = tpu.memref_slice %arg7[%add3A_200, %dma_start3A_201] : memref<125x80xi32, #tpu.memory_space<vmem>> -> memref<1x80xi32, #tpu.memory_space<vmem>>
      %dma_start3A_203 = tpu.memref_squeeze %dma_start3A_202 : memref<1x80xi32, #tpu.memory_space<vmem>> -> memref<80xi32, #tpu.memory_space<vmem>>
      %dma_start3A_204 = arith.constant 0 : i32
      %dma_start3A_205 = arith.constant 0 : i32
      %dma_start3A_206 = tpu.memref_slice %arg11[%dma_start3A_204, %dma_start3A_205] : memref<10112x128xf32, #tpu.memory_space<vmem_shared>> -> memref<10112x128xf32, #tpu.memory_space<vmem_shared>>
      tpu.enqueue_indirect_dma source(%arg9 : memref<80x128xf32, #tpu.memory_space<vmem>>) target(%dma_start3A_206 : memref<10112x128xf32, #tpu.memory_space<vmem_shared>>) offsets(%dma_start3A_203 : memref<80xi32, #tpu.memory_space<vmem>>) semaphore(%arg14 : memref<!tpu.dma_semaphore, #tpu.memory_space<semaphore_mem>>) {add = true}
      %dma_wait3A_207 = arith.constant 0 : i32
      %dma_wait3A_208 = tpu.memref_slice %arg7[%add3A_200, %dma_wait3A_207] : memref<125x80xi32, #tpu.memory_space<vmem>> -> memref<1x80xi32, #tpu.memory_space<vmem>>
      %dma_wait3A_209 = tpu.memref_squeeze %dma_wait3A_208 : memref<1x80xi32, #tpu.memory_space<vmem>> -> memref<80xi32, #tpu.memory_space<vmem>>
      %dma_wait3A_210 = arith.constant 0 : i32
      %dma_wait3A_211 = arith.constant 0 : i32
      %dma_wait3A_212 = tpu.memref_slice %arg11[%dma_wait3A_210, %dma_wait3A_211] : memref<10112x128xf32, #tpu.memory_space<vmem_shared>> -> memref<10112x128xf32, #tpu.memory_space<vmem_shared>>
      tpu.wait_indirect_dma semaphore(%arg14 : memref<!tpu.dma_semaphore, #tpu.memory_space<semaphore_mem>>) src(%arg9 : memref<80x128xf32, #tpu.memory_space<vmem>>) dst(%dma_wait3A_212 : memref<10112x128xf32, #tpu.memory_space<vmem_shared>>)
      %dma_start3A_213 = arith.constant 8 : i32
      %dma_start3A_214 = arith.constant 0 : i32
      %dma_start3A_215 = tpu.memref_slice %arg8[%dma_start3A_213, %dma_start3A_214] : memref<25x80xi32, #tpu.memory_space<vmem>> -> memref<1x80xi32, #tpu.memory_space<vmem>>
      %dma_start3A_216 = tpu.memref_squeeze %dma_start3A_215 : memref<1x80xi32, #tpu.memory_space<vmem>> -> memref<80xi32, #tpu.memory_space<vmem>>
      %dma_start3A_217 = arith.constant 0 : i32
      %dma_start3A_218 = arith.constant 0 : i32
      %dma_start3A_219 = tpu.memref_slice %arg2[%dma_start3A_217, %dma_start3A_218] : memref<10112x128xf32, #tpu.memory_space<hbm>> -> memref<10112x128xf32, #tpu.memory_space<hbm>>
      tpu.enqueue_indirect_dma source(%dma_start3A_219 : memref<10112x128xf32, #tpu.memory_space<hbm>>) target(%arg9 : memref<80x128xf32, #tpu.memory_space<vmem>>) offsets(%dma_start3A_216 : memref<80xi32, #tpu.memory_space<vmem>>) semaphore(%arg12 : memref<!tpu.dma_semaphore, #tpu.memory_space<semaphore_mem>>)
      %dma_wait3A_220 = arith.constant 7 : i32
      %dma_wait3A_221 = arith.constant 0 : i32
      %dma_wait3A_222 = tpu.memref_slice %arg8[%dma_wait3A_220, %dma_wait3A_221] : memref<25x80xi32, #tpu.memory_space<vmem>> -> memref<1x80xi32, #tpu.memory_space<vmem>>
      %dma_wait3A_223 = tpu.memref_squeeze %dma_wait3A_222 : memref<1x80xi32, #tpu.memory_space<vmem>> -> memref<80xi32, #tpu.memory_space<vmem>>
      %dma_wait3A_224 = arith.constant 0 : i32
      %dma_wait3A_225 = arith.constant 0 : i32
      %dma_wait3A_226 = tpu.memref_slice %arg2[%dma_wait3A_224, %dma_wait3A_225] : memref<10112x128xf32, #tpu.memory_space<hbm>> -> memref<10112x128xf32, #tpu.memory_space<hbm>>
      tpu.wait_indirect_dma semaphore(%arg13 : memref<!tpu.dma_semaphore, #tpu.memory_space<semaphore_mem>>) src(%dma_wait3A_226 : memref<10112x128xf32, #tpu.memory_space<hbm>>) dst(%arg10 : memref<80x128xf32, #tpu.memory_space<vmem>>)
      %add3A_227 = arith.constant 7 : i32
      %add3A_228 = arith.addi %mul3A_11, %add3A_227 : i32
      %dma_start3A_229 = arith.constant 0 : i32
      %dma_start3A_230 = tpu.memref_slice %arg7[%add3A_228, %dma_start3A_229] : memref<125x80xi32, #tpu.memory_space<vmem>> -> memref<1x80xi32, #tpu.memory_space<vmem>>
      %dma_start3A_231 = tpu.memref_squeeze %dma_start3A_230 : memref<1x80xi32, #tpu.memory_space<vmem>> -> memref<80xi32, #tpu.memory_space<vmem>>
      %dma_start3A_232 = arith.constant 0 : i32
      %dma_start3A_233 = arith.constant 0 : i32
      %dma_start3A_234 = tpu.memref_slice %arg11[%dma_start3A_232, %dma_start3A_233] : memref<10112x128xf32, #tpu.memory_space<vmem_shared>> -> memref<10112x128xf32, #tpu.memory_space<vmem_shared>>
      tpu.enqueue_indirect_dma source(%arg10 : memref<80x128xf32, #tpu.memory_space<vmem>>) target(%dma_start3A_234 : memref<10112x128xf32, #tpu.memory_space<vmem_shared>>) offsets(%dma_start3A_231 : memref<80xi32, #tpu.memory_space<vmem>>) semaphore(%arg14 : memref<!tpu.dma_semaphore, #tpu.memory_space<semaphore_mem>>) {add = true}
      %dma_wait3A_235 = arith.constant 0 : i32
      %dma_wait3A_236 = tpu.memref_slice %arg7[%add3A_228, %dma_wait3A_235] : memref<125x80xi32, #tpu.memory_space<vmem>> -> memref<1x80xi32, #tpu.memory_space<vmem>>
      %dma_wait3A_237 = tpu.memref_squeeze %dma_wait3A_236 : memref<1x80xi32, #tpu.memory_space<vmem>> -> memref<80xi32, #tpu.memory_space<vmem>>
      %dma_wait3A_238 = arith.constant 0 : i32
      %dma_wait3A_239 = arith.constant 0 : i32
      %dma_wait3A_240 = tpu.memref_slice %arg11[%dma_wait3A_238, %dma_wait3A_239] : memref<10112x128xf32, #tpu.memory_space<vmem_shared>> -> memref<10112x128xf32, #tpu.memory_space<vmem_shared>>
      tpu.wait_indirect_dma semaphore(%arg14 : memref<!tpu.dma_semaphore, #tpu.memory_space<semaphore_mem>>) src(%arg10 : memref<80x128xf32, #tpu.memory_space<vmem>>) dst(%dma_wait3A_240 : memref<10112x128xf32, #tpu.memory_space<vmem_shared>>)
      %dma_start3A_241 = arith.constant 9 : i32
      %dma_start3A_242 = arith.constant 0 : i32
      %dma_start3A_243 = tpu.memref_slice %arg8[%dma_start3A_241, %dma_start3A_242] : memref<25x80xi32, #tpu.memory_space<vmem>> -> memref<1x80xi32, #tpu.memory_space<vmem>>
      %dma_start3A_244 = tpu.memref_squeeze %dma_start3A_243 : memref<1x80xi32, #tpu.memory_space<vmem>> -> memref<80xi32, #tpu.memory_space<vmem>>
      %dma_start3A_245 = arith.constant 0 : i32
      %dma_start3A_246 = arith.constant 0 : i32
      %dma_start3A_247 = tpu.memref_slice %arg2[%dma_start3A_245, %dma_start3A_246] : memref<10112x128xf32, #tpu.memory_space<hbm>> -> memref<10112x128xf32, #tpu.memory_space<hbm>>
      tpu.enqueue_indirect_dma source(%dma_start3A_247 : memref<10112x128xf32, #tpu.memory_space<hbm>>) target(%arg10 : memref<80x128xf32, #tpu.memory_space<vmem>>) offsets(%dma_start3A_244 : memref<80xi32, #tpu.memory_space<vmem>>) semaphore(%arg13 : memref<!tpu.dma_semaphore, #tpu.memory_space<semaphore_mem>>)
      %dma_wait3A_248 = arith.constant 8 : i32
      %dma_wait3A_249 = arith.constant 0 : i32
      %dma_wait3A_250 = tpu.memref_slice %arg8[%dma_wait3A_248, %dma_wait3A_249] : memref<25x80xi32, #tpu.memory_space<vmem>> -> memref<1x80xi32, #tpu.memory_space<vmem>>
      %dma_wait3A_251 = tpu.memref_squeeze %dma_wait3A_250 : memref<1x80xi32, #tpu.memory_space<vmem>> -> memref<80xi32, #tpu.memory_space<vmem>>
      %dma_wait3A_252 = arith.constant 0 : i32
      %dma_wait3A_253 = arith.constant 0 : i32
      %dma_wait3A_254 = tpu.memref_slice %arg2[%dma_wait3A_252, %dma_wait3A_253] : memref<10112x128xf32, #tpu.memory_space<hbm>> -> memref<10112x128xf32, #tpu.memory_space<hbm>>
      tpu.wait_indirect_dma semaphore(%arg12 : memref<!tpu.dma_semaphore, #tpu.memory_space<semaphore_mem>>) src(%dma_wait3A_254 : memref<10112x128xf32, #tpu.memory_space<hbm>>) dst(%arg9 : memref<80x128xf32, #tpu.memory_space<vmem>>)
      %add3A_255 = arith.constant 8 : i32
      %add3A_256 = arith.addi %mul3A_11, %add3A_255 : i32
      %dma_start3A_257 = arith.constant 0 : i32
      %dma_start3A_258 = tpu.memref_slice %arg7[%add3A_256, %dma_start3A_257] : memref<125x80xi32, #tpu.memory_space<vmem>> -> memref<1x80xi32, #tpu.memory_space<vmem>>
      %dma_start3A_259 = tpu.memref_squeeze %dma_start3A_258 : memref<1x80xi32, #tpu.memory_space<vmem>> -> memref<80xi32, #tpu.memory_space<vmem>>
      %dma_start3A_260 = arith.constant 0 : i32
      %dma_start3A_261 = arith.constant 0 : i32
      %dma_start3A_262 = tpu.memref_slice %arg11[%dma_start3A_260, %dma_start3A_261] : memref<10112x128xf32, #tpu.memory_space<vmem_shared>> -> memref<10112x128xf32, #tpu.memory_space<vmem_shared>>
      tpu.enqueue_indirect_dma source(%arg9 : memref<80x128xf32, #tpu.memory_space<vmem>>) target(%dma_start3A_262 : memref<10112x128xf32, #tpu.memory_space<vmem_shared>>) offsets(%dma_start3A_259 : memref<80xi32, #tpu.memory_space<vmem>>) semaphore(%arg14 : memref<!tpu.dma_semaphore, #tpu.memory_space<semaphore_mem>>) {add = true}
      %dma_wait3A_263 = arith.constant 0 : i32
      %dma_wait3A_264 = tpu.memref_slice %arg7[%add3A_256, %dma_wait3A_263] : memref<125x80xi32, #tpu.memory_space<vmem>> -> memref<1x80xi32, #tpu.memory_space<vmem>>
      %dma_wait3A_265 = tpu.memref_squeeze %dma_wait3A_264 : memref<1x80xi32, #tpu.memory_space<vmem>> -> memref<80xi32, #tpu.memory_space<vmem>>
      %dma_wait3A_266 = arith.constant 0 : i32
      %dma_wait3A_267 = arith.constant 0 : i32
      %dma_wait3A_268 = tpu.memref_slice %arg11[%dma_wait3A_266, %dma_wait3A_267] : memref<10112x128xf32, #tpu.memory_space<vmem_shared>> -> memref<10112x128xf32, #tpu.memory_space<vmem_shared>>
      tpu.wait_indirect_dma semaphore(%arg14 : memref<!tpu.dma_semaphore, #tpu.memory_space<semaphore_mem>>) src(%arg9 : memref<80x128xf32, #tpu.memory_space<vmem>>) dst(%dma_wait3A_268 : memref<10112x128xf32, #tpu.memory_space<vmem_shared>>)
      %dma_start3A_269 = arith.constant 10 : i32
      %dma_start3A_270 = arith.constant 0 : i32
      %dma_start3A_271 = tpu.memref_slice %arg8[%dma_start3A_269, %dma_start3A_270] : memref<25x80xi32, #tpu.memory_space<vmem>> -> memref<1x80xi32, #tpu.memory_space<vmem>>
      %dma_start3A_272 = tpu.memref_squeeze %dma_start3A_271 : memref<1x80xi32, #tpu.memory_space<vmem>> -> memref<80xi32, #tpu.memory_space<vmem>>
      %dma_start3A_273 = arith.constant 0 : i32
      %dma_start3A_274 = arith.constant 0 : i32
      %dma_start3A_275 = tpu.memref_slice %arg2[%dma_start3A_273, %dma_start3A_274] : memref<10112x128xf32, #tpu.memory_space<hbm>> -> memref<10112x128xf32, #tpu.memory_space<hbm>>
      tpu.enqueue_indirect_dma source(%dma_start3A_275 : memref<10112x128xf32, #tpu.memory_space<hbm>>) target(%arg9 : memref<80x128xf32, #tpu.memory_space<vmem>>) offsets(%dma_start3A_272 : memref<80xi32, #tpu.memory_space<vmem>>) semaphore(%arg12 : memref<!tpu.dma_semaphore, #tpu.memory_space<semaphore_mem>>)
      %dma_wait3A_276 = arith.constant 9 : i32
      %dma_wait3A_277 = arith.constant 0 : i32
      %dma_wait3A_278 = tpu.memref_slice %arg8[%dma_wait3A_276, %dma_wait3A_277] : memref<25x80xi32, #tpu.memory_space<vmem>> -> memref<1x80xi32, #tpu.memory_space<vmem>>
      %dma_wait3A_279 = tpu.memref_squeeze %dma_wait3A_278 : memref<1x80xi32, #tpu.memory_space<vmem>> -> memref<80xi32, #tpu.memory_space<vmem>>
      %dma_wait3A_280 = arith.constant 0 : i32
      %dma_wait3A_281 = arith.constant 0 : i32
      %dma_wait3A_282 = tpu.memref_slice %arg2[%dma_wait3A_280, %dma_wait3A_281] : memref<10112x128xf32, #tpu.memory_space<hbm>> -> memref<10112x128xf32, #tpu.memory_space<hbm>>
      tpu.wait_indirect_dma semaphore(%arg13 : memref<!tpu.dma_semaphore, #tpu.memory_space<semaphore_mem>>) src(%dma_wait3A_282 : memref<10112x128xf32, #tpu.memory_space<hbm>>) dst(%arg10 : memref<80x128xf32, #tpu.memory_space<vmem>>)
      %add3A_283 = arith.constant 9 : i32
      %add3A_284 = arith.addi %mul3A_11, %add3A_283 : i32
      %dma_start3A_285 = arith.constant 0 : i32
      %dma_start3A_286 = tpu.memref_slice %arg7[%add3A_284, %dma_start3A_285] : memref<125x80xi32, #tpu.memory_space<vmem>> -> memref<1x80xi32, #tpu.memory_space<vmem>>
      %dma_start3A_287 = tpu.memref_squeeze %dma_start3A_286 : memref<1x80xi32, #tpu.memory_space<vmem>> -> memref<80xi32, #tpu.memory_space<vmem>>
      %dma_start3A_288 = arith.constant 0 : i32
      %dma_start3A_289 = arith.constant 0 : i32
      %dma_start3A_290 = tpu.memref_slice %arg11[%dma_start3A_288, %dma_start3A_289] : memref<10112x128xf32, #tpu.memory_space<vmem_shared>> -> memref<10112x128xf32, #tpu.memory_space<vmem_shared>>
      tpu.enqueue_indirect_dma source(%arg10 : memref<80x128xf32, #tpu.memory_space<vmem>>) target(%dma_start3A_290 : memref<10112x128xf32, #tpu.memory_space<vmem_shared>>) offsets(%dma_start3A_287 : memref<80xi32, #tpu.memory_space<vmem>>) semaphore(%arg14 : memref<!tpu.dma_semaphore, #tpu.memory_space<semaphore_mem>>) {add = true}
      %dma_wait3A_291 = arith.constant 0 : i32
      %dma_wait3A_292 = tpu.memref_slice %arg7[%add3A_284, %dma_wait3A_291] : memref<125x80xi32, #tpu.memory_space<vmem>> -> memref<1x80xi32, #tpu.memory_space<vmem>>
      %dma_wait3A_293 = tpu.memref_squeeze %dma_wait3A_292 : memref<1x80xi32, #tpu.memory_space<vmem>> -> memref<80xi32, #tpu.memory_space<vmem>>
      %dma_wait3A_294 = arith.constant 0 : i32
      %dma_wait3A_295 = arith.constant 0 : i32
      %dma_wait3A_296 = tpu.memref_slice %arg11[%dma_wait3A_294, %dma_wait3A_295] : memref<10112x128xf32, #tpu.memory_space<vmem_shared>> -> memref<10112x128xf32, #tpu.memory_space<vmem_shared>>
      tpu.wait_indirect_dma semaphore(%arg14 : memref<!tpu.dma_semaphore, #tpu.memory_space<semaphore_mem>>) src(%arg10 : memref<80x128xf32, #tpu.memory_space<vmem>>) dst(%dma_wait3A_296 : memref<10112x128xf32, #tpu.memory_space<vmem_shared>>)
      %dma_start3A_297 = arith.constant 11 : i32
      %dma_start3A_298 = arith.constant 0 : i32
      %dma_start3A_299 = tpu.memref_slice %arg8[%dma_start3A_297, %dma_start3A_298] : memref<25x80xi32, #tpu.memory_space<vmem>> -> memref<1x80xi32, #tpu.memory_space<vmem>>
      %dma_start3A_300 = tpu.memref_squeeze %dma_start3A_299 : memref<1x80xi32, #tpu.memory_space<vmem>> -> memref<80xi32, #tpu.memory_space<vmem>>
      %dma_start3A_301 = arith.constant 0 : i32
      %dma_start3A_302 = arith.constant 0 : i32
      %dma_start3A_303 = tpu.memref_slice %arg2[%dma_start3A_301, %dma_start3A_302] : memref<10112x128xf32, #tpu.memory_space<hbm>> -> memref<10112x128xf32, #tpu.memory_space<hbm>>
      tpu.enqueue_indirect_dma source(%dma_start3A_303 : memref<10112x128xf32, #tpu.memory_space<hbm>>) target(%arg10 : memref<80x128xf32, #tpu.memory_space<vmem>>) offsets(%dma_start3A_300 : memref<80xi32, #tpu.memory_space<vmem>>) semaphore(%arg13 : memref<!tpu.dma_semaphore, #tpu.memory_space<semaphore_mem>>)
      %dma_wait3A_304 = arith.constant 10 : i32
      %dma_wait3A_305 = arith.constant 0 : i32
      %dma_wait3A_306 = tpu.memref_slice %arg8[%dma_wait3A_304, %dma_wait3A_305] : memref<25x80xi32, #tpu.memory_space<vmem>> -> memref<1x80xi32, #tpu.memory_space<vmem>>
      %dma_wait3A_307 = tpu.memref_squeeze %dma_wait3A_306 : memref<1x80xi32, #tpu.memory_space<vmem>> -> memref<80xi32, #tpu.memory_space<vmem>>
      %dma_wait3A_308 = arith.constant 0 : i32
      %dma_wait3A_309 = arith.constant 0 : i32
      %dma_wait3A_310 = tpu.memref_slice %arg2[%dma_wait3A_308, %dma_wait3A_309] : memref<10112x128xf32, #tpu.memory_space<hbm>> -> memref<10112x128xf32, #tpu.memory_space<hbm>>
      tpu.wait_indirect_dma semaphore(%arg12 : memref<!tpu.dma_semaphore, #tpu.memory_space<semaphore_mem>>) src(%dma_wait3A_310 : memref<10112x128xf32, #tpu.memory_space<hbm>>) dst(%arg9 : memref<80x128xf32, #tpu.memory_space<vmem>>)
      %add3A_311 = arith.constant 10 : i32
      %add3A_312 = arith.addi %mul3A_11, %add3A_311 : i32
      %dma_start3A_313 = arith.constant 0 : i32
      %dma_start3A_314 = tpu.memref_slice %arg7[%add3A_312, %dma_start3A_313] : memref<125x80xi32, #tpu.memory_space<vmem>> -> memref<1x80xi32, #tpu.memory_space<vmem>>
      %dma_start3A_315 = tpu.memref_squeeze %dma_start3A_314 : memref<1x80xi32, #tpu.memory_space<vmem>> -> memref<80xi32, #tpu.memory_space<vmem>>
      %dma_start3A_316 = arith.constant 0 : i32
      %dma_start3A_317 = arith.constant 0 : i32
      %dma_start3A_318 = tpu.memref_slice %arg11[%dma_start3A_316, %dma_start3A_317] : memref<10112x128xf32, #tpu.memory_space<vmem_shared>> -> memref<10112x128xf32, #tpu.memory_space<vmem_shared>>
      tpu.enqueue_indirect_dma source(%arg9 : memref<80x128xf32, #tpu.memory_space<vmem>>) target(%dma_start3A_318 : memref<10112x128xf32, #tpu.memory_space<vmem_shared>>) offsets(%dma_start3A_315 : memref<80xi32, #tpu.memory_space<vmem>>) semaphore(%arg14 : memref<!tpu.dma_semaphore, #tpu.memory_space<semaphore_mem>>) {add = true}
      %dma_wait3A_319 = arith.constant 0 : i32
      %dma_wait3A_320 = tpu.memref_slice %arg7[%add3A_312, %dma_wait3A_319] : memref<125x80xi32, #tpu.memory_space<vmem>> -> memref<1x80xi32, #tpu.memory_space<vmem>>
      %dma_wait3A_321 = tpu.memref_squeeze %dma_wait3A_320 : memref<1x80xi32, #tpu.memory_space<vmem>> -> memref<80xi32, #tpu.memory_space<vmem>>
      %dma_wait3A_322 = arith.constant 0 : i32
      %dma_wait3A_323 = arith.constant 0 : i32
      %dma_wait3A_324 = tpu.memref_slice %arg11[%dma_wait3A_322, %dma_wait3A_323] : memref<10112x128xf32, #tpu.memory_space<vmem_shared>> -> memref<10112x128xf32, #tpu.memory_space<vmem_shared>>
      tpu.wait_indirect_dma semaphore(%arg14 : memref<!tpu.dma_semaphore, #tpu.memory_space<semaphore_mem>>) src(%arg9 : memref<80x128xf32, #tpu.memory_space<vmem>>) dst(%dma_wait3A_324 : memref<10112x128xf32, #tpu.memory_space<vmem_shared>>)
      %dma_start3A_325 = arith.constant 12 : i32
      %dma_start3A_326 = arith.constant 0 : i32
      %dma_start3A_327 = tpu.memref_slice %arg8[%dma_start3A_325, %dma_start3A_326] : memref<25x80xi32, #tpu.memory_space<vmem>> -> memref<1x80xi32, #tpu.memory_space<vmem>>
      %dma_start3A_328 = tpu.memref_squeeze %dma_start3A_327 : memref<1x80xi32, #tpu.memory_space<vmem>> -> memref<80xi32, #tpu.memory_space<vmem>>
      %dma_start3A_329 = arith.constant 0 : i32
      %dma_start3A_330 = arith.constant 0 : i32
      %dma_start3A_331 = tpu.memref_slice %arg2[%dma_start3A_329, %dma_start3A_330] : memref<10112x128xf32, #tpu.memory_space<hbm>> -> memref<10112x128xf32, #tpu.memory_space<hbm>>
      tpu.enqueue_indirect_dma source(%dma_start3A_331 : memref<10112x128xf32, #tpu.memory_space<hbm>>) target(%arg9 : memref<80x128xf32, #tpu.memory_space<vmem>>) offsets(%dma_start3A_328 : memref<80xi32, #tpu.memory_space<vmem>>) semaphore(%arg12 : memref<!tpu.dma_semaphore, #tpu.memory_space<semaphore_mem>>)
      %dma_wait3A_332 = arith.constant 11 : i32
      %dma_wait3A_333 = arith.constant 0 : i32
      %dma_wait3A_334 = tpu.memref_slice %arg8[%dma_wait3A_332, %dma_wait3A_333] : memref<25x80xi32, #tpu.memory_space<vmem>> -> memref<1x80xi32, #tpu.memory_space<vmem>>
      %dma_wait3A_335 = tpu.memref_squeeze %dma_wait3A_334 : memref<1x80xi32, #tpu.memory_space<vmem>> -> memref<80xi32, #tpu.memory_space<vmem>>
      %dma_wait3A_336 = arith.constant 0 : i32
      %dma_wait3A_337 = arith.constant 0 : i32
      %dma_wait3A_338 = tpu.memref_slice %arg2[%dma_wait3A_336, %dma_wait3A_337] : memref<10112x128xf32, #tpu.memory_space<hbm>> -> memref<10112x128xf32, #tpu.memory_space<hbm>>
      tpu.wait_indirect_dma semaphore(%arg13 : memref<!tpu.dma_semaphore, #tpu.memory_space<semaphore_mem>>) src(%dma_wait3A_338 : memref<10112x128xf32, #tpu.memory_space<hbm>>) dst(%arg10 : memref<80x128xf32, #tpu.memory_space<vmem>>)
      %add3A_339 = arith.constant 11 : i32
      %add3A_340 = arith.addi %mul3A_11, %add3A_339 : i32
      %dma_start3A_341 = arith.constant 0 : i32
      %dma_start3A_342 = tpu.memref_slice %arg7[%add3A_340, %dma_start3A_341] : memref<125x80xi32, #tpu.memory_space<vmem>> -> memref<1x80xi32, #tpu.memory_space<vmem>>
      %dma_start3A_343 = tpu.memref_squeeze %dma_start3A_342 : memref<1x80xi32, #tpu.memory_space<vmem>> -> memref<80xi32, #tpu.memory_space<vmem>>
      %dma_start3A_344 = arith.constant 0 : i32
      %dma_start3A_345 = arith.constant 0 : i32
      %dma_start3A_346 = tpu.memref_slice %arg11[%dma_start3A_344, %dma_start3A_345] : memref<10112x128xf32, #tpu.memory_space<vmem_shared>> -> memref<10112x128xf32, #tpu.memory_space<vmem_shared>>
      tpu.enqueue_indirect_dma source(%arg10 : memref<80x128xf32, #tpu.memory_space<vmem>>) target(%dma_start3A_346 : memref<10112x128xf32, #tpu.memory_space<vmem_shared>>) offsets(%dma_start3A_343 : memref<80xi32, #tpu.memory_space<vmem>>) semaphore(%arg14 : memref<!tpu.dma_semaphore, #tpu.memory_space<semaphore_mem>>) {add = true}
      %dma_wait3A_347 = arith.constant 0 : i32
      %dma_wait3A_348 = tpu.memref_slice %arg7[%add3A_340, %dma_wait3A_347] : memref<125x80xi32, #tpu.memory_space<vmem>> -> memref<1x80xi32, #tpu.memory_space<vmem>>
      %dma_wait3A_349 = tpu.memref_squeeze %dma_wait3A_348 : memref<1x80xi32, #tpu.memory_space<vmem>> -> memref<80xi32, #tpu.memory_space<vmem>>
      %dma_wait3A_350 = arith.constant 0 : i32
      %dma_wait3A_351 = arith.constant 0 : i32
      %dma_wait3A_352 = tpu.memref_slice %arg11[%dma_wait3A_350, %dma_wait3A_351] : memref<10112x128xf32, #tpu.memory_space<vmem_shared>> -> memref<10112x128xf32, #tpu.memory_space<vmem_shared>>
      tpu.wait_indirect_dma semaphore(%arg14 : memref<!tpu.dma_semaphore, #tpu.memory_space<semaphore_mem>>) src(%arg10 : memref<80x128xf32, #tpu.memory_space<vmem>>) dst(%dma_wait3A_352 : memref<10112x128xf32, #tpu.memory_space<vmem_shared>>)
      %dma_start3A_353 = arith.constant 13 : i32
      %dma_start3A_354 = arith.constant 0 : i32
      %dma_start3A_355 = tpu.memref_slice %arg8[%dma_start3A_353, %dma_start3A_354] : memref<25x80xi32, #tpu.memory_space<vmem>> -> memref<1x80xi32, #tpu.memory_space<vmem>>
      %dma_start3A_356 = tpu.memref_squeeze %dma_start3A_355 : memref<1x80xi32, #tpu.memory_space<vmem>> -> memref<80xi32, #tpu.memory_space<vmem>>
      %dma_start3A_357 = arith.constant 0 : i32
      %dma_start3A_358 = arith.constant 0 : i32
      %dma_start3A_359 = tpu.memref_slice %arg2[%dma_start3A_357, %dma_start3A_358] : memref<10112x128xf32, #tpu.memory_space<hbm>> -> memref<10112x128xf32, #tpu.memory_space<hbm>>
      tpu.enqueue_indirect_dma source(%dma_start3A_359 : memref<10112x128xf32, #tpu.memory_space<hbm>>) target(%arg10 : memref<80x128xf32, #tpu.memory_space<vmem>>) offsets(%dma_start3A_356 : memref<80xi32, #tpu.memory_space<vmem>>) semaphore(%arg13 : memref<!tpu.dma_semaphore, #tpu.memory_space<semaphore_mem>>)
      %dma_wait3A_360 = arith.constant 12 : i32
      %dma_wait3A_361 = arith.constant 0 : i32
      %dma_wait3A_362 = tpu.memref_slice %arg8[%dma_wait3A_360, %dma_wait3A_361] : memref<25x80xi32, #tpu.memory_space<vmem>> -> memref<1x80xi32, #tpu.memory_space<vmem>>
      %dma_wait3A_363 = tpu.memref_squeeze %dma_wait3A_362 : memref<1x80xi32, #tpu.memory_space<vmem>> -> memref<80xi32, #tpu.memory_space<vmem>>
      %dma_wait3A_364 = arith.constant 0 : i32
      %dma_wait3A_365 = arith.constant 0 : i32
      %dma_wait3A_366 = tpu.memref_slice %arg2[%dma_wait3A_364, %dma_wait3A_365] : memref<10112x128xf32, #tpu.memory_space<hbm>> -> memref<10112x128xf32, #tpu.memory_space<hbm>>
      tpu.wait_indirect_dma semaphore(%arg12 : memref<!tpu.dma_semaphore, #tpu.memory_space<semaphore_mem>>) src(%dma_wait3A_366 : memref<10112x128xf32, #tpu.memory_space<hbm>>) dst(%arg9 : memref<80x128xf32, #tpu.memory_space<vmem>>)
      %add3A_367 = arith.constant 12 : i32
      %add3A_368 = arith.addi %mul3A_11, %add3A_367 : i32
      %dma_start3A_369 = arith.constant 0 : i32
      %dma_start3A_370 = tpu.memref_slice %arg7[%add3A_368, %dma_start3A_369] : memref<125x80xi32, #tpu.memory_space<vmem>> -> memref<1x80xi32, #tpu.memory_space<vmem>>
      %dma_start3A_371 = tpu.memref_squeeze %dma_start3A_370 : memref<1x80xi32, #tpu.memory_space<vmem>> -> memref<80xi32, #tpu.memory_space<vmem>>
      %dma_start3A_372 = arith.constant 0 : i32
      %dma_start3A_373 = arith.constant 0 : i32
      %dma_start3A_374 = tpu.memref_slice %arg11[%dma_start3A_372, %dma_start3A_373] : memref<10112x128xf32, #tpu.memory_space<vmem_shared>> -> memref<10112x128xf32, #tpu.memory_space<vmem_shared>>
      tpu.enqueue_indirect_dma source(%arg9 : memref<80x128xf32, #tpu.memory_space<vmem>>) target(%dma_start3A_374 : memref<10112x128xf32, #tpu.memory_space<vmem_shared>>) offsets(%dma_start3A_371 : memref<80xi32, #tpu.memory_space<vmem>>) semaphore(%arg14 : memref<!tpu.dma_semaphore, #tpu.memory_space<semaphore_mem>>) {add = true}
      %dma_wait3A_375 = arith.constant 0 : i32
      %dma_wait3A_376 = tpu.memref_slice %arg7[%add3A_368, %dma_wait3A_375] : memref<125x80xi32, #tpu.memory_space<vmem>> -> memref<1x80xi32, #tpu.memory_space<vmem>>
      %dma_wait3A_377 = tpu.memref_squeeze %dma_wait3A_376 : memref<1x80xi32, #tpu.memory_space<vmem>> -> memref<80xi32, #tpu.memory_space<vmem>>
      %dma_wait3A_378 = arith.constant 0 : i32
      %dma_wait3A_379 = arith.constant 0 : i32
      %dma_wait3A_380 = tpu.memref_slice %arg11[%dma_wait3A_378, %dma_wait3A_379] : memref<10112x128xf32, #tpu.memory_space<vmem_shared>> -> memref<10112x128xf32, #tpu.memory_space<vmem_shared>>
      tpu.wait_indirect_dma semaphore(%arg14 : memref<!tpu.dma_semaphore, #tpu.memory_space<semaphore_mem>>) src(%arg9 : memref<80x128xf32, #tpu.memory_space<vmem>>) dst(%dma_wait3A_380 : memref<10112x128xf32, #tpu.memory_space<vmem_shared>>)
      %dma_start3A_381 = arith.constant 14 : i32
      %dma_start3A_382 = arith.constant 0 : i32
      %dma_start3A_383 = tpu.memref_slice %arg8[%dma_start3A_381, %dma_start3A_382] : memref<25x80xi32, #tpu.memory_space<vmem>> -> memref<1x80xi32, #tpu.memory_space<vmem>>
      %dma_start3A_384 = tpu.memref_squeeze %dma_start3A_383 : memref<1x80xi32, #tpu.memory_space<vmem>> -> memref<80xi32, #tpu.memory_space<vmem>>
      %dma_start3A_385 = arith.constant 0 : i32
      %dma_start3A_386 = arith.constant 0 : i32
      %dma_start3A_387 = tpu.memref_slice %arg2[%dma_start3A_385, %dma_start3A_386] : memref<10112x128xf32, #tpu.memory_space<hbm>> -> memref<10112x128xf32, #tpu.memory_space<hbm>>
      tpu.enqueue_indirect_dma source(%dma_start3A_387 : memref<10112x128xf32, #tpu.memory_space<hbm>>) target(%arg9 : memref<80x128xf32, #tpu.memory_space<vmem>>) offsets(%dma_start3A_384 : memref<80xi32, #tpu.memory_space<vmem>>) semaphore(%arg12 : memref<!tpu.dma_semaphore, #tpu.memory_space<semaphore_mem>>)
      %dma_wait3A_388 = arith.constant 13 : i32
      %dma_wait3A_389 = arith.constant 0 : i32
      %dma_wait3A_390 = tpu.memref_slice %arg8[%dma_wait3A_388, %dma_wait3A_389] : memref<25x80xi32, #tpu.memory_space<vmem>> -> memref<1x80xi32, #tpu.memory_space<vmem>>
      %dma_wait3A_391 = tpu.memref_squeeze %dma_wait3A_390 : memref<1x80xi32, #tpu.memory_space<vmem>> -> memref<80xi32, #tpu.memory_space<vmem>>
      %dma_wait3A_392 = arith.constant 0 : i32
      %dma_wait3A_393 = arith.constant 0 : i32
      %dma_wait3A_394 = tpu.memref_slice %arg2[%dma_wait3A_392, %dma_wait3A_393] : memref<10112x128xf32, #tpu.memory_space<hbm>> -> memref<10112x128xf32, #tpu.memory_space<hbm>>
      tpu.wait_indirect_dma semaphore(%arg13 : memref<!tpu.dma_semaphore, #tpu.memory_space<semaphore_mem>>) src(%dma_wait3A_394 : memref<10112x128xf32, #tpu.memory_space<hbm>>) dst(%arg10 : memref<80x128xf32, #tpu.memory_space<vmem>>)
      %add3A_395 = arith.constant 13 : i32
      %add3A_396 = arith.addi %mul3A_11, %add3A_395 : i32
      %dma_start3A_397 = arith.constant 0 : i32
      %dma_start3A_398 = tpu.memref_slice %arg7[%add3A_396, %dma_start3A_397] : memref<125x80xi32, #tpu.memory_space<vmem>> -> memref<1x80xi32, #tpu.memory_space<vmem>>
      %dma_start3A_399 = tpu.memref_squeeze %dma_start3A_398 : memref<1x80xi32, #tpu.memory_space<vmem>> -> memref<80xi32, #tpu.memory_space<vmem>>
      %dma_start3A_400 = arith.constant 0 : i32
      %dma_start3A_401 = arith.constant 0 : i32
      %dma_start3A_402 = tpu.memref_slice %arg11[%dma_start3A_400, %dma_start3A_401] : memref<10112x128xf32, #tpu.memory_space<vmem_shared>> -> memref<10112x128xf32, #tpu.memory_space<vmem_shared>>
      tpu.enqueue_indirect_dma source(%arg10 : memref<80x128xf32, #tpu.memory_space<vmem>>) target(%dma_start3A_402 : memref<10112x128xf32, #tpu.memory_space<vmem_shared>>) offsets(%dma_start3A_399 : memref<80xi32, #tpu.memory_space<vmem>>) semaphore(%arg14 : memref<!tpu.dma_semaphore, #tpu.memory_space<semaphore_mem>>) {add = true}
      %dma_wait3A_403 = arith.constant 0 : i32
      %dma_wait3A_404 = tpu.memref_slice %arg7[%add3A_396, %dma_wait3A_403] : memref<125x80xi32, #tpu.memory_space<vmem>> -> memref<1x80xi32, #tpu.memory_space<vmem>>
      %dma_wait3A_405 = tpu.memref_squeeze %dma_wait3A_404 : memref<1x80xi32, #tpu.memory_space<vmem>> -> memref<80xi32, #tpu.memory_space<vmem>>
      %dma_wait3A_406 = arith.constant 0 : i32
      %dma_wait3A_407 = arith.constant 0 : i32
      %dma_wait3A_408 = tpu.memref_slice %arg11[%dma_wait3A_406, %dma_wait3A_407] : memref<10112x128xf32, #tpu.memory_space<vmem_shared>> -> memref<10112x128xf32, #tpu.memory_space<vmem_shared>>
      tpu.wait_indirect_dma semaphore(%arg14 : memref<!tpu.dma_semaphore, #tpu.memory_space<semaphore_mem>>) src(%arg10 : memref<80x128xf32, #tpu.memory_space<vmem>>) dst(%dma_wait3A_408 : memref<10112x128xf32, #tpu.memory_space<vmem_shared>>)
      %dma_start3A_409 = arith.constant 15 : i32
      %dma_start3A_410 = arith.constant 0 : i32
      %dma_start3A_411 = tpu.memref_slice %arg8[%dma_start3A_409, %dma_start3A_410] : memref<25x80xi32, #tpu.memory_space<vmem>> -> memref<1x80xi32, #tpu.memory_space<vmem>>
      %dma_start3A_412 = tpu.memref_squeeze %dma_start3A_411 : memref<1x80xi32, #tpu.memory_space<vmem>> -> memref<80xi32, #tpu.memory_space<vmem>>
      %dma_start3A_413 = arith.constant 0 : i32
      %dma_start3A_414 = arith.constant 0 : i32
      %dma_start3A_415 = tpu.memref_slice %arg2[%dma_start3A_413, %dma_start3A_414] : memref<10112x128xf32, #tpu.memory_space<hbm>> -> memref<10112x128xf32, #tpu.memory_space<hbm>>
      tpu.enqueue_indirect_dma source(%dma_start3A_415 : memref<10112x128xf32, #tpu.memory_space<hbm>>) target(%arg10 : memref<80x128xf32, #tpu.memory_space<vmem>>) offsets(%dma_start3A_412 : memref<80xi32, #tpu.memory_space<vmem>>) semaphore(%arg13 : memref<!tpu.dma_semaphore, #tpu.memory_space<semaphore_mem>>)
      %dma_wait3A_416 = arith.constant 14 : i32
      %dma_wait3A_417 = arith.constant 0 : i32
      %dma_wait3A_418 = tpu.memref_slice %arg8[%dma_wait3A_416, %dma_wait3A_417] : memref<25x80xi32, #tpu.memory_space<vmem>> -> memref<1x80xi32, #tpu.memory_space<vmem>>
      %dma_wait3A_419 = tpu.memref_squeeze %dma_wait3A_418 : memref<1x80xi32, #tpu.memory_space<vmem>> -> memref<80xi32, #tpu.memory_space<vmem>>
      %dma_wait3A_420 = arith.constant 0 : i32
      %dma_wait3A_421 = arith.constant 0 : i32
      %dma_wait3A_422 = tpu.memref_slice %arg2[%dma_wait3A_420, %dma_wait3A_421] : memref<10112x128xf32, #tpu.memory_space<hbm>> -> memref<10112x128xf32, #tpu.memory_space<hbm>>
      tpu.wait_indirect_dma semaphore(%arg12 : memref<!tpu.dma_semaphore, #tpu.memory_space<semaphore_mem>>) src(%dma_wait3A_422 : memref<10112x128xf32, #tpu.memory_space<hbm>>) dst(%arg9 : memref<80x128xf32, #tpu.memory_space<vmem>>)
      %add3A_423 = arith.constant 14 : i32
      %add3A_424 = arith.addi %mul3A_11, %add3A_423 : i32
      %dma_start3A_425 = arith.constant 0 : i32
      %dma_start3A_426 = tpu.memref_slice %arg7[%add3A_424, %dma_start3A_425] : memref<125x80xi32, #tpu.memory_space<vmem>> -> memref<1x80xi32, #tpu.memory_space<vmem>>
      %dma_start3A_427 = tpu.memref_squeeze %dma_start3A_426 : memref<1x80xi32, #tpu.memory_space<vmem>> -> memref<80xi32, #tpu.memory_space<vmem>>
      %dma_start3A_428 = arith.constant 0 : i32
      %dma_start3A_429 = arith.constant 0 : i32
      %dma_start3A_430 = tpu.memref_slice %arg11[%dma_start3A_428, %dma_start3A_429] : memref<10112x128xf32, #tpu.memory_space<vmem_shared>> -> memref<10112x128xf32, #tpu.memory_space<vmem_shared>>
      tpu.enqueue_indirect_dma source(%arg9 : memref<80x128xf32, #tpu.memory_space<vmem>>) target(%dma_start3A_430 : memref<10112x128xf32, #tpu.memory_space<vmem_shared>>) offsets(%dma_start3A_427 : memref<80xi32, #tpu.memory_space<vmem>>) semaphore(%arg14 : memref<!tpu.dma_semaphore, #tpu.memory_space<semaphore_mem>>) {add = true}
      %dma_wait3A_431 = arith.constant 0 : i32
      %dma_wait3A_432 = tpu.memref_slice %arg7[%add3A_424, %dma_wait3A_431] : memref<125x80xi32, #tpu.memory_space<vmem>> -> memref<1x80xi32, #tpu.memory_space<vmem>>
      %dma_wait3A_433 = tpu.memref_squeeze %dma_wait3A_432 : memref<1x80xi32, #tpu.memory_space<vmem>> -> memref<80xi32, #tpu.memory_space<vmem>>
      %dma_wait3A_434 = arith.constant 0 : i32
      %dma_wait3A_435 = arith.constant 0 : i32
      %dma_wait3A_436 = tpu.memref_slice %arg11[%dma_wait3A_434, %dma_wait3A_435] : memref<10112x128xf32, #tpu.memory_space<vmem_shared>> -> memref<10112x128xf32, #tpu.memory_space<vmem_shared>>
      tpu.wait_indirect_dma semaphore(%arg14 : memref<!tpu.dma_semaphore, #tpu.memory_space<semaphore_mem>>) src(%arg9 : memref<80x128xf32, #tpu.memory_space<vmem>>) dst(%dma_wait3A_436 : memref<10112x128xf32, #tpu.memory_space<vmem_shared>>)
      %dma_start3A_437 = arith.constant 16 : i32
      %dma_start3A_438 = arith.constant 0 : i32
      %dma_start3A_439 = tpu.memref_slice %arg8[%dma_start3A_437, %dma_start3A_438] : memref<25x80xi32, #tpu.memory_space<vmem>> -> memref<1x80xi32, #tpu.memory_space<vmem>>
      %dma_start3A_440 = tpu.memref_squeeze %dma_start3A_439 : memref<1x80xi32, #tpu.memory_space<vmem>> -> memref<80xi32, #tpu.memory_space<vmem>>
      %dma_start3A_441 = arith.constant 0 : i32
      %dma_start3A_442 = arith.constant 0 : i32
      %dma_start3A_443 = tpu.memref_slice %arg2[%dma_start3A_441, %dma_start3A_442] : memref<10112x128xf32, #tpu.memory_space<hbm>> -> memref<10112x128xf32, #tpu.memory_space<hbm>>
      tpu.enqueue_indirect_dma source(%dma_start3A_443 : memref<10112x128xf32, #tpu.memory_space<hbm>>) target(%arg9 : memref<80x128xf32, #tpu.memory_space<vmem>>) offsets(%dma_start3A_440 : memref<80xi32, #tpu.memory_space<vmem>>) semaphore(%arg12 : memref<!tpu.dma_semaphore, #tpu.memory_space<semaphore_mem>>)
      %dma_wait3A_444 = arith.constant 15 : i32
      %dma_wait3A_445 = arith.constant 0 : i32
      %dma_wait3A_446 = tpu.memref_slice %arg8[%dma_wait3A_444, %dma_wait3A_445] : memref<25x80xi32, #tpu.memory_space<vmem>> -> memref<1x80xi32, #tpu.memory_space<vmem>>
      %dma_wait3A_447 = tpu.memref_squeeze %dma_wait3A_446 : memref<1x80xi32, #tpu.memory_space<vmem>> -> memref<80xi32, #tpu.memory_space<vmem>>
      %dma_wait3A_448 = arith.constant 0 : i32
      %dma_wait3A_449 = arith.constant 0 : i32
      %dma_wait3A_450 = tpu.memref_slice %arg2[%dma_wait3A_448, %dma_wait3A_449] : memref<10112x128xf32, #tpu.memory_space<hbm>> -> memref<10112x128xf32, #tpu.memory_space<hbm>>
      tpu.wait_indirect_dma semaphore(%arg13 : memref<!tpu.dma_semaphore, #tpu.memory_space<semaphore_mem>>) src(%dma_wait3A_450 : memref<10112x128xf32, #tpu.memory_space<hbm>>) dst(%arg10 : memref<80x128xf32, #tpu.memory_space<vmem>>)
      %add3A_451 = arith.constant 15 : i32
      %add3A_452 = arith.addi %mul3A_11, %add3A_451 : i32
      %dma_start3A_453 = arith.constant 0 : i32
      %dma_start3A_454 = tpu.memref_slice %arg7[%add3A_452, %dma_start3A_453] : memref<125x80xi32, #tpu.memory_space<vmem>> -> memref<1x80xi32, #tpu.memory_space<vmem>>
      %dma_start3A_455 = tpu.memref_squeeze %dma_start3A_454 : memref<1x80xi32, #tpu.memory_space<vmem>> -> memref<80xi32, #tpu.memory_space<vmem>>
      %dma_start3A_456 = arith.constant 0 : i32
      %dma_start3A_457 = arith.constant 0 : i32
      %dma_start3A_458 = tpu.memref_slice %arg11[%dma_start3A_456, %dma_start3A_457] : memref<10112x128xf32, #tpu.memory_space<vmem_shared>> -> memref<10112x128xf32, #tpu.memory_space<vmem_shared>>
      tpu.enqueue_indirect_dma source(%arg10 : memref<80x128xf32, #tpu.memory_space<vmem>>) target(%dma_start3A_458 : memref<10112x128xf32, #tpu.memory_space<vmem_shared>>) offsets(%dma_start3A_455 : memref<80xi32, #tpu.memory_space<vmem>>) semaphore(%arg14 : memref<!tpu.dma_semaphore, #tpu.memory_space<semaphore_mem>>) {add = true}
      %dma_wait3A_459 = arith.constant 0 : i32
      %dma_wait3A_460 = tpu.memref_slice %arg7[%add3A_452, %dma_wait3A_459] : memref<125x80xi32, #tpu.memory_space<vmem>> -> memref<1x80xi32, #tpu.memory_space<vmem>>
      %dma_wait3A_461 = tpu.memref_squeeze %dma_wait3A_460 : memref<1x80xi32, #tpu.memory_space<vmem>> -> memref<80xi32, #tpu.memory_space<vmem>>
      %dma_wait3A_462 = arith.constant 0 : i32
      %dma_wait3A_463 = arith.constant 0 : i32
      %dma_wait3A_464 = tpu.memref_slice %arg11[%dma_wait3A_462, %dma_wait3A_463] : memref<10112x128xf32, #tpu.memory_space<vmem_shared>> -> memref<10112x128xf32, #tpu.memory_space<vmem_shared>>
      tpu.wait_indirect_dma semaphore(%arg14 : memref<!tpu.dma_semaphore, #tpu.memory_space<semaphore_mem>>) src(%arg10 : memref<80x128xf32, #tpu.memory_space<vmem>>) dst(%dma_wait3A_464 : memref<10112x128xf32, #tpu.memory_space<vmem_shared>>)
      %dma_start3A_465 = arith.constant 17 : i32
      %dma_start3A_466 = arith.constant 0 : i32
      %dma_start3A_467 = tpu.memref_slice %arg8[%dma_start3A_465, %dma_start3A_466] : memref<25x80xi32, #tpu.memory_space<vmem>> -> memref<1x80xi32, #tpu.memory_space<vmem>>
      %dma_start3A_468 = tpu.memref_squeeze %dma_start3A_467 : memref<1x80xi32, #tpu.memory_space<vmem>> -> memref<80xi32, #tpu.memory_space<vmem>>
      %dma_start3A_469 = arith.constant 0 : i32
      %dma_start3A_470 = arith.constant 0 : i32
      %dma_start3A_471 = tpu.memref_slice %arg2[%dma_start3A_469, %dma_start3A_470] : memref<10112x128xf32, #tpu.memory_space<hbm>> -> memref<10112x128xf32, #tpu.memory_space<hbm>>
      tpu.enqueue_indirect_dma source(%dma_start3A_471 : memref<10112x128xf32, #tpu.memory_space<hbm>>) target(%arg10 : memref<80x128xf32, #tpu.memory_space<vmem>>) offsets(%dma_start3A_468 : memref<80xi32, #tpu.memory_space<vmem>>) semaphore(%arg13 : memref<!tpu.dma_semaphore, #tpu.memory_space<semaphore_mem>>)
      %dma_wait3A_472 = arith.constant 16 : i32
      %dma_wait3A_473 = arith.constant 0 : i32
      %dma_wait3A_474 = tpu.memref_slice %arg8[%dma_wait3A_472, %dma_wait3A_473] : memref<25x80xi32, #tpu.memory_space<vmem>> -> memref<1x80xi32, #tpu.memory_space<vmem>>
      %dma_wait3A_475 = tpu.memref_squeeze %dma_wait3A_474 : memref<1x80xi32, #tpu.memory_space<vmem>> -> memref<80xi32, #tpu.memory_space<vmem>>
      %dma_wait3A_476 = arith.constant 0 : i32
      %dma_wait3A_477 = arith.constant 0 : i32
      %dma_wait3A_478 = tpu.memref_slice %arg2[%dma_wait3A_476, %dma_wait3A_477] : memref<10112x128xf32, #tpu.memory_space<hbm>> -> memref<10112x128xf32, #tpu.memory_space<hbm>>
      tpu.wait_indirect_dma semaphore(%arg12 : memref<!tpu.dma_semaphore, #tpu.memory_space<semaphore_mem>>) src(%dma_wait3A_478 : memref<10112x128xf32, #tpu.memory_space<hbm>>) dst(%arg9 : memref<80x128xf32, #tpu.memory_space<vmem>>)
      %add3A_479 = arith.constant 16 : i32
      %add3A_480 = arith.addi %mul3A_11, %add3A_479 : i32
      %dma_start3A_481 = arith.constant 0 : i32
      %dma_start3A_482 = tpu.memref_slice %arg7[%add3A_480, %dma_start3A_481] : memref<125x80xi32, #tpu.memory_space<vmem>> -> memref<1x80xi32, #tpu.memory_space<vmem>>
      %dma_start3A_483 = tpu.memref_squeeze %dma_start3A_482 : memref<1x80xi32, #tpu.memory_space<vmem>> -> memref<80xi32, #tpu.memory_space<vmem>>
      %dma_start3A_484 = arith.constant 0 : i32
      %dma_start3A_485 = arith.constant 0 : i32
      %dma_start3A_486 = tpu.memref_slice %arg11[%dma_start3A_484, %dma_start3A_485] : memref<10112x128xf32, #tpu.memory_space<vmem_shared>> -> memref<10112x128xf32, #tpu.memory_space<vmem_shared>>
      tpu.enqueue_indirect_dma source(%arg9 : memref<80x128xf32, #tpu.memory_space<vmem>>) target(%dma_start3A_486 : memref<10112x128xf32, #tpu.memory_space<vmem_shared>>) offsets(%dma_start3A_483 : memref<80xi32, #tpu.memory_space<vmem>>) semaphore(%arg14 : memref<!tpu.dma_semaphore, #tpu.memory_space<semaphore_mem>>) {add = true}
      %dma_wait3A_487 = arith.constant 0 : i32
      %dma_wait3A_488 = tpu.memref_slice %arg7[%add3A_480, %dma_wait3A_487] : memref<125x80xi32, #tpu.memory_space<vmem>> -> memref<1x80xi32, #tpu.memory_space<vmem>>
      %dma_wait3A_489 = tpu.memref_squeeze %dma_wait3A_488 : memref<1x80xi32, #tpu.memory_space<vmem>> -> memref<80xi32, #tpu.memory_space<vmem>>
      %dma_wait3A_490 = arith.constant 0 : i32
      %dma_wait3A_491 = arith.constant 0 : i32
      %dma_wait3A_492 = tpu.memref_slice %arg11[%dma_wait3A_490, %dma_wait3A_491] : memref<10112x128xf32, #tpu.memory_space<vmem_shared>> -> memref<10112x128xf32, #tpu.memory_space<vmem_shared>>
      tpu.wait_indirect_dma semaphore(%arg14 : memref<!tpu.dma_semaphore, #tpu.memory_space<semaphore_mem>>) src(%arg9 : memref<80x128xf32, #tpu.memory_space<vmem>>) dst(%dma_wait3A_492 : memref<10112x128xf32, #tpu.memory_space<vmem_shared>>)
      %dma_start3A_493 = arith.constant 18 : i32
      %dma_start3A_494 = arith.constant 0 : i32
      %dma_start3A_495 = tpu.memref_slice %arg8[%dma_start3A_493, %dma_start3A_494] : memref<25x80xi32, #tpu.memory_space<vmem>> -> memref<1x80xi32, #tpu.memory_space<vmem>>
      %dma_start3A_496 = tpu.memref_squeeze %dma_start3A_495 : memref<1x80xi32, #tpu.memory_space<vmem>> -> memref<80xi32, #tpu.memory_space<vmem>>
      %dma_start3A_497 = arith.constant 0 : i32
      %dma_start3A_498 = arith.constant 0 : i32
      %dma_start3A_499 = tpu.memref_slice %arg2[%dma_start3A_497, %dma_start3A_498] : memref<10112x128xf32, #tpu.memory_space<hbm>> -> memref<10112x128xf32, #tpu.memory_space<hbm>>
      tpu.enqueue_indirect_dma source(%dma_start3A_499 : memref<10112x128xf32, #tpu.memory_space<hbm>>) target(%arg9 : memref<80x128xf32, #tpu.memory_space<vmem>>) offsets(%dma_start3A_496 : memref<80xi32, #tpu.memory_space<vmem>>) semaphore(%arg12 : memref<!tpu.dma_semaphore, #tpu.memory_space<semaphore_mem>>)
      %dma_wait3A_500 = arith.constant 17 : i32
      %dma_wait3A_501 = arith.constant 0 : i32
      %dma_wait3A_502 = tpu.memref_slice %arg8[%dma_wait3A_500, %dma_wait3A_501] : memref<25x80xi32, #tpu.memory_space<vmem>> -> memref<1x80xi32, #tpu.memory_space<vmem>>
      %dma_wait3A_503 = tpu.memref_squeeze %dma_wait3A_502 : memref<1x80xi32, #tpu.memory_space<vmem>> -> memref<80xi32, #tpu.memory_space<vmem>>
      %dma_wait3A_504 = arith.constant 0 : i32
      %dma_wait3A_505 = arith.constant 0 : i32
      %dma_wait3A_506 = tpu.memref_slice %arg2[%dma_wait3A_504, %dma_wait3A_505] : memref<10112x128xf32, #tpu.memory_space<hbm>> -> memref<10112x128xf32, #tpu.memory_space<hbm>>
      tpu.wait_indirect_dma semaphore(%arg13 : memref<!tpu.dma_semaphore, #tpu.memory_space<semaphore_mem>>) src(%dma_wait3A_506 : memref<10112x128xf32, #tpu.memory_space<hbm>>) dst(%arg10 : memref<80x128xf32, #tpu.memory_space<vmem>>)
      %add3A_507 = arith.constant 17 : i32
      %add3A_508 = arith.addi %mul3A_11, %add3A_507 : i32
      %dma_start3A_509 = arith.constant 0 : i32
      %dma_start3A_510 = tpu.memref_slice %arg7[%add3A_508, %dma_start3A_509] : memref<125x80xi32, #tpu.memory_space<vmem>> -> memref<1x80xi32, #tpu.memory_space<vmem>>
      %dma_start3A_511 = tpu.memref_squeeze %dma_start3A_510 : memref<1x80xi32, #tpu.memory_space<vmem>> -> memref<80xi32, #tpu.memory_space<vmem>>
      %dma_start3A_512 = arith.constant 0 : i32
      %dma_start3A_513 = arith.constant 0 : i32
      %dma_start3A_514 = tpu.memref_slice %arg11[%dma_start3A_512, %dma_start3A_513] : memref<10112x128xf32, #tpu.memory_space<vmem_shared>> -> memref<10112x128xf32, #tpu.memory_space<vmem_shared>>
      tpu.enqueue_indirect_dma source(%arg10 : memref<80x128xf32, #tpu.memory_space<vmem>>) target(%dma_start3A_514 : memref<10112x128xf32, #tpu.memory_space<vmem_shared>>) offsets(%dma_start3A_511 : memref<80xi32, #tpu.memory_space<vmem>>) semaphore(%arg14 : memref<!tpu.dma_semaphore, #tpu.memory_space<semaphore_mem>>) {add = true}
      %dma_wait3A_515 = arith.constant 0 : i32
      %dma_wait3A_516 = tpu.memref_slice %arg7[%add3A_508, %dma_wait3A_515] : memref<125x80xi32, #tpu.memory_space<vmem>> -> memref<1x80xi32, #tpu.memory_space<vmem>>
      %dma_wait3A_517 = tpu.memref_squeeze %dma_wait3A_516 : memref<1x80xi32, #tpu.memory_space<vmem>> -> memref<80xi32, #tpu.memory_space<vmem>>
      %dma_wait3A_518 = arith.constant 0 : i32
      %dma_wait3A_519 = arith.constant 0 : i32
      %dma_wait3A_520 = tpu.memref_slice %arg11[%dma_wait3A_518, %dma_wait3A_519] : memref<10112x128xf32, #tpu.memory_space<vmem_shared>> -> memref<10112x128xf32, #tpu.memory_space<vmem_shared>>
      tpu.wait_indirect_dma semaphore(%arg14 : memref<!tpu.dma_semaphore, #tpu.memory_space<semaphore_mem>>) src(%arg10 : memref<80x128xf32, #tpu.memory_space<vmem>>) dst(%dma_wait3A_520 : memref<10112x128xf32, #tpu.memory_space<vmem_shared>>)
      %dma_start3A_521 = arith.constant 19 : i32
      %dma_start3A_522 = arith.constant 0 : i32
      %dma_start3A_523 = tpu.memref_slice %arg8[%dma_start3A_521, %dma_start3A_522] : memref<25x80xi32, #tpu.memory_space<vmem>> -> memref<1x80xi32, #tpu.memory_space<vmem>>
      %dma_start3A_524 = tpu.memref_squeeze %dma_start3A_523 : memref<1x80xi32, #tpu.memory_space<vmem>> -> memref<80xi32, #tpu.memory_space<vmem>>
      %dma_start3A_525 = arith.constant 0 : i32
      %dma_start3A_526 = arith.constant 0 : i32
      %dma_start3A_527 = tpu.memref_slice %arg2[%dma_start3A_525, %dma_start3A_526] : memref<10112x128xf32, #tpu.memory_space<hbm>> -> memref<10112x128xf32, #tpu.memory_space<hbm>>
      tpu.enqueue_indirect_dma source(%dma_start3A_527 : memref<10112x128xf32, #tpu.memory_space<hbm>>) target(%arg10 : memref<80x128xf32, #tpu.memory_space<vmem>>) offsets(%dma_start3A_524 : memref<80xi32, #tpu.memory_space<vmem>>) semaphore(%arg13 : memref<!tpu.dma_semaphore, #tpu.memory_space<semaphore_mem>>)
      %dma_wait3A_528 = arith.constant 18 : i32
      %dma_wait3A_529 = arith.constant 0 : i32
      %dma_wait3A_530 = tpu.memref_slice %arg8[%dma_wait3A_528, %dma_wait3A_529] : memref<25x80xi32, #tpu.memory_space<vmem>> -> memref<1x80xi32, #tpu.memory_space<vmem>>
      %dma_wait3A_531 = tpu.memref_squeeze %dma_wait3A_530 : memref<1x80xi32, #tpu.memory_space<vmem>> -> memref<80xi32, #tpu.memory_space<vmem>>
      %dma_wait3A_532 = arith.constant 0 : i32
      %dma_wait3A_533 = arith.constant 0 : i32
      %dma_wait3A_534 = tpu.memref_slice %arg2[%dma_wait3A_532, %dma_wait3A_533] : memref<10112x128xf32, #tpu.memory_space<hbm>> -> memref<10112x128xf32, #tpu.memory_space<hbm>>
      tpu.wait_indirect_dma semaphore(%arg12 : memref<!tpu.dma_semaphore, #tpu.memory_space<semaphore_mem>>) src(%dma_wait3A_534 : memref<10112x128xf32, #tpu.memory_space<hbm>>) dst(%arg9 : memref<80x128xf32, #tpu.memory_space<vmem>>)
      %add3A_535 = arith.constant 18 : i32
      %add3A_536 = arith.addi %mul3A_11, %add3A_535 : i32
      %dma_start3A_537 = arith.constant 0 : i32
      %dma_start3A_538 = tpu.memref_slice %arg7[%add3A_536, %dma_start3A_537] : memref<125x80xi32, #tpu.memory_space<vmem>> -> memref<1x80xi32, #tpu.memory_space<vmem>>
      %dma_start3A_539 = tpu.memref_squeeze %dma_start3A_538 : memref<1x80xi32, #tpu.memory_space<vmem>> -> memref<80xi32, #tpu.memory_space<vmem>>
      %dma_start3A_540 = arith.constant 0 : i32
      %dma_start3A_541 = arith.constant 0 : i32
      %dma_start3A_542 = tpu.memref_slice %arg11[%dma_start3A_540, %dma_start3A_541] : memref<10112x128xf32, #tpu.memory_space<vmem_shared>> -> memref<10112x128xf32, #tpu.memory_space<vmem_shared>>
      tpu.enqueue_indirect_dma source(%arg9 : memref<80x128xf32, #tpu.memory_space<vmem>>) target(%dma_start3A_542 : memref<10112x128xf32, #tpu.memory_space<vmem_shared>>) offsets(%dma_start3A_539 : memref<80xi32, #tpu.memory_space<vmem>>) semaphore(%arg14 : memref<!tpu.dma_semaphore, #tpu.memory_space<semaphore_mem>>) {add = true}
      %dma_wait3A_543 = arith.constant 0 : i32
      %dma_wait3A_544 = tpu.memref_slice %arg7[%add3A_536, %dma_wait3A_543] : memref<125x80xi32, #tpu.memory_space<vmem>> -> memref<1x80xi32, #tpu.memory_space<vmem>>
      %dma_wait3A_545 = tpu.memref_squeeze %dma_wait3A_544 : memref<1x80xi32, #tpu.memory_space<vmem>> -> memref<80xi32, #tpu.memory_space<vmem>>
      %dma_wait3A_546 = arith.constant 0 : i32
      %dma_wait3A_547 = arith.constant 0 : i32
      %dma_wait3A_548 = tpu.memref_slice %arg11[%dma_wait3A_546, %dma_wait3A_547] : memref<10112x128xf32, #tpu.memory_space<vmem_shared>> -> memref<10112x128xf32, #tpu.memory_space<vmem_shared>>
      tpu.wait_indirect_dma semaphore(%arg14 : memref<!tpu.dma_semaphore, #tpu.memory_space<semaphore_mem>>) src(%arg9 : memref<80x128xf32, #tpu.memory_space<vmem>>) dst(%dma_wait3A_548 : memref<10112x128xf32, #tpu.memory_space<vmem_shared>>)
      %dma_start3A_549 = arith.constant 20 : i32
      %dma_start3A_550 = arith.constant 0 : i32
      %dma_start3A_551 = tpu.memref_slice %arg8[%dma_start3A_549, %dma_start3A_550] : memref<25x80xi32, #tpu.memory_space<vmem>> -> memref<1x80xi32, #tpu.memory_space<vmem>>
      %dma_start3A_552 = tpu.memref_squeeze %dma_start3A_551 : memref<1x80xi32, #tpu.memory_space<vmem>> -> memref<80xi32, #tpu.memory_space<vmem>>
      %dma_start3A_553 = arith.constant 0 : i32
      %dma_start3A_554 = arith.constant 0 : i32
      %dma_start3A_555 = tpu.memref_slice %arg2[%dma_start3A_553, %dma_start3A_554] : memref<10112x128xf32, #tpu.memory_space<hbm>> -> memref<10112x128xf32, #tpu.memory_space<hbm>>
      tpu.enqueue_indirect_dma source(%dma_start3A_555 : memref<10112x128xf32, #tpu.memory_space<hbm>>) target(%arg9 : memref<80x128xf32, #tpu.memory_space<vmem>>) offsets(%dma_start3A_552 : memref<80xi32, #tpu.memory_space<vmem>>) semaphore(%arg12 : memref<!tpu.dma_semaphore, #tpu.memory_space<semaphore_mem>>)
      %dma_wait3A_556 = arith.constant 19 : i32
      %dma_wait3A_557 = arith.constant 0 : i32
      %dma_wait3A_558 = tpu.memref_slice %arg8[%dma_wait3A_556, %dma_wait3A_557] : memref<25x80xi32, #tpu.memory_space<vmem>> -> memref<1x80xi32, #tpu.memory_space<vmem>>
      %dma_wait3A_559 = tpu.memref_squeeze %dma_wait3A_558 : memref<1x80xi32, #tpu.memory_space<vmem>> -> memref<80xi32, #tpu.memory_space<vmem>>
      %dma_wait3A_560 = arith.constant 0 : i32
      %dma_wait3A_561 = arith.constant 0 : i32
      %dma_wait3A_562 = tpu.memref_slice %arg2[%dma_wait3A_560, %dma_wait3A_561] : memref<10112x128xf32, #tpu.memory_space<hbm>> -> memref<10112x128xf32, #tpu.memory_space<hbm>>
      tpu.wait_indirect_dma semaphore(%arg13 : memref<!tpu.dma_semaphore, #tpu.memory_space<semaphore_mem>>) src(%dma_wait3A_562 : memref<10112x128xf32, #tpu.memory_space<hbm>>) dst(%arg10 : memref<80x128xf32, #tpu.memory_space<vmem>>)
      %add3A_563 = arith.constant 19 : i32
      %add3A_564 = arith.addi %mul3A_11, %add3A_563 : i32
      %dma_start3A_565 = arith.constant 0 : i32
      %dma_start3A_566 = tpu.memref_slice %arg7[%add3A_564, %dma_start3A_565] : memref<125x80xi32, #tpu.memory_space<vmem>> -> memref<1x80xi32, #tpu.memory_space<vmem>>
      %dma_start3A_567 = tpu.memref_squeeze %dma_start3A_566 : memref<1x80xi32, #tpu.memory_space<vmem>> -> memref<80xi32, #tpu.memory_space<vmem>>
      %dma_start3A_568 = arith.constant 0 : i32
      %dma_start3A_569 = arith.constant 0 : i32
      %dma_start3A_570 = tpu.memref_slice %arg11[%dma_start3A_568, %dma_start3A_569] : memref<10112x128xf32, #tpu.memory_space<vmem_shared>> -> memref<10112x128xf32, #tpu.memory_space<vmem_shared>>
      tpu.enqueue_indirect_dma source(%arg10 : memref<80x128xf32, #tpu.memory_space<vmem>>) target(%dma_start3A_570 : memref<10112x128xf32, #tpu.memory_space<vmem_shared>>) offsets(%dma_start3A_567 : memref<80xi32, #tpu.memory_space<vmem>>) semaphore(%arg14 : memref<!tpu.dma_semaphore, #tpu.memory_space<semaphore_mem>>) {add = true}
      %dma_wait3A_571 = arith.constant 0 : i32
      %dma_wait3A_572 = tpu.memref_slice %arg7[%add3A_564, %dma_wait3A_571] : memref<125x80xi32, #tpu.memory_space<vmem>> -> memref<1x80xi32, #tpu.memory_space<vmem>>
      %dma_wait3A_573 = tpu.memref_squeeze %dma_wait3A_572 : memref<1x80xi32, #tpu.memory_space<vmem>> -> memref<80xi32, #tpu.memory_space<vmem>>
      %dma_wait3A_574 = arith.constant 0 : i32
      %dma_wait3A_575 = arith.constant 0 : i32
      %dma_wait3A_576 = tpu.memref_slice %arg11[%dma_wait3A_574, %dma_wait3A_575] : memref<10112x128xf32, #tpu.memory_space<vmem_shared>> -> memref<10112x128xf32, #tpu.memory_space<vmem_shared>>
      tpu.wait_indirect_dma semaphore(%arg14 : memref<!tpu.dma_semaphore, #tpu.memory_space<semaphore_mem>>) src(%arg10 : memref<80x128xf32, #tpu.memory_space<vmem>>) dst(%dma_wait3A_576 : memref<10112x128xf32, #tpu.memory_space<vmem_shared>>)
      %dma_start3A_577 = arith.constant 21 : i32
      %dma_start3A_578 = arith.constant 0 : i32
      %dma_start3A_579 = tpu.memref_slice %arg8[%dma_start3A_577, %dma_start3A_578] : memref<25x80xi32, #tpu.memory_space<vmem>> -> memref<1x80xi32, #tpu.memory_space<vmem>>
      %dma_start3A_580 = tpu.memref_squeeze %dma_start3A_579 : memref<1x80xi32, #tpu.memory_space<vmem>> -> memref<80xi32, #tpu.memory_space<vmem>>
      %dma_start3A_581 = arith.constant 0 : i32
      %dma_start3A_582 = arith.constant 0 : i32
      %dma_start3A_583 = tpu.memref_slice %arg2[%dma_start3A_581, %dma_start3A_582] : memref<10112x128xf32, #tpu.memory_space<hbm>> -> memref<10112x128xf32, #tpu.memory_space<hbm>>
      tpu.enqueue_indirect_dma source(%dma_start3A_583 : memref<10112x128xf32, #tpu.memory_space<hbm>>) target(%arg10 : memref<80x128xf32, #tpu.memory_space<vmem>>) offsets(%dma_start3A_580 : memref<80xi32, #tpu.memory_space<vmem>>) semaphore(%arg13 : memref<!tpu.dma_semaphore, #tpu.memory_space<semaphore_mem>>)
      %dma_wait3A_584 = arith.constant 20 : i32
      %dma_wait3A_585 = arith.constant 0 : i32
      %dma_wait3A_586 = tpu.memref_slice %arg8[%dma_wait3A_584, %dma_wait3A_585] : memref<25x80xi32, #tpu.memory_space<vmem>> -> memref<1x80xi32, #tpu.memory_space<vmem>>
      %dma_wait3A_587 = tpu.memref_squeeze %dma_wait3A_586 : memref<1x80xi32, #tpu.memory_space<vmem>> -> memref<80xi32, #tpu.memory_space<vmem>>
      %dma_wait3A_588 = arith.constant 0 : i32
      %dma_wait3A_589 = arith.constant 0 : i32
      %dma_wait3A_590 = tpu.memref_slice %arg2[%dma_wait3A_588, %dma_wait3A_589] : memref<10112x128xf32, #tpu.memory_space<hbm>> -> memref<10112x128xf32, #tpu.memory_space<hbm>>
      tpu.wait_indirect_dma semaphore(%arg12 : memref<!tpu.dma_semaphore, #tpu.memory_space<semaphore_mem>>) src(%dma_wait3A_590 : memref<10112x128xf32, #tpu.memory_space<hbm>>) dst(%arg9 : memref<80x128xf32, #tpu.memory_space<vmem>>)
      %add3A_591 = arith.constant 20 : i32
      %add3A_592 = arith.addi %mul3A_11, %add3A_591 : i32
      %dma_start3A_593 = arith.constant 0 : i32
      %dma_start3A_594 = tpu.memref_slice %arg7[%add3A_592, %dma_start3A_593] : memref<125x80xi32, #tpu.memory_space<vmem>> -> memref<1x80xi32, #tpu.memory_space<vmem>>
      %dma_start3A_595 = tpu.memref_squeeze %dma_start3A_594 : memref<1x80xi32, #tpu.memory_space<vmem>> -> memref<80xi32, #tpu.memory_space<vmem>>
      %dma_start3A_596 = arith.constant 0 : i32
      %dma_start3A_597 = arith.constant 0 : i32
      %dma_start3A_598 = tpu.memref_slice %arg11[%dma_start3A_596, %dma_start3A_597] : memref<10112x128xf32, #tpu.memory_space<vmem_shared>> -> memref<10112x128xf32, #tpu.memory_space<vmem_shared>>
      tpu.enqueue_indirect_dma source(%arg9 : memref<80x128xf32, #tpu.memory_space<vmem>>) target(%dma_start3A_598 : memref<10112x128xf32, #tpu.memory_space<vmem_shared>>) offsets(%dma_start3A_595 : memref<80xi32, #tpu.memory_space<vmem>>) semaphore(%arg14 : memref<!tpu.dma_semaphore, #tpu.memory_space<semaphore_mem>>) {add = true}
      %dma_wait3A_599 = arith.constant 0 : i32
      %dma_wait3A_600 = tpu.memref_slice %arg7[%add3A_592, %dma_wait3A_599] : memref<125x80xi32, #tpu.memory_space<vmem>> -> memref<1x80xi32, #tpu.memory_space<vmem>>
      %dma_wait3A_601 = tpu.memref_squeeze %dma_wait3A_600 : memref<1x80xi32, #tpu.memory_space<vmem>> -> memref<80xi32, #tpu.memory_space<vmem>>
      %dma_wait3A_602 = arith.constant 0 : i32
      %dma_wait3A_603 = arith.constant 0 : i32
      %dma_wait3A_604 = tpu.memref_slice %arg11[%dma_wait3A_602, %dma_wait3A_603] : memref<10112x128xf32, #tpu.memory_space<vmem_shared>> -> memref<10112x128xf32, #tpu.memory_space<vmem_shared>>
      tpu.wait_indirect_dma semaphore(%arg14 : memref<!tpu.dma_semaphore, #tpu.memory_space<semaphore_mem>>) src(%arg9 : memref<80x128xf32, #tpu.memory_space<vmem>>) dst(%dma_wait3A_604 : memref<10112x128xf32, #tpu.memory_space<vmem_shared>>)
      %dma_start3A_605 = arith.constant 22 : i32
      %dma_start3A_606 = arith.constant 0 : i32
      %dma_start3A_607 = tpu.memref_slice %arg8[%dma_start3A_605, %dma_start3A_606] : memref<25x80xi32, #tpu.memory_space<vmem>> -> memref<1x80xi32, #tpu.memory_space<vmem>>
      %dma_start3A_608 = tpu.memref_squeeze %dma_start3A_607 : memref<1x80xi32, #tpu.memory_space<vmem>> -> memref<80xi32, #tpu.memory_space<vmem>>
      %dma_start3A_609 = arith.constant 0 : i32
      %dma_start3A_610 = arith.constant 0 : i32
      %dma_start3A_611 = tpu.memref_slice %arg2[%dma_start3A_609, %dma_start3A_610] : memref<10112x128xf32, #tpu.memory_space<hbm>> -> memref<10112x128xf32, #tpu.memory_space<hbm>>
      tpu.enqueue_indirect_dma source(%dma_start3A_611 : memref<10112x128xf32, #tpu.memory_space<hbm>>) target(%arg9 : memref<80x128xf32, #tpu.memory_space<vmem>>) offsets(%dma_start3A_608 : memref<80xi32, #tpu.memory_space<vmem>>) semaphore(%arg12 : memref<!tpu.dma_semaphore, #tpu.memory_space<semaphore_mem>>)
      %dma_wait3A_612 = arith.constant 21 : i32
      %dma_wait3A_613 = arith.constant 0 : i32
      %dma_wait3A_614 = tpu.memref_slice %arg8[%dma_wait3A_612, %dma_wait3A_613] : memref<25x80xi32, #tpu.memory_space<vmem>> -> memref<1x80xi32, #tpu.memory_space<vmem>>
      %dma_wait3A_615 = tpu.memref_squeeze %dma_wait3A_614 : memref<1x80xi32, #tpu.memory_space<vmem>> -> memref<80xi32, #tpu.memory_space<vmem>>
      %dma_wait3A_616 = arith.constant 0 : i32
      %dma_wait3A_617 = arith.constant 0 : i32
      %dma_wait3A_618 = tpu.memref_slice %arg2[%dma_wait3A_616, %dma_wait3A_617] : memref<10112x128xf32, #tpu.memory_space<hbm>> -> memref<10112x128xf32, #tpu.memory_space<hbm>>
      tpu.wait_indirect_dma semaphore(%arg13 : memref<!tpu.dma_semaphore, #tpu.memory_space<semaphore_mem>>) src(%dma_wait3A_618 : memref<10112x128xf32, #tpu.memory_space<hbm>>) dst(%arg10 : memref<80x128xf32, #tpu.memory_space<vmem>>)
      %add3A_619 = arith.constant 21 : i32
      %add3A_620 = arith.addi %mul3A_11, %add3A_619 : i32
      %dma_start3A_621 = arith.constant 0 : i32
      %dma_start3A_622 = tpu.memref_slice %arg7[%add3A_620, %dma_start3A_621] : memref<125x80xi32, #tpu.memory_space<vmem>> -> memref<1x80xi32, #tpu.memory_space<vmem>>
      %dma_start3A_623 = tpu.memref_squeeze %dma_start3A_622 : memref<1x80xi32, #tpu.memory_space<vmem>> -> memref<80xi32, #tpu.memory_space<vmem>>
      %dma_start3A_624 = arith.constant 0 : i32
      %dma_start3A_625 = arith.constant 0 : i32
      %dma_start3A_626 = tpu.memref_slice %arg11[%dma_start3A_624, %dma_start3A_625] : memref<10112x128xf32, #tpu.memory_space<vmem_shared>> -> memref<10112x128xf32, #tpu.memory_space<vmem_shared>>
      tpu.enqueue_indirect_dma source(%arg10 : memref<80x128xf32, #tpu.memory_space<vmem>>) target(%dma_start3A_626 : memref<10112x128xf32, #tpu.memory_space<vmem_shared>>) offsets(%dma_start3A_623 : memref<80xi32, #tpu.memory_space<vmem>>) semaphore(%arg14 : memref<!tpu.dma_semaphore, #tpu.memory_space<semaphore_mem>>) {add = true}
      %dma_wait3A_627 = arith.constant 0 : i32
      %dma_wait3A_628 = tpu.memref_slice %arg7[%add3A_620, %dma_wait3A_627] : memref<125x80xi32, #tpu.memory_space<vmem>> -> memref<1x80xi32, #tpu.memory_space<vmem>>
      %dma_wait3A_629 = tpu.memref_squeeze %dma_wait3A_628 : memref<1x80xi32, #tpu.memory_space<vmem>> -> memref<80xi32, #tpu.memory_space<vmem>>
      %dma_wait3A_630 = arith.constant 0 : i32
      %dma_wait3A_631 = arith.constant 0 : i32
      %dma_wait3A_632 = tpu.memref_slice %arg11[%dma_wait3A_630, %dma_wait3A_631] : memref<10112x128xf32, #tpu.memory_space<vmem_shared>> -> memref<10112x128xf32, #tpu.memory_space<vmem_shared>>
      tpu.wait_indirect_dma semaphore(%arg14 : memref<!tpu.dma_semaphore, #tpu.memory_space<semaphore_mem>>) src(%arg10 : memref<80x128xf32, #tpu.memory_space<vmem>>) dst(%dma_wait3A_632 : memref<10112x128xf32, #tpu.memory_space<vmem_shared>>)
      %dma_start3A_633 = arith.constant 23 : i32
      %dma_start3A_634 = arith.constant 0 : i32
      %dma_start3A_635 = tpu.memref_slice %arg8[%dma_start3A_633, %dma_start3A_634] : memref<25x80xi32, #tpu.memory_space<vmem>> -> memref<1x80xi32, #tpu.memory_space<vmem>>
      %dma_start3A_636 = tpu.memref_squeeze %dma_start3A_635 : memref<1x80xi32, #tpu.memory_space<vmem>> -> memref<80xi32, #tpu.memory_space<vmem>>
      %dma_start3A_637 = arith.constant 0 : i32
      %dma_start3A_638 = arith.constant 0 : i32
      %dma_start3A_639 = tpu.memref_slice %arg2[%dma_start3A_637, %dma_start3A_638] : memref<10112x128xf32, #tpu.memory_space<hbm>> -> memref<10112x128xf32, #tpu.memory_space<hbm>>
      tpu.enqueue_indirect_dma source(%dma_start3A_639 : memref<10112x128xf32, #tpu.memory_space<hbm>>) target(%arg10 : memref<80x128xf32, #tpu.memory_space<vmem>>) offsets(%dma_start3A_636 : memref<80xi32, #tpu.memory_space<vmem>>) semaphore(%arg13 : memref<!tpu.dma_semaphore, #tpu.memory_space<semaphore_mem>>)
      %dma_wait3A_640 = arith.constant 22 : i32
      %dma_wait3A_641 = arith.constant 0 : i32
      %dma_wait3A_642 = tpu.memref_slice %arg8[%dma_wait3A_640, %dma_wait3A_641] : memref<25x80xi32, #tpu.memory_space<vmem>> -> memref<1x80xi32, #tpu.memory_space<vmem>>
      %dma_wait3A_643 = tpu.memref_squeeze %dma_wait3A_642 : memref<1x80xi32, #tpu.memory_space<vmem>> -> memref<80xi32, #tpu.memory_space<vmem>>
      %dma_wait3A_644 = arith.constant 0 : i32
      %dma_wait3A_645 = arith.constant 0 : i32
      %dma_wait3A_646 = tpu.memref_slice %arg2[%dma_wait3A_644, %dma_wait3A_645] : memref<10112x128xf32, #tpu.memory_space<hbm>> -> memref<10112x128xf32, #tpu.memory_space<hbm>>
      tpu.wait_indirect_dma semaphore(%arg12 : memref<!tpu.dma_semaphore, #tpu.memory_space<semaphore_mem>>) src(%dma_wait3A_646 : memref<10112x128xf32, #tpu.memory_space<hbm>>) dst(%arg9 : memref<80x128xf32, #tpu.memory_space<vmem>>)
      %add3A_647 = arith.constant 22 : i32
      %add3A_648 = arith.addi %mul3A_11, %add3A_647 : i32
      %dma_start3A_649 = arith.constant 0 : i32
      %dma_start3A_650 = tpu.memref_slice %arg7[%add3A_648, %dma_start3A_649] : memref<125x80xi32, #tpu.memory_space<vmem>> -> memref<1x80xi32, #tpu.memory_space<vmem>>
      %dma_start3A_651 = tpu.memref_squeeze %dma_start3A_650 : memref<1x80xi32, #tpu.memory_space<vmem>> -> memref<80xi32, #tpu.memory_space<vmem>>
      %dma_start3A_652 = arith.constant 0 : i32
      %dma_start3A_653 = arith.constant 0 : i32
      %dma_start3A_654 = tpu.memref_slice %arg11[%dma_start3A_652, %dma_start3A_653] : memref<10112x128xf32, #tpu.memory_space<vmem_shared>> -> memref<10112x128xf32, #tpu.memory_space<vmem_shared>>
      tpu.enqueue_indirect_dma source(%arg9 : memref<80x128xf32, #tpu.memory_space<vmem>>) target(%dma_start3A_654 : memref<10112x128xf32, #tpu.memory_space<vmem_shared>>) offsets(%dma_start3A_651 : memref<80xi32, #tpu.memory_space<vmem>>) semaphore(%arg14 : memref<!tpu.dma_semaphore, #tpu.memory_space<semaphore_mem>>) {add = true}
      %dma_wait3A_655 = arith.constant 0 : i32
      %dma_wait3A_656 = tpu.memref_slice %arg7[%add3A_648, %dma_wait3A_655] : memref<125x80xi32, #tpu.memory_space<vmem>> -> memref<1x80xi32, #tpu.memory_space<vmem>>
      %dma_wait3A_657 = tpu.memref_squeeze %dma_wait3A_656 : memref<1x80xi32, #tpu.memory_space<vmem>> -> memref<80xi32, #tpu.memory_space<vmem>>
      %dma_wait3A_658 = arith.constant 0 : i32
      %dma_wait3A_659 = arith.constant 0 : i32
      %dma_wait3A_660 = tpu.memref_slice %arg11[%dma_wait3A_658, %dma_wait3A_659] : memref<10112x128xf32, #tpu.memory_space<vmem_shared>> -> memref<10112x128xf32, #tpu.memory_space<vmem_shared>>
      tpu.wait_indirect_dma semaphore(%arg14 : memref<!tpu.dma_semaphore, #tpu.memory_space<semaphore_mem>>) src(%arg9 : memref<80x128xf32, #tpu.memory_space<vmem>>) dst(%dma_wait3A_660 : memref<10112x128xf32, #tpu.memory_space<vmem_shared>>)
      %dma_start3A_661 = arith.constant 24 : i32
      %dma_start3A_662 = arith.constant 0 : i32
      %dma_start3A_663 = tpu.memref_slice %arg8[%dma_start3A_661, %dma_start3A_662] : memref<25x80xi32, #tpu.memory_space<vmem>> -> memref<1x80xi32, #tpu.memory_space<vmem>>
      %dma_start3A_664 = tpu.memref_squeeze %dma_start3A_663 : memref<1x80xi32, #tpu.memory_space<vmem>> -> memref<80xi32, #tpu.memory_space<vmem>>
      %dma_start3A_665 = arith.constant 0 : i32
      %dma_start3A_666 = arith.constant 0 : i32
      %dma_start3A_667 = tpu.memref_slice %arg2[%dma_start3A_665, %dma_start3A_666] : memref<10112x128xf32, #tpu.memory_space<hbm>> -> memref<10112x128xf32, #tpu.memory_space<hbm>>
      tpu.enqueue_indirect_dma source(%dma_start3A_667 : memref<10112x128xf32, #tpu.memory_space<hbm>>) target(%arg9 : memref<80x128xf32, #tpu.memory_space<vmem>>) offsets(%dma_start3A_664 : memref<80xi32, #tpu.memory_space<vmem>>) semaphore(%arg12 : memref<!tpu.dma_semaphore, #tpu.memory_space<semaphore_mem>>)
      %dma_wait3A_668 = arith.constant 23 : i32
      %dma_wait3A_669 = arith.constant 0 : i32
      %dma_wait3A_670 = tpu.memref_slice %arg8[%dma_wait3A_668, %dma_wait3A_669] : memref<25x80xi32, #tpu.memory_space<vmem>> -> memref<1x80xi32, #tpu.memory_space<vmem>>
      %dma_wait3A_671 = tpu.memref_squeeze %dma_wait3A_670 : memref<1x80xi32, #tpu.memory_space<vmem>> -> memref<80xi32, #tpu.memory_space<vmem>>
      %dma_wait3A_672 = arith.constant 0 : i32
      %dma_wait3A_673 = arith.constant 0 : i32
      %dma_wait3A_674 = tpu.memref_slice %arg2[%dma_wait3A_672, %dma_wait3A_673] : memref<10112x128xf32, #tpu.memory_space<hbm>> -> memref<10112x128xf32, #tpu.memory_space<hbm>>
      tpu.wait_indirect_dma semaphore(%arg13 : memref<!tpu.dma_semaphore, #tpu.memory_space<semaphore_mem>>) src(%dma_wait3A_674 : memref<10112x128xf32, #tpu.memory_space<hbm>>) dst(%arg10 : memref<80x128xf32, #tpu.memory_space<vmem>>)
      %add3A_675 = arith.constant 23 : i32
      %add3A_676 = arith.addi %mul3A_11, %add3A_675 : i32
      %dma_start3A_677 = arith.constant 0 : i32
      %dma_start3A_678 = tpu.memref_slice %arg7[%add3A_676, %dma_start3A_677] : memref<125x80xi32, #tpu.memory_space<vmem>> -> memref<1x80xi32, #tpu.memory_space<vmem>>
      %dma_start3A_679 = tpu.memref_squeeze %dma_start3A_678 : memref<1x80xi32, #tpu.memory_space<vmem>> -> memref<80xi32, #tpu.memory_space<vmem>>
      %dma_start3A_680 = arith.constant 0 : i32
      %dma_start3A_681 = arith.constant 0 : i32
      %dma_start3A_682 = tpu.memref_slice %arg11[%dma_start3A_680, %dma_start3A_681] : memref<10112x128xf32, #tpu.memory_space<vmem_shared>> -> memref<10112x128xf32, #tpu.memory_space<vmem_shared>>
      tpu.enqueue_indirect_dma source(%arg10 : memref<80x128xf32, #tpu.memory_space<vmem>>) target(%dma_start3A_682 : memref<10112x128xf32, #tpu.memory_space<vmem_shared>>) offsets(%dma_start3A_679 : memref<80xi32, #tpu.memory_space<vmem>>) semaphore(%arg14 : memref<!tpu.dma_semaphore, #tpu.memory_space<semaphore_mem>>) {add = true}
      %dma_wait3A_683 = arith.constant 0 : i32
      %dma_wait3A_684 = tpu.memref_slice %arg7[%add3A_676, %dma_wait3A_683] : memref<125x80xi32, #tpu.memory_space<vmem>> -> memref<1x80xi32, #tpu.memory_space<vmem>>
      %dma_wait3A_685 = tpu.memref_squeeze %dma_wait3A_684 : memref<1x80xi32, #tpu.memory_space<vmem>> -> memref<80xi32, #tpu.memory_space<vmem>>
      %dma_wait3A_686 = arith.constant 0 : i32
      %dma_wait3A_687 = arith.constant 0 : i32
      %dma_wait3A_688 = tpu.memref_slice %arg11[%dma_wait3A_686, %dma_wait3A_687] : memref<10112x128xf32, #tpu.memory_space<vmem_shared>> -> memref<10112x128xf32, #tpu.memory_space<vmem_shared>>
      tpu.wait_indirect_dma semaphore(%arg14 : memref<!tpu.dma_semaphore, #tpu.memory_space<semaphore_mem>>) src(%arg10 : memref<80x128xf32, #tpu.memory_space<vmem>>) dst(%dma_wait3A_688 : memref<10112x128xf32, #tpu.memory_space<vmem_shared>>)
      %dma_wait3A_689 = arith.constant 24 : i32
      %dma_wait3A_690 = arith.constant 0 : i32
      %dma_wait3A_691 = tpu.memref_slice %arg8[%dma_wait3A_689, %dma_wait3A_690] : memref<25x80xi32, #tpu.memory_space<vmem>> -> memref<1x80xi32, #tpu.memory_space<vmem>>
      %dma_wait3A_692 = tpu.memref_squeeze %dma_wait3A_691 : memref<1x80xi32, #tpu.memory_space<vmem>> -> memref<80xi32, #tpu.memory_space<vmem>>
      %dma_wait3A_693 = arith.constant 0 : i32
      %dma_wait3A_694 = arith.constant 0 : i32
      %dma_wait3A_695 = tpu.memref_slice %arg2[%dma_wait3A_693, %dma_wait3A_694] : memref<10112x128xf32, #tpu.memory_space<hbm>> -> memref<10112x128xf32, #tpu.memory_space<hbm>>
      tpu.wait_indirect_dma semaphore(%arg12 : memref<!tpu.dma_semaphore, #tpu.memory_space<semaphore_mem>>) src(%dma_wait3A_695 : memref<10112x128xf32, #tpu.memory_space<hbm>>) dst(%arg9 : memref<80x128xf32, #tpu.memory_space<vmem>>)
      %add3A_696 = arith.constant 24 : i32
      %add3A_697 = arith.addi %mul3A_11, %add3A_696 : i32
      %dma_start3A_698 = arith.constant 0 : i32
      %dma_start3A_699 = tpu.memref_slice %arg7[%add3A_697, %dma_start3A_698] : memref<125x80xi32, #tpu.memory_space<vmem>> -> memref<1x80xi32, #tpu.memory_space<vmem>>
      %dma_start3A_700 = tpu.memref_squeeze %dma_start3A_699 : memref<1x80xi32, #tpu.memory_space<vmem>> -> memref<80xi32, #tpu.memory_space<vmem>>
      %dma_start3A_701 = arith.constant 0 : i32
      %dma_start3A_702 = arith.constant 0 : i32
      %dma_start3A_703 = tpu.memref_slice %arg11[%dma_start3A_701, %dma_start3A_702] : memref<10112x128xf32, #tpu.memory_space<vmem_shared>> -> memref<10112x128xf32, #tpu.memory_space<vmem_shared>>
      tpu.enqueue_indirect_dma source(%arg9 : memref<80x128xf32, #tpu.memory_space<vmem>>) target(%dma_start3A_703 : memref<10112x128xf32, #tpu.memory_space<vmem_shared>>) offsets(%dma_start3A_700 : memref<80xi32, #tpu.memory_space<vmem>>) semaphore(%arg14 : memref<!tpu.dma_semaphore, #tpu.memory_space<semaphore_mem>>) {add = true}
      %dma_wait3A_704 = arith.constant 0 : i32
      %dma_wait3A_705 = tpu.memref_slice %arg7[%add3A_697, %dma_wait3A_704] : memref<125x80xi32, #tpu.memory_space<vmem>> -> memref<1x80xi32, #tpu.memory_space<vmem>>
      %dma_wait3A_706 = tpu.memref_squeeze %dma_wait3A_705 : memref<1x80xi32, #tpu.memory_space<vmem>> -> memref<80xi32, #tpu.memory_space<vmem>>
      %dma_wait3A_707 = arith.constant 0 : i32
      %dma_wait3A_708 = arith.constant 0 : i32
      %dma_wait3A_709 = tpu.memref_slice %arg11[%dma_wait3A_707, %dma_wait3A_708] : memref<10112x128xf32, #tpu.memory_space<vmem_shared>> -> memref<10112x128xf32, #tpu.memory_space<vmem_shared>>
      tpu.wait_indirect_dma semaphore(%arg14 : memref<!tpu.dma_semaphore, #tpu.memory_space<semaphore_mem>>) src(%arg9 : memref<80x128xf32, #tpu.memory_space<vmem>>) dst(%dma_wait3A_709 : memref<10112x128xf32, #tpu.memory_space<vmem_shared>>)
    }
    %scan3A_7 = arith.constant 5 : i32
    %barrier3A_8 = arith.constant 0 : index
    tpu.barrier barrier_id(%barrier3A_8)
    "tpu.region"() ({
      %run_scoped3A = tpu.sem_alloc : memref<!tpu.dma_semaphore, #tpu.memory_space<semaphore_mem>>
      %dma_start3A = arith.constant 0 : i32
      %dma_start3A_9 = arith.constant 0 : i32
      %dma_start3A_10 = tpu.memref_slice %arg6[%arg0, %dma_start3A, %dma_start3A_9] : memref<2x10112x128xf32, #tpu.memory_space<hbm>> -> memref<1x10112x128xf32, #tpu.memory_space<hbm>>
      %dma_start3A_11 = tpu.memref_squeeze %dma_start3A_10 : memref<1x10112x128xf32, #tpu.memory_space<hbm>> -> memref<10112x128xf32, #tpu.memory_space<hbm>>
      %dma_start3A_12 = arith.constant 0 : i32
      %dma_start3A_13 = tpu.memref_slice %dma_start3A_11[%mul3A_2, %dma_start3A_12] : memref<10112x128xf32, #tpu.memory_space<hbm>> -> memref<632x128xf32, #tpu.memory_space<hbm>>
      %dma_start3A_14 = arith.constant 0 : i32
      %dma_start3A_15 = tpu.memref_slice %arg11[%mul3A_2, %dma_start3A_14] : memref<10112x128xf32, #tpu.memory_space<vmem_shared>> -> memref<632x128xf32, #tpu.memory_space<vmem_shared>>
      tpu.enqueue_dma source(%dma_start3A_15 : memref<632x128xf32, #tpu.memory_space<vmem_shared>>) target(%dma_start3A_13 : memref<632x128xf32, #tpu.memory_space<hbm>>) target_semaphore(%run_scoped3A : memref<!tpu.dma_semaphore, #tpu.memory_space<semaphore_mem>>)
      %dma_wait3A = arith.constant 0 : i32
      %dma_wait3A_16 = arith.constant 0 : i32
      %dma_wait3A_17 = tpu.memref_slice %arg6[%arg0, %dma_wait3A, %dma_wait3A_16] : memref<2x10112x128xf32, #tpu.memory_space<hbm>> -> memref<1x10112x128xf32, #tpu.memory_space<hbm>>
      %dma_wait3A_18 = tpu.memref_squeeze %dma_wait3A_17 : memref<1x10112x128xf32, #tpu.memory_space<hbm>> -> memref<10112x128xf32, #tpu.memory_space<hbm>>
      %dma_wait3A_19 = arith.constant 0 : i32
      %dma_wait3A_20 = tpu.memref_slice %dma_wait3A_18[%mul3A_2, %dma_wait3A_19] : memref<10112x128xf32, #tpu.memory_space<hbm>> -> memref<632x128xf32, #tpu.memory_space<hbm>>
      %dma_wait3A_21 = arith.constant 0 : i32
      %dma_wait3A_22 = tpu.memref_slice %arg11[%mul3A_2, %dma_wait3A_21] : memref<10112x128xf32, #tpu.memory_space<vmem_shared>> -> memref<632x128xf32, #tpu.memory_space<vmem_shared>>
      tpu.wait_dma2 semaphore(%run_scoped3A : memref<!tpu.dma_semaphore, #tpu.memory_space<semaphore_mem>>) src(%dma_wait3A_22 : memref<632x128xf32, #tpu.memory_space<vmem_shared>>) dst(%dma_wait3A_20 : memref<632x128xf32, #tpu.memory_space<hbm>>)
      tpu.yield
    }) : () -> ()
    return
  }
}

#map = affine_map<(d0, d1) -> (0, 0, 0)>
#map1 = affine_map<(d0, d1) -> (0, 0)>
module attributes {stable_mosaic.version = 14 : i64} {
  func.func @_deg_pass(%arg0: i32, %arg1: i32, %arg2: memref<32x125x80xi32, #tpu.memory_space<hbm>>, %arg3: memref<632x128xf32, #tpu.memory_space<hbm>>, %arg4: memref<80x128xf32, #tpu.memory_space<hbm>>, %arg5: memref<2x10112x128xf32, #tpu.memory_space<hbm>>, %arg6: memref<125x80xi32, #tpu.memory_space<vmem>>, %arg7: memref<80x128xf32, #tpu.memory_space<vmem>>, %arg8: memref<10112x128xf32, #tpu.memory_space<vmem_shared>>, %arg9: memref<!tpu.dma_semaphore, #tpu.memory_space<semaphore_mem>>, %arg10: memref<!tpu.dma_semaphore, #tpu.memory_space<semaphore_mem>>) attributes {dimension_semantics = [#tpu.dimension_semantics<core_parallel>, #tpu.dimension_semantics<subcore_parallel>], iteration_bounds = array<i64: 2, 16>, scalar_prefetch = 0 : i64, scratch_operands = 5 : i64, tpu.core_type = #tpu.core_type<sc_vector_subcore>, window_params = [{transform_indices = #map}, {transform_indices = #map1}, {transform_indices = #map1}, {transform_indices = #map}]} {
    %mul3A = arith.constant 16 : i32
    %mul3A_0 = arith.muli %arg0, %mul3A : i32
    %add3A = arith.addi %mul3A_0, %arg1 : i32
    %mul3A_1 = arith.constant 632 : i32
    %mul3A_2 = arith.muli %arg1, %mul3A_1 : i32
    "tpu.region"() ({
      %run_scoped3A = tpu.sem_alloc : memref<!tpu.dma_semaphore, #tpu.memory_space<semaphore_mem>>
      %dma_start3A = arith.constant 0 : i32
      %dma_start3A_9 = tpu.memref_slice %arg8[%mul3A_2, %dma_start3A] : memref<10112x128xf32, #tpu.memory_space<vmem_shared>> -> memref<632x128xf32, #tpu.memory_space<vmem_shared>>
      tpu.enqueue_dma source(%arg3 : memref<632x128xf32, #tpu.memory_space<hbm>>) target(%dma_start3A_9 : memref<632x128xf32, #tpu.memory_space<vmem_shared>>) target_semaphore(%run_scoped3A : memref<!tpu.dma_semaphore, #tpu.memory_space<semaphore_mem>>)
      %dma_wait3A = arith.constant 0 : i32
      %dma_wait3A_10 = tpu.memref_slice %arg8[%mul3A_2, %dma_wait3A] : memref<10112x128xf32, #tpu.memory_space<vmem_shared>> -> memref<632x128xf32, #tpu.memory_space<vmem_shared>>
      tpu.wait_dma2 semaphore(%run_scoped3A : memref<!tpu.dma_semaphore, #tpu.memory_space<semaphore_mem>>) src(%arg3 : memref<632x128xf32, #tpu.memory_space<hbm>>) dst(%dma_wait3A_10 : memref<632x128xf32, #tpu.memory_space<vmem_shared>>)
      tpu.yield
    }) : () -> ()
    "tpu.region"() ({
      %run_scoped3A = tpu.sem_alloc : memref<!tpu.dma_semaphore, #tpu.memory_space<semaphore_mem>>
      %dma_start3A = arith.constant 0 : i32
      %dma_start3A_9 = arith.constant 0 : i32
      %dma_start3A_10 = tpu.memref_slice %arg2[%add3A, %dma_start3A, %dma_start3A_9] : memref<32x125x80xi32, #tpu.memory_space<hbm>> -> memref<1x125x80xi32, #tpu.memory_space<hbm>>
      %dma_start3A_11 = tpu.memref_squeeze %dma_start3A_10 : memref<1x125x80xi32, #tpu.memory_space<hbm>> -> memref<125x80xi32, #tpu.memory_space<hbm>>
      %dma_start3A_12 = arith.constant 0 : i32
      %dma_start3A_13 = arith.constant 0 : i32
      %dma_start3A_14 = tpu.memref_slice %arg2[%add3A, %dma_start3A_12, %dma_start3A_13] : memref<32x125x80xi32, #tpu.memory_space<hbm>> -> memref<1x125x80xi32, #tpu.memory_space<hbm>>
      %dma_start3A_15 = tpu.memref_squeeze %dma_start3A_14 : memref<1x125x80xi32, #tpu.memory_space<hbm>> -> memref<125x80xi32, #tpu.memory_space<hbm>>
      tpu.enqueue_dma source(%dma_start3A_15 : memref<125x80xi32, #tpu.memory_space<hbm>>) target(%arg6 : memref<125x80xi32, #tpu.memory_space<vmem>>) target_semaphore(%run_scoped3A : memref<!tpu.dma_semaphore, #tpu.memory_space<semaphore_mem>>)
      %dma_wait3A = arith.constant 0 : i32
      %dma_wait3A_16 = arith.constant 0 : i32
      %dma_wait3A_17 = tpu.memref_slice %arg2[%add3A, %dma_wait3A, %dma_wait3A_16] : memref<32x125x80xi32, #tpu.memory_space<hbm>> -> memref<1x125x80xi32, #tpu.memory_space<hbm>>
      %dma_wait3A_18 = tpu.memref_squeeze %dma_wait3A_17 : memref<1x125x80xi32, #tpu.memory_space<hbm>> -> memref<125x80xi32, #tpu.memory_space<hbm>>
      %dma_wait3A_19 = arith.constant 0 : i32
      %dma_wait3A_20 = arith.constant 0 : i32
      %dma_wait3A_21 = tpu.memref_slice %arg2[%add3A, %dma_wait3A_19, %dma_wait3A_20] : memref<32x125x80xi32, #tpu.memory_space<hbm>> -> memref<1x125x80xi32, #tpu.memory_space<hbm>>
      %dma_wait3A_22 = tpu.memref_squeeze %dma_wait3A_21 : memref<1x125x80xi32, #tpu.memory_space<hbm>> -> memref<125x80xi32, #tpu.memory_space<hbm>>
      tpu.wait_dma2 semaphore(%run_scoped3A : memref<!tpu.dma_semaphore, #tpu.memory_space<semaphore_mem>>) src(%dma_wait3A_22 : memref<125x80xi32, #tpu.memory_space<hbm>>) dst(%arg6 : memref<125x80xi32, #tpu.memory_space<vmem>>)
      tpu.yield
    }) : () -> ()
    "tpu.region"() ({
      %run_scoped3A = tpu.sem_alloc : memref<!tpu.dma_semaphore, #tpu.memory_space<semaphore_mem>>
      tpu.enqueue_dma source(%arg4 : memref<80x128xf32, #tpu.memory_space<hbm>>) target(%arg7 : memref<80x128xf32, #tpu.memory_space<vmem>>) target_semaphore(%run_scoped3A : memref<!tpu.dma_semaphore, #tpu.memory_space<semaphore_mem>>)
      tpu.wait_dma2 semaphore(%run_scoped3A : memref<!tpu.dma_semaphore, #tpu.memory_space<semaphore_mem>>) src(%arg4 : memref<80x128xf32, #tpu.memory_space<hbm>>) dst(%arg7 : memref<80x128xf32, #tpu.memory_space<vmem>>)
      tpu.yield
    }) : () -> ()
    %barrier3A = arith.constant 0 : index
    tpu.barrier barrier_id(%barrier3A)
    %scan3A = arith.constant 0 : i32
    %scan3A_3 = arith.constant 0 : i32
    %scan3A_4 = arith.constant 5 : i32
    %scan3A_5 = arith.addi %scan3A_3, %scan3A_4 : i32
    %scan3A_6 = arith.constant 1 : i32
    scf.for %scan3A_9 = %scan3A_3 to %scan3A_5 step %scan3A_6  : i32 {
      %mul3A_10 = arith.constant 25 : i32
      %mul3A_11 = arith.muli %scan3A_9, %mul3A_10 : i32
      %add3A_12 = arith.constant 0 : i32
      %add3A_13 = arith.addi %mul3A_11, %add3A_12 : i32
      %dma_start3A = arith.constant 0 : i32
      %dma_start3A_14 = tpu.memref_slice %arg6[%add3A_13, %dma_start3A] : memref<125x80xi32, #tpu.memory_space<vmem>> -> memref<1x80xi32, #tpu.memory_space<vmem>>
      %dma_start3A_15 = tpu.memref_squeeze %dma_start3A_14 : memref<1x80xi32, #tpu.memory_space<vmem>> -> memref<80xi32, #tpu.memory_space<vmem>>
      %dma_start3A_16 = arith.constant 0 : i32
      %dma_start3A_17 = arith.constant 0 : i32
      %dma_start3A_18 = tpu.memref_slice %arg8[%dma_start3A_16, %dma_start3A_17] : memref<10112x128xf32, #tpu.memory_space<vmem_shared>> -> memref<10112x128xf32, #tpu.memory_space<vmem_shared>>
      tpu.enqueue_indirect_dma source(%arg7 : memref<80x128xf32, #tpu.memory_space<vmem>>) target(%dma_start3A_18 : memref<10112x128xf32, #tpu.memory_space<vmem_shared>>) offsets(%dma_start3A_15 : memref<80xi32, #tpu.memory_space<vmem>>) semaphore(%arg9 : memref<!tpu.dma_semaphore, #tpu.memory_space<semaphore_mem>>) {add = true}
      %add3A_19 = arith.constant 1 : i32
      %add3A_20 = arith.addi %mul3A_11, %add3A_19 : i32
      %dma_start3A_21 = arith.constant 0 : i32
      %dma_start3A_22 = tpu.memref_slice %arg6[%add3A_20, %dma_start3A_21] : memref<125x80xi32, #tpu.memory_space<vmem>> -> memref<1x80xi32, #tpu.memory_space<vmem>>
      %dma_start3A_23 = tpu.memref_squeeze %dma_start3A_22 : memref<1x80xi32, #tpu.memory_space<vmem>> -> memref<80xi32, #tpu.memory_space<vmem>>
      %dma_start3A_24 = arith.constant 0 : i32
      %dma_start3A_25 = arith.constant 0 : i32
      %dma_start3A_26 = tpu.memref_slice %arg8[%dma_start3A_24, %dma_start3A_25] : memref<10112x128xf32, #tpu.memory_space<vmem_shared>> -> memref<10112x128xf32, #tpu.memory_space<vmem_shared>>
      tpu.enqueue_indirect_dma source(%arg7 : memref<80x128xf32, #tpu.memory_space<vmem>>) target(%dma_start3A_26 : memref<10112x128xf32, #tpu.memory_space<vmem_shared>>) offsets(%dma_start3A_23 : memref<80xi32, #tpu.memory_space<vmem>>) semaphore(%arg10 : memref<!tpu.dma_semaphore, #tpu.memory_space<semaphore_mem>>) {add = true}
      %dma_wait3A = arith.constant 0 : i32
      %dma_wait3A_27 = tpu.memref_slice %arg6[%add3A_13, %dma_wait3A] : memref<125x80xi32, #tpu.memory_space<vmem>> -> memref<1x80xi32, #tpu.memory_space<vmem>>
      %dma_wait3A_28 = tpu.memref_squeeze %dma_wait3A_27 : memref<1x80xi32, #tpu.memory_space<vmem>> -> memref<80xi32, #tpu.memory_space<vmem>>
      %dma_wait3A_29 = arith.constant 0 : i32
      %dma_wait3A_30 = arith.constant 0 : i32
      %dma_wait3A_31 = tpu.memref_slice %arg8[%dma_wait3A_29, %dma_wait3A_30] : memref<10112x128xf32, #tpu.memory_space<vmem_shared>> -> memref<10112x128xf32, #tpu.memory_space<vmem_shared>>
      tpu.wait_indirect_dma semaphore(%arg9 : memref<!tpu.dma_semaphore, #tpu.memory_space<semaphore_mem>>) src(%arg7 : memref<80x128xf32, #tpu.memory_space<vmem>>) dst(%dma_wait3A_31 : memref<10112x128xf32, #tpu.memory_space<vmem_shared>>)
      %add3A_32 = arith.constant 0 : i32
      %add3A_33 = arith.addi %mul3A_11, %add3A_32 : i32
      %add3A_34 = arith.constant 2 : i32
      %add3A_35 = arith.addi %add3A_33, %add3A_34 : i32
      %dma_start3A_36 = arith.constant 0 : i32
      %dma_start3A_37 = tpu.memref_slice %arg6[%add3A_35, %dma_start3A_36] : memref<125x80xi32, #tpu.memory_space<vmem>> -> memref<1x80xi32, #tpu.memory_space<vmem>>
      %dma_start3A_38 = tpu.memref_squeeze %dma_start3A_37 : memref<1x80xi32, #tpu.memory_space<vmem>> -> memref<80xi32, #tpu.memory_space<vmem>>
      %dma_start3A_39 = arith.constant 0 : i32
      %dma_start3A_40 = arith.constant 0 : i32
      %dma_start3A_41 = tpu.memref_slice %arg8[%dma_start3A_39, %dma_start3A_40] : memref<10112x128xf32, #tpu.memory_space<vmem_shared>> -> memref<10112x128xf32, #tpu.memory_space<vmem_shared>>
      tpu.enqueue_indirect_dma source(%arg7 : memref<80x128xf32, #tpu.memory_space<vmem>>) target(%dma_start3A_41 : memref<10112x128xf32, #tpu.memory_space<vmem_shared>>) offsets(%dma_start3A_38 : memref<80xi32, #tpu.memory_space<vmem>>) semaphore(%arg9 : memref<!tpu.dma_semaphore, #tpu.memory_space<semaphore_mem>>) {add = true}
      %dma_wait3A_42 = arith.constant 0 : i32
      %dma_wait3A_43 = tpu.memref_slice %arg6[%add3A_20, %dma_wait3A_42] : memref<125x80xi32, #tpu.memory_space<vmem>> -> memref<1x80xi32, #tpu.memory_space<vmem>>
      %dma_wait3A_44 = tpu.memref_squeeze %dma_wait3A_43 : memref<1x80xi32, #tpu.memory_space<vmem>> -> memref<80xi32, #tpu.memory_space<vmem>>
      %dma_wait3A_45 = arith.constant 0 : i32
      %dma_wait3A_46 = arith.constant 0 : i32
      %dma_wait3A_47 = tpu.memref_slice %arg8[%dma_wait3A_45, %dma_wait3A_46] : memref<10112x128xf32, #tpu.memory_space<vmem_shared>> -> memref<10112x128xf32, #tpu.memory_space<vmem_shared>>
      tpu.wait_indirect_dma semaphore(%arg10 : memref<!tpu.dma_semaphore, #tpu.memory_space<semaphore_mem>>) src(%arg7 : memref<80x128xf32, #tpu.memory_space<vmem>>) dst(%dma_wait3A_47 : memref<10112x128xf32, #tpu.memory_space<vmem_shared>>)
      %add3A_48 = arith.constant 1 : i32
      %add3A_49 = arith.addi %mul3A_11, %add3A_48 : i32
      %add3A_50 = arith.constant 2 : i32
      %add3A_51 = arith.addi %add3A_49, %add3A_50 : i32
      %dma_start3A_52 = arith.constant 0 : i32
      %dma_start3A_53 = tpu.memref_slice %arg6[%add3A_51, %dma_start3A_52] : memref<125x80xi32, #tpu.memory_space<vmem>> -> memref<1x80xi32, #tpu.memory_space<vmem>>
      %dma_start3A_54 = tpu.memref_squeeze %dma_start3A_53 : memref<1x80xi32, #tpu.memory_space<vmem>> -> memref<80xi32, #tpu.memory_space<vmem>>
      %dma_start3A_55 = arith.constant 0 : i32
      %dma_start3A_56 = arith.constant 0 : i32
      %dma_start3A_57 = tpu.memref_slice %arg8[%dma_start3A_55, %dma_start3A_56] : memref<10112x128xf32, #tpu.memory_space<vmem_shared>> -> memref<10112x128xf32, #tpu.memory_space<vmem_shared>>
      tpu.enqueue_indirect_dma source(%arg7 : memref<80x128xf32, #tpu.memory_space<vmem>>) target(%dma_start3A_57 : memref<10112x128xf32, #tpu.memory_space<vmem_shared>>) offsets(%dma_start3A_54 : memref<80xi32, #tpu.memory_space<vmem>>) semaphore(%arg10 : memref<!tpu.dma_semaphore, #tpu.memory_space<semaphore_mem>>) {add = true}
      %dma_wait3A_58 = arith.constant 0 : i32
      %dma_wait3A_59 = tpu.memref_slice %arg6[%add3A_35, %dma_wait3A_58] : memref<125x80xi32, #tpu.memory_space<vmem>> -> memref<1x80xi32, #tpu.memory_space<vmem>>
      %dma_wait3A_60 = tpu.memref_squeeze %dma_wait3A_59 : memref<1x80xi32, #tpu.memory_space<vmem>> -> memref<80xi32, #tpu.memory_space<vmem>>
      %dma_wait3A_61 = arith.constant 0 : i32
      %dma_wait3A_62 = arith.constant 0 : i32
      %dma_wait3A_63 = tpu.memref_slice %arg8[%dma_wait3A_61, %dma_wait3A_62] : memref<10112x128xf32, #tpu.memory_space<vmem_shared>> -> memref<10112x128xf32, #tpu.memory_space<vmem_shared>>
      tpu.wait_indirect_dma semaphore(%arg9 : memref<!tpu.dma_semaphore, #tpu.memory_space<semaphore_mem>>) src(%arg7 : memref<80x128xf32, #tpu.memory_space<vmem>>) dst(%dma_wait3A_63 : memref<10112x128xf32, #tpu.memory_space<vmem_shared>>)
      %add3A_64 = arith.constant 2 : i32
      %add3A_65 = arith.addi %mul3A_11, %add3A_64 : i32
      %add3A_66 = arith.constant 2 : i32
      %add3A_67 = arith.addi %add3A_65, %add3A_66 : i32
      %dma_start3A_68 = arith.constant 0 : i32
      %dma_start3A_69 = tpu.memref_slice %arg6[%add3A_67, %dma_start3A_68] : memref<125x80xi32, #tpu.memory_space<vmem>> -> memref<1x80xi32, #tpu.memory_space<vmem>>
      %dma_start3A_70 = tpu.memref_squeeze %dma_start3A_69 : memref<1x80xi32, #tpu.memory_space<vmem>> -> memref<80xi32, #tpu.memory_space<vmem>>
      %dma_start3A_71 = arith.constant 0 : i32
      %dma_start3A_72 = arith.constant 0 : i32
      %dma_start3A_73 = tpu.memref_slice %arg8[%dma_start3A_71, %dma_start3A_72] : memref<10112x128xf32, #tpu.memory_space<vmem_shared>> -> memref<10112x128xf32, #tpu.memory_space<vmem_shared>>
      tpu.enqueue_indirect_dma source(%arg7 : memref<80x128xf32, #tpu.memory_space<vmem>>) target(%dma_start3A_73 : memref<10112x128xf32, #tpu.memory_space<vmem_shared>>) offsets(%dma_start3A_70 : memref<80xi32, #tpu.memory_space<vmem>>) semaphore(%arg9 : memref<!tpu.dma_semaphore, #tpu.memory_space<semaphore_mem>>) {add = true}
      %dma_wait3A_74 = arith.constant 0 : i32
      %dma_wait3A_75 = tpu.memref_slice %arg6[%add3A_51, %dma_wait3A_74] : memref<125x80xi32, #tpu.memory_space<vmem>> -> memref<1x80xi32, #tpu.memory_space<vmem>>
      %dma_wait3A_76 = tpu.memref_squeeze %dma_wait3A_75 : memref<1x80xi32, #tpu.memory_space<vmem>> -> memref<80xi32, #tpu.memory_space<vmem>>
      %dma_wait3A_77 = arith.constant 0 : i32
      %dma_wait3A_78 = arith.constant 0 : i32
      %dma_wait3A_79 = tpu.memref_slice %arg8[%dma_wait3A_77, %dma_wait3A_78] : memref<10112x128xf32, #tpu.memory_space<vmem_shared>> -> memref<10112x128xf32, #tpu.memory_space<vmem_shared>>
      tpu.wait_indirect_dma semaphore(%arg10 : memref<!tpu.dma_semaphore, #tpu.memory_space<semaphore_mem>>) src(%arg7 : memref<80x128xf32, #tpu.memory_space<vmem>>) dst(%dma_wait3A_79 : memref<10112x128xf32, #tpu.memory_space<vmem_shared>>)
      %add3A_80 = arith.constant 3 : i32
      %add3A_81 = arith.addi %mul3A_11, %add3A_80 : i32
      %add3A_82 = arith.constant 2 : i32
      %add3A_83 = arith.addi %add3A_81, %add3A_82 : i32
      %dma_start3A_84 = arith.constant 0 : i32
      %dma_start3A_85 = tpu.memref_slice %arg6[%add3A_83, %dma_start3A_84] : memref<125x80xi32, #tpu.memory_space<vmem>> -> memref<1x80xi32, #tpu.memory_space<vmem>>
      %dma_start3A_86 = tpu.memref_squeeze %dma_start3A_85 : memref<1x80xi32, #tpu.memory_space<vmem>> -> memref<80xi32, #tpu.memory_space<vmem>>
      %dma_start3A_87 = arith.constant 0 : i32
      %dma_start3A_88 = arith.constant 0 : i32
      %dma_start3A_89 = tpu.memref_slice %arg8[%dma_start3A_87, %dma_start3A_88] : memref<10112x128xf32, #tpu.memory_space<vmem_shared>> -> memref<10112x128xf32, #tpu.memory_space<vmem_shared>>
      tpu.enqueue_indirect_dma source(%arg7 : memref<80x128xf32, #tpu.memory_space<vmem>>) target(%dma_start3A_89 : memref<10112x128xf32, #tpu.memory_space<vmem_shared>>) offsets(%dma_start3A_86 : memref<80xi32, #tpu.memory_space<vmem>>) semaphore(%arg10 : memref<!tpu.dma_semaphore, #tpu.memory_space<semaphore_mem>>) {add = true}
      %dma_wait3A_90 = arith.constant 0 : i32
      %dma_wait3A_91 = tpu.memref_slice %arg6[%add3A_67, %dma_wait3A_90] : memref<125x80xi32, #tpu.memory_space<vmem>> -> memref<1x80xi32, #tpu.memory_space<vmem>>
      %dma_wait3A_92 = tpu.memref_squeeze %dma_wait3A_91 : memref<1x80xi32, #tpu.memory_space<vmem>> -> memref<80xi32, #tpu.memory_space<vmem>>
      %dma_wait3A_93 = arith.constant 0 : i32
      %dma_wait3A_94 = arith.constant 0 : i32
      %dma_wait3A_95 = tpu.memref_slice %arg8[%dma_wait3A_93, %dma_wait3A_94] : memref<10112x128xf32, #tpu.memory_space<vmem_shared>> -> memref<10112x128xf32, #tpu.memory_space<vmem_shared>>
      tpu.wait_indirect_dma semaphore(%arg9 : memref<!tpu.dma_semaphore, #tpu.memory_space<semaphore_mem>>) src(%arg7 : memref<80x128xf32, #tpu.memory_space<vmem>>) dst(%dma_wait3A_95 : memref<10112x128xf32, #tpu.memory_space<vmem_shared>>)
      %add3A_96 = arith.constant 4 : i32
      %add3A_97 = arith.addi %mul3A_11, %add3A_96 : i32
      %add3A_98 = arith.constant 2 : i32
      %add3A_99 = arith.addi %add3A_97, %add3A_98 : i32
      %dma_start3A_100 = arith.constant 0 : i32
      %dma_start3A_101 = tpu.memref_slice %arg6[%add3A_99, %dma_start3A_100] : memref<125x80xi32, #tpu.memory_space<vmem>> -> memref<1x80xi32, #tpu.memory_space<vmem>>
      %dma_start3A_102 = tpu.memref_squeeze %dma_start3A_101 : memref<1x80xi32, #tpu.memory_space<vmem>> -> memref<80xi32, #tpu.memory_space<vmem>>
      %dma_start3A_103 = arith.constant 0 : i32
      %dma_start3A_104 = arith.constant 0 : i32
      %dma_start3A_105 = tpu.memref_slice %arg8[%dma_start3A_103, %dma_start3A_104] : memref<10112x128xf32, #tpu.memory_space<vmem_shared>> -> memref<10112x128xf32, #tpu.memory_space<vmem_shared>>
      tpu.enqueue_indirect_dma source(%arg7 : memref<80x128xf32, #tpu.memory_space<vmem>>) target(%dma_start3A_105 : memref<10112x128xf32, #tpu.memory_space<vmem_shared>>) offsets(%dma_start3A_102 : memref<80xi32, #tpu.memory_space<vmem>>) semaphore(%arg9 : memref<!tpu.dma_semaphore, #tpu.memory_space<semaphore_mem>>) {add = true}
      %dma_wait3A_106 = arith.constant 0 : i32
      %dma_wait3A_107 = tpu.memref_slice %arg6[%add3A_83, %dma_wait3A_106] : memref<125x80xi32, #tpu.memory_space<vmem>> -> memref<1x80xi32, #tpu.memory_space<vmem>>
      %dma_wait3A_108 = tpu.memref_squeeze %dma_wait3A_107 : memref<1x80xi32, #tpu.memory_space<vmem>> -> memref<80xi32, #tpu.memory_space<vmem>>
      %dma_wait3A_109 = arith.constant 0 : i32
      %dma_wait3A_110 = arith.constant 0 : i32
      %dma_wait3A_111 = tpu.memref_slice %arg8[%dma_wait3A_109, %dma_wait3A_110] : memref<10112x128xf32, #tpu.memory_space<vmem_shared>> -> memref<10112x128xf32, #tpu.memory_space<vmem_shared>>
      tpu.wait_indirect_dma semaphore(%arg10 : memref<!tpu.dma_semaphore, #tpu.memory_space<semaphore_mem>>) src(%arg7 : memref<80x128xf32, #tpu.memory_space<vmem>>) dst(%dma_wait3A_111 : memref<10112x128xf32, #tpu.memory_space<vmem_shared>>)
      %add3A_112 = arith.constant 5 : i32
      %add3A_113 = arith.addi %mul3A_11, %add3A_112 : i32
      %add3A_114 = arith.constant 2 : i32
      %add3A_115 = arith.addi %add3A_113, %add3A_114 : i32
      %dma_start3A_116 = arith.constant 0 : i32
      %dma_start3A_117 = tpu.memref_slice %arg6[%add3A_115, %dma_start3A_116] : memref<125x80xi32, #tpu.memory_space<vmem>> -> memref<1x80xi32, #tpu.memory_space<vmem>>
      %dma_start3A_118 = tpu.memref_squeeze %dma_start3A_117 : memref<1x80xi32, #tpu.memory_space<vmem>> -> memref<80xi32, #tpu.memory_space<vmem>>
      %dma_start3A_119 = arith.constant 0 : i32
      %dma_start3A_120 = arith.constant 0 : i32
      %dma_start3A_121 = tpu.memref_slice %arg8[%dma_start3A_119, %dma_start3A_120] : memref<10112x128xf32, #tpu.memory_space<vmem_shared>> -> memref<10112x128xf32, #tpu.memory_space<vmem_shared>>
      tpu.enqueue_indirect_dma source(%arg7 : memref<80x128xf32, #tpu.memory_space<vmem>>) target(%dma_start3A_121 : memref<10112x128xf32, #tpu.memory_space<vmem_shared>>) offsets(%dma_start3A_118 : memref<80xi32, #tpu.memory_space<vmem>>) semaphore(%arg10 : memref<!tpu.dma_semaphore, #tpu.memory_space<semaphore_mem>>) {add = true}
      %dma_wait3A_122 = arith.constant 0 : i32
      %dma_wait3A_123 = tpu.memref_slice %arg6[%add3A_99, %dma_wait3A_122] : memref<125x80xi32, #tpu.memory_space<vmem>> -> memref<1x80xi32, #tpu.memory_space<vmem>>
      %dma_wait3A_124 = tpu.memref_squeeze %dma_wait3A_123 : memref<1x80xi32, #tpu.memory_space<vmem>> -> memref<80xi32, #tpu.memory_space<vmem>>
      %dma_wait3A_125 = arith.constant 0 : i32
      %dma_wait3A_126 = arith.constant 0 : i32
      %dma_wait3A_127 = tpu.memref_slice %arg8[%dma_wait3A_125, %dma_wait3A_126] : memref<10112x128xf32, #tpu.memory_space<vmem_shared>> -> memref<10112x128xf32, #tpu.memory_space<vmem_shared>>
      tpu.wait_indirect_dma semaphore(%arg9 : memref<!tpu.dma_semaphore, #tpu.memory_space<semaphore_mem>>) src(%arg7 : memref<80x128xf32, #tpu.memory_space<vmem>>) dst(%dma_wait3A_127 : memref<10112x128xf32, #tpu.memory_space<vmem_shared>>)
      %add3A_128 = arith.constant 6 : i32
      %add3A_129 = arith.addi %mul3A_11, %add3A_128 : i32
      %add3A_130 = arith.constant 2 : i32
      %add3A_131 = arith.addi %add3A_129, %add3A_130 : i32
      %dma_start3A_132 = arith.constant 0 : i32
      %dma_start3A_133 = tpu.memref_slice %arg6[%add3A_131, %dma_start3A_132] : memref<125x80xi32, #tpu.memory_space<vmem>> -> memref<1x80xi32, #tpu.memory_space<vmem>>
      %dma_start3A_134 = tpu.memref_squeeze %dma_start3A_133 : memref<1x80xi32, #tpu.memory_space<vmem>> -> memref<80xi32, #tpu.memory_space<vmem>>
      %dma_start3A_135 = arith.constant 0 : i32
      %dma_start3A_136 = arith.constant 0 : i32
      %dma_start3A_137 = tpu.memref_slice %arg8[%dma_start3A_135, %dma_start3A_136] : memref<10112x128xf32, #tpu.memory_space<vmem_shared>> -> memref<10112x128xf32, #tpu.memory_space<vmem_shared>>
      tpu.enqueue_indirect_dma source(%arg7 : memref<80x128xf32, #tpu.memory_space<vmem>>) target(%dma_start3A_137 : memref<10112x128xf32, #tpu.memory_space<vmem_shared>>) offsets(%dma_start3A_134 : memref<80xi32, #tpu.memory_space<vmem>>) semaphore(%arg9 : memref<!tpu.dma_semaphore, #tpu.memory_space<semaphore_mem>>) {add = true}
      %dma_wait3A_138 = arith.constant 0 : i32
      %dma_wait3A_139 = tpu.memref_slice %arg6[%add3A_115, %dma_wait3A_138] : memref<125x80xi32, #tpu.memory_space<vmem>> -> memref<1x80xi32, #tpu.memory_space<vmem>>
      %dma_wait3A_140 = tpu.memref_squeeze %dma_wait3A_139 : memref<1x80xi32, #tpu.memory_space<vmem>> -> memref<80xi32, #tpu.memory_space<vmem>>
      %dma_wait3A_141 = arith.constant 0 : i32
      %dma_wait3A_142 = arith.constant 0 : i32
      %dma_wait3A_143 = tpu.memref_slice %arg8[%dma_wait3A_141, %dma_wait3A_142] : memref<10112x128xf32, #tpu.memory_space<vmem_shared>> -> memref<10112x128xf32, #tpu.memory_space<vmem_shared>>
      tpu.wait_indirect_dma semaphore(%arg10 : memref<!tpu.dma_semaphore, #tpu.memory_space<semaphore_mem>>) src(%arg7 : memref<80x128xf32, #tpu.memory_space<vmem>>) dst(%dma_wait3A_143 : memref<10112x128xf32, #tpu.memory_space<vmem_shared>>)
      %add3A_144 = arith.constant 7 : i32
      %add3A_145 = arith.addi %mul3A_11, %add3A_144 : i32
      %add3A_146 = arith.constant 2 : i32
      %add3A_147 = arith.addi %add3A_145, %add3A_146 : i32
      %dma_start3A_148 = arith.constant 0 : i32
      %dma_start3A_149 = tpu.memref_slice %arg6[%add3A_147, %dma_start3A_148] : memref<125x80xi32, #tpu.memory_space<vmem>> -> memref<1x80xi32, #tpu.memory_space<vmem>>
      %dma_start3A_150 = tpu.memref_squeeze %dma_start3A_149 : memref<1x80xi32, #tpu.memory_space<vmem>> -> memref<80xi32, #tpu.memory_space<vmem>>
      %dma_start3A_151 = arith.constant 0 : i32
      %dma_start3A_152 = arith.constant 0 : i32
      %dma_start3A_153 = tpu.memref_slice %arg8[%dma_start3A_151, %dma_start3A_152] : memref<10112x128xf32, #tpu.memory_space<vmem_shared>> -> memref<10112x128xf32, #tpu.memory_space<vmem_shared>>
      tpu.enqueue_indirect_dma source(%arg7 : memref<80x128xf32, #tpu.memory_space<vmem>>) target(%dma_start3A_153 : memref<10112x128xf32, #tpu.memory_space<vmem_shared>>) offsets(%dma_start3A_150 : memref<80xi32, #tpu.memory_space<vmem>>) semaphore(%arg10 : memref<!tpu.dma_semaphore, #tpu.memory_space<semaphore_mem>>) {add = true}
      %dma_wait3A_154 = arith.constant 0 : i32
      %dma_wait3A_155 = tpu.memref_slice %arg6[%add3A_131, %dma_wait3A_154] : memref<125x80xi32, #tpu.memory_space<vmem>> -> memref<1x80xi32, #tpu.memory_space<vmem>>
      %dma_wait3A_156 = tpu.memref_squeeze %dma_wait3A_155 : memref<1x80xi32, #tpu.memory_space<vmem>> -> memref<80xi32, #tpu.memory_space<vmem>>
      %dma_wait3A_157 = arith.constant 0 : i32
      %dma_wait3A_158 = arith.constant 0 : i32
      %dma_wait3A_159 = tpu.memref_slice %arg8[%dma_wait3A_157, %dma_wait3A_158] : memref<10112x128xf32, #tpu.memory_space<vmem_shared>> -> memref<10112x128xf32, #tpu.memory_space<vmem_shared>>
      tpu.wait_indirect_dma semaphore(%arg9 : memref<!tpu.dma_semaphore, #tpu.memory_space<semaphore_mem>>) src(%arg7 : memref<80x128xf32, #tpu.memory_space<vmem>>) dst(%dma_wait3A_159 : memref<10112x128xf32, #tpu.memory_space<vmem_shared>>)
      %add3A_160 = arith.constant 8 : i32
      %add3A_161 = arith.addi %mul3A_11, %add3A_160 : i32
      %add3A_162 = arith.constant 2 : i32
      %add3A_163 = arith.addi %add3A_161, %add3A_162 : i32
      %dma_start3A_164 = arith.constant 0 : i32
      %dma_start3A_165 = tpu.memref_slice %arg6[%add3A_163, %dma_start3A_164] : memref<125x80xi32, #tpu.memory_space<vmem>> -> memref<1x80xi32, #tpu.memory_space<vmem>>
      %dma_start3A_166 = tpu.memref_squeeze %dma_start3A_165 : memref<1x80xi32, #tpu.memory_space<vmem>> -> memref<80xi32, #tpu.memory_space<vmem>>
      %dma_start3A_167 = arith.constant 0 : i32
      %dma_start3A_168 = arith.constant 0 : i32
      %dma_start3A_169 = tpu.memref_slice %arg8[%dma_start3A_167, %dma_start3A_168] : memref<10112x128xf32, #tpu.memory_space<vmem_shared>> -> memref<10112x128xf32, #tpu.memory_space<vmem_shared>>
      tpu.enqueue_indirect_dma source(%arg7 : memref<80x128xf32, #tpu.memory_space<vmem>>) target(%dma_start3A_169 : memref<10112x128xf32, #tpu.memory_space<vmem_shared>>) offsets(%dma_start3A_166 : memref<80xi32, #tpu.memory_space<vmem>>) semaphore(%arg9 : memref<!tpu.dma_semaphore, #tpu.memory_space<semaphore_mem>>) {add = true}
      %dma_wait3A_170 = arith.constant 0 : i32
      %dma_wait3A_171 = tpu.memref_slice %arg6[%add3A_147, %dma_wait3A_170] : memref<125x80xi32, #tpu.memory_space<vmem>> -> memref<1x80xi32, #tpu.memory_space<vmem>>
      %dma_wait3A_172 = tpu.memref_squeeze %dma_wait3A_171 : memref<1x80xi32, #tpu.memory_space<vmem>> -> memref<80xi32, #tpu.memory_space<vmem>>
      %dma_wait3A_173 = arith.constant 0 : i32
      %dma_wait3A_174 = arith.constant 0 : i32
      %dma_wait3A_175 = tpu.memref_slice %arg8[%dma_wait3A_173, %dma_wait3A_174] : memref<10112x128xf32, #tpu.memory_space<vmem_shared>> -> memref<10112x128xf32, #tpu.memory_space<vmem_shared>>
      tpu.wait_indirect_dma semaphore(%arg10 : memref<!tpu.dma_semaphore, #tpu.memory_space<semaphore_mem>>) src(%arg7 : memref<80x128xf32, #tpu.memory_space<vmem>>) dst(%dma_wait3A_175 : memref<10112x128xf32, #tpu.memory_space<vmem_shared>>)
      %add3A_176 = arith.constant 9 : i32
      %add3A_177 = arith.addi %mul3A_11, %add3A_176 : i32
      %add3A_178 = arith.constant 2 : i32
      %add3A_179 = arith.addi %add3A_177, %add3A_178 : i32
      %dma_start3A_180 = arith.constant 0 : i32
      %dma_start3A_181 = tpu.memref_slice %arg6[%add3A_179, %dma_start3A_180] : memref<125x80xi32, #tpu.memory_space<vmem>> -> memref<1x80xi32, #tpu.memory_space<vmem>>
      %dma_start3A_182 = tpu.memref_squeeze %dma_start3A_181 : memref<1x80xi32, #tpu.memory_space<vmem>> -> memref<80xi32, #tpu.memory_space<vmem>>
      %dma_start3A_183 = arith.constant 0 : i32
      %dma_start3A_184 = arith.constant 0 : i32
      %dma_start3A_185 = tpu.memref_slice %arg8[%dma_start3A_183, %dma_start3A_184] : memref<10112x128xf32, #tpu.memory_space<vmem_shared>> -> memref<10112x128xf32, #tpu.memory_space<vmem_shared>>
      tpu.enqueue_indirect_dma source(%arg7 : memref<80x128xf32, #tpu.memory_space<vmem>>) target(%dma_start3A_185 : memref<10112x128xf32, #tpu.memory_space<vmem_shared>>) offsets(%dma_start3A_182 : memref<80xi32, #tpu.memory_space<vmem>>) semaphore(%arg10 : memref<!tpu.dma_semaphore, #tpu.memory_space<semaphore_mem>>) {add = true}
      %dma_wait3A_186 = arith.constant 0 : i32
      %dma_wait3A_187 = tpu.memref_slice %arg6[%add3A_163, %dma_wait3A_186] : memref<125x80xi32, #tpu.memory_space<vmem>> -> memref<1x80xi32, #tpu.memory_space<vmem>>
      %dma_wait3A_188 = tpu.memref_squeeze %dma_wait3A_187 : memref<1x80xi32, #tpu.memory_space<vmem>> -> memref<80xi32, #tpu.memory_space<vmem>>
      %dma_wait3A_189 = arith.constant 0 : i32
      %dma_wait3A_190 = arith.constant 0 : i32
      %dma_wait3A_191 = tpu.memref_slice %arg8[%dma_wait3A_189, %dma_wait3A_190] : memref<10112x128xf32, #tpu.memory_space<vmem_shared>> -> memref<10112x128xf32, #tpu.memory_space<vmem_shared>>
      tpu.wait_indirect_dma semaphore(%arg9 : memref<!tpu.dma_semaphore, #tpu.memory_space<semaphore_mem>>) src(%arg7 : memref<80x128xf32, #tpu.memory_space<vmem>>) dst(%dma_wait3A_191 : memref<10112x128xf32, #tpu.memory_space<vmem_shared>>)
      %add3A_192 = arith.constant 10 : i32
      %add3A_193 = arith.addi %mul3A_11, %add3A_192 : i32
      %add3A_194 = arith.constant 2 : i32
      %add3A_195 = arith.addi %add3A_193, %add3A_194 : i32
      %dma_start3A_196 = arith.constant 0 : i32
      %dma_start3A_197 = tpu.memref_slice %arg6[%add3A_195, %dma_start3A_196] : memref<125x80xi32, #tpu.memory_space<vmem>> -> memref<1x80xi32, #tpu.memory_space<vmem>>
      %dma_start3A_198 = tpu.memref_squeeze %dma_start3A_197 : memref<1x80xi32, #tpu.memory_space<vmem>> -> memref<80xi32, #tpu.memory_space<vmem>>
      %dma_start3A_199 = arith.constant 0 : i32
      %dma_start3A_200 = arith.constant 0 : i32
      %dma_start3A_201 = tpu.memref_slice %arg8[%dma_start3A_199, %dma_start3A_200] : memref<10112x128xf32, #tpu.memory_space<vmem_shared>> -> memref<10112x128xf32, #tpu.memory_space<vmem_shared>>
      tpu.enqueue_indirect_dma source(%arg7 : memref<80x128xf32, #tpu.memory_space<vmem>>) target(%dma_start3A_201 : memref<10112x128xf32, #tpu.memory_space<vmem_shared>>) offsets(%dma_start3A_198 : memref<80xi32, #tpu.memory_space<vmem>>) semaphore(%arg9 : memref<!tpu.dma_semaphore, #tpu.memory_space<semaphore_mem>>) {add = true}
      %dma_wait3A_202 = arith.constant 0 : i32
      %dma_wait3A_203 = tpu.memref_slice %arg6[%add3A_179, %dma_wait3A_202] : memref<125x80xi32, #tpu.memory_space<vmem>> -> memref<1x80xi32, #tpu.memory_space<vmem>>
      %dma_wait3A_204 = tpu.memref_squeeze %dma_wait3A_203 : memref<1x80xi32, #tpu.memory_space<vmem>> -> memref<80xi32, #tpu.memory_space<vmem>>
      %dma_wait3A_205 = arith.constant 0 : i32
      %dma_wait3A_206 = arith.constant 0 : i32
      %dma_wait3A_207 = tpu.memref_slice %arg8[%dma_wait3A_205, %dma_wait3A_206] : memref<10112x128xf32, #tpu.memory_space<vmem_shared>> -> memref<10112x128xf32, #tpu.memory_space<vmem_shared>>
      tpu.wait_indirect_dma semaphore(%arg10 : memref<!tpu.dma_semaphore, #tpu.memory_space<semaphore_mem>>) src(%arg7 : memref<80x128xf32, #tpu.memory_space<vmem>>) dst(%dma_wait3A_207 : memref<10112x128xf32, #tpu.memory_space<vmem_shared>>)
      %add3A_208 = arith.constant 11 : i32
      %add3A_209 = arith.addi %mul3A_11, %add3A_208 : i32
      %add3A_210 = arith.constant 2 : i32
      %add3A_211 = arith.addi %add3A_209, %add3A_210 : i32
      %dma_start3A_212 = arith.constant 0 : i32
      %dma_start3A_213 = tpu.memref_slice %arg6[%add3A_211, %dma_start3A_212] : memref<125x80xi32, #tpu.memory_space<vmem>> -> memref<1x80xi32, #tpu.memory_space<vmem>>
      %dma_start3A_214 = tpu.memref_squeeze %dma_start3A_213 : memref<1x80xi32, #tpu.memory_space<vmem>> -> memref<80xi32, #tpu.memory_space<vmem>>
      %dma_start3A_215 = arith.constant 0 : i32
      %dma_start3A_216 = arith.constant 0 : i32
      %dma_start3A_217 = tpu.memref_slice %arg8[%dma_start3A_215, %dma_start3A_216] : memref<10112x128xf32, #tpu.memory_space<vmem_shared>> -> memref<10112x128xf32, #tpu.memory_space<vmem_shared>>
      tpu.enqueue_indirect_dma source(%arg7 : memref<80x128xf32, #tpu.memory_space<vmem>>) target(%dma_start3A_217 : memref<10112x128xf32, #tpu.memory_space<vmem_shared>>) offsets(%dma_start3A_214 : memref<80xi32, #tpu.memory_space<vmem>>) semaphore(%arg10 : memref<!tpu.dma_semaphore, #tpu.memory_space<semaphore_mem>>) {add = true}
      %dma_wait3A_218 = arith.constant 0 : i32
      %dma_wait3A_219 = tpu.memref_slice %arg6[%add3A_195, %dma_wait3A_218] : memref<125x80xi32, #tpu.memory_space<vmem>> -> memref<1x80xi32, #tpu.memory_space<vmem>>
      %dma_wait3A_220 = tpu.memref_squeeze %dma_wait3A_219 : memref<1x80xi32, #tpu.memory_space<vmem>> -> memref<80xi32, #tpu.memory_space<vmem>>
      %dma_wait3A_221 = arith.constant 0 : i32
      %dma_wait3A_222 = arith.constant 0 : i32
      %dma_wait3A_223 = tpu.memref_slice %arg8[%dma_wait3A_221, %dma_wait3A_222] : memref<10112x128xf32, #tpu.memory_space<vmem_shared>> -> memref<10112x128xf32, #tpu.memory_space<vmem_shared>>
      tpu.wait_indirect_dma semaphore(%arg9 : memref<!tpu.dma_semaphore, #tpu.memory_space<semaphore_mem>>) src(%arg7 : memref<80x128xf32, #tpu.memory_space<vmem>>) dst(%dma_wait3A_223 : memref<10112x128xf32, #tpu.memory_space<vmem_shared>>)
      %add3A_224 = arith.constant 12 : i32
      %add3A_225 = arith.addi %mul3A_11, %add3A_224 : i32
      %add3A_226 = arith.constant 2 : i32
      %add3A_227 = arith.addi %add3A_225, %add3A_226 : i32
      %dma_start3A_228 = arith.constant 0 : i32
      %dma_start3A_229 = tpu.memref_slice %arg6[%add3A_227, %dma_start3A_228] : memref<125x80xi32, #tpu.memory_space<vmem>> -> memref<1x80xi32, #tpu.memory_space<vmem>>
      %dma_start3A_230 = tpu.memref_squeeze %dma_start3A_229 : memref<1x80xi32, #tpu.memory_space<vmem>> -> memref<80xi32, #tpu.memory_space<vmem>>
      %dma_start3A_231 = arith.constant 0 : i32
      %dma_start3A_232 = arith.constant 0 : i32
      %dma_start3A_233 = tpu.memref_slice %arg8[%dma_start3A_231, %dma_start3A_232] : memref<10112x128xf32, #tpu.memory_space<vmem_shared>> -> memref<10112x128xf32, #tpu.memory_space<vmem_shared>>
      tpu.enqueue_indirect_dma source(%arg7 : memref<80x128xf32, #tpu.memory_space<vmem>>) target(%dma_start3A_233 : memref<10112x128xf32, #tpu.memory_space<vmem_shared>>) offsets(%dma_start3A_230 : memref<80xi32, #tpu.memory_space<vmem>>) semaphore(%arg9 : memref<!tpu.dma_semaphore, #tpu.memory_space<semaphore_mem>>) {add = true}
      %dma_wait3A_234 = arith.constant 0 : i32
      %dma_wait3A_235 = tpu.memref_slice %arg6[%add3A_211, %dma_wait3A_234] : memref<125x80xi32, #tpu.memory_space<vmem>> -> memref<1x80xi32, #tpu.memory_space<vmem>>
      %dma_wait3A_236 = tpu.memref_squeeze %dma_wait3A_235 : memref<1x80xi32, #tpu.memory_space<vmem>> -> memref<80xi32, #tpu.memory_space<vmem>>
      %dma_wait3A_237 = arith.constant 0 : i32
      %dma_wait3A_238 = arith.constant 0 : i32
      %dma_wait3A_239 = tpu.memref_slice %arg8[%dma_wait3A_237, %dma_wait3A_238] : memref<10112x128xf32, #tpu.memory_space<vmem_shared>> -> memref<10112x128xf32, #tpu.memory_space<vmem_shared>>
      tpu.wait_indirect_dma semaphore(%arg10 : memref<!tpu.dma_semaphore, #tpu.memory_space<semaphore_mem>>) src(%arg7 : memref<80x128xf32, #tpu.memory_space<vmem>>) dst(%dma_wait3A_239 : memref<10112x128xf32, #tpu.memory_space<vmem_shared>>)
      %add3A_240 = arith.constant 13 : i32
      %add3A_241 = arith.addi %mul3A_11, %add3A_240 : i32
      %add3A_242 = arith.constant 2 : i32
      %add3A_243 = arith.addi %add3A_241, %add3A_242 : i32
      %dma_start3A_244 = arith.constant 0 : i32
      %dma_start3A_245 = tpu.memref_slice %arg6[%add3A_243, %dma_start3A_244] : memref<125x80xi32, #tpu.memory_space<vmem>> -> memref<1x80xi32, #tpu.memory_space<vmem>>
      %dma_start3A_246 = tpu.memref_squeeze %dma_start3A_245 : memref<1x80xi32, #tpu.memory_space<vmem>> -> memref<80xi32, #tpu.memory_space<vmem>>
      %dma_start3A_247 = arith.constant 0 : i32
      %dma_start3A_248 = arith.constant 0 : i32
      %dma_start3A_249 = tpu.memref_slice %arg8[%dma_start3A_247, %dma_start3A_248] : memref<10112x128xf32, #tpu.memory_space<vmem_shared>> -> memref<10112x128xf32, #tpu.memory_space<vmem_shared>>
      tpu.enqueue_indirect_dma source(%arg7 : memref<80x128xf32, #tpu.memory_space<vmem>>) target(%dma_start3A_249 : memref<10112x128xf32, #tpu.memory_space<vmem_shared>>) offsets(%dma_start3A_246 : memref<80xi32, #tpu.memory_space<vmem>>) semaphore(%arg10 : memref<!tpu.dma_semaphore, #tpu.memory_space<semaphore_mem>>) {add = true}
      %dma_wait3A_250 = arith.constant 0 : i32
      %dma_wait3A_251 = tpu.memref_slice %arg6[%add3A_227, %dma_wait3A_250] : memref<125x80xi32, #tpu.memory_space<vmem>> -> memref<1x80xi32, #tpu.memory_space<vmem>>
      %dma_wait3A_252 = tpu.memref_squeeze %dma_wait3A_251 : memref<1x80xi32, #tpu.memory_space<vmem>> -> memref<80xi32, #tpu.memory_space<vmem>>
      %dma_wait3A_253 = arith.constant 0 : i32
      %dma_wait3A_254 = arith.constant 0 : i32
      %dma_wait3A_255 = tpu.memref_slice %arg8[%dma_wait3A_253, %dma_wait3A_254] : memref<10112x128xf32, #tpu.memory_space<vmem_shared>> -> memref<10112x128xf32, #tpu.memory_space<vmem_shared>>
      tpu.wait_indirect_dma semaphore(%arg9 : memref<!tpu.dma_semaphore, #tpu.memory_space<semaphore_mem>>) src(%arg7 : memref<80x128xf32, #tpu.memory_space<vmem>>) dst(%dma_wait3A_255 : memref<10112x128xf32, #tpu.memory_space<vmem_shared>>)
      %add3A_256 = arith.constant 14 : i32
      %add3A_257 = arith.addi %mul3A_11, %add3A_256 : i32
      %add3A_258 = arith.constant 2 : i32
      %add3A_259 = arith.addi %add3A_257, %add3A_258 : i32
      %dma_start3A_260 = arith.constant 0 : i32
      %dma_start3A_261 = tpu.memref_slice %arg6[%add3A_259, %dma_start3A_260] : memref<125x80xi32, #tpu.memory_space<vmem>> -> memref<1x80xi32, #tpu.memory_space<vmem>>
      %dma_start3A_262 = tpu.memref_squeeze %dma_start3A_261 : memref<1x80xi32, #tpu.memory_space<vmem>> -> memref<80xi32, #tpu.memory_space<vmem>>
      %dma_start3A_263 = arith.constant 0 : i32
      %dma_start3A_264 = arith.constant 0 : i32
      %dma_start3A_265 = tpu.memref_slice %arg8[%dma_start3A_263, %dma_start3A_264] : memref<10112x128xf32, #tpu.memory_space<vmem_shared>> -> memref<10112x128xf32, #tpu.memory_space<vmem_shared>>
      tpu.enqueue_indirect_dma source(%arg7 : memref<80x128xf32, #tpu.memory_space<vmem>>) target(%dma_start3A_265 : memref<10112x128xf32, #tpu.memory_space<vmem_shared>>) offsets(%dma_start3A_262 : memref<80xi32, #tpu.memory_space<vmem>>) semaphore(%arg9 : memref<!tpu.dma_semaphore, #tpu.memory_space<semaphore_mem>>) {add = true}
      %dma_wait3A_266 = arith.constant 0 : i32
      %dma_wait3A_267 = tpu.memref_slice %arg6[%add3A_243, %dma_wait3A_266] : memref<125x80xi32, #tpu.memory_space<vmem>> -> memref<1x80xi32, #tpu.memory_space<vmem>>
      %dma_wait3A_268 = tpu.memref_squeeze %dma_wait3A_267 : memref<1x80xi32, #tpu.memory_space<vmem>> -> memref<80xi32, #tpu.memory_space<vmem>>
      %dma_wait3A_269 = arith.constant 0 : i32
      %dma_wait3A_270 = arith.constant 0 : i32
      %dma_wait3A_271 = tpu.memref_slice %arg8[%dma_wait3A_269, %dma_wait3A_270] : memref<10112x128xf32, #tpu.memory_space<vmem_shared>> -> memref<10112x128xf32, #tpu.memory_space<vmem_shared>>
      tpu.wait_indirect_dma semaphore(%arg10 : memref<!tpu.dma_semaphore, #tpu.memory_space<semaphore_mem>>) src(%arg7 : memref<80x128xf32, #tpu.memory_space<vmem>>) dst(%dma_wait3A_271 : memref<10112x128xf32, #tpu.memory_space<vmem_shared>>)
      %add3A_272 = arith.constant 15 : i32
      %add3A_273 = arith.addi %mul3A_11, %add3A_272 : i32
      %add3A_274 = arith.constant 2 : i32
      %add3A_275 = arith.addi %add3A_273, %add3A_274 : i32
      %dma_start3A_276 = arith.constant 0 : i32
      %dma_start3A_277 = tpu.memref_slice %arg6[%add3A_275, %dma_start3A_276] : memref<125x80xi32, #tpu.memory_space<vmem>> -> memref<1x80xi32, #tpu.memory_space<vmem>>
      %dma_start3A_278 = tpu.memref_squeeze %dma_start3A_277 : memref<1x80xi32, #tpu.memory_space<vmem>> -> memref<80xi32, #tpu.memory_space<vmem>>
      %dma_start3A_279 = arith.constant 0 : i32
      %dma_start3A_280 = arith.constant 0 : i32
      %dma_start3A_281 = tpu.memref_slice %arg8[%dma_start3A_279, %dma_start3A_280] : memref<10112x128xf32, #tpu.memory_space<vmem_shared>> -> memref<10112x128xf32, #tpu.memory_space<vmem_shared>>
      tpu.enqueue_indirect_dma source(%arg7 : memref<80x128xf32, #tpu.memory_space<vmem>>) target(%dma_start3A_281 : memref<10112x128xf32, #tpu.memory_space<vmem_shared>>) offsets(%dma_start3A_278 : memref<80xi32, #tpu.memory_space<vmem>>) semaphore(%arg10 : memref<!tpu.dma_semaphore, #tpu.memory_space<semaphore_mem>>) {add = true}
      %dma_wait3A_282 = arith.constant 0 : i32
      %dma_wait3A_283 = tpu.memref_slice %arg6[%add3A_259, %dma_wait3A_282] : memref<125x80xi32, #tpu.memory_space<vmem>> -> memref<1x80xi32, #tpu.memory_space<vmem>>
      %dma_wait3A_284 = tpu.memref_squeeze %dma_wait3A_283 : memref<1x80xi32, #tpu.memory_space<vmem>> -> memref<80xi32, #tpu.memory_space<vmem>>
      %dma_wait3A_285 = arith.constant 0 : i32
      %dma_wait3A_286 = arith.constant 0 : i32
      %dma_wait3A_287 = tpu.memref_slice %arg8[%dma_wait3A_285, %dma_wait3A_286] : memref<10112x128xf32, #tpu.memory_space<vmem_shared>> -> memref<10112x128xf32, #tpu.memory_space<vmem_shared>>
      tpu.wait_indirect_dma semaphore(%arg9 : memref<!tpu.dma_semaphore, #tpu.memory_space<semaphore_mem>>) src(%arg7 : memref<80x128xf32, #tpu.memory_space<vmem>>) dst(%dma_wait3A_287 : memref<10112x128xf32, #tpu.memory_space<vmem_shared>>)
      %add3A_288 = arith.constant 16 : i32
      %add3A_289 = arith.addi %mul3A_11, %add3A_288 : i32
      %add3A_290 = arith.constant 2 : i32
      %add3A_291 = arith.addi %add3A_289, %add3A_290 : i32
      %dma_start3A_292 = arith.constant 0 : i32
      %dma_start3A_293 = tpu.memref_slice %arg6[%add3A_291, %dma_start3A_292] : memref<125x80xi32, #tpu.memory_space<vmem>> -> memref<1x80xi32, #tpu.memory_space<vmem>>
      %dma_start3A_294 = tpu.memref_squeeze %dma_start3A_293 : memref<1x80xi32, #tpu.memory_space<vmem>> -> memref<80xi32, #tpu.memory_space<vmem>>
      %dma_start3A_295 = arith.constant 0 : i32
      %dma_start3A_296 = arith.constant 0 : i32
      %dma_start3A_297 = tpu.memref_slice %arg8[%dma_start3A_295, %dma_start3A_296] : memref<10112x128xf32, #tpu.memory_space<vmem_shared>> -> memref<10112x128xf32, #tpu.memory_space<vmem_shared>>
      tpu.enqueue_indirect_dma source(%arg7 : memref<80x128xf32, #tpu.memory_space<vmem>>) target(%dma_start3A_297 : memref<10112x128xf32, #tpu.memory_space<vmem_shared>>) offsets(%dma_start3A_294 : memref<80xi32, #tpu.memory_space<vmem>>) semaphore(%arg9 : memref<!tpu.dma_semaphore, #tpu.memory_space<semaphore_mem>>) {add = true}
      %dma_wait3A_298 = arith.constant 0 : i32
      %dma_wait3A_299 = tpu.memref_slice %arg6[%add3A_275, %dma_wait3A_298] : memref<125x80xi32, #tpu.memory_space<vmem>> -> memref<1x80xi32, #tpu.memory_space<vmem>>
      %dma_wait3A_300 = tpu.memref_squeeze %dma_wait3A_299 : memref<1x80xi32, #tpu.memory_space<vmem>> -> memref<80xi32, #tpu.memory_space<vmem>>
      %dma_wait3A_301 = arith.constant 0 : i32
      %dma_wait3A_302 = arith.constant 0 : i32
      %dma_wait3A_303 = tpu.memref_slice %arg8[%dma_wait3A_301, %dma_wait3A_302] : memref<10112x128xf32, #tpu.memory_space<vmem_shared>> -> memref<10112x128xf32, #tpu.memory_space<vmem_shared>>
      tpu.wait_indirect_dma semaphore(%arg10 : memref<!tpu.dma_semaphore, #tpu.memory_space<semaphore_mem>>) src(%arg7 : memref<80x128xf32, #tpu.memory_space<vmem>>) dst(%dma_wait3A_303 : memref<10112x128xf32, #tpu.memory_space<vmem_shared>>)
      %add3A_304 = arith.constant 17 : i32
      %add3A_305 = arith.addi %mul3A_11, %add3A_304 : i32
      %add3A_306 = arith.constant 2 : i32
      %add3A_307 = arith.addi %add3A_305, %add3A_306 : i32
      %dma_start3A_308 = arith.constant 0 : i32
      %dma_start3A_309 = tpu.memref_slice %arg6[%add3A_307, %dma_start3A_308] : memref<125x80xi32, #tpu.memory_space<vmem>> -> memref<1x80xi32, #tpu.memory_space<vmem>>
      %dma_start3A_310 = tpu.memref_squeeze %dma_start3A_309 : memref<1x80xi32, #tpu.memory_space<vmem>> -> memref<80xi32, #tpu.memory_space<vmem>>
      %dma_start3A_311 = arith.constant 0 : i32
      %dma_start3A_312 = arith.constant 0 : i32
      %dma_start3A_313 = tpu.memref_slice %arg8[%dma_start3A_311, %dma_start3A_312] : memref<10112x128xf32, #tpu.memory_space<vmem_shared>> -> memref<10112x128xf32, #tpu.memory_space<vmem_shared>>
      tpu.enqueue_indirect_dma source(%arg7 : memref<80x128xf32, #tpu.memory_space<vmem>>) target(%dma_start3A_313 : memref<10112x128xf32, #tpu.memory_space<vmem_shared>>) offsets(%dma_start3A_310 : memref<80xi32, #tpu.memory_space<vmem>>) semaphore(%arg10 : memref<!tpu.dma_semaphore, #tpu.memory_space<semaphore_mem>>) {add = true}
      %dma_wait3A_314 = arith.constant 0 : i32
      %dma_wait3A_315 = tpu.memref_slice %arg6[%add3A_291, %dma_wait3A_314] : memref<125x80xi32, #tpu.memory_space<vmem>> -> memref<1x80xi32, #tpu.memory_space<vmem>>
      %dma_wait3A_316 = tpu.memref_squeeze %dma_wait3A_315 : memref<1x80xi32, #tpu.memory_space<vmem>> -> memref<80xi32, #tpu.memory_space<vmem>>
      %dma_wait3A_317 = arith.constant 0 : i32
      %dma_wait3A_318 = arith.constant 0 : i32
      %dma_wait3A_319 = tpu.memref_slice %arg8[%dma_wait3A_317, %dma_wait3A_318] : memref<10112x128xf32, #tpu.memory_space<vmem_shared>> -> memref<10112x128xf32, #tpu.memory_space<vmem_shared>>
      tpu.wait_indirect_dma semaphore(%arg9 : memref<!tpu.dma_semaphore, #tpu.memory_space<semaphore_mem>>) src(%arg7 : memref<80x128xf32, #tpu.memory_space<vmem>>) dst(%dma_wait3A_319 : memref<10112x128xf32, #tpu.memory_space<vmem_shared>>)
      %add3A_320 = arith.constant 18 : i32
      %add3A_321 = arith.addi %mul3A_11, %add3A_320 : i32
      %add3A_322 = arith.constant 2 : i32
      %add3A_323 = arith.addi %add3A_321, %add3A_322 : i32
      %dma_start3A_324 = arith.constant 0 : i32
      %dma_start3A_325 = tpu.memref_slice %arg6[%add3A_323, %dma_start3A_324] : memref<125x80xi32, #tpu.memory_space<vmem>> -> memref<1x80xi32, #tpu.memory_space<vmem>>
      %dma_start3A_326 = tpu.memref_squeeze %dma_start3A_325 : memref<1x80xi32, #tpu.memory_space<vmem>> -> memref<80xi32, #tpu.memory_space<vmem>>
      %dma_start3A_327 = arith.constant 0 : i32
      %dma_start3A_328 = arith.constant 0 : i32
      %dma_start3A_329 = tpu.memref_slice %arg8[%dma_start3A_327, %dma_start3A_328] : memref<10112x128xf32, #tpu.memory_space<vmem_shared>> -> memref<10112x128xf32, #tpu.memory_space<vmem_shared>>
      tpu.enqueue_indirect_dma source(%arg7 : memref<80x128xf32, #tpu.memory_space<vmem>>) target(%dma_start3A_329 : memref<10112x128xf32, #tpu.memory_space<vmem_shared>>) offsets(%dma_start3A_326 : memref<80xi32, #tpu.memory_space<vmem>>) semaphore(%arg9 : memref<!tpu.dma_semaphore, #tpu.memory_space<semaphore_mem>>) {add = true}
      %dma_wait3A_330 = arith.constant 0 : i32
      %dma_wait3A_331 = tpu.memref_slice %arg6[%add3A_307, %dma_wait3A_330] : memref<125x80xi32, #tpu.memory_space<vmem>> -> memref<1x80xi32, #tpu.memory_space<vmem>>
      %dma_wait3A_332 = tpu.memref_squeeze %dma_wait3A_331 : memref<1x80xi32, #tpu.memory_space<vmem>> -> memref<80xi32, #tpu.memory_space<vmem>>
      %dma_wait3A_333 = arith.constant 0 : i32
      %dma_wait3A_334 = arith.constant 0 : i32
      %dma_wait3A_335 = tpu.memref_slice %arg8[%dma_wait3A_333, %dma_wait3A_334] : memref<10112x128xf32, #tpu.memory_space<vmem_shared>> -> memref<10112x128xf32, #tpu.memory_space<vmem_shared>>
      tpu.wait_indirect_dma semaphore(%arg10 : memref<!tpu.dma_semaphore, #tpu.memory_space<semaphore_mem>>) src(%arg7 : memref<80x128xf32, #tpu.memory_space<vmem>>) dst(%dma_wait3A_335 : memref<10112x128xf32, #tpu.memory_space<vmem_shared>>)
      %add3A_336 = arith.constant 19 : i32
      %add3A_337 = arith.addi %mul3A_11, %add3A_336 : i32
      %add3A_338 = arith.constant 2 : i32
      %add3A_339 = arith.addi %add3A_337, %add3A_338 : i32
      %dma_start3A_340 = arith.constant 0 : i32
      %dma_start3A_341 = tpu.memref_slice %arg6[%add3A_339, %dma_start3A_340] : memref<125x80xi32, #tpu.memory_space<vmem>> -> memref<1x80xi32, #tpu.memory_space<vmem>>
      %dma_start3A_342 = tpu.memref_squeeze %dma_start3A_341 : memref<1x80xi32, #tpu.memory_space<vmem>> -> memref<80xi32, #tpu.memory_space<vmem>>
      %dma_start3A_343 = arith.constant 0 : i32
      %dma_start3A_344 = arith.constant 0 : i32
      %dma_start3A_345 = tpu.memref_slice %arg8[%dma_start3A_343, %dma_start3A_344] : memref<10112x128xf32, #tpu.memory_space<vmem_shared>> -> memref<10112x128xf32, #tpu.memory_space<vmem_shared>>
      tpu.enqueue_indirect_dma source(%arg7 : memref<80x128xf32, #tpu.memory_space<vmem>>) target(%dma_start3A_345 : memref<10112x128xf32, #tpu.memory_space<vmem_shared>>) offsets(%dma_start3A_342 : memref<80xi32, #tpu.memory_space<vmem>>) semaphore(%arg10 : memref<!tpu.dma_semaphore, #tpu.memory_space<semaphore_mem>>) {add = true}
      %dma_wait3A_346 = arith.constant 0 : i32
      %dma_wait3A_347 = tpu.memref_slice %arg6[%add3A_323, %dma_wait3A_346] : memref<125x80xi32, #tpu.memory_space<vmem>> -> memref<1x80xi32, #tpu.memory_space<vmem>>
      %dma_wait3A_348 = tpu.memref_squeeze %dma_wait3A_347 : memref<1x80xi32, #tpu.memory_space<vmem>> -> memref<80xi32, #tpu.memory_space<vmem>>
      %dma_wait3A_349 = arith.constant 0 : i32
      %dma_wait3A_350 = arith.constant 0 : i32
      %dma_wait3A_351 = tpu.memref_slice %arg8[%dma_wait3A_349, %dma_wait3A_350] : memref<10112x128xf32, #tpu.memory_space<vmem_shared>> -> memref<10112x128xf32, #tpu.memory_space<vmem_shared>>
      tpu.wait_indirect_dma semaphore(%arg9 : memref<!tpu.dma_semaphore, #tpu.memory_space<semaphore_mem>>) src(%arg7 : memref<80x128xf32, #tpu.memory_space<vmem>>) dst(%dma_wait3A_351 : memref<10112x128xf32, #tpu.memory_space<vmem_shared>>)
      %add3A_352 = arith.constant 20 : i32
      %add3A_353 = arith.addi %mul3A_11, %add3A_352 : i32
      %add3A_354 = arith.constant 2 : i32
      %add3A_355 = arith.addi %add3A_353, %add3A_354 : i32
      %dma_start3A_356 = arith.constant 0 : i32
      %dma_start3A_357 = tpu.memref_slice %arg6[%add3A_355, %dma_start3A_356] : memref<125x80xi32, #tpu.memory_space<vmem>> -> memref<1x80xi32, #tpu.memory_space<vmem>>
      %dma_start3A_358 = tpu.memref_squeeze %dma_start3A_357 : memref<1x80xi32, #tpu.memory_space<vmem>> -> memref<80xi32, #tpu.memory_space<vmem>>
      %dma_start3A_359 = arith.constant 0 : i32
      %dma_start3A_360 = arith.constant 0 : i32
      %dma_start3A_361 = tpu.memref_slice %arg8[%dma_start3A_359, %dma_start3A_360] : memref<10112x128xf32, #tpu.memory_space<vmem_shared>> -> memref<10112x128xf32, #tpu.memory_space<vmem_shared>>
      tpu.enqueue_indirect_dma source(%arg7 : memref<80x128xf32, #tpu.memory_space<vmem>>) target(%dma_start3A_361 : memref<10112x128xf32, #tpu.memory_space<vmem_shared>>) offsets(%dma_start3A_358 : memref<80xi32, #tpu.memory_space<vmem>>) semaphore(%arg9 : memref<!tpu.dma_semaphore, #tpu.memory_space<semaphore_mem>>) {add = true}
      %dma_wait3A_362 = arith.constant 0 : i32
      %dma_wait3A_363 = tpu.memref_slice %arg6[%add3A_339, %dma_wait3A_362] : memref<125x80xi32, #tpu.memory_space<vmem>> -> memref<1x80xi32, #tpu.memory_space<vmem>>
      %dma_wait3A_364 = tpu.memref_squeeze %dma_wait3A_363 : memref<1x80xi32, #tpu.memory_space<vmem>> -> memref<80xi32, #tpu.memory_space<vmem>>
      %dma_wait3A_365 = arith.constant 0 : i32
      %dma_wait3A_366 = arith.constant 0 : i32
      %dma_wait3A_367 = tpu.memref_slice %arg8[%dma_wait3A_365, %dma_wait3A_366] : memref<10112x128xf32, #tpu.memory_space<vmem_shared>> -> memref<10112x128xf32, #tpu.memory_space<vmem_shared>>
      tpu.wait_indirect_dma semaphore(%arg10 : memref<!tpu.dma_semaphore, #tpu.memory_space<semaphore_mem>>) src(%arg7 : memref<80x128xf32, #tpu.memory_space<vmem>>) dst(%dma_wait3A_367 : memref<10112x128xf32, #tpu.memory_space<vmem_shared>>)
      %add3A_368 = arith.constant 21 : i32
      %add3A_369 = arith.addi %mul3A_11, %add3A_368 : i32
      %add3A_370 = arith.constant 2 : i32
      %add3A_371 = arith.addi %add3A_369, %add3A_370 : i32
      %dma_start3A_372 = arith.constant 0 : i32
      %dma_start3A_373 = tpu.memref_slice %arg6[%add3A_371, %dma_start3A_372] : memref<125x80xi32, #tpu.memory_space<vmem>> -> memref<1x80xi32, #tpu.memory_space<vmem>>
      %dma_start3A_374 = tpu.memref_squeeze %dma_start3A_373 : memref<1x80xi32, #tpu.memory_space<vmem>> -> memref<80xi32, #tpu.memory_space<vmem>>
      %dma_start3A_375 = arith.constant 0 : i32
      %dma_start3A_376 = arith.constant 0 : i32
      %dma_start3A_377 = tpu.memref_slice %arg8[%dma_start3A_375, %dma_start3A_376] : memref<10112x128xf32, #tpu.memory_space<vmem_shared>> -> memref<10112x128xf32, #tpu.memory_space<vmem_shared>>
      tpu.enqueue_indirect_dma source(%arg7 : memref<80x128xf32, #tpu.memory_space<vmem>>) target(%dma_start3A_377 : memref<10112x128xf32, #tpu.memory_space<vmem_shared>>) offsets(%dma_start3A_374 : memref<80xi32, #tpu.memory_space<vmem>>) semaphore(%arg10 : memref<!tpu.dma_semaphore, #tpu.memory_space<semaphore_mem>>) {add = true}
      %dma_wait3A_378 = arith.constant 0 : i32
      %dma_wait3A_379 = tpu.memref_slice %arg6[%add3A_355, %dma_wait3A_378] : memref<125x80xi32, #tpu.memory_space<vmem>> -> memref<1x80xi32, #tpu.memory_space<vmem>>
      %dma_wait3A_380 = tpu.memref_squeeze %dma_wait3A_379 : memref<1x80xi32, #tpu.memory_space<vmem>> -> memref<80xi32, #tpu.memory_space<vmem>>
      %dma_wait3A_381 = arith.constant 0 : i32
      %dma_wait3A_382 = arith.constant 0 : i32
      %dma_wait3A_383 = tpu.memref_slice %arg8[%dma_wait3A_381, %dma_wait3A_382] : memref<10112x128xf32, #tpu.memory_space<vmem_shared>> -> memref<10112x128xf32, #tpu.memory_space<vmem_shared>>
      tpu.wait_indirect_dma semaphore(%arg9 : memref<!tpu.dma_semaphore, #tpu.memory_space<semaphore_mem>>) src(%arg7 : memref<80x128xf32, #tpu.memory_space<vmem>>) dst(%dma_wait3A_383 : memref<10112x128xf32, #tpu.memory_space<vmem_shared>>)
      %add3A_384 = arith.constant 22 : i32
      %add3A_385 = arith.addi %mul3A_11, %add3A_384 : i32
      %add3A_386 = arith.constant 2 : i32
      %add3A_387 = arith.addi %add3A_385, %add3A_386 : i32
      %dma_start3A_388 = arith.constant 0 : i32
      %dma_start3A_389 = tpu.memref_slice %arg6[%add3A_387, %dma_start3A_388] : memref<125x80xi32, #tpu.memory_space<vmem>> -> memref<1x80xi32, #tpu.memory_space<vmem>>
      %dma_start3A_390 = tpu.memref_squeeze %dma_start3A_389 : memref<1x80xi32, #tpu.memory_space<vmem>> -> memref<80xi32, #tpu.memory_space<vmem>>
      %dma_start3A_391 = arith.constant 0 : i32
      %dma_start3A_392 = arith.constant 0 : i32
      %dma_start3A_393 = tpu.memref_slice %arg8[%dma_start3A_391, %dma_start3A_392] : memref<10112x128xf32, #tpu.memory_space<vmem_shared>> -> memref<10112x128xf32, #tpu.memory_space<vmem_shared>>
      tpu.enqueue_indirect_dma source(%arg7 : memref<80x128xf32, #tpu.memory_space<vmem>>) target(%dma_start3A_393 : memref<10112x128xf32, #tpu.memory_space<vmem_shared>>) offsets(%dma_start3A_390 : memref<80xi32, #tpu.memory_space<vmem>>) semaphore(%arg9 : memref<!tpu.dma_semaphore, #tpu.memory_space<semaphore_mem>>) {add = true}
      %dma_wait3A_394 = arith.constant 0 : i32
      %dma_wait3A_395 = tpu.memref_slice %arg6[%add3A_371, %dma_wait3A_394] : memref<125x80xi32, #tpu.memory_space<vmem>> -> memref<1x80xi32, #tpu.memory_space<vmem>>
      %dma_wait3A_396 = tpu.memref_squeeze %dma_wait3A_395 : memref<1x80xi32, #tpu.memory_space<vmem>> -> memref<80xi32, #tpu.memory_space<vmem>>
      %dma_wait3A_397 = arith.constant 0 : i32
      %dma_wait3A_398 = arith.constant 0 : i32
      %dma_wait3A_399 = tpu.memref_slice %arg8[%dma_wait3A_397, %dma_wait3A_398] : memref<10112x128xf32, #tpu.memory_space<vmem_shared>> -> memref<10112x128xf32, #tpu.memory_space<vmem_shared>>
      tpu.wait_indirect_dma semaphore(%arg10 : memref<!tpu.dma_semaphore, #tpu.memory_space<semaphore_mem>>) src(%arg7 : memref<80x128xf32, #tpu.memory_space<vmem>>) dst(%dma_wait3A_399 : memref<10112x128xf32, #tpu.memory_space<vmem_shared>>)
      %dma_wait3A_400 = arith.constant 0 : i32
      %dma_wait3A_401 = tpu.memref_slice %arg6[%add3A_387, %dma_wait3A_400] : memref<125x80xi32, #tpu.memory_space<vmem>> -> memref<1x80xi32, #tpu.memory_space<vmem>>
      %dma_wait3A_402 = tpu.memref_squeeze %dma_wait3A_401 : memref<1x80xi32, #tpu.memory_space<vmem>> -> memref<80xi32, #tpu.memory_space<vmem>>
      %dma_wait3A_403 = arith.constant 0 : i32
      %dma_wait3A_404 = arith.constant 0 : i32
      %dma_wait3A_405 = tpu.memref_slice %arg8[%dma_wait3A_403, %dma_wait3A_404] : memref<10112x128xf32, #tpu.memory_space<vmem_shared>> -> memref<10112x128xf32, #tpu.memory_space<vmem_shared>>
      tpu.wait_indirect_dma semaphore(%arg9 : memref<!tpu.dma_semaphore, #tpu.memory_space<semaphore_mem>>) src(%arg7 : memref<80x128xf32, #tpu.memory_space<vmem>>) dst(%dma_wait3A_405 : memref<10112x128xf32, #tpu.memory_space<vmem_shared>>)
    }
    %scan3A_7 = arith.constant 5 : i32
    %barrier3A_8 = arith.constant 0 : index
    tpu.barrier barrier_id(%barrier3A_8)
    "tpu.region"() ({
      %run_scoped3A = tpu.sem_alloc : memref<!tpu.dma_semaphore, #tpu.memory_space<semaphore_mem>>
      %dma_start3A = arith.constant 0 : i32
      %dma_start3A_9 = arith.constant 0 : i32
      %dma_start3A_10 = tpu.memref_slice %arg5[%arg0, %dma_start3A, %dma_start3A_9] : memref<2x10112x128xf32, #tpu.memory_space<hbm>> -> memref<1x10112x128xf32, #tpu.memory_space<hbm>>
      %dma_start3A_11 = tpu.memref_squeeze %dma_start3A_10 : memref<1x10112x128xf32, #tpu.memory_space<hbm>> -> memref<10112x128xf32, #tpu.memory_space<hbm>>
      %dma_start3A_12 = arith.constant 0 : i32
      %dma_start3A_13 = tpu.memref_slice %dma_start3A_11[%mul3A_2, %dma_start3A_12] : memref<10112x128xf32, #tpu.memory_space<hbm>> -> memref<632x128xf32, #tpu.memory_space<hbm>>
      %dma_start3A_14 = arith.constant 0 : i32
      %dma_start3A_15 = tpu.memref_slice %arg8[%mul3A_2, %dma_start3A_14] : memref<10112x128xf32, #tpu.memory_space<vmem_shared>> -> memref<632x128xf32, #tpu.memory_space<vmem_shared>>
      tpu.enqueue_dma source(%dma_start3A_15 : memref<632x128xf32, #tpu.memory_space<vmem_shared>>) target(%dma_start3A_13 : memref<632x128xf32, #tpu.memory_space<hbm>>) target_semaphore(%run_scoped3A : memref<!tpu.dma_semaphore, #tpu.memory_space<semaphore_mem>>)
      %dma_wait3A = arith.constant 0 : i32
      %dma_wait3A_16 = arith.constant 0 : i32
      %dma_wait3A_17 = tpu.memref_slice %arg5[%arg0, %dma_wait3A, %dma_wait3A_16] : memref<2x10112x128xf32, #tpu.memory_space<hbm>> -> memref<1x10112x128xf32, #tpu.memory_space<hbm>>
      %dma_wait3A_18 = tpu.memref_squeeze %dma_wait3A_17 : memref<1x10112x128xf32, #tpu.memory_space<hbm>> -> memref<10112x128xf32, #tpu.memory_space<hbm>>
      %dma_wait3A_19 = arith.constant 0 : i32
      %dma_wait3A_20 = tpu.memref_slice %dma_wait3A_18[%mul3A_2, %dma_wait3A_19] : memref<10112x128xf32, #tpu.memory_space<hbm>> -> memref<632x128xf32, #tpu.memory_space<hbm>>
      %dma_wait3A_21 = arith.constant 0 : i32
      %dma_wait3A_22 = tpu.memref_slice %arg8[%mul3A_2, %dma_wait3A_21] : memref<10112x128xf32, #tpu.memory_space<vmem_shared>> -> memref<632x128xf32, #tpu.memory_space<vmem_shared>>
      tpu.wait_dma2 semaphore(%run_scoped3A : memref<!tpu.dma_semaphore, #tpu.memory_space<semaphore_mem>>) src(%dma_wait3A_22 : memref<632x128xf32, #tpu.memory_space<vmem_shared>>) dst(%dma_wait3A_20 : memref<632x128xf32, #tpu.memory_space<hbm>>)
      tpu.yield
    }) : () -> ()
    return
  }
}

#map = affine_map<(d0, d1) -> (0, 0)>
#map1 = affine_map<(d0, d1) -> (0, 0, 0, 0)>
#map2 = affine_map<(d0, d1) -> (0, 0, 0)>
module attributes {stable_mosaic.version = 14 : i64} {
  func.func @_edge_pass(%arg0: i32, %arg1: i32, %arg2: memref<10112x128xf32, #tpu.memory_space<hbm>>, %arg3: memref<32x5x25x80xi32, #tpu.memory_space<hbm>>, %arg4: memref<32x125x80xi32, #tpu.memory_space<hbm>>, %arg5: memref<632x128xf32, #tpu.memory_space<hbm>>, %arg6: memref<2x10112x128xf32, #tpu.memory_space<hbm>>, %arg7: memref<125x80xi32, #tpu.memory_space<vmem>>, %arg8: memref<25x80xi32, #tpu.memory_space<vmem>>, %arg9: memref<80x128xf32, #tpu.memory_space<vmem>>, %arg10: memref<80x128xf32, #tpu.memory_space<vmem>>, %arg11: memref<10112x128xf32, #tpu.memory_space<vmem_shared>>, %arg12: memref<!tpu.dma_semaphore, #tpu.memory_space<semaphore_mem>>, %arg13: memref<!tpu.dma_semaphore, #tpu.memory_space<semaphore_mem>>, %arg14: memref<!tpu.dma_semaphore, #tpu.memory_space<semaphore_mem>>) attributes {dimension_semantics = [#tpu.dimension_semantics<core_parallel>, #tpu.dimension_semantics<subcore_parallel>], iteration_bounds = array<i64: 2, 16>, scalar_prefetch = 0 : i64, scratch_operands = 8 : i64, tpu.core_type = #tpu.core_type<sc_vector_subcore>, window_params = [{transform_indices = #map}, {transform_indices = #map1}, {transform_indices = #map2}, {transform_indices = #map}, {transform_indices = #map2}]} {
    %mul3A = arith.constant 16 : i32
    %mul3A_0 = arith.muli %arg0, %mul3A : i32
    %add3A = arith.addi %mul3A_0, %arg1 : i32
    %mul3A_1 = arith.constant 632 : i32
    %mul3A_2 = arith.muli %arg1, %mul3A_1 : i32
    "tpu.region"() ({
      %run_scoped3A = tpu.sem_alloc : memref<!tpu.dma_semaphore, #tpu.memory_space<semaphore_mem>>
      %dma_start3A = arith.constant 0 : i32
      %dma_start3A_9 = tpu.memref_slice %arg11[%mul3A_2, %dma_start3A] : memref<10112x128xf32, #tpu.memory_space<vmem_shared>> -> memref<632x128xf32, #tpu.memory_space<vmem_shared>>
      tpu.enqueue_dma source(%arg5 : memref<632x128xf32, #tpu.memory_space<hbm>>) target(%dma_start3A_9 : memref<632x128xf32, #tpu.memory_space<vmem_shared>>) target_semaphore(%run_scoped3A : memref<!tpu.dma_semaphore, #tpu.memory_space<semaphore_mem>>)
      %dma_wait3A = arith.constant 0 : i32
      %dma_wait3A_10 = tpu.memref_slice %arg11[%mul3A_2, %dma_wait3A] : memref<10112x128xf32, #tpu.memory_space<vmem_shared>> -> memref<632x128xf32, #tpu.memory_space<vmem_shared>>
      tpu.wait_dma2 semaphore(%run_scoped3A : memref<!tpu.dma_semaphore, #tpu.memory_space<semaphore_mem>>) src(%arg5 : memref<632x128xf32, #tpu.memory_space<hbm>>) dst(%dma_wait3A_10 : memref<632x128xf32, #tpu.memory_space<vmem_shared>>)
      tpu.yield
    }) : () -> ()
    "tpu.region"() ({
      %run_scoped3A = tpu.sem_alloc : memref<!tpu.dma_semaphore, #tpu.memory_space<semaphore_mem>>
      %dma_start3A = arith.constant 0 : i32
      %dma_start3A_9 = arith.constant 0 : i32
      %dma_start3A_10 = tpu.memref_slice %arg4[%add3A, %dma_start3A, %dma_start3A_9] : memref<32x125x80xi32, #tpu.memory_space<hbm>> -> memref<1x125x80xi32, #tpu.memory_space<hbm>>
      %dma_start3A_11 = tpu.memref_squeeze %dma_start3A_10 : memref<1x125x80xi32, #tpu.memory_space<hbm>> -> memref<125x80xi32, #tpu.memory_space<hbm>>
      %dma_start3A_12 = arith.constant 0 : i32
      %dma_start3A_13 = arith.constant 0 : i32
      %dma_start3A_14 = tpu.memref_slice %arg4[%add3A, %dma_start3A_12, %dma_start3A_13] : memref<32x125x80xi32, #tpu.memory_space<hbm>> -> memref<1x125x80xi32, #tpu.memory_space<hbm>>
      %dma_start3A_15 = tpu.memref_squeeze %dma_start3A_14 : memref<1x125x80xi32, #tpu.memory_space<hbm>> -> memref<125x80xi32, #tpu.memory_space<hbm>>
      tpu.enqueue_dma source(%dma_start3A_15 : memref<125x80xi32, #tpu.memory_space<hbm>>) target(%arg7 : memref<125x80xi32, #tpu.memory_space<vmem>>) target_semaphore(%run_scoped3A : memref<!tpu.dma_semaphore, #tpu.memory_space<semaphore_mem>>)
      %dma_wait3A = arith.constant 0 : i32
      %dma_wait3A_16 = arith.constant 0 : i32
      %dma_wait3A_17 = tpu.memref_slice %arg4[%add3A, %dma_wait3A, %dma_wait3A_16] : memref<32x125x80xi32, #tpu.memory_space<hbm>> -> memref<1x125x80xi32, #tpu.memory_space<hbm>>
      %dma_wait3A_18 = tpu.memref_squeeze %dma_wait3A_17 : memref<1x125x80xi32, #tpu.memory_space<hbm>> -> memref<125x80xi32, #tpu.memory_space<hbm>>
      %dma_wait3A_19 = arith.constant 0 : i32
      %dma_wait3A_20 = arith.constant 0 : i32
      %dma_wait3A_21 = tpu.memref_slice %arg4[%add3A, %dma_wait3A_19, %dma_wait3A_20] : memref<32x125x80xi32, #tpu.memory_space<hbm>> -> memref<1x125x80xi32, #tpu.memory_space<hbm>>
      %dma_wait3A_22 = tpu.memref_squeeze %dma_wait3A_21 : memref<1x125x80xi32, #tpu.memory_space<hbm>> -> memref<125x80xi32, #tpu.memory_space<hbm>>
      tpu.wait_dma2 semaphore(%run_scoped3A : memref<!tpu.dma_semaphore, #tpu.memory_space<semaphore_mem>>) src(%dma_wait3A_22 : memref<125x80xi32, #tpu.memory_space<hbm>>) dst(%arg7 : memref<125x80xi32, #tpu.memory_space<vmem>>)
      tpu.yield
    }) : () -> ()
    %barrier3A = arith.constant 0 : index
    tpu.barrier barrier_id(%barrier3A)
    %scan3A = arith.constant 0 : i32
    %scan3A_3 = arith.constant 0 : i32
    %scan3A_4 = arith.constant 5 : i32
    %scan3A_5 = arith.addi %scan3A_3, %scan3A_4 : i32
    %scan3A_6 = arith.constant 1 : i32
    scf.for %scan3A_9 = %scan3A_3 to %scan3A_5 step %scan3A_6  : i32 {
      "tpu.region"() ({
        %run_scoped3A = tpu.sem_alloc : memref<!tpu.dma_semaphore, #tpu.memory_space<semaphore_mem>>
        %dma_start3A_710 = arith.constant 0 : i32
        %dma_start3A_711 = arith.constant 0 : i32
        %dma_start3A_712 = arith.constant 0 : i32
        %dma_start3A_713 = tpu.memref_slice %arg3[%add3A, %dma_start3A_710, %dma_start3A_711, %dma_start3A_712] : memref<32x5x25x80xi32, #tpu.memory_space<hbm>> -> memref<1x5x25x80xi32, #tpu.memory_space<hbm>>
        %dma_start3A_714 = tpu.memref_squeeze %dma_start3A_713 : memref<1x5x25x80xi32, #tpu.memory_space<hbm>> -> memref<5x25x80xi32, #tpu.memory_space<hbm>>
        %dma_start3A_715 = arith.constant 0 : i32
        %dma_start3A_716 = arith.constant 0 : i32
        %dma_start3A_717 = tpu.memref_slice %dma_start3A_714[%scan3A_9, %dma_start3A_715, %dma_start3A_716] : memref<5x25x80xi32, #tpu.memory_space<hbm>> -> memref<1x25x80xi32, #tpu.memory_space<hbm>>
        %dma_start3A_718 = tpu.memref_squeeze %dma_start3A_717 : memref<1x25x80xi32, #tpu.memory_space<hbm>> -> memref<25x80xi32, #tpu.memory_space<hbm>>
        %dma_start3A_719 = arith.constant 0 : i32
        %dma_start3A_720 = arith.constant 0 : i32
        %dma_start3A_721 = arith.constant 0 : i32
        %dma_start3A_722 = tpu.memref_slice %arg3[%add3A, %dma_start3A_719, %dma_start3A_720, %dma_start3A_721] : memref<32x5x25x80xi32, #tpu.memory_space<hbm>> -> memref<1x5x25x80xi32, #tpu.memory_space<hbm>>
        %dma_start3A_723 = tpu.memref_squeeze %dma_start3A_722 : memref<1x5x25x80xi32, #tpu.memory_space<hbm>> -> memref<5x25x80xi32, #tpu.memory_space<hbm>>
        %dma_start3A_724 = arith.constant 0 : i32
        %dma_start3A_725 = arith.constant 0 : i32
        %dma_start3A_726 = tpu.memref_slice %dma_start3A_723[%scan3A_9, %dma_start3A_724, %dma_start3A_725] : memref<5x25x80xi32, #tpu.memory_space<hbm>> -> memref<1x25x80xi32, #tpu.memory_space<hbm>>
        %dma_start3A_727 = tpu.memref_squeeze %dma_start3A_726 : memref<1x25x80xi32, #tpu.memory_space<hbm>> -> memref<25x80xi32, #tpu.memory_space<hbm>>
        tpu.enqueue_dma source(%dma_start3A_727 : memref<25x80xi32, #tpu.memory_space<hbm>>) target(%arg8 : memref<25x80xi32, #tpu.memory_space<vmem>>) target_semaphore(%run_scoped3A : memref<!tpu.dma_semaphore, #tpu.memory_space<semaphore_mem>>)
        %dma_wait3A_728 = arith.constant 0 : i32
        %dma_wait3A_729 = arith.constant 0 : i32
        %dma_wait3A_730 = arith.constant 0 : i32
        %dma_wait3A_731 = tpu.memref_slice %arg3[%add3A, %dma_wait3A_728, %dma_wait3A_729, %dma_wait3A_730] : memref<32x5x25x80xi32, #tpu.memory_space<hbm>> -> memref<1x5x25x80xi32, #tpu.memory_space<hbm>>
        %dma_wait3A_732 = tpu.memref_squeeze %dma_wait3A_731 : memref<1x5x25x80xi32, #tpu.memory_space<hbm>> -> memref<5x25x80xi32, #tpu.memory_space<hbm>>
        %dma_wait3A_733 = arith.constant 0 : i32
        %dma_wait3A_734 = arith.constant 0 : i32
        %dma_wait3A_735 = tpu.memref_slice %dma_wait3A_732[%scan3A_9, %dma_wait3A_733, %dma_wait3A_734] : memref<5x25x80xi32, #tpu.memory_space<hbm>> -> memref<1x25x80xi32, #tpu.memory_space<hbm>>
        %dma_wait3A_736 = tpu.memref_squeeze %dma_wait3A_735 : memref<1x25x80xi32, #tpu.memory_space<hbm>> -> memref<25x80xi32, #tpu.memory_space<hbm>>
        %dma_wait3A_737 = arith.constant 0 : i32
        %dma_wait3A_738 = arith.constant 0 : i32
        %dma_wait3A_739 = arith.constant 0 : i32
        %dma_wait3A_740 = tpu.memref_slice %arg3[%add3A, %dma_wait3A_737, %dma_wait3A_738, %dma_wait3A_739] : memref<32x5x25x80xi32, #tpu.memory_space<hbm>> -> memref<1x5x25x80xi32, #tpu.memory_space<hbm>>
        %dma_wait3A_741 = tpu.memref_squeeze %dma_wait3A_740 : memref<1x5x25x80xi32, #tpu.memory_space<hbm>> -> memref<5x25x80xi32, #tpu.memory_space<hbm>>
        %dma_wait3A_742 = arith.constant 0 : i32
        %dma_wait3A_743 = arith.constant 0 : i32
        %dma_wait3A_744 = tpu.memref_slice %dma_wait3A_741[%scan3A_9, %dma_wait3A_742, %dma_wait3A_743] : memref<5x25x80xi32, #tpu.memory_space<hbm>> -> memref<1x25x80xi32, #tpu.memory_space<hbm>>
        %dma_wait3A_745 = tpu.memref_squeeze %dma_wait3A_744 : memref<1x25x80xi32, #tpu.memory_space<hbm>> -> memref<25x80xi32, #tpu.memory_space<hbm>>
        tpu.wait_dma2 semaphore(%run_scoped3A : memref<!tpu.dma_semaphore, #tpu.memory_space<semaphore_mem>>) src(%dma_wait3A_745 : memref<25x80xi32, #tpu.memory_space<hbm>>) dst(%arg8 : memref<25x80xi32, #tpu.memory_space<vmem>>)
        tpu.yield
      }) : () -> ()
      %mul3A_10 = arith.constant 25 : i32
      %mul3A_11 = arith.muli %scan3A_9, %mul3A_10 : i32
      %dma_start3A = arith.constant 0 : i32
      %dma_start3A_12 = arith.constant 0 : i32
      %dma_start3A_13 = tpu.memref_slice %arg8[%dma_start3A, %dma_start3A_12] : memref<25x80xi32, #tpu.memory_space<vmem>> -> memref<1x80xi32, #tpu.memory_space<vmem>>
      %dma_start3A_14 = tpu.memref_squeeze %dma_start3A_13 : memref<1x80xi32, #tpu.memory_space<vmem>> -> memref<80xi32, #tpu.memory_space<vmem>>
      %dma_start3A_15 = arith.constant 0 : i32
      %dma_start3A_16 = arith.constant 0 : i32
      %dma_start3A_17 = tpu.memref_slice %arg2[%dma_start3A_15, %dma_start3A_16] : memref<10112x128xf32, #tpu.memory_space<hbm>> -> memref<10112x128xf32, #tpu.memory_space<hbm>>
      tpu.enqueue_indirect_dma source(%dma_start3A_17 : memref<10112x128xf32, #tpu.memory_space<hbm>>) target(%arg9 : memref<80x128xf32, #tpu.memory_space<vmem>>) offsets(%dma_start3A_14 : memref<80xi32, #tpu.memory_space<vmem>>) semaphore(%arg12 : memref<!tpu.dma_semaphore, #tpu.memory_space<semaphore_mem>>)
      %dma_start3A_18 = arith.constant 1 : i32
      %dma_start3A_19 = arith.constant 0 : i32
      %dma_start3A_20 = tpu.memref_slice %arg8[%dma_start3A_18, %dma_start3A_19] : memref<25x80xi32, #tpu.memory_space<vmem>> -> memref<1x80xi32, #tpu.memory_space<vmem>>
      %dma_start3A_21 = tpu.memref_squeeze %dma_start3A_20 : memref<1x80xi32, #tpu.memory_space<vmem>> -> memref<80xi32, #tpu.memory_space<vmem>>
      %dma_start3A_22 = arith.constant 0 : i32
      %dma_start3A_23 = arith.constant 0 : i32
      %dma_start3A_24 = tpu.memref_slice %arg2[%dma_start3A_22, %dma_start3A_23] : memref<10112x128xf32, #tpu.memory_space<hbm>> -> memref<10112x128xf32, #tpu.memory_space<hbm>>
      tpu.enqueue_indirect_dma source(%dma_start3A_24 : memref<10112x128xf32, #tpu.memory_space<hbm>>) target(%arg10 : memref<80x128xf32, #tpu.memory_space<vmem>>) offsets(%dma_start3A_21 : memref<80xi32, #tpu.memory_space<vmem>>) semaphore(%arg13 : memref<!tpu.dma_semaphore, #tpu.memory_space<semaphore_mem>>)
      %dma_wait3A = arith.constant 0 : i32
      %dma_wait3A_25 = arith.constant 0 : i32
      %dma_wait3A_26 = tpu.memref_slice %arg8[%dma_wait3A, %dma_wait3A_25] : memref<25x80xi32, #tpu.memory_space<vmem>> -> memref<1x80xi32, #tpu.memory_space<vmem>>
      %dma_wait3A_27 = tpu.memref_squeeze %dma_wait3A_26 : memref<1x80xi32, #tpu.memory_space<vmem>> -> memref<80xi32, #tpu.memory_space<vmem>>
      %dma_wait3A_28 = arith.constant 0 : i32
      %dma_wait3A_29 = arith.constant 0 : i32
      %dma_wait3A_30 = tpu.memref_slice %arg2[%dma_wait3A_28, %dma_wait3A_29] : memref<10112x128xf32, #tpu.memory_space<hbm>> -> memref<10112x128xf32, #tpu.memory_space<hbm>>
      tpu.wait_indirect_dma semaphore(%arg12 : memref<!tpu.dma_semaphore, #tpu.memory_space<semaphore_mem>>) src(%dma_wait3A_30 : memref<10112x128xf32, #tpu.memory_space<hbm>>) dst(%arg9 : memref<80x128xf32, #tpu.memory_space<vmem>>)
      %add3A_31 = arith.constant 0 : i32
      %add3A_32 = arith.addi %mul3A_11, %add3A_31 : i32
      %dma_start3A_33 = arith.constant 0 : i32
      %dma_start3A_34 = tpu.memref_slice %arg7[%add3A_32, %dma_start3A_33] : memref<125x80xi32, #tpu.memory_space<vmem>> -> memref<1x80xi32, #tpu.memory_space<vmem>>
      %dma_start3A_35 = tpu.memref_squeeze %dma_start3A_34 : memref<1x80xi32, #tpu.memory_space<vmem>> -> memref<80xi32, #tpu.memory_space<vmem>>
      %dma_start3A_36 = arith.constant 0 : i32
      %dma_start3A_37 = arith.constant 0 : i32
      %dma_start3A_38 = tpu.memref_slice %arg11[%dma_start3A_36, %dma_start3A_37] : memref<10112x128xf32, #tpu.memory_space<vmem_shared>> -> memref<10112x128xf32, #tpu.memory_space<vmem_shared>>
      tpu.enqueue_indirect_dma source(%arg9 : memref<80x128xf32, #tpu.memory_space<vmem>>) target(%dma_start3A_38 : memref<10112x128xf32, #tpu.memory_space<vmem_shared>>) offsets(%dma_start3A_35 : memref<80xi32, #tpu.memory_space<vmem>>) semaphore(%arg14 : memref<!tpu.dma_semaphore, #tpu.memory_space<semaphore_mem>>) {add = true}
      %dma_wait3A_39 = arith.constant 0 : i32
      %dma_wait3A_40 = tpu.memref_slice %arg7[%add3A_32, %dma_wait3A_39] : memref<125x80xi32, #tpu.memory_space<vmem>> -> memref<1x80xi32, #tpu.memory_space<vmem>>
      %dma_wait3A_41 = tpu.memref_squeeze %dma_wait3A_40 : memref<1x80xi32, #tpu.memory_space<vmem>> -> memref<80xi32, #tpu.memory_space<vmem>>
      %dma_wait3A_42 = arith.constant 0 : i32
      %dma_wait3A_43 = arith.constant 0 : i32
      %dma_wait3A_44 = tpu.memref_slice %arg11[%dma_wait3A_42, %dma_wait3A_43] : memref<10112x128xf32, #tpu.memory_space<vmem_shared>> -> memref<10112x128xf32, #tpu.memory_space<vmem_shared>>
      tpu.wait_indirect_dma semaphore(%arg14 : memref<!tpu.dma_semaphore, #tpu.memory_space<semaphore_mem>>) src(%arg9 : memref<80x128xf32, #tpu.memory_space<vmem>>) dst(%dma_wait3A_44 : memref<10112x128xf32, #tpu.memory_space<vmem_shared>>)
      %dma_start3A_45 = arith.constant 2 : i32
      %dma_start3A_46 = arith.constant 0 : i32
      %dma_start3A_47 = tpu.memref_slice %arg8[%dma_start3A_45, %dma_start3A_46] : memref<25x80xi32, #tpu.memory_space<vmem>> -> memref<1x80xi32, #tpu.memory_space<vmem>>
      %dma_start3A_48 = tpu.memref_squeeze %dma_start3A_47 : memref<1x80xi32, #tpu.memory_space<vmem>> -> memref<80xi32, #tpu.memory_space<vmem>>
      %dma_start3A_49 = arith.constant 0 : i32
      %dma_start3A_50 = arith.constant 0 : i32
      %dma_start3A_51 = tpu.memref_slice %arg2[%dma_start3A_49, %dma_start3A_50] : memref<10112x128xf32, #tpu.memory_space<hbm>> -> memref<10112x128xf32, #tpu.memory_space<hbm>>
      tpu.enqueue_indirect_dma source(%dma_start3A_51 : memref<10112x128xf32, #tpu.memory_space<hbm>>) target(%arg9 : memref<80x128xf32, #tpu.memory_space<vmem>>) offsets(%dma_start3A_48 : memref<80xi32, #tpu.memory_space<vmem>>) semaphore(%arg12 : memref<!tpu.dma_semaphore, #tpu.memory_space<semaphore_mem>>)
      %dma_wait3A_52 = arith.constant 1 : i32
      %dma_wait3A_53 = arith.constant 0 : i32
      %dma_wait3A_54 = tpu.memref_slice %arg8[%dma_wait3A_52, %dma_wait3A_53] : memref<25x80xi32, #tpu.memory_space<vmem>> -> memref<1x80xi32, #tpu.memory_space<vmem>>
      %dma_wait3A_55 = tpu.memref_squeeze %dma_wait3A_54 : memref<1x80xi32, #tpu.memory_space<vmem>> -> memref<80xi32, #tpu.memory_space<vmem>>
      %dma_wait3A_56 = arith.constant 0 : i32
      %dma_wait3A_57 = arith.constant 0 : i32
      %dma_wait3A_58 = tpu.memref_slice %arg2[%dma_wait3A_56, %dma_wait3A_57] : memref<10112x128xf32, #tpu.memory_space<hbm>> -> memref<10112x128xf32, #tpu.memory_space<hbm>>
      tpu.wait_indirect_dma semaphore(%arg13 : memref<!tpu.dma_semaphore, #tpu.memory_space<semaphore_mem>>) src(%dma_wait3A_58 : memref<10112x128xf32, #tpu.memory_space<hbm>>) dst(%arg10 : memref<80x128xf32, #tpu.memory_space<vmem>>)
      %add3A_59 = arith.constant 1 : i32
      %add3A_60 = arith.addi %mul3A_11, %add3A_59 : i32
      %dma_start3A_61 = arith.constant 0 : i32
      %dma_start3A_62 = tpu.memref_slice %arg7[%add3A_60, %dma_start3A_61] : memref<125x80xi32, #tpu.memory_space<vmem>> -> memref<1x80xi32, #tpu.memory_space<vmem>>
      %dma_start3A_63 = tpu.memref_squeeze %dma_start3A_62 : memref<1x80xi32, #tpu.memory_space<vmem>> -> memref<80xi32, #tpu.memory_space<vmem>>
      %dma_start3A_64 = arith.constant 0 : i32
      %dma_start3A_65 = arith.constant 0 : i32
      %dma_start3A_66 = tpu.memref_slice %arg11[%dma_start3A_64, %dma_start3A_65] : memref<10112x128xf32, #tpu.memory_space<vmem_shared>> -> memref<10112x128xf32, #tpu.memory_space<vmem_shared>>
      tpu.enqueue_indirect_dma source(%arg10 : memref<80x128xf32, #tpu.memory_space<vmem>>) target(%dma_start3A_66 : memref<10112x128xf32, #tpu.memory_space<vmem_shared>>) offsets(%dma_start3A_63 : memref<80xi32, #tpu.memory_space<vmem>>) semaphore(%arg14 : memref<!tpu.dma_semaphore, #tpu.memory_space<semaphore_mem>>) {add = true}
      %dma_wait3A_67 = arith.constant 0 : i32
      %dma_wait3A_68 = tpu.memref_slice %arg7[%add3A_60, %dma_wait3A_67] : memref<125x80xi32, #tpu.memory_space<vmem>> -> memref<1x80xi32, #tpu.memory_space<vmem>>
      %dma_wait3A_69 = tpu.memref_squeeze %dma_wait3A_68 : memref<1x80xi32, #tpu.memory_space<vmem>> -> memref<80xi32, #tpu.memory_space<vmem>>
      %dma_wait3A_70 = arith.constant 0 : i32
      %dma_wait3A_71 = arith.constant 0 : i32
      %dma_wait3A_72 = tpu.memref_slice %arg11[%dma_wait3A_70, %dma_wait3A_71] : memref<10112x128xf32, #tpu.memory_space<vmem_shared>> -> memref<10112x128xf32, #tpu.memory_space<vmem_shared>>
      tpu.wait_indirect_dma semaphore(%arg14 : memref<!tpu.dma_semaphore, #tpu.memory_space<semaphore_mem>>) src(%arg10 : memref<80x128xf32, #tpu.memory_space<vmem>>) dst(%dma_wait3A_72 : memref<10112x128xf32, #tpu.memory_space<vmem_shared>>)
      %dma_start3A_73 = arith.constant 3 : i32
      %dma_start3A_74 = arith.constant 0 : i32
      %dma_start3A_75 = tpu.memref_slice %arg8[%dma_start3A_73, %dma_start3A_74] : memref<25x80xi32, #tpu.memory_space<vmem>> -> memref<1x80xi32, #tpu.memory_space<vmem>>
      %dma_start3A_76 = tpu.memref_squeeze %dma_start3A_75 : memref<1x80xi32, #tpu.memory_space<vmem>> -> memref<80xi32, #tpu.memory_space<vmem>>
      %dma_start3A_77 = arith.constant 0 : i32
      %dma_start3A_78 = arith.constant 0 : i32
      %dma_start3A_79 = tpu.memref_slice %arg2[%dma_start3A_77, %dma_start3A_78] : memref<10112x128xf32, #tpu.memory_space<hbm>> -> memref<10112x128xf32, #tpu.memory_space<hbm>>
      tpu.enqueue_indirect_dma source(%dma_start3A_79 : memref<10112x128xf32, #tpu.memory_space<hbm>>) target(%arg10 : memref<80x128xf32, #tpu.memory_space<vmem>>) offsets(%dma_start3A_76 : memref<80xi32, #tpu.memory_space<vmem>>) semaphore(%arg13 : memref<!tpu.dma_semaphore, #tpu.memory_space<semaphore_mem>>)
      %dma_wait3A_80 = arith.constant 2 : i32
      %dma_wait3A_81 = arith.constant 0 : i32
      %dma_wait3A_82 = tpu.memref_slice %arg8[%dma_wait3A_80, %dma_wait3A_81] : memref<25x80xi32, #tpu.memory_space<vmem>> -> memref<1x80xi32, #tpu.memory_space<vmem>>
      %dma_wait3A_83 = tpu.memref_squeeze %dma_wait3A_82 : memref<1x80xi32, #tpu.memory_space<vmem>> -> memref<80xi32, #tpu.memory_space<vmem>>
      %dma_wait3A_84 = arith.constant 0 : i32
      %dma_wait3A_85 = arith.constant 0 : i32
      %dma_wait3A_86 = tpu.memref_slice %arg2[%dma_wait3A_84, %dma_wait3A_85] : memref<10112x128xf32, #tpu.memory_space<hbm>> -> memref<10112x128xf32, #tpu.memory_space<hbm>>
      tpu.wait_indirect_dma semaphore(%arg12 : memref<!tpu.dma_semaphore, #tpu.memory_space<semaphore_mem>>) src(%dma_wait3A_86 : memref<10112x128xf32, #tpu.memory_space<hbm>>) dst(%arg9 : memref<80x128xf32, #tpu.memory_space<vmem>>)
      %add3A_87 = arith.constant 2 : i32
      %add3A_88 = arith.addi %mul3A_11, %add3A_87 : i32
      %dma_start3A_89 = arith.constant 0 : i32
      %dma_start3A_90 = tpu.memref_slice %arg7[%add3A_88, %dma_start3A_89] : memref<125x80xi32, #tpu.memory_space<vmem>> -> memref<1x80xi32, #tpu.memory_space<vmem>>
      %dma_start3A_91 = tpu.memref_squeeze %dma_start3A_90 : memref<1x80xi32, #tpu.memory_space<vmem>> -> memref<80xi32, #tpu.memory_space<vmem>>
      %dma_start3A_92 = arith.constant 0 : i32
      %dma_start3A_93 = arith.constant 0 : i32
      %dma_start3A_94 = tpu.memref_slice %arg11[%dma_start3A_92, %dma_start3A_93] : memref<10112x128xf32, #tpu.memory_space<vmem_shared>> -> memref<10112x128xf32, #tpu.memory_space<vmem_shared>>
      tpu.enqueue_indirect_dma source(%arg9 : memref<80x128xf32, #tpu.memory_space<vmem>>) target(%dma_start3A_94 : memref<10112x128xf32, #tpu.memory_space<vmem_shared>>) offsets(%dma_start3A_91 : memref<80xi32, #tpu.memory_space<vmem>>) semaphore(%arg14 : memref<!tpu.dma_semaphore, #tpu.memory_space<semaphore_mem>>) {add = true}
      %dma_wait3A_95 = arith.constant 0 : i32
      %dma_wait3A_96 = tpu.memref_slice %arg7[%add3A_88, %dma_wait3A_95] : memref<125x80xi32, #tpu.memory_space<vmem>> -> memref<1x80xi32, #tpu.memory_space<vmem>>
      %dma_wait3A_97 = tpu.memref_squeeze %dma_wait3A_96 : memref<1x80xi32, #tpu.memory_space<vmem>> -> memref<80xi32, #tpu.memory_space<vmem>>
      %dma_wait3A_98 = arith.constant 0 : i32
      %dma_wait3A_99 = arith.constant 0 : i32
      %dma_wait3A_100 = tpu.memref_slice %arg11[%dma_wait3A_98, %dma_wait3A_99] : memref<10112x128xf32, #tpu.memory_space<vmem_shared>> -> memref<10112x128xf32, #tpu.memory_space<vmem_shared>>
      tpu.wait_indirect_dma semaphore(%arg14 : memref<!tpu.dma_semaphore, #tpu.memory_space<semaphore_mem>>) src(%arg9 : memref<80x128xf32, #tpu.memory_space<vmem>>) dst(%dma_wait3A_100 : memref<10112x128xf32, #tpu.memory_space<vmem_shared>>)
      %dma_start3A_101 = arith.constant 4 : i32
      %dma_start3A_102 = arith.constant 0 : i32
      %dma_start3A_103 = tpu.memref_slice %arg8[%dma_start3A_101, %dma_start3A_102] : memref<25x80xi32, #tpu.memory_space<vmem>> -> memref<1x80xi32, #tpu.memory_space<vmem>>
      %dma_start3A_104 = tpu.memref_squeeze %dma_start3A_103 : memref<1x80xi32, #tpu.memory_space<vmem>> -> memref<80xi32, #tpu.memory_space<vmem>>
      %dma_start3A_105 = arith.constant 0 : i32
      %dma_start3A_106 = arith.constant 0 : i32
      %dma_start3A_107 = tpu.memref_slice %arg2[%dma_start3A_105, %dma_start3A_106] : memref<10112x128xf32, #tpu.memory_space<hbm>> -> memref<10112x128xf32, #tpu.memory_space<hbm>>
      tpu.enqueue_indirect_dma source(%dma_start3A_107 : memref<10112x128xf32, #tpu.memory_space<hbm>>) target(%arg9 : memref<80x128xf32, #tpu.memory_space<vmem>>) offsets(%dma_start3A_104 : memref<80xi32, #tpu.memory_space<vmem>>) semaphore(%arg12 : memref<!tpu.dma_semaphore, #tpu.memory_space<semaphore_mem>>)
      %dma_wait3A_108 = arith.constant 3 : i32
      %dma_wait3A_109 = arith.constant 0 : i32
      %dma_wait3A_110 = tpu.memref_slice %arg8[%dma_wait3A_108, %dma_wait3A_109] : memref<25x80xi32, #tpu.memory_space<vmem>> -> memref<1x80xi32, #tpu.memory_space<vmem>>
      %dma_wait3A_111 = tpu.memref_squeeze %dma_wait3A_110 : memref<1x80xi32, #tpu.memory_space<vmem>> -> memref<80xi32, #tpu.memory_space<vmem>>
      %dma_wait3A_112 = arith.constant 0 : i32
      %dma_wait3A_113 = arith.constant 0 : i32
      %dma_wait3A_114 = tpu.memref_slice %arg2[%dma_wait3A_112, %dma_wait3A_113] : memref<10112x128xf32, #tpu.memory_space<hbm>> -> memref<10112x128xf32, #tpu.memory_space<hbm>>
      tpu.wait_indirect_dma semaphore(%arg13 : memref<!tpu.dma_semaphore, #tpu.memory_space<semaphore_mem>>) src(%dma_wait3A_114 : memref<10112x128xf32, #tpu.memory_space<hbm>>) dst(%arg10 : memref<80x128xf32, #tpu.memory_space<vmem>>)
      %add3A_115 = arith.constant 3 : i32
      %add3A_116 = arith.addi %mul3A_11, %add3A_115 : i32
      %dma_start3A_117 = arith.constant 0 : i32
      %dma_start3A_118 = tpu.memref_slice %arg7[%add3A_116, %dma_start3A_117] : memref<125x80xi32, #tpu.memory_space<vmem>> -> memref<1x80xi32, #tpu.memory_space<vmem>>
      %dma_start3A_119 = tpu.memref_squeeze %dma_start3A_118 : memref<1x80xi32, #tpu.memory_space<vmem>> -> memref<80xi32, #tpu.memory_space<vmem>>
      %dma_start3A_120 = arith.constant 0 : i32
      %dma_start3A_121 = arith.constant 0 : i32
      %dma_start3A_122 = tpu.memref_slice %arg11[%dma_start3A_120, %dma_start3A_121] : memref<10112x128xf32, #tpu.memory_space<vmem_shared>> -> memref<10112x128xf32, #tpu.memory_space<vmem_shared>>
      tpu.enqueue_indirect_dma source(%arg10 : memref<80x128xf32, #tpu.memory_space<vmem>>) target(%dma_start3A_122 : memref<10112x128xf32, #tpu.memory_space<vmem_shared>>) offsets(%dma_start3A_119 : memref<80xi32, #tpu.memory_space<vmem>>) semaphore(%arg14 : memref<!tpu.dma_semaphore, #tpu.memory_space<semaphore_mem>>) {add = true}
      %dma_wait3A_123 = arith.constant 0 : i32
      %dma_wait3A_124 = tpu.memref_slice %arg7[%add3A_116, %dma_wait3A_123] : memref<125x80xi32, #tpu.memory_space<vmem>> -> memref<1x80xi32, #tpu.memory_space<vmem>>
      %dma_wait3A_125 = tpu.memref_squeeze %dma_wait3A_124 : memref<1x80xi32, #tpu.memory_space<vmem>> -> memref<80xi32, #tpu.memory_space<vmem>>
      %dma_wait3A_126 = arith.constant 0 : i32
      %dma_wait3A_127 = arith.constant 0 : i32
      %dma_wait3A_128 = tpu.memref_slice %arg11[%dma_wait3A_126, %dma_wait3A_127] : memref<10112x128xf32, #tpu.memory_space<vmem_shared>> -> memref<10112x128xf32, #tpu.memory_space<vmem_shared>>
      tpu.wait_indirect_dma semaphore(%arg14 : memref<!tpu.dma_semaphore, #tpu.memory_space<semaphore_mem>>) src(%arg10 : memref<80x128xf32, #tpu.memory_space<vmem>>) dst(%dma_wait3A_128 : memref<10112x128xf32, #tpu.memory_space<vmem_shared>>)
      %dma_start3A_129 = arith.constant 5 : i32
      %dma_start3A_130 = arith.constant 0 : i32
      %dma_start3A_131 = tpu.memref_slice %arg8[%dma_start3A_129, %dma_start3A_130] : memref<25x80xi32, #tpu.memory_space<vmem>> -> memref<1x80xi32, #tpu.memory_space<vmem>>
      %dma_start3A_132 = tpu.memref_squeeze %dma_start3A_131 : memref<1x80xi32, #tpu.memory_space<vmem>> -> memref<80xi32, #tpu.memory_space<vmem>>
      %dma_start3A_133 = arith.constant 0 : i32
      %dma_start3A_134 = arith.constant 0 : i32
      %dma_start3A_135 = tpu.memref_slice %arg2[%dma_start3A_133, %dma_start3A_134] : memref<10112x128xf32, #tpu.memory_space<hbm>> -> memref<10112x128xf32, #tpu.memory_space<hbm>>
      tpu.enqueue_indirect_dma source(%dma_start3A_135 : memref<10112x128xf32, #tpu.memory_space<hbm>>) target(%arg10 : memref<80x128xf32, #tpu.memory_space<vmem>>) offsets(%dma_start3A_132 : memref<80xi32, #tpu.memory_space<vmem>>) semaphore(%arg13 : memref<!tpu.dma_semaphore, #tpu.memory_space<semaphore_mem>>)
      %dma_wait3A_136 = arith.constant 4 : i32
      %dma_wait3A_137 = arith.constant 0 : i32
      %dma_wait3A_138 = tpu.memref_slice %arg8[%dma_wait3A_136, %dma_wait3A_137] : memref<25x80xi32, #tpu.memory_space<vmem>> -> memref<1x80xi32, #tpu.memory_space<vmem>>
      %dma_wait3A_139 = tpu.memref_squeeze %dma_wait3A_138 : memref<1x80xi32, #tpu.memory_space<vmem>> -> memref<80xi32, #tpu.memory_space<vmem>>
      %dma_wait3A_140 = arith.constant 0 : i32
      %dma_wait3A_141 = arith.constant 0 : i32
      %dma_wait3A_142 = tpu.memref_slice %arg2[%dma_wait3A_140, %dma_wait3A_141] : memref<10112x128xf32, #tpu.memory_space<hbm>> -> memref<10112x128xf32, #tpu.memory_space<hbm>>
      tpu.wait_indirect_dma semaphore(%arg12 : memref<!tpu.dma_semaphore, #tpu.memory_space<semaphore_mem>>) src(%dma_wait3A_142 : memref<10112x128xf32, #tpu.memory_space<hbm>>) dst(%arg9 : memref<80x128xf32, #tpu.memory_space<vmem>>)
      %add3A_143 = arith.constant 4 : i32
      %add3A_144 = arith.addi %mul3A_11, %add3A_143 : i32
      %dma_start3A_145 = arith.constant 0 : i32
      %dma_start3A_146 = tpu.memref_slice %arg7[%add3A_144, %dma_start3A_145] : memref<125x80xi32, #tpu.memory_space<vmem>> -> memref<1x80xi32, #tpu.memory_space<vmem>>
      %dma_start3A_147 = tpu.memref_squeeze %dma_start3A_146 : memref<1x80xi32, #tpu.memory_space<vmem>> -> memref<80xi32, #tpu.memory_space<vmem>>
      %dma_start3A_148 = arith.constant 0 : i32
      %dma_start3A_149 = arith.constant 0 : i32
      %dma_start3A_150 = tpu.memref_slice %arg11[%dma_start3A_148, %dma_start3A_149] : memref<10112x128xf32, #tpu.memory_space<vmem_shared>> -> memref<10112x128xf32, #tpu.memory_space<vmem_shared>>
      tpu.enqueue_indirect_dma source(%arg9 : memref<80x128xf32, #tpu.memory_space<vmem>>) target(%dma_start3A_150 : memref<10112x128xf32, #tpu.memory_space<vmem_shared>>) offsets(%dma_start3A_147 : memref<80xi32, #tpu.memory_space<vmem>>) semaphore(%arg14 : memref<!tpu.dma_semaphore, #tpu.memory_space<semaphore_mem>>) {add = true}
      %dma_wait3A_151 = arith.constant 0 : i32
      %dma_wait3A_152 = tpu.memref_slice %arg7[%add3A_144, %dma_wait3A_151] : memref<125x80xi32, #tpu.memory_space<vmem>> -> memref<1x80xi32, #tpu.memory_space<vmem>>
      %dma_wait3A_153 = tpu.memref_squeeze %dma_wait3A_152 : memref<1x80xi32, #tpu.memory_space<vmem>> -> memref<80xi32, #tpu.memory_space<vmem>>
      %dma_wait3A_154 = arith.constant 0 : i32
      %dma_wait3A_155 = arith.constant 0 : i32
      %dma_wait3A_156 = tpu.memref_slice %arg11[%dma_wait3A_154, %dma_wait3A_155] : memref<10112x128xf32, #tpu.memory_space<vmem_shared>> -> memref<10112x128xf32, #tpu.memory_space<vmem_shared>>
      tpu.wait_indirect_dma semaphore(%arg14 : memref<!tpu.dma_semaphore, #tpu.memory_space<semaphore_mem>>) src(%arg9 : memref<80x128xf32, #tpu.memory_space<vmem>>) dst(%dma_wait3A_156 : memref<10112x128xf32, #tpu.memory_space<vmem_shared>>)
      %dma_start3A_157 = arith.constant 6 : i32
      %dma_start3A_158 = arith.constant 0 : i32
      %dma_start3A_159 = tpu.memref_slice %arg8[%dma_start3A_157, %dma_start3A_158] : memref<25x80xi32, #tpu.memory_space<vmem>> -> memref<1x80xi32, #tpu.memory_space<vmem>>
      %dma_start3A_160 = tpu.memref_squeeze %dma_start3A_159 : memref<1x80xi32, #tpu.memory_space<vmem>> -> memref<80xi32, #tpu.memory_space<vmem>>
      %dma_start3A_161 = arith.constant 0 : i32
      %dma_start3A_162 = arith.constant 0 : i32
      %dma_start3A_163 = tpu.memref_slice %arg2[%dma_start3A_161, %dma_start3A_162] : memref<10112x128xf32, #tpu.memory_space<hbm>> -> memref<10112x128xf32, #tpu.memory_space<hbm>>
      tpu.enqueue_indirect_dma source(%dma_start3A_163 : memref<10112x128xf32, #tpu.memory_space<hbm>>) target(%arg9 : memref<80x128xf32, #tpu.memory_space<vmem>>) offsets(%dma_start3A_160 : memref<80xi32, #tpu.memory_space<vmem>>) semaphore(%arg12 : memref<!tpu.dma_semaphore, #tpu.memory_space<semaphore_mem>>)
      %dma_wait3A_164 = arith.constant 5 : i32
      %dma_wait3A_165 = arith.constant 0 : i32
      %dma_wait3A_166 = tpu.memref_slice %arg8[%dma_wait3A_164, %dma_wait3A_165] : memref<25x80xi32, #tpu.memory_space<vmem>> -> memref<1x80xi32, #tpu.memory_space<vmem>>
      %dma_wait3A_167 = tpu.memref_squeeze %dma_wait3A_166 : memref<1x80xi32, #tpu.memory_space<vmem>> -> memref<80xi32, #tpu.memory_space<vmem>>
      %dma_wait3A_168 = arith.constant 0 : i32
      %dma_wait3A_169 = arith.constant 0 : i32
      %dma_wait3A_170 = tpu.memref_slice %arg2[%dma_wait3A_168, %dma_wait3A_169] : memref<10112x128xf32, #tpu.memory_space<hbm>> -> memref<10112x128xf32, #tpu.memory_space<hbm>>
      tpu.wait_indirect_dma semaphore(%arg13 : memref<!tpu.dma_semaphore, #tpu.memory_space<semaphore_mem>>) src(%dma_wait3A_170 : memref<10112x128xf32, #tpu.memory_space<hbm>>) dst(%arg10 : memref<80x128xf32, #tpu.memory_space<vmem>>)
      %add3A_171 = arith.constant 5 : i32
      %add3A_172 = arith.addi %mul3A_11, %add3A_171 : i32
      %dma_start3A_173 = arith.constant 0 : i32
      %dma_start3A_174 = tpu.memref_slice %arg7[%add3A_172, %dma_start3A_173] : memref<125x80xi32, #tpu.memory_space<vmem>> -> memref<1x80xi32, #tpu.memory_space<vmem>>
      %dma_start3A_175 = tpu.memref_squeeze %dma_start3A_174 : memref<1x80xi32, #tpu.memory_space<vmem>> -> memref<80xi32, #tpu.memory_space<vmem>>
      %dma_start3A_176 = arith.constant 0 : i32
      %dma_start3A_177 = arith.constant 0 : i32
      %dma_start3A_178 = tpu.memref_slice %arg11[%dma_start3A_176, %dma_start3A_177] : memref<10112x128xf32, #tpu.memory_space<vmem_shared>> -> memref<10112x128xf32, #tpu.memory_space<vmem_shared>>
      tpu.enqueue_indirect_dma source(%arg10 : memref<80x128xf32, #tpu.memory_space<vmem>>) target(%dma_start3A_178 : memref<10112x128xf32, #tpu.memory_space<vmem_shared>>) offsets(%dma_start3A_175 : memref<80xi32, #tpu.memory_space<vmem>>) semaphore(%arg14 : memref<!tpu.dma_semaphore, #tpu.memory_space<semaphore_mem>>) {add = true}
      %dma_wait3A_179 = arith.constant 0 : i32
      %dma_wait3A_180 = tpu.memref_slice %arg7[%add3A_172, %dma_wait3A_179] : memref<125x80xi32, #tpu.memory_space<vmem>> -> memref<1x80xi32, #tpu.memory_space<vmem>>
      %dma_wait3A_181 = tpu.memref_squeeze %dma_wait3A_180 : memref<1x80xi32, #tpu.memory_space<vmem>> -> memref<80xi32, #tpu.memory_space<vmem>>
      %dma_wait3A_182 = arith.constant 0 : i32
      %dma_wait3A_183 = arith.constant 0 : i32
      %dma_wait3A_184 = tpu.memref_slice %arg11[%dma_wait3A_182, %dma_wait3A_183] : memref<10112x128xf32, #tpu.memory_space<vmem_shared>> -> memref<10112x128xf32, #tpu.memory_space<vmem_shared>>
      tpu.wait_indirect_dma semaphore(%arg14 : memref<!tpu.dma_semaphore, #tpu.memory_space<semaphore_mem>>) src(%arg10 : memref<80x128xf32, #tpu.memory_space<vmem>>) dst(%dma_wait3A_184 : memref<10112x128xf32, #tpu.memory_space<vmem_shared>>)
      %dma_start3A_185 = arith.constant 7 : i32
      %dma_start3A_186 = arith.constant 0 : i32
      %dma_start3A_187 = tpu.memref_slice %arg8[%dma_start3A_185, %dma_start3A_186] : memref<25x80xi32, #tpu.memory_space<vmem>> -> memref<1x80xi32, #tpu.memory_space<vmem>>
      %dma_start3A_188 = tpu.memref_squeeze %dma_start3A_187 : memref<1x80xi32, #tpu.memory_space<vmem>> -> memref<80xi32, #tpu.memory_space<vmem>>
      %dma_start3A_189 = arith.constant 0 : i32
      %dma_start3A_190 = arith.constant 0 : i32
      %dma_start3A_191 = tpu.memref_slice %arg2[%dma_start3A_189, %dma_start3A_190] : memref<10112x128xf32, #tpu.memory_space<hbm>> -> memref<10112x128xf32, #tpu.memory_space<hbm>>
      tpu.enqueue_indirect_dma source(%dma_start3A_191 : memref<10112x128xf32, #tpu.memory_space<hbm>>) target(%arg10 : memref<80x128xf32, #tpu.memory_space<vmem>>) offsets(%dma_start3A_188 : memref<80xi32, #tpu.memory_space<vmem>>) semaphore(%arg13 : memref<!tpu.dma_semaphore, #tpu.memory_space<semaphore_mem>>)
      %dma_wait3A_192 = arith.constant 6 : i32
      %dma_wait3A_193 = arith.constant 0 : i32
      %dma_wait3A_194 = tpu.memref_slice %arg8[%dma_wait3A_192, %dma_wait3A_193] : memref<25x80xi32, #tpu.memory_space<vmem>> -> memref<1x80xi32, #tpu.memory_space<vmem>>
      %dma_wait3A_195 = tpu.memref_squeeze %dma_wait3A_194 : memref<1x80xi32, #tpu.memory_space<vmem>> -> memref<80xi32, #tpu.memory_space<vmem>>
      %dma_wait3A_196 = arith.constant 0 : i32
      %dma_wait3A_197 = arith.constant 0 : i32
      %dma_wait3A_198 = tpu.memref_slice %arg2[%dma_wait3A_196, %dma_wait3A_197] : memref<10112x128xf32, #tpu.memory_space<hbm>> -> memref<10112x128xf32, #tpu.memory_space<hbm>>
      tpu.wait_indirect_dma semaphore(%arg12 : memref<!tpu.dma_semaphore, #tpu.memory_space<semaphore_mem>>) src(%dma_wait3A_198 : memref<10112x128xf32, #tpu.memory_space<hbm>>) dst(%arg9 : memref<80x128xf32, #tpu.memory_space<vmem>>)
      %add3A_199 = arith.constant 6 : i32
      %add3A_200 = arith.addi %mul3A_11, %add3A_199 : i32
      %dma_start3A_201 = arith.constant 0 : i32
      %dma_start3A_202 = tpu.memref_slice %arg7[%add3A_200, %dma_start3A_201] : memref<125x80xi32, #tpu.memory_space<vmem>> -> memref<1x80xi32, #tpu.memory_space<vmem>>
      %dma_start3A_203 = tpu.memref_squeeze %dma_start3A_202 : memref<1x80xi32, #tpu.memory_space<vmem>> -> memref<80xi32, #tpu.memory_space<vmem>>
      %dma_start3A_204 = arith.constant 0 : i32
      %dma_start3A_205 = arith.constant 0 : i32
      %dma_start3A_206 = tpu.memref_slice %arg11[%dma_start3A_204, %dma_start3A_205] : memref<10112x128xf32, #tpu.memory_space<vmem_shared>> -> memref<10112x128xf32, #tpu.memory_space<vmem_shared>>
      tpu.enqueue_indirect_dma source(%arg9 : memref<80x128xf32, #tpu.memory_space<vmem>>) target(%dma_start3A_206 : memref<10112x128xf32, #tpu.memory_space<vmem_shared>>) offsets(%dma_start3A_203 : memref<80xi32, #tpu.memory_space<vmem>>) semaphore(%arg14 : memref<!tpu.dma_semaphore, #tpu.memory_space<semaphore_mem>>) {add = true}
      %dma_wait3A_207 = arith.constant 0 : i32
      %dma_wait3A_208 = tpu.memref_slice %arg7[%add3A_200, %dma_wait3A_207] : memref<125x80xi32, #tpu.memory_space<vmem>> -> memref<1x80xi32, #tpu.memory_space<vmem>>
      %dma_wait3A_209 = tpu.memref_squeeze %dma_wait3A_208 : memref<1x80xi32, #tpu.memory_space<vmem>> -> memref<80xi32, #tpu.memory_space<vmem>>
      %dma_wait3A_210 = arith.constant 0 : i32
      %dma_wait3A_211 = arith.constant 0 : i32
      %dma_wait3A_212 = tpu.memref_slice %arg11[%dma_wait3A_210, %dma_wait3A_211] : memref<10112x128xf32, #tpu.memory_space<vmem_shared>> -> memref<10112x128xf32, #tpu.memory_space<vmem_shared>>
      tpu.wait_indirect_dma semaphore(%arg14 : memref<!tpu.dma_semaphore, #tpu.memory_space<semaphore_mem>>) src(%arg9 : memref<80x128xf32, #tpu.memory_space<vmem>>) dst(%dma_wait3A_212 : memref<10112x128xf32, #tpu.memory_space<vmem_shared>>)
      %dma_start3A_213 = arith.constant 8 : i32
      %dma_start3A_214 = arith.constant 0 : i32
      %dma_start3A_215 = tpu.memref_slice %arg8[%dma_start3A_213, %dma_start3A_214] : memref<25x80xi32, #tpu.memory_space<vmem>> -> memref<1x80xi32, #tpu.memory_space<vmem>>
      %dma_start3A_216 = tpu.memref_squeeze %dma_start3A_215 : memref<1x80xi32, #tpu.memory_space<vmem>> -> memref<80xi32, #tpu.memory_space<vmem>>
      %dma_start3A_217 = arith.constant 0 : i32
      %dma_start3A_218 = arith.constant 0 : i32
      %dma_start3A_219 = tpu.memref_slice %arg2[%dma_start3A_217, %dma_start3A_218] : memref<10112x128xf32, #tpu.memory_space<hbm>> -> memref<10112x128xf32, #tpu.memory_space<hbm>>
      tpu.enqueue_indirect_dma source(%dma_start3A_219 : memref<10112x128xf32, #tpu.memory_space<hbm>>) target(%arg9 : memref<80x128xf32, #tpu.memory_space<vmem>>) offsets(%dma_start3A_216 : memref<80xi32, #tpu.memory_space<vmem>>) semaphore(%arg12 : memref<!tpu.dma_semaphore, #tpu.memory_space<semaphore_mem>>)
      %dma_wait3A_220 = arith.constant 7 : i32
      %dma_wait3A_221 = arith.constant 0 : i32
      %dma_wait3A_222 = tpu.memref_slice %arg8[%dma_wait3A_220, %dma_wait3A_221] : memref<25x80xi32, #tpu.memory_space<vmem>> -> memref<1x80xi32, #tpu.memory_space<vmem>>
      %dma_wait3A_223 = tpu.memref_squeeze %dma_wait3A_222 : memref<1x80xi32, #tpu.memory_space<vmem>> -> memref<80xi32, #tpu.memory_space<vmem>>
      %dma_wait3A_224 = arith.constant 0 : i32
      %dma_wait3A_225 = arith.constant 0 : i32
      %dma_wait3A_226 = tpu.memref_slice %arg2[%dma_wait3A_224, %dma_wait3A_225] : memref<10112x128xf32, #tpu.memory_space<hbm>> -> memref<10112x128xf32, #tpu.memory_space<hbm>>
      tpu.wait_indirect_dma semaphore(%arg13 : memref<!tpu.dma_semaphore, #tpu.memory_space<semaphore_mem>>) src(%dma_wait3A_226 : memref<10112x128xf32, #tpu.memory_space<hbm>>) dst(%arg10 : memref<80x128xf32, #tpu.memory_space<vmem>>)
      %add3A_227 = arith.constant 7 : i32
      %add3A_228 = arith.addi %mul3A_11, %add3A_227 : i32
      %dma_start3A_229 = arith.constant 0 : i32
      %dma_start3A_230 = tpu.memref_slice %arg7[%add3A_228, %dma_start3A_229] : memref<125x80xi32, #tpu.memory_space<vmem>> -> memref<1x80xi32, #tpu.memory_space<vmem>>
      %dma_start3A_231 = tpu.memref_squeeze %dma_start3A_230 : memref<1x80xi32, #tpu.memory_space<vmem>> -> memref<80xi32, #tpu.memory_space<vmem>>
      %dma_start3A_232 = arith.constant 0 : i32
      %dma_start3A_233 = arith.constant 0 : i32
      %dma_start3A_234 = tpu.memref_slice %arg11[%dma_start3A_232, %dma_start3A_233] : memref<10112x128xf32, #tpu.memory_space<vmem_shared>> -> memref<10112x128xf32, #tpu.memory_space<vmem_shared>>
      tpu.enqueue_indirect_dma source(%arg10 : memref<80x128xf32, #tpu.memory_space<vmem>>) target(%dma_start3A_234 : memref<10112x128xf32, #tpu.memory_space<vmem_shared>>) offsets(%dma_start3A_231 : memref<80xi32, #tpu.memory_space<vmem>>) semaphore(%arg14 : memref<!tpu.dma_semaphore, #tpu.memory_space<semaphore_mem>>) {add = true}
      %dma_wait3A_235 = arith.constant 0 : i32
      %dma_wait3A_236 = tpu.memref_slice %arg7[%add3A_228, %dma_wait3A_235] : memref<125x80xi32, #tpu.memory_space<vmem>> -> memref<1x80xi32, #tpu.memory_space<vmem>>
      %dma_wait3A_237 = tpu.memref_squeeze %dma_wait3A_236 : memref<1x80xi32, #tpu.memory_space<vmem>> -> memref<80xi32, #tpu.memory_space<vmem>>
      %dma_wait3A_238 = arith.constant 0 : i32
      %dma_wait3A_239 = arith.constant 0 : i32
      %dma_wait3A_240 = tpu.memref_slice %arg11[%dma_wait3A_238, %dma_wait3A_239] : memref<10112x128xf32, #tpu.memory_space<vmem_shared>> -> memref<10112x128xf32, #tpu.memory_space<vmem_shared>>
      tpu.wait_indirect_dma semaphore(%arg14 : memref<!tpu.dma_semaphore, #tpu.memory_space<semaphore_mem>>) src(%arg10 : memref<80x128xf32, #tpu.memory_space<vmem>>) dst(%dma_wait3A_240 : memref<10112x128xf32, #tpu.memory_space<vmem_shared>>)
      %dma_start3A_241 = arith.constant 9 : i32
      %dma_start3A_242 = arith.constant 0 : i32
      %dma_start3A_243 = tpu.memref_slice %arg8[%dma_start3A_241, %dma_start3A_242] : memref<25x80xi32, #tpu.memory_space<vmem>> -> memref<1x80xi32, #tpu.memory_space<vmem>>
      %dma_start3A_244 = tpu.memref_squeeze %dma_start3A_243 : memref<1x80xi32, #tpu.memory_space<vmem>> -> memref<80xi32, #tpu.memory_space<vmem>>
      %dma_start3A_245 = arith.constant 0 : i32
      %dma_start3A_246 = arith.constant 0 : i32
      %dma_start3A_247 = tpu.memref_slice %arg2[%dma_start3A_245, %dma_start3A_246] : memref<10112x128xf32, #tpu.memory_space<hbm>> -> memref<10112x128xf32, #tpu.memory_space<hbm>>
      tpu.enqueue_indirect_dma source(%dma_start3A_247 : memref<10112x128xf32, #tpu.memory_space<hbm>>) target(%arg10 : memref<80x128xf32, #tpu.memory_space<vmem>>) offsets(%dma_start3A_244 : memref<80xi32, #tpu.memory_space<vmem>>) semaphore(%arg13 : memref<!tpu.dma_semaphore, #tpu.memory_space<semaphore_mem>>)
      %dma_wait3A_248 = arith.constant 8 : i32
      %dma_wait3A_249 = arith.constant 0 : i32
      %dma_wait3A_250 = tpu.memref_slice %arg8[%dma_wait3A_248, %dma_wait3A_249] : memref<25x80xi32, #tpu.memory_space<vmem>> -> memref<1x80xi32, #tpu.memory_space<vmem>>
      %dma_wait3A_251 = tpu.memref_squeeze %dma_wait3A_250 : memref<1x80xi32, #tpu.memory_space<vmem>> -> memref<80xi32, #tpu.memory_space<vmem>>
      %dma_wait3A_252 = arith.constant 0 : i32
      %dma_wait3A_253 = arith.constant 0 : i32
      %dma_wait3A_254 = tpu.memref_slice %arg2[%dma_wait3A_252, %dma_wait3A_253] : memref<10112x128xf32, #tpu.memory_space<hbm>> -> memref<10112x128xf32, #tpu.memory_space<hbm>>
      tpu.wait_indirect_dma semaphore(%arg12 : memref<!tpu.dma_semaphore, #tpu.memory_space<semaphore_mem>>) src(%dma_wait3A_254 : memref<10112x128xf32, #tpu.memory_space<hbm>>) dst(%arg9 : memref<80x128xf32, #tpu.memory_space<vmem>>)
      %add3A_255 = arith.constant 8 : i32
      %add3A_256 = arith.addi %mul3A_11, %add3A_255 : i32
      %dma_start3A_257 = arith.constant 0 : i32
      %dma_start3A_258 = tpu.memref_slice %arg7[%add3A_256, %dma_start3A_257] : memref<125x80xi32, #tpu.memory_space<vmem>> -> memref<1x80xi32, #tpu.memory_space<vmem>>
      %dma_start3A_259 = tpu.memref_squeeze %dma_start3A_258 : memref<1x80xi32, #tpu.memory_space<vmem>> -> memref<80xi32, #tpu.memory_space<vmem>>
      %dma_start3A_260 = arith.constant 0 : i32
      %dma_start3A_261 = arith.constant 0 : i32
      %dma_start3A_262 = tpu.memref_slice %arg11[%dma_start3A_260, %dma_start3A_261] : memref<10112x128xf32, #tpu.memory_space<vmem_shared>> -> memref<10112x128xf32, #tpu.memory_space<vmem_shared>>
      tpu.enqueue_indirect_dma source(%arg9 : memref<80x128xf32, #tpu.memory_space<vmem>>) target(%dma_start3A_262 : memref<10112x128xf32, #tpu.memory_space<vmem_shared>>) offsets(%dma_start3A_259 : memref<80xi32, #tpu.memory_space<vmem>>) semaphore(%arg14 : memref<!tpu.dma_semaphore, #tpu.memory_space<semaphore_mem>>) {add = true}
      %dma_wait3A_263 = arith.constant 0 : i32
      %dma_wait3A_264 = tpu.memref_slice %arg7[%add3A_256, %dma_wait3A_263] : memref<125x80xi32, #tpu.memory_space<vmem>> -> memref<1x80xi32, #tpu.memory_space<vmem>>
      %dma_wait3A_265 = tpu.memref_squeeze %dma_wait3A_264 : memref<1x80xi32, #tpu.memory_space<vmem>> -> memref<80xi32, #tpu.memory_space<vmem>>
      %dma_wait3A_266 = arith.constant 0 : i32
      %dma_wait3A_267 = arith.constant 0 : i32
      %dma_wait3A_268 = tpu.memref_slice %arg11[%dma_wait3A_266, %dma_wait3A_267] : memref<10112x128xf32, #tpu.memory_space<vmem_shared>> -> memref<10112x128xf32, #tpu.memory_space<vmem_shared>>
      tpu.wait_indirect_dma semaphore(%arg14 : memref<!tpu.dma_semaphore, #tpu.memory_space<semaphore_mem>>) src(%arg9 : memref<80x128xf32, #tpu.memory_space<vmem>>) dst(%dma_wait3A_268 : memref<10112x128xf32, #tpu.memory_space<vmem_shared>>)
      %dma_start3A_269 = arith.constant 10 : i32
      %dma_start3A_270 = arith.constant 0 : i32
      %dma_start3A_271 = tpu.memref_slice %arg8[%dma_start3A_269, %dma_start3A_270] : memref<25x80xi32, #tpu.memory_space<vmem>> -> memref<1x80xi32, #tpu.memory_space<vmem>>
      %dma_start3A_272 = tpu.memref_squeeze %dma_start3A_271 : memref<1x80xi32, #tpu.memory_space<vmem>> -> memref<80xi32, #tpu.memory_space<vmem>>
      %dma_start3A_273 = arith.constant 0 : i32
      %dma_start3A_274 = arith.constant 0 : i32
      %dma_start3A_275 = tpu.memref_slice %arg2[%dma_start3A_273, %dma_start3A_274] : memref<10112x128xf32, #tpu.memory_space<hbm>> -> memref<10112x128xf32, #tpu.memory_space<hbm>>
      tpu.enqueue_indirect_dma source(%dma_start3A_275 : memref<10112x128xf32, #tpu.memory_space<hbm>>) target(%arg9 : memref<80x128xf32, #tpu.memory_space<vmem>>) offsets(%dma_start3A_272 : memref<80xi32, #tpu.memory_space<vmem>>) semaphore(%arg12 : memref<!tpu.dma_semaphore, #tpu.memory_space<semaphore_mem>>)
      %dma_wait3A_276 = arith.constant 9 : i32
      %dma_wait3A_277 = arith.constant 0 : i32
      %dma_wait3A_278 = tpu.memref_slice %arg8[%dma_wait3A_276, %dma_wait3A_277] : memref<25x80xi32, #tpu.memory_space<vmem>> -> memref<1x80xi32, #tpu.memory_space<vmem>>
      %dma_wait3A_279 = tpu.memref_squeeze %dma_wait3A_278 : memref<1x80xi32, #tpu.memory_space<vmem>> -> memref<80xi32, #tpu.memory_space<vmem>>
      %dma_wait3A_280 = arith.constant 0 : i32
      %dma_wait3A_281 = arith.constant 0 : i32
      %dma_wait3A_282 = tpu.memref_slice %arg2[%dma_wait3A_280, %dma_wait3A_281] : memref<10112x128xf32, #tpu.memory_space<hbm>> -> memref<10112x128xf32, #tpu.memory_space<hbm>>
      tpu.wait_indirect_dma semaphore(%arg13 : memref<!tpu.dma_semaphore, #tpu.memory_space<semaphore_mem>>) src(%dma_wait3A_282 : memref<10112x128xf32, #tpu.memory_space<hbm>>) dst(%arg10 : memref<80x128xf32, #tpu.memory_space<vmem>>)
      %add3A_283 = arith.constant 9 : i32
      %add3A_284 = arith.addi %mul3A_11, %add3A_283 : i32
      %dma_start3A_285 = arith.constant 0 : i32
      %dma_start3A_286 = tpu.memref_slice %arg7[%add3A_284, %dma_start3A_285] : memref<125x80xi32, #tpu.memory_space<vmem>> -> memref<1x80xi32, #tpu.memory_space<vmem>>
      %dma_start3A_287 = tpu.memref_squeeze %dma_start3A_286 : memref<1x80xi32, #tpu.memory_space<vmem>> -> memref<80xi32, #tpu.memory_space<vmem>>
      %dma_start3A_288 = arith.constant 0 : i32
      %dma_start3A_289 = arith.constant 0 : i32
      %dma_start3A_290 = tpu.memref_slice %arg11[%dma_start3A_288, %dma_start3A_289] : memref<10112x128xf32, #tpu.memory_space<vmem_shared>> -> memref<10112x128xf32, #tpu.memory_space<vmem_shared>>
      tpu.enqueue_indirect_dma source(%arg10 : memref<80x128xf32, #tpu.memory_space<vmem>>) target(%dma_start3A_290 : memref<10112x128xf32, #tpu.memory_space<vmem_shared>>) offsets(%dma_start3A_287 : memref<80xi32, #tpu.memory_space<vmem>>) semaphore(%arg14 : memref<!tpu.dma_semaphore, #tpu.memory_space<semaphore_mem>>) {add = true}
      %dma_wait3A_291 = arith.constant 0 : i32
      %dma_wait3A_292 = tpu.memref_slice %arg7[%add3A_284, %dma_wait3A_291] : memref<125x80xi32, #tpu.memory_space<vmem>> -> memref<1x80xi32, #tpu.memory_space<vmem>>
      %dma_wait3A_293 = tpu.memref_squeeze %dma_wait3A_292 : memref<1x80xi32, #tpu.memory_space<vmem>> -> memref<80xi32, #tpu.memory_space<vmem>>
      %dma_wait3A_294 = arith.constant 0 : i32
      %dma_wait3A_295 = arith.constant 0 : i32
      %dma_wait3A_296 = tpu.memref_slice %arg11[%dma_wait3A_294, %dma_wait3A_295] : memref<10112x128xf32, #tpu.memory_space<vmem_shared>> -> memref<10112x128xf32, #tpu.memory_space<vmem_shared>>
      tpu.wait_indirect_dma semaphore(%arg14 : memref<!tpu.dma_semaphore, #tpu.memory_space<semaphore_mem>>) src(%arg10 : memref<80x128xf32, #tpu.memory_space<vmem>>) dst(%dma_wait3A_296 : memref<10112x128xf32, #tpu.memory_space<vmem_shared>>)
      %dma_start3A_297 = arith.constant 11 : i32
      %dma_start3A_298 = arith.constant 0 : i32
      %dma_start3A_299 = tpu.memref_slice %arg8[%dma_start3A_297, %dma_start3A_298] : memref<25x80xi32, #tpu.memory_space<vmem>> -> memref<1x80xi32, #tpu.memory_space<vmem>>
      %dma_start3A_300 = tpu.memref_squeeze %dma_start3A_299 : memref<1x80xi32, #tpu.memory_space<vmem>> -> memref<80xi32, #tpu.memory_space<vmem>>
      %dma_start3A_301 = arith.constant 0 : i32
      %dma_start3A_302 = arith.constant 0 : i32
      %dma_start3A_303 = tpu.memref_slice %arg2[%dma_start3A_301, %dma_start3A_302] : memref<10112x128xf32, #tpu.memory_space<hbm>> -> memref<10112x128xf32, #tpu.memory_space<hbm>>
      tpu.enqueue_indirect_dma source(%dma_start3A_303 : memref<10112x128xf32, #tpu.memory_space<hbm>>) target(%arg10 : memref<80x128xf32, #tpu.memory_space<vmem>>) offsets(%dma_start3A_300 : memref<80xi32, #tpu.memory_space<vmem>>) semaphore(%arg13 : memref<!tpu.dma_semaphore, #tpu.memory_space<semaphore_mem>>)
      %dma_wait3A_304 = arith.constant 10 : i32
      %dma_wait3A_305 = arith.constant 0 : i32
      %dma_wait3A_306 = tpu.memref_slice %arg8[%dma_wait3A_304, %dma_wait3A_305] : memref<25x80xi32, #tpu.memory_space<vmem>> -> memref<1x80xi32, #tpu.memory_space<vmem>>
      %dma_wait3A_307 = tpu.memref_squeeze %dma_wait3A_306 : memref<1x80xi32, #tpu.memory_space<vmem>> -> memref<80xi32, #tpu.memory_space<vmem>>
      %dma_wait3A_308 = arith.constant 0 : i32
      %dma_wait3A_309 = arith.constant 0 : i32
      %dma_wait3A_310 = tpu.memref_slice %arg2[%dma_wait3A_308, %dma_wait3A_309] : memref<10112x128xf32, #tpu.memory_space<hbm>> -> memref<10112x128xf32, #tpu.memory_space<hbm>>
      tpu.wait_indirect_dma semaphore(%arg12 : memref<!tpu.dma_semaphore, #tpu.memory_space<semaphore_mem>>) src(%dma_wait3A_310 : memref<10112x128xf32, #tpu.memory_space<hbm>>) dst(%arg9 : memref<80x128xf32, #tpu.memory_space<vmem>>)
      %add3A_311 = arith.constant 10 : i32
      %add3A_312 = arith.addi %mul3A_11, %add3A_311 : i32
      %dma_start3A_313 = arith.constant 0 : i32
      %dma_start3A_314 = tpu.memref_slice %arg7[%add3A_312, %dma_start3A_313] : memref<125x80xi32, #tpu.memory_space<vmem>> -> memref<1x80xi32, #tpu.memory_space<vmem>>
      %dma_start3A_315 = tpu.memref_squeeze %dma_start3A_314 : memref<1x80xi32, #tpu.memory_space<vmem>> -> memref<80xi32, #tpu.memory_space<vmem>>
      %dma_start3A_316 = arith.constant 0 : i32
      %dma_start3A_317 = arith.constant 0 : i32
      %dma_start3A_318 = tpu.memref_slice %arg11[%dma_start3A_316, %dma_start3A_317] : memref<10112x128xf32, #tpu.memory_space<vmem_shared>> -> memref<10112x128xf32, #tpu.memory_space<vmem_shared>>
      tpu.enqueue_indirect_dma source(%arg9 : memref<80x128xf32, #tpu.memory_space<vmem>>) target(%dma_start3A_318 : memref<10112x128xf32, #tpu.memory_space<vmem_shared>>) offsets(%dma_start3A_315 : memref<80xi32, #tpu.memory_space<vmem>>) semaphore(%arg14 : memref<!tpu.dma_semaphore, #tpu.memory_space<semaphore_mem>>) {add = true}
      %dma_wait3A_319 = arith.constant 0 : i32
      %dma_wait3A_320 = tpu.memref_slice %arg7[%add3A_312, %dma_wait3A_319] : memref<125x80xi32, #tpu.memory_space<vmem>> -> memref<1x80xi32, #tpu.memory_space<vmem>>
      %dma_wait3A_321 = tpu.memref_squeeze %dma_wait3A_320 : memref<1x80xi32, #tpu.memory_space<vmem>> -> memref<80xi32, #tpu.memory_space<vmem>>
      %dma_wait3A_322 = arith.constant 0 : i32
      %dma_wait3A_323 = arith.constant 0 : i32
      %dma_wait3A_324 = tpu.memref_slice %arg11[%dma_wait3A_322, %dma_wait3A_323] : memref<10112x128xf32, #tpu.memory_space<vmem_shared>> -> memref<10112x128xf32, #tpu.memory_space<vmem_shared>>
      tpu.wait_indirect_dma semaphore(%arg14 : memref<!tpu.dma_semaphore, #tpu.memory_space<semaphore_mem>>) src(%arg9 : memref<80x128xf32, #tpu.memory_space<vmem>>) dst(%dma_wait3A_324 : memref<10112x128xf32, #tpu.memory_space<vmem_shared>>)
      %dma_start3A_325 = arith.constant 12 : i32
      %dma_start3A_326 = arith.constant 0 : i32
      %dma_start3A_327 = tpu.memref_slice %arg8[%dma_start3A_325, %dma_start3A_326] : memref<25x80xi32, #tpu.memory_space<vmem>> -> memref<1x80xi32, #tpu.memory_space<vmem>>
      %dma_start3A_328 = tpu.memref_squeeze %dma_start3A_327 : memref<1x80xi32, #tpu.memory_space<vmem>> -> memref<80xi32, #tpu.memory_space<vmem>>
      %dma_start3A_329 = arith.constant 0 : i32
      %dma_start3A_330 = arith.constant 0 : i32
      %dma_start3A_331 = tpu.memref_slice %arg2[%dma_start3A_329, %dma_start3A_330] : memref<10112x128xf32, #tpu.memory_space<hbm>> -> memref<10112x128xf32, #tpu.memory_space<hbm>>
      tpu.enqueue_indirect_dma source(%dma_start3A_331 : memref<10112x128xf32, #tpu.memory_space<hbm>>) target(%arg9 : memref<80x128xf32, #tpu.memory_space<vmem>>) offsets(%dma_start3A_328 : memref<80xi32, #tpu.memory_space<vmem>>) semaphore(%arg12 : memref<!tpu.dma_semaphore, #tpu.memory_space<semaphore_mem>>)
      %dma_wait3A_332 = arith.constant 11 : i32
      %dma_wait3A_333 = arith.constant 0 : i32
      %dma_wait3A_334 = tpu.memref_slice %arg8[%dma_wait3A_332, %dma_wait3A_333] : memref<25x80xi32, #tpu.memory_space<vmem>> -> memref<1x80xi32, #tpu.memory_space<vmem>>
      %dma_wait3A_335 = tpu.memref_squeeze %dma_wait3A_334 : memref<1x80xi32, #tpu.memory_space<vmem>> -> memref<80xi32, #tpu.memory_space<vmem>>
      %dma_wait3A_336 = arith.constant 0 : i32
      %dma_wait3A_337 = arith.constant 0 : i32
      %dma_wait3A_338 = tpu.memref_slice %arg2[%dma_wait3A_336, %dma_wait3A_337] : memref<10112x128xf32, #tpu.memory_space<hbm>> -> memref<10112x128xf32, #tpu.memory_space<hbm>>
      tpu.wait_indirect_dma semaphore(%arg13 : memref<!tpu.dma_semaphore, #tpu.memory_space<semaphore_mem>>) src(%dma_wait3A_338 : memref<10112x128xf32, #tpu.memory_space<hbm>>) dst(%arg10 : memref<80x128xf32, #tpu.memory_space<vmem>>)
      %add3A_339 = arith.constant 11 : i32
      %add3A_340 = arith.addi %mul3A_11, %add3A_339 : i32
      %dma_start3A_341 = arith.constant 0 : i32
      %dma_start3A_342 = tpu.memref_slice %arg7[%add3A_340, %dma_start3A_341] : memref<125x80xi32, #tpu.memory_space<vmem>> -> memref<1x80xi32, #tpu.memory_space<vmem>>
      %dma_start3A_343 = tpu.memref_squeeze %dma_start3A_342 : memref<1x80xi32, #tpu.memory_space<vmem>> -> memref<80xi32, #tpu.memory_space<vmem>>
      %dma_start3A_344 = arith.constant 0 : i32
      %dma_start3A_345 = arith.constant 0 : i32
      %dma_start3A_346 = tpu.memref_slice %arg11[%dma_start3A_344, %dma_start3A_345] : memref<10112x128xf32, #tpu.memory_space<vmem_shared>> -> memref<10112x128xf32, #tpu.memory_space<vmem_shared>>
      tpu.enqueue_indirect_dma source(%arg10 : memref<80x128xf32, #tpu.memory_space<vmem>>) target(%dma_start3A_346 : memref<10112x128xf32, #tpu.memory_space<vmem_shared>>) offsets(%dma_start3A_343 : memref<80xi32, #tpu.memory_space<vmem>>) semaphore(%arg14 : memref<!tpu.dma_semaphore, #tpu.memory_space<semaphore_mem>>) {add = true}
      %dma_wait3A_347 = arith.constant 0 : i32
      %dma_wait3A_348 = tpu.memref_slice %arg7[%add3A_340, %dma_wait3A_347] : memref<125x80xi32, #tpu.memory_space<vmem>> -> memref<1x80xi32, #tpu.memory_space<vmem>>
      %dma_wait3A_349 = tpu.memref_squeeze %dma_wait3A_348 : memref<1x80xi32, #tpu.memory_space<vmem>> -> memref<80xi32, #tpu.memory_space<vmem>>
      %dma_wait3A_350 = arith.constant 0 : i32
      %dma_wait3A_351 = arith.constant 0 : i32
      %dma_wait3A_352 = tpu.memref_slice %arg11[%dma_wait3A_350, %dma_wait3A_351] : memref<10112x128xf32, #tpu.memory_space<vmem_shared>> -> memref<10112x128xf32, #tpu.memory_space<vmem_shared>>
      tpu.wait_indirect_dma semaphore(%arg14 : memref<!tpu.dma_semaphore, #tpu.memory_space<semaphore_mem>>) src(%arg10 : memref<80x128xf32, #tpu.memory_space<vmem>>) dst(%dma_wait3A_352 : memref<10112x128xf32, #tpu.memory_space<vmem_shared>>)
      %dma_start3A_353 = arith.constant 13 : i32
      %dma_start3A_354 = arith.constant 0 : i32
      %dma_start3A_355 = tpu.memref_slice %arg8[%dma_start3A_353, %dma_start3A_354] : memref<25x80xi32, #tpu.memory_space<vmem>> -> memref<1x80xi32, #tpu.memory_space<vmem>>
      %dma_start3A_356 = tpu.memref_squeeze %dma_start3A_355 : memref<1x80xi32, #tpu.memory_space<vmem>> -> memref<80xi32, #tpu.memory_space<vmem>>
      %dma_start3A_357 = arith.constant 0 : i32
      %dma_start3A_358 = arith.constant 0 : i32
      %dma_start3A_359 = tpu.memref_slice %arg2[%dma_start3A_357, %dma_start3A_358] : memref<10112x128xf32, #tpu.memory_space<hbm>> -> memref<10112x128xf32, #tpu.memory_space<hbm>>
      tpu.enqueue_indirect_dma source(%dma_start3A_359 : memref<10112x128xf32, #tpu.memory_space<hbm>>) target(%arg10 : memref<80x128xf32, #tpu.memory_space<vmem>>) offsets(%dma_start3A_356 : memref<80xi32, #tpu.memory_space<vmem>>) semaphore(%arg13 : memref<!tpu.dma_semaphore, #tpu.memory_space<semaphore_mem>>)
      %dma_wait3A_360 = arith.constant 12 : i32
      %dma_wait3A_361 = arith.constant 0 : i32
      %dma_wait3A_362 = tpu.memref_slice %arg8[%dma_wait3A_360, %dma_wait3A_361] : memref<25x80xi32, #tpu.memory_space<vmem>> -> memref<1x80xi32, #tpu.memory_space<vmem>>
      %dma_wait3A_363 = tpu.memref_squeeze %dma_wait3A_362 : memref<1x80xi32, #tpu.memory_space<vmem>> -> memref<80xi32, #tpu.memory_space<vmem>>
      %dma_wait3A_364 = arith.constant 0 : i32
      %dma_wait3A_365 = arith.constant 0 : i32
      %dma_wait3A_366 = tpu.memref_slice %arg2[%dma_wait3A_364, %dma_wait3A_365] : memref<10112x128xf32, #tpu.memory_space<hbm>> -> memref<10112x128xf32, #tpu.memory_space<hbm>>
      tpu.wait_indirect_dma semaphore(%arg12 : memref<!tpu.dma_semaphore, #tpu.memory_space<semaphore_mem>>) src(%dma_wait3A_366 : memref<10112x128xf32, #tpu.memory_space<hbm>>) dst(%arg9 : memref<80x128xf32, #tpu.memory_space<vmem>>)
      %add3A_367 = arith.constant 12 : i32
      %add3A_368 = arith.addi %mul3A_11, %add3A_367 : i32
      %dma_start3A_369 = arith.constant 0 : i32
      %dma_start3A_370 = tpu.memref_slice %arg7[%add3A_368, %dma_start3A_369] : memref<125x80xi32, #tpu.memory_space<vmem>> -> memref<1x80xi32, #tpu.memory_space<vmem>>
      %dma_start3A_371 = tpu.memref_squeeze %dma_start3A_370 : memref<1x80xi32, #tpu.memory_space<vmem>> -> memref<80xi32, #tpu.memory_space<vmem>>
      %dma_start3A_372 = arith.constant 0 : i32
      %dma_start3A_373 = arith.constant 0 : i32
      %dma_start3A_374 = tpu.memref_slice %arg11[%dma_start3A_372, %dma_start3A_373] : memref<10112x128xf32, #tpu.memory_space<vmem_shared>> -> memref<10112x128xf32, #tpu.memory_space<vmem_shared>>
      tpu.enqueue_indirect_dma source(%arg9 : memref<80x128xf32, #tpu.memory_space<vmem>>) target(%dma_start3A_374 : memref<10112x128xf32, #tpu.memory_space<vmem_shared>>) offsets(%dma_start3A_371 : memref<80xi32, #tpu.memory_space<vmem>>) semaphore(%arg14 : memref<!tpu.dma_semaphore, #tpu.memory_space<semaphore_mem>>) {add = true}
      %dma_wait3A_375 = arith.constant 0 : i32
      %dma_wait3A_376 = tpu.memref_slice %arg7[%add3A_368, %dma_wait3A_375] : memref<125x80xi32, #tpu.memory_space<vmem>> -> memref<1x80xi32, #tpu.memory_space<vmem>>
      %dma_wait3A_377 = tpu.memref_squeeze %dma_wait3A_376 : memref<1x80xi32, #tpu.memory_space<vmem>> -> memref<80xi32, #tpu.memory_space<vmem>>
      %dma_wait3A_378 = arith.constant 0 : i32
      %dma_wait3A_379 = arith.constant 0 : i32
      %dma_wait3A_380 = tpu.memref_slice %arg11[%dma_wait3A_378, %dma_wait3A_379] : memref<10112x128xf32, #tpu.memory_space<vmem_shared>> -> memref<10112x128xf32, #tpu.memory_space<vmem_shared>>
      tpu.wait_indirect_dma semaphore(%arg14 : memref<!tpu.dma_semaphore, #tpu.memory_space<semaphore_mem>>) src(%arg9 : memref<80x128xf32, #tpu.memory_space<vmem>>) dst(%dma_wait3A_380 : memref<10112x128xf32, #tpu.memory_space<vmem_shared>>)
      %dma_start3A_381 = arith.constant 14 : i32
      %dma_start3A_382 = arith.constant 0 : i32
      %dma_start3A_383 = tpu.memref_slice %arg8[%dma_start3A_381, %dma_start3A_382] : memref<25x80xi32, #tpu.memory_space<vmem>> -> memref<1x80xi32, #tpu.memory_space<vmem>>
      %dma_start3A_384 = tpu.memref_squeeze %dma_start3A_383 : memref<1x80xi32, #tpu.memory_space<vmem>> -> memref<80xi32, #tpu.memory_space<vmem>>
      %dma_start3A_385 = arith.constant 0 : i32
      %dma_start3A_386 = arith.constant 0 : i32
      %dma_start3A_387 = tpu.memref_slice %arg2[%dma_start3A_385, %dma_start3A_386] : memref<10112x128xf32, #tpu.memory_space<hbm>> -> memref<10112x128xf32, #tpu.memory_space<hbm>>
      tpu.enqueue_indirect_dma source(%dma_start3A_387 : memref<10112x128xf32, #tpu.memory_space<hbm>>) target(%arg9 : memref<80x128xf32, #tpu.memory_space<vmem>>) offsets(%dma_start3A_384 : memref<80xi32, #tpu.memory_space<vmem>>) semaphore(%arg12 : memref<!tpu.dma_semaphore, #tpu.memory_space<semaphore_mem>>)
      %dma_wait3A_388 = arith.constant 13 : i32
      %dma_wait3A_389 = arith.constant 0 : i32
      %dma_wait3A_390 = tpu.memref_slice %arg8[%dma_wait3A_388, %dma_wait3A_389] : memref<25x80xi32, #tpu.memory_space<vmem>> -> memref<1x80xi32, #tpu.memory_space<vmem>>
      %dma_wait3A_391 = tpu.memref_squeeze %dma_wait3A_390 : memref<1x80xi32, #tpu.memory_space<vmem>> -> memref<80xi32, #tpu.memory_space<vmem>>
      %dma_wait3A_392 = arith.constant 0 : i32
      %dma_wait3A_393 = arith.constant 0 : i32
      %dma_wait3A_394 = tpu.memref_slice %arg2[%dma_wait3A_392, %dma_wait3A_393] : memref<10112x128xf32, #tpu.memory_space<hbm>> -> memref<10112x128xf32, #tpu.memory_space<hbm>>
      tpu.wait_indirect_dma semaphore(%arg13 : memref<!tpu.dma_semaphore, #tpu.memory_space<semaphore_mem>>) src(%dma_wait3A_394 : memref<10112x128xf32, #tpu.memory_space<hbm>>) dst(%arg10 : memref<80x128xf32, #tpu.memory_space<vmem>>)
      %add3A_395 = arith.constant 13 : i32
      %add3A_396 = arith.addi %mul3A_11, %add3A_395 : i32
      %dma_start3A_397 = arith.constant 0 : i32
      %dma_start3A_398 = tpu.memref_slice %arg7[%add3A_396, %dma_start3A_397] : memref<125x80xi32, #tpu.memory_space<vmem>> -> memref<1x80xi32, #tpu.memory_space<vmem>>
      %dma_start3A_399 = tpu.memref_squeeze %dma_start3A_398 : memref<1x80xi32, #tpu.memory_space<vmem>> -> memref<80xi32, #tpu.memory_space<vmem>>
      %dma_start3A_400 = arith.constant 0 : i32
      %dma_start3A_401 = arith.constant 0 : i32
      %dma_start3A_402 = tpu.memref_slice %arg11[%dma_start3A_400, %dma_start3A_401] : memref<10112x128xf32, #tpu.memory_space<vmem_shared>> -> memref<10112x128xf32, #tpu.memory_space<vmem_shared>>
      tpu.enqueue_indirect_dma source(%arg10 : memref<80x128xf32, #tpu.memory_space<vmem>>) target(%dma_start3A_402 : memref<10112x128xf32, #tpu.memory_space<vmem_shared>>) offsets(%dma_start3A_399 : memref<80xi32, #tpu.memory_space<vmem>>) semaphore(%arg14 : memref<!tpu.dma_semaphore, #tpu.memory_space<semaphore_mem>>) {add = true}
      %dma_wait3A_403 = arith.constant 0 : i32
      %dma_wait3A_404 = tpu.memref_slice %arg7[%add3A_396, %dma_wait3A_403] : memref<125x80xi32, #tpu.memory_space<vmem>> -> memref<1x80xi32, #tpu.memory_space<vmem>>
      %dma_wait3A_405 = tpu.memref_squeeze %dma_wait3A_404 : memref<1x80xi32, #tpu.memory_space<vmem>> -> memref<80xi32, #tpu.memory_space<vmem>>
      %dma_wait3A_406 = arith.constant 0 : i32
      %dma_wait3A_407 = arith.constant 0 : i32
      %dma_wait3A_408 = tpu.memref_slice %arg11[%dma_wait3A_406, %dma_wait3A_407] : memref<10112x128xf32, #tpu.memory_space<vmem_shared>> -> memref<10112x128xf32, #tpu.memory_space<vmem_shared>>
      tpu.wait_indirect_dma semaphore(%arg14 : memref<!tpu.dma_semaphore, #tpu.memory_space<semaphore_mem>>) src(%arg10 : memref<80x128xf32, #tpu.memory_space<vmem>>) dst(%dma_wait3A_408 : memref<10112x128xf32, #tpu.memory_space<vmem_shared>>)
      %dma_start3A_409 = arith.constant 15 : i32
      %dma_start3A_410 = arith.constant 0 : i32
      %dma_start3A_411 = tpu.memref_slice %arg8[%dma_start3A_409, %dma_start3A_410] : memref<25x80xi32, #tpu.memory_space<vmem>> -> memref<1x80xi32, #tpu.memory_space<vmem>>
      %dma_start3A_412 = tpu.memref_squeeze %dma_start3A_411 : memref<1x80xi32, #tpu.memory_space<vmem>> -> memref<80xi32, #tpu.memory_space<vmem>>
      %dma_start3A_413 = arith.constant 0 : i32
      %dma_start3A_414 = arith.constant 0 : i32
      %dma_start3A_415 = tpu.memref_slice %arg2[%dma_start3A_413, %dma_start3A_414] : memref<10112x128xf32, #tpu.memory_space<hbm>> -> memref<10112x128xf32, #tpu.memory_space<hbm>>
      tpu.enqueue_indirect_dma source(%dma_start3A_415 : memref<10112x128xf32, #tpu.memory_space<hbm>>) target(%arg10 : memref<80x128xf32, #tpu.memory_space<vmem>>) offsets(%dma_start3A_412 : memref<80xi32, #tpu.memory_space<vmem>>) semaphore(%arg13 : memref<!tpu.dma_semaphore, #tpu.memory_space<semaphore_mem>>)
      %dma_wait3A_416 = arith.constant 14 : i32
      %dma_wait3A_417 = arith.constant 0 : i32
      %dma_wait3A_418 = tpu.memref_slice %arg8[%dma_wait3A_416, %dma_wait3A_417] : memref<25x80xi32, #tpu.memory_space<vmem>> -> memref<1x80xi32, #tpu.memory_space<vmem>>
      %dma_wait3A_419 = tpu.memref_squeeze %dma_wait3A_418 : memref<1x80xi32, #tpu.memory_space<vmem>> -> memref<80xi32, #tpu.memory_space<vmem>>
      %dma_wait3A_420 = arith.constant 0 : i32
      %dma_wait3A_421 = arith.constant 0 : i32
      %dma_wait3A_422 = tpu.memref_slice %arg2[%dma_wait3A_420, %dma_wait3A_421] : memref<10112x128xf32, #tpu.memory_space<hbm>> -> memref<10112x128xf32, #tpu.memory_space<hbm>>
      tpu.wait_indirect_dma semaphore(%arg12 : memref<!tpu.dma_semaphore, #tpu.memory_space<semaphore_mem>>) src(%dma_wait3A_422 : memref<10112x128xf32, #tpu.memory_space<hbm>>) dst(%arg9 : memref<80x128xf32, #tpu.memory_space<vmem>>)
      %add3A_423 = arith.constant 14 : i32
      %add3A_424 = arith.addi %mul3A_11, %add3A_423 : i32
      %dma_start3A_425 = arith.constant 0 : i32
      %dma_start3A_426 = tpu.memref_slice %arg7[%add3A_424, %dma_start3A_425] : memref<125x80xi32, #tpu.memory_space<vmem>> -> memref<1x80xi32, #tpu.memory_space<vmem>>
      %dma_start3A_427 = tpu.memref_squeeze %dma_start3A_426 : memref<1x80xi32, #tpu.memory_space<vmem>> -> memref<80xi32, #tpu.memory_space<vmem>>
      %dma_start3A_428 = arith.constant 0 : i32
      %dma_start3A_429 = arith.constant 0 : i32
      %dma_start3A_430 = tpu.memref_slice %arg11[%dma_start3A_428, %dma_start3A_429] : memref<10112x128xf32, #tpu.memory_space<vmem_shared>> -> memref<10112x128xf32, #tpu.memory_space<vmem_shared>>
      tpu.enqueue_indirect_dma source(%arg9 : memref<80x128xf32, #tpu.memory_space<vmem>>) target(%dma_start3A_430 : memref<10112x128xf32, #tpu.memory_space<vmem_shared>>) offsets(%dma_start3A_427 : memref<80xi32, #tpu.memory_space<vmem>>) semaphore(%arg14 : memref<!tpu.dma_semaphore, #tpu.memory_space<semaphore_mem>>) {add = true}
      %dma_wait3A_431 = arith.constant 0 : i32
      %dma_wait3A_432 = tpu.memref_slice %arg7[%add3A_424, %dma_wait3A_431] : memref<125x80xi32, #tpu.memory_space<vmem>> -> memref<1x80xi32, #tpu.memory_space<vmem>>
      %dma_wait3A_433 = tpu.memref_squeeze %dma_wait3A_432 : memref<1x80xi32, #tpu.memory_space<vmem>> -> memref<80xi32, #tpu.memory_space<vmem>>
      %dma_wait3A_434 = arith.constant 0 : i32
      %dma_wait3A_435 = arith.constant 0 : i32
      %dma_wait3A_436 = tpu.memref_slice %arg11[%dma_wait3A_434, %dma_wait3A_435] : memref<10112x128xf32, #tpu.memory_space<vmem_shared>> -> memref<10112x128xf32, #tpu.memory_space<vmem_shared>>
      tpu.wait_indirect_dma semaphore(%arg14 : memref<!tpu.dma_semaphore, #tpu.memory_space<semaphore_mem>>) src(%arg9 : memref<80x128xf32, #tpu.memory_space<vmem>>) dst(%dma_wait3A_436 : memref<10112x128xf32, #tpu.memory_space<vmem_shared>>)
      %dma_start3A_437 = arith.constant 16 : i32
      %dma_start3A_438 = arith.constant 0 : i32
      %dma_start3A_439 = tpu.memref_slice %arg8[%dma_start3A_437, %dma_start3A_438] : memref<25x80xi32, #tpu.memory_space<vmem>> -> memref<1x80xi32, #tpu.memory_space<vmem>>
      %dma_start3A_440 = tpu.memref_squeeze %dma_start3A_439 : memref<1x80xi32, #tpu.memory_space<vmem>> -> memref<80xi32, #tpu.memory_space<vmem>>
      %dma_start3A_441 = arith.constant 0 : i32
      %dma_start3A_442 = arith.constant 0 : i32
      %dma_start3A_443 = tpu.memref_slice %arg2[%dma_start3A_441, %dma_start3A_442] : memref<10112x128xf32, #tpu.memory_space<hbm>> -> memref<10112x128xf32, #tpu.memory_space<hbm>>
      tpu.enqueue_indirect_dma source(%dma_start3A_443 : memref<10112x128xf32, #tpu.memory_space<hbm>>) target(%arg9 : memref<80x128xf32, #tpu.memory_space<vmem>>) offsets(%dma_start3A_440 : memref<80xi32, #tpu.memory_space<vmem>>) semaphore(%arg12 : memref<!tpu.dma_semaphore, #tpu.memory_space<semaphore_mem>>)
      %dma_wait3A_444 = arith.constant 15 : i32
      %dma_wait3A_445 = arith.constant 0 : i32
      %dma_wait3A_446 = tpu.memref_slice %arg8[%dma_wait3A_444, %dma_wait3A_445] : memref<25x80xi32, #tpu.memory_space<vmem>> -> memref<1x80xi32, #tpu.memory_space<vmem>>
      %dma_wait3A_447 = tpu.memref_squeeze %dma_wait3A_446 : memref<1x80xi32, #tpu.memory_space<vmem>> -> memref<80xi32, #tpu.memory_space<vmem>>
      %dma_wait3A_448 = arith.constant 0 : i32
      %dma_wait3A_449 = arith.constant 0 : i32
      %dma_wait3A_450 = tpu.memref_slice %arg2[%dma_wait3A_448, %dma_wait3A_449] : memref<10112x128xf32, #tpu.memory_space<hbm>> -> memref<10112x128xf32, #tpu.memory_space<hbm>>
      tpu.wait_indirect_dma semaphore(%arg13 : memref<!tpu.dma_semaphore, #tpu.memory_space<semaphore_mem>>) src(%dma_wait3A_450 : memref<10112x128xf32, #tpu.memory_space<hbm>>) dst(%arg10 : memref<80x128xf32, #tpu.memory_space<vmem>>)
      %add3A_451 = arith.constant 15 : i32
      %add3A_452 = arith.addi %mul3A_11, %add3A_451 : i32
      %dma_start3A_453 = arith.constant 0 : i32
      %dma_start3A_454 = tpu.memref_slice %arg7[%add3A_452, %dma_start3A_453] : memref<125x80xi32, #tpu.memory_space<vmem>> -> memref<1x80xi32, #tpu.memory_space<vmem>>
      %dma_start3A_455 = tpu.memref_squeeze %dma_start3A_454 : memref<1x80xi32, #tpu.memory_space<vmem>> -> memref<80xi32, #tpu.memory_space<vmem>>
      %dma_start3A_456 = arith.constant 0 : i32
      %dma_start3A_457 = arith.constant 0 : i32
      %dma_start3A_458 = tpu.memref_slice %arg11[%dma_start3A_456, %dma_start3A_457] : memref<10112x128xf32, #tpu.memory_space<vmem_shared>> -> memref<10112x128xf32, #tpu.memory_space<vmem_shared>>
      tpu.enqueue_indirect_dma source(%arg10 : memref<80x128xf32, #tpu.memory_space<vmem>>) target(%dma_start3A_458 : memref<10112x128xf32, #tpu.memory_space<vmem_shared>>) offsets(%dma_start3A_455 : memref<80xi32, #tpu.memory_space<vmem>>) semaphore(%arg14 : memref<!tpu.dma_semaphore, #tpu.memory_space<semaphore_mem>>) {add = true}
      %dma_wait3A_459 = arith.constant 0 : i32
      %dma_wait3A_460 = tpu.memref_slice %arg7[%add3A_452, %dma_wait3A_459] : memref<125x80xi32, #tpu.memory_space<vmem>> -> memref<1x80xi32, #tpu.memory_space<vmem>>
      %dma_wait3A_461 = tpu.memref_squeeze %dma_wait3A_460 : memref<1x80xi32, #tpu.memory_space<vmem>> -> memref<80xi32, #tpu.memory_space<vmem>>
      %dma_wait3A_462 = arith.constant 0 : i32
      %dma_wait3A_463 = arith.constant 0 : i32
      %dma_wait3A_464 = tpu.memref_slice %arg11[%dma_wait3A_462, %dma_wait3A_463] : memref<10112x128xf32, #tpu.memory_space<vmem_shared>> -> memref<10112x128xf32, #tpu.memory_space<vmem_shared>>
      tpu.wait_indirect_dma semaphore(%arg14 : memref<!tpu.dma_semaphore, #tpu.memory_space<semaphore_mem>>) src(%arg10 : memref<80x128xf32, #tpu.memory_space<vmem>>) dst(%dma_wait3A_464 : memref<10112x128xf32, #tpu.memory_space<vmem_shared>>)
      %dma_start3A_465 = arith.constant 17 : i32
      %dma_start3A_466 = arith.constant 0 : i32
      %dma_start3A_467 = tpu.memref_slice %arg8[%dma_start3A_465, %dma_start3A_466] : memref<25x80xi32, #tpu.memory_space<vmem>> -> memref<1x80xi32, #tpu.memory_space<vmem>>
      %dma_start3A_468 = tpu.memref_squeeze %dma_start3A_467 : memref<1x80xi32, #tpu.memory_space<vmem>> -> memref<80xi32, #tpu.memory_space<vmem>>
      %dma_start3A_469 = arith.constant 0 : i32
      %dma_start3A_470 = arith.constant 0 : i32
      %dma_start3A_471 = tpu.memref_slice %arg2[%dma_start3A_469, %dma_start3A_470] : memref<10112x128xf32, #tpu.memory_space<hbm>> -> memref<10112x128xf32, #tpu.memory_space<hbm>>
      tpu.enqueue_indirect_dma source(%dma_start3A_471 : memref<10112x128xf32, #tpu.memory_space<hbm>>) target(%arg10 : memref<80x128xf32, #tpu.memory_space<vmem>>) offsets(%dma_start3A_468 : memref<80xi32, #tpu.memory_space<vmem>>) semaphore(%arg13 : memref<!tpu.dma_semaphore, #tpu.memory_space<semaphore_mem>>)
      %dma_wait3A_472 = arith.constant 16 : i32
      %dma_wait3A_473 = arith.constant 0 : i32
      %dma_wait3A_474 = tpu.memref_slice %arg8[%dma_wait3A_472, %dma_wait3A_473] : memref<25x80xi32, #tpu.memory_space<vmem>> -> memref<1x80xi32, #tpu.memory_space<vmem>>
      %dma_wait3A_475 = tpu.memref_squeeze %dma_wait3A_474 : memref<1x80xi32, #tpu.memory_space<vmem>> -> memref<80xi32, #tpu.memory_space<vmem>>
      %dma_wait3A_476 = arith.constant 0 : i32
      %dma_wait3A_477 = arith.constant 0 : i32
      %dma_wait3A_478 = tpu.memref_slice %arg2[%dma_wait3A_476, %dma_wait3A_477] : memref<10112x128xf32, #tpu.memory_space<hbm>> -> memref<10112x128xf32, #tpu.memory_space<hbm>>
      tpu.wait_indirect_dma semaphore(%arg12 : memref<!tpu.dma_semaphore, #tpu.memory_space<semaphore_mem>>) src(%dma_wait3A_478 : memref<10112x128xf32, #tpu.memory_space<hbm>>) dst(%arg9 : memref<80x128xf32, #tpu.memory_space<vmem>>)
      %add3A_479 = arith.constant 16 : i32
      %add3A_480 = arith.addi %mul3A_11, %add3A_479 : i32
      %dma_start3A_481 = arith.constant 0 : i32
      %dma_start3A_482 = tpu.memref_slice %arg7[%add3A_480, %dma_start3A_481] : memref<125x80xi32, #tpu.memory_space<vmem>> -> memref<1x80xi32, #tpu.memory_space<vmem>>
      %dma_start3A_483 = tpu.memref_squeeze %dma_start3A_482 : memref<1x80xi32, #tpu.memory_space<vmem>> -> memref<80xi32, #tpu.memory_space<vmem>>
      %dma_start3A_484 = arith.constant 0 : i32
      %dma_start3A_485 = arith.constant 0 : i32
      %dma_start3A_486 = tpu.memref_slice %arg11[%dma_start3A_484, %dma_start3A_485] : memref<10112x128xf32, #tpu.memory_space<vmem_shared>> -> memref<10112x128xf32, #tpu.memory_space<vmem_shared>>
      tpu.enqueue_indirect_dma source(%arg9 : memref<80x128xf32, #tpu.memory_space<vmem>>) target(%dma_start3A_486 : memref<10112x128xf32, #tpu.memory_space<vmem_shared>>) offsets(%dma_start3A_483 : memref<80xi32, #tpu.memory_space<vmem>>) semaphore(%arg14 : memref<!tpu.dma_semaphore, #tpu.memory_space<semaphore_mem>>) {add = true}
      %dma_wait3A_487 = arith.constant 0 : i32
      %dma_wait3A_488 = tpu.memref_slice %arg7[%add3A_480, %dma_wait3A_487] : memref<125x80xi32, #tpu.memory_space<vmem>> -> memref<1x80xi32, #tpu.memory_space<vmem>>
      %dma_wait3A_489 = tpu.memref_squeeze %dma_wait3A_488 : memref<1x80xi32, #tpu.memory_space<vmem>> -> memref<80xi32, #tpu.memory_space<vmem>>
      %dma_wait3A_490 = arith.constant 0 : i32
      %dma_wait3A_491 = arith.constant 0 : i32
      %dma_wait3A_492 = tpu.memref_slice %arg11[%dma_wait3A_490, %dma_wait3A_491] : memref<10112x128xf32, #tpu.memory_space<vmem_shared>> -> memref<10112x128xf32, #tpu.memory_space<vmem_shared>>
      tpu.wait_indirect_dma semaphore(%arg14 : memref<!tpu.dma_semaphore, #tpu.memory_space<semaphore_mem>>) src(%arg9 : memref<80x128xf32, #tpu.memory_space<vmem>>) dst(%dma_wait3A_492 : memref<10112x128xf32, #tpu.memory_space<vmem_shared>>)
      %dma_start3A_493 = arith.constant 18 : i32
      %dma_start3A_494 = arith.constant 0 : i32
      %dma_start3A_495 = tpu.memref_slice %arg8[%dma_start3A_493, %dma_start3A_494] : memref<25x80xi32, #tpu.memory_space<vmem>> -> memref<1x80xi32, #tpu.memory_space<vmem>>
      %dma_start3A_496 = tpu.memref_squeeze %dma_start3A_495 : memref<1x80xi32, #tpu.memory_space<vmem>> -> memref<80xi32, #tpu.memory_space<vmem>>
      %dma_start3A_497 = arith.constant 0 : i32
      %dma_start3A_498 = arith.constant 0 : i32
      %dma_start3A_499 = tpu.memref_slice %arg2[%dma_start3A_497, %dma_start3A_498] : memref<10112x128xf32, #tpu.memory_space<hbm>> -> memref<10112x128xf32, #tpu.memory_space<hbm>>
      tpu.enqueue_indirect_dma source(%dma_start3A_499 : memref<10112x128xf32, #tpu.memory_space<hbm>>) target(%arg9 : memref<80x128xf32, #tpu.memory_space<vmem>>) offsets(%dma_start3A_496 : memref<80xi32, #tpu.memory_space<vmem>>) semaphore(%arg12 : memref<!tpu.dma_semaphore, #tpu.memory_space<semaphore_mem>>)
      %dma_wait3A_500 = arith.constant 17 : i32
      %dma_wait3A_501 = arith.constant 0 : i32
      %dma_wait3A_502 = tpu.memref_slice %arg8[%dma_wait3A_500, %dma_wait3A_501] : memref<25x80xi32, #tpu.memory_space<vmem>> -> memref<1x80xi32, #tpu.memory_space<vmem>>
      %dma_wait3A_503 = tpu.memref_squeeze %dma_wait3A_502 : memref<1x80xi32, #tpu.memory_space<vmem>> -> memref<80xi32, #tpu.memory_space<vmem>>
      %dma_wait3A_504 = arith.constant 0 : i32
      %dma_wait3A_505 = arith.constant 0 : i32
      %dma_wait3A_506 = tpu.memref_slice %arg2[%dma_wait3A_504, %dma_wait3A_505] : memref<10112x128xf32, #tpu.memory_space<hbm>> -> memref<10112x128xf32, #tpu.memory_space<hbm>>
      tpu.wait_indirect_dma semaphore(%arg13 : memref<!tpu.dma_semaphore, #tpu.memory_space<semaphore_mem>>) src(%dma_wait3A_506 : memref<10112x128xf32, #tpu.memory_space<hbm>>) dst(%arg10 : memref<80x128xf32, #tpu.memory_space<vmem>>)
      %add3A_507 = arith.constant 17 : i32
      %add3A_508 = arith.addi %mul3A_11, %add3A_507 : i32
      %dma_start3A_509 = arith.constant 0 : i32
      %dma_start3A_510 = tpu.memref_slice %arg7[%add3A_508, %dma_start3A_509] : memref<125x80xi32, #tpu.memory_space<vmem>> -> memref<1x80xi32, #tpu.memory_space<vmem>>
      %dma_start3A_511 = tpu.memref_squeeze %dma_start3A_510 : memref<1x80xi32, #tpu.memory_space<vmem>> -> memref<80xi32, #tpu.memory_space<vmem>>
      %dma_start3A_512 = arith.constant 0 : i32
      %dma_start3A_513 = arith.constant 0 : i32
      %dma_start3A_514 = tpu.memref_slice %arg11[%dma_start3A_512, %dma_start3A_513] : memref<10112x128xf32, #tpu.memory_space<vmem_shared>> -> memref<10112x128xf32, #tpu.memory_space<vmem_shared>>
      tpu.enqueue_indirect_dma source(%arg10 : memref<80x128xf32, #tpu.memory_space<vmem>>) target(%dma_start3A_514 : memref<10112x128xf32, #tpu.memory_space<vmem_shared>>) offsets(%dma_start3A_511 : memref<80xi32, #tpu.memory_space<vmem>>) semaphore(%arg14 : memref<!tpu.dma_semaphore, #tpu.memory_space<semaphore_mem>>) {add = true}
      %dma_wait3A_515 = arith.constant 0 : i32
      %dma_wait3A_516 = tpu.memref_slice %arg7[%add3A_508, %dma_wait3A_515] : memref<125x80xi32, #tpu.memory_space<vmem>> -> memref<1x80xi32, #tpu.memory_space<vmem>>
      %dma_wait3A_517 = tpu.memref_squeeze %dma_wait3A_516 : memref<1x80xi32, #tpu.memory_space<vmem>> -> memref<80xi32, #tpu.memory_space<vmem>>
      %dma_wait3A_518 = arith.constant 0 : i32
      %dma_wait3A_519 = arith.constant 0 : i32
      %dma_wait3A_520 = tpu.memref_slice %arg11[%dma_wait3A_518, %dma_wait3A_519] : memref<10112x128xf32, #tpu.memory_space<vmem_shared>> -> memref<10112x128xf32, #tpu.memory_space<vmem_shared>>
      tpu.wait_indirect_dma semaphore(%arg14 : memref<!tpu.dma_semaphore, #tpu.memory_space<semaphore_mem>>) src(%arg10 : memref<80x128xf32, #tpu.memory_space<vmem>>) dst(%dma_wait3A_520 : memref<10112x128xf32, #tpu.memory_space<vmem_shared>>)
      %dma_start3A_521 = arith.constant 19 : i32
      %dma_start3A_522 = arith.constant 0 : i32
      %dma_start3A_523 = tpu.memref_slice %arg8[%dma_start3A_521, %dma_start3A_522] : memref<25x80xi32, #tpu.memory_space<vmem>> -> memref<1x80xi32, #tpu.memory_space<vmem>>
      %dma_start3A_524 = tpu.memref_squeeze %dma_start3A_523 : memref<1x80xi32, #tpu.memory_space<vmem>> -> memref<80xi32, #tpu.memory_space<vmem>>
      %dma_start3A_525 = arith.constant 0 : i32
      %dma_start3A_526 = arith.constant 0 : i32
      %dma_start3A_527 = tpu.memref_slice %arg2[%dma_start3A_525, %dma_start3A_526] : memref<10112x128xf32, #tpu.memory_space<hbm>> -> memref<10112x128xf32, #tpu.memory_space<hbm>>
      tpu.enqueue_indirect_dma source(%dma_start3A_527 : memref<10112x128xf32, #tpu.memory_space<hbm>>) target(%arg10 : memref<80x128xf32, #tpu.memory_space<vmem>>) offsets(%dma_start3A_524 : memref<80xi32, #tpu.memory_space<vmem>>) semaphore(%arg13 : memref<!tpu.dma_semaphore, #tpu.memory_space<semaphore_mem>>)
      %dma_wait3A_528 = arith.constant 18 : i32
      %dma_wait3A_529 = arith.constant 0 : i32
      %dma_wait3A_530 = tpu.memref_slice %arg8[%dma_wait3A_528, %dma_wait3A_529] : memref<25x80xi32, #tpu.memory_space<vmem>> -> memref<1x80xi32, #tpu.memory_space<vmem>>
      %dma_wait3A_531 = tpu.memref_squeeze %dma_wait3A_530 : memref<1x80xi32, #tpu.memory_space<vmem>> -> memref<80xi32, #tpu.memory_space<vmem>>
      %dma_wait3A_532 = arith.constant 0 : i32
      %dma_wait3A_533 = arith.constant 0 : i32
      %dma_wait3A_534 = tpu.memref_slice %arg2[%dma_wait3A_532, %dma_wait3A_533] : memref<10112x128xf32, #tpu.memory_space<hbm>> -> memref<10112x128xf32, #tpu.memory_space<hbm>>
      tpu.wait_indirect_dma semaphore(%arg12 : memref<!tpu.dma_semaphore, #tpu.memory_space<semaphore_mem>>) src(%dma_wait3A_534 : memref<10112x128xf32, #tpu.memory_space<hbm>>) dst(%arg9 : memref<80x128xf32, #tpu.memory_space<vmem>>)
      %add3A_535 = arith.constant 18 : i32
      %add3A_536 = arith.addi %mul3A_11, %add3A_535 : i32
      %dma_start3A_537 = arith.constant 0 : i32
      %dma_start3A_538 = tpu.memref_slice %arg7[%add3A_536, %dma_start3A_537] : memref<125x80xi32, #tpu.memory_space<vmem>> -> memref<1x80xi32, #tpu.memory_space<vmem>>
      %dma_start3A_539 = tpu.memref_squeeze %dma_start3A_538 : memref<1x80xi32, #tpu.memory_space<vmem>> -> memref<80xi32, #tpu.memory_space<vmem>>
      %dma_start3A_540 = arith.constant 0 : i32
      %dma_start3A_541 = arith.constant 0 : i32
      %dma_start3A_542 = tpu.memref_slice %arg11[%dma_start3A_540, %dma_start3A_541] : memref<10112x128xf32, #tpu.memory_space<vmem_shared>> -> memref<10112x128xf32, #tpu.memory_space<vmem_shared>>
      tpu.enqueue_indirect_dma source(%arg9 : memref<80x128xf32, #tpu.memory_space<vmem>>) target(%dma_start3A_542 : memref<10112x128xf32, #tpu.memory_space<vmem_shared>>) offsets(%dma_start3A_539 : memref<80xi32, #tpu.memory_space<vmem>>) semaphore(%arg14 : memref<!tpu.dma_semaphore, #tpu.memory_space<semaphore_mem>>) {add = true}
      %dma_wait3A_543 = arith.constant 0 : i32
      %dma_wait3A_544 = tpu.memref_slice %arg7[%add3A_536, %dma_wait3A_543] : memref<125x80xi32, #tpu.memory_space<vmem>> -> memref<1x80xi32, #tpu.memory_space<vmem>>
      %dma_wait3A_545 = tpu.memref_squeeze %dma_wait3A_544 : memref<1x80xi32, #tpu.memory_space<vmem>> -> memref<80xi32, #tpu.memory_space<vmem>>
      %dma_wait3A_546 = arith.constant 0 : i32
      %dma_wait3A_547 = arith.constant 0 : i32
      %dma_wait3A_548 = tpu.memref_slice %arg11[%dma_wait3A_546, %dma_wait3A_547] : memref<10112x128xf32, #tpu.memory_space<vmem_shared>> -> memref<10112x128xf32, #tpu.memory_space<vmem_shared>>
      tpu.wait_indirect_dma semaphore(%arg14 : memref<!tpu.dma_semaphore, #tpu.memory_space<semaphore_mem>>) src(%arg9 : memref<80x128xf32, #tpu.memory_space<vmem>>) dst(%dma_wait3A_548 : memref<10112x128xf32, #tpu.memory_space<vmem_shared>>)
      %dma_start3A_549 = arith.constant 20 : i32
      %dma_start3A_550 = arith.constant 0 : i32
      %dma_start3A_551 = tpu.memref_slice %arg8[%dma_start3A_549, %dma_start3A_550] : memref<25x80xi32, #tpu.memory_space<vmem>> -> memref<1x80xi32, #tpu.memory_space<vmem>>
      %dma_start3A_552 = tpu.memref_squeeze %dma_start3A_551 : memref<1x80xi32, #tpu.memory_space<vmem>> -> memref<80xi32, #tpu.memory_space<vmem>>
      %dma_start3A_553 = arith.constant 0 : i32
      %dma_start3A_554 = arith.constant 0 : i32
      %dma_start3A_555 = tpu.memref_slice %arg2[%dma_start3A_553, %dma_start3A_554] : memref<10112x128xf32, #tpu.memory_space<hbm>> -> memref<10112x128xf32, #tpu.memory_space<hbm>>
      tpu.enqueue_indirect_dma source(%dma_start3A_555 : memref<10112x128xf32, #tpu.memory_space<hbm>>) target(%arg9 : memref<80x128xf32, #tpu.memory_space<vmem>>) offsets(%dma_start3A_552 : memref<80xi32, #tpu.memory_space<vmem>>) semaphore(%arg12 : memref<!tpu.dma_semaphore, #tpu.memory_space<semaphore_mem>>)
      %dma_wait3A_556 = arith.constant 19 : i32
      %dma_wait3A_557 = arith.constant 0 : i32
      %dma_wait3A_558 = tpu.memref_slice %arg8[%dma_wait3A_556, %dma_wait3A_557] : memref<25x80xi32, #tpu.memory_space<vmem>> -> memref<1x80xi32, #tpu.memory_space<vmem>>
      %dma_wait3A_559 = tpu.memref_squeeze %dma_wait3A_558 : memref<1x80xi32, #tpu.memory_space<vmem>> -> memref<80xi32, #tpu.memory_space<vmem>>
      %dma_wait3A_560 = arith.constant 0 : i32
      %dma_wait3A_561 = arith.constant 0 : i32
      %dma_wait3A_562 = tpu.memref_slice %arg2[%dma_wait3A_560, %dma_wait3A_561] : memref<10112x128xf32, #tpu.memory_space<hbm>> -> memref<10112x128xf32, #tpu.memory_space<hbm>>
      tpu.wait_indirect_dma semaphore(%arg13 : memref<!tpu.dma_semaphore, #tpu.memory_space<semaphore_mem>>) src(%dma_wait3A_562 : memref<10112x128xf32, #tpu.memory_space<hbm>>) dst(%arg10 : memref<80x128xf32, #tpu.memory_space<vmem>>)
      %add3A_563 = arith.constant 19 : i32
      %add3A_564 = arith.addi %mul3A_11, %add3A_563 : i32
      %dma_start3A_565 = arith.constant 0 : i32
      %dma_start3A_566 = tpu.memref_slice %arg7[%add3A_564, %dma_start3A_565] : memref<125x80xi32, #tpu.memory_space<vmem>> -> memref<1x80xi32, #tpu.memory_space<vmem>>
      %dma_start3A_567 = tpu.memref_squeeze %dma_start3A_566 : memref<1x80xi32, #tpu.memory_space<vmem>> -> memref<80xi32, #tpu.memory_space<vmem>>
      %dma_start3A_568 = arith.constant 0 : i32
      %dma_start3A_569 = arith.constant 0 : i32
      %dma_start3A_570 = tpu.memref_slice %arg11[%dma_start3A_568, %dma_start3A_569] : memref<10112x128xf32, #tpu.memory_space<vmem_shared>> -> memref<10112x128xf32, #tpu.memory_space<vmem_shared>>
      tpu.enqueue_indirect_dma source(%arg10 : memref<80x128xf32, #tpu.memory_space<vmem>>) target(%dma_start3A_570 : memref<10112x128xf32, #tpu.memory_space<vmem_shared>>) offsets(%dma_start3A_567 : memref<80xi32, #tpu.memory_space<vmem>>) semaphore(%arg14 : memref<!tpu.dma_semaphore, #tpu.memory_space<semaphore_mem>>) {add = true}
      %dma_wait3A_571 = arith.constant 0 : i32
      %dma_wait3A_572 = tpu.memref_slice %arg7[%add3A_564, %dma_wait3A_571] : memref<125x80xi32, #tpu.memory_space<vmem>> -> memref<1x80xi32, #tpu.memory_space<vmem>>
      %dma_wait3A_573 = tpu.memref_squeeze %dma_wait3A_572 : memref<1x80xi32, #tpu.memory_space<vmem>> -> memref<80xi32, #tpu.memory_space<vmem>>
      %dma_wait3A_574 = arith.constant 0 : i32
      %dma_wait3A_575 = arith.constant 0 : i32
      %dma_wait3A_576 = tpu.memref_slice %arg11[%dma_wait3A_574, %dma_wait3A_575] : memref<10112x128xf32, #tpu.memory_space<vmem_shared>> -> memref<10112x128xf32, #tpu.memory_space<vmem_shared>>
      tpu.wait_indirect_dma semaphore(%arg14 : memref<!tpu.dma_semaphore, #tpu.memory_space<semaphore_mem>>) src(%arg10 : memref<80x128xf32, #tpu.memory_space<vmem>>) dst(%dma_wait3A_576 : memref<10112x128xf32, #tpu.memory_space<vmem_shared>>)
      %dma_start3A_577 = arith.constant 21 : i32
      %dma_start3A_578 = arith.constant 0 : i32
      %dma_start3A_579 = tpu.memref_slice %arg8[%dma_start3A_577, %dma_start3A_578] : memref<25x80xi32, #tpu.memory_space<vmem>> -> memref<1x80xi32, #tpu.memory_space<vmem>>
      %dma_start3A_580 = tpu.memref_squeeze %dma_start3A_579 : memref<1x80xi32, #tpu.memory_space<vmem>> -> memref<80xi32, #tpu.memory_space<vmem>>
      %dma_start3A_581 = arith.constant 0 : i32
      %dma_start3A_582 = arith.constant 0 : i32
      %dma_start3A_583 = tpu.memref_slice %arg2[%dma_start3A_581, %dma_start3A_582] : memref<10112x128xf32, #tpu.memory_space<hbm>> -> memref<10112x128xf32, #tpu.memory_space<hbm>>
      tpu.enqueue_indirect_dma source(%dma_start3A_583 : memref<10112x128xf32, #tpu.memory_space<hbm>>) target(%arg10 : memref<80x128xf32, #tpu.memory_space<vmem>>) offsets(%dma_start3A_580 : memref<80xi32, #tpu.memory_space<vmem>>) semaphore(%arg13 : memref<!tpu.dma_semaphore, #tpu.memory_space<semaphore_mem>>)
      %dma_wait3A_584 = arith.constant 20 : i32
      %dma_wait3A_585 = arith.constant 0 : i32
      %dma_wait3A_586 = tpu.memref_slice %arg8[%dma_wait3A_584, %dma_wait3A_585] : memref<25x80xi32, #tpu.memory_space<vmem>> -> memref<1x80xi32, #tpu.memory_space<vmem>>
      %dma_wait3A_587 = tpu.memref_squeeze %dma_wait3A_586 : memref<1x80xi32, #tpu.memory_space<vmem>> -> memref<80xi32, #tpu.memory_space<vmem>>
      %dma_wait3A_588 = arith.constant 0 : i32
      %dma_wait3A_589 = arith.constant 0 : i32
      %dma_wait3A_590 = tpu.memref_slice %arg2[%dma_wait3A_588, %dma_wait3A_589] : memref<10112x128xf32, #tpu.memory_space<hbm>> -> memref<10112x128xf32, #tpu.memory_space<hbm>>
      tpu.wait_indirect_dma semaphore(%arg12 : memref<!tpu.dma_semaphore, #tpu.memory_space<semaphore_mem>>) src(%dma_wait3A_590 : memref<10112x128xf32, #tpu.memory_space<hbm>>) dst(%arg9 : memref<80x128xf32, #tpu.memory_space<vmem>>)
      %add3A_591 = arith.constant 20 : i32
      %add3A_592 = arith.addi %mul3A_11, %add3A_591 : i32
      %dma_start3A_593 = arith.constant 0 : i32
      %dma_start3A_594 = tpu.memref_slice %arg7[%add3A_592, %dma_start3A_593] : memref<125x80xi32, #tpu.memory_space<vmem>> -> memref<1x80xi32, #tpu.memory_space<vmem>>
      %dma_start3A_595 = tpu.memref_squeeze %dma_start3A_594 : memref<1x80xi32, #tpu.memory_space<vmem>> -> memref<80xi32, #tpu.memory_space<vmem>>
      %dma_start3A_596 = arith.constant 0 : i32
      %dma_start3A_597 = arith.constant 0 : i32
      %dma_start3A_598 = tpu.memref_slice %arg11[%dma_start3A_596, %dma_start3A_597] : memref<10112x128xf32, #tpu.memory_space<vmem_shared>> -> memref<10112x128xf32, #tpu.memory_space<vmem_shared>>
      tpu.enqueue_indirect_dma source(%arg9 : memref<80x128xf32, #tpu.memory_space<vmem>>) target(%dma_start3A_598 : memref<10112x128xf32, #tpu.memory_space<vmem_shared>>) offsets(%dma_start3A_595 : memref<80xi32, #tpu.memory_space<vmem>>) semaphore(%arg14 : memref<!tpu.dma_semaphore, #tpu.memory_space<semaphore_mem>>) {add = true}
      %dma_wait3A_599 = arith.constant 0 : i32
      %dma_wait3A_600 = tpu.memref_slice %arg7[%add3A_592, %dma_wait3A_599] : memref<125x80xi32, #tpu.memory_space<vmem>> -> memref<1x80xi32, #tpu.memory_space<vmem>>
      %dma_wait3A_601 = tpu.memref_squeeze %dma_wait3A_600 : memref<1x80xi32, #tpu.memory_space<vmem>> -> memref<80xi32, #tpu.memory_space<vmem>>
      %dma_wait3A_602 = arith.constant 0 : i32
      %dma_wait3A_603 = arith.constant 0 : i32
      %dma_wait3A_604 = tpu.memref_slice %arg11[%dma_wait3A_602, %dma_wait3A_603] : memref<10112x128xf32, #tpu.memory_space<vmem_shared>> -> memref<10112x128xf32, #tpu.memory_space<vmem_shared>>
      tpu.wait_indirect_dma semaphore(%arg14 : memref<!tpu.dma_semaphore, #tpu.memory_space<semaphore_mem>>) src(%arg9 : memref<80x128xf32, #tpu.memory_space<vmem>>) dst(%dma_wait3A_604 : memref<10112x128xf32, #tpu.memory_space<vmem_shared>>)
      %dma_start3A_605 = arith.constant 22 : i32
      %dma_start3A_606 = arith.constant 0 : i32
      %dma_start3A_607 = tpu.memref_slice %arg8[%dma_start3A_605, %dma_start3A_606] : memref<25x80xi32, #tpu.memory_space<vmem>> -> memref<1x80xi32, #tpu.memory_space<vmem>>
      %dma_start3A_608 = tpu.memref_squeeze %dma_start3A_607 : memref<1x80xi32, #tpu.memory_space<vmem>> -> memref<80xi32, #tpu.memory_space<vmem>>
      %dma_start3A_609 = arith.constant 0 : i32
      %dma_start3A_610 = arith.constant 0 : i32
      %dma_start3A_611 = tpu.memref_slice %arg2[%dma_start3A_609, %dma_start3A_610] : memref<10112x128xf32, #tpu.memory_space<hbm>> -> memref<10112x128xf32, #tpu.memory_space<hbm>>
      tpu.enqueue_indirect_dma source(%dma_start3A_611 : memref<10112x128xf32, #tpu.memory_space<hbm>>) target(%arg9 : memref<80x128xf32, #tpu.memory_space<vmem>>) offsets(%dma_start3A_608 : memref<80xi32, #tpu.memory_space<vmem>>) semaphore(%arg12 : memref<!tpu.dma_semaphore, #tpu.memory_space<semaphore_mem>>)
      %dma_wait3A_612 = arith.constant 21 : i32
      %dma_wait3A_613 = arith.constant 0 : i32
      %dma_wait3A_614 = tpu.memref_slice %arg8[%dma_wait3A_612, %dma_wait3A_613] : memref<25x80xi32, #tpu.memory_space<vmem>> -> memref<1x80xi32, #tpu.memory_space<vmem>>
      %dma_wait3A_615 = tpu.memref_squeeze %dma_wait3A_614 : memref<1x80xi32, #tpu.memory_space<vmem>> -> memref<80xi32, #tpu.memory_space<vmem>>
      %dma_wait3A_616 = arith.constant 0 : i32
      %dma_wait3A_617 = arith.constant 0 : i32
      %dma_wait3A_618 = tpu.memref_slice %arg2[%dma_wait3A_616, %dma_wait3A_617] : memref<10112x128xf32, #tpu.memory_space<hbm>> -> memref<10112x128xf32, #tpu.memory_space<hbm>>
      tpu.wait_indirect_dma semaphore(%arg13 : memref<!tpu.dma_semaphore, #tpu.memory_space<semaphore_mem>>) src(%dma_wait3A_618 : memref<10112x128xf32, #tpu.memory_space<hbm>>) dst(%arg10 : memref<80x128xf32, #tpu.memory_space<vmem>>)
      %add3A_619 = arith.constant 21 : i32
      %add3A_620 = arith.addi %mul3A_11, %add3A_619 : i32
      %dma_start3A_621 = arith.constant 0 : i32
      %dma_start3A_622 = tpu.memref_slice %arg7[%add3A_620, %dma_start3A_621] : memref<125x80xi32, #tpu.memory_space<vmem>> -> memref<1x80xi32, #tpu.memory_space<vmem>>
      %dma_start3A_623 = tpu.memref_squeeze %dma_start3A_622 : memref<1x80xi32, #tpu.memory_space<vmem>> -> memref<80xi32, #tpu.memory_space<vmem>>
      %dma_start3A_624 = arith.constant 0 : i32
      %dma_start3A_625 = arith.constant 0 : i32
      %dma_start3A_626 = tpu.memref_slice %arg11[%dma_start3A_624, %dma_start3A_625] : memref<10112x128xf32, #tpu.memory_space<vmem_shared>> -> memref<10112x128xf32, #tpu.memory_space<vmem_shared>>
      tpu.enqueue_indirect_dma source(%arg10 : memref<80x128xf32, #tpu.memory_space<vmem>>) target(%dma_start3A_626 : memref<10112x128xf32, #tpu.memory_space<vmem_shared>>) offsets(%dma_start3A_623 : memref<80xi32, #tpu.memory_space<vmem>>) semaphore(%arg14 : memref<!tpu.dma_semaphore, #tpu.memory_space<semaphore_mem>>) {add = true}
      %dma_wait3A_627 = arith.constant 0 : i32
      %dma_wait3A_628 = tpu.memref_slice %arg7[%add3A_620, %dma_wait3A_627] : memref<125x80xi32, #tpu.memory_space<vmem>> -> memref<1x80xi32, #tpu.memory_space<vmem>>
      %dma_wait3A_629 = tpu.memref_squeeze %dma_wait3A_628 : memref<1x80xi32, #tpu.memory_space<vmem>> -> memref<80xi32, #tpu.memory_space<vmem>>
      %dma_wait3A_630 = arith.constant 0 : i32
      %dma_wait3A_631 = arith.constant 0 : i32
      %dma_wait3A_632 = tpu.memref_slice %arg11[%dma_wait3A_630, %dma_wait3A_631] : memref<10112x128xf32, #tpu.memory_space<vmem_shared>> -> memref<10112x128xf32, #tpu.memory_space<vmem_shared>>
      tpu.wait_indirect_dma semaphore(%arg14 : memref<!tpu.dma_semaphore, #tpu.memory_space<semaphore_mem>>) src(%arg10 : memref<80x128xf32, #tpu.memory_space<vmem>>) dst(%dma_wait3A_632 : memref<10112x128xf32, #tpu.memory_space<vmem_shared>>)
      %dma_start3A_633 = arith.constant 23 : i32
      %dma_start3A_634 = arith.constant 0 : i32
      %dma_start3A_635 = tpu.memref_slice %arg8[%dma_start3A_633, %dma_start3A_634] : memref<25x80xi32, #tpu.memory_space<vmem>> -> memref<1x80xi32, #tpu.memory_space<vmem>>
      %dma_start3A_636 = tpu.memref_squeeze %dma_start3A_635 : memref<1x80xi32, #tpu.memory_space<vmem>> -> memref<80xi32, #tpu.memory_space<vmem>>
      %dma_start3A_637 = arith.constant 0 : i32
      %dma_start3A_638 = arith.constant 0 : i32
      %dma_start3A_639 = tpu.memref_slice %arg2[%dma_start3A_637, %dma_start3A_638] : memref<10112x128xf32, #tpu.memory_space<hbm>> -> memref<10112x128xf32, #tpu.memory_space<hbm>>
      tpu.enqueue_indirect_dma source(%dma_start3A_639 : memref<10112x128xf32, #tpu.memory_space<hbm>>) target(%arg10 : memref<80x128xf32, #tpu.memory_space<vmem>>) offsets(%dma_start3A_636 : memref<80xi32, #tpu.memory_space<vmem>>) semaphore(%arg13 : memref<!tpu.dma_semaphore, #tpu.memory_space<semaphore_mem>>)
      %dma_wait3A_640 = arith.constant 22 : i32
      %dma_wait3A_641 = arith.constant 0 : i32
      %dma_wait3A_642 = tpu.memref_slice %arg8[%dma_wait3A_640, %dma_wait3A_641] : memref<25x80xi32, #tpu.memory_space<vmem>> -> memref<1x80xi32, #tpu.memory_space<vmem>>
      %dma_wait3A_643 = tpu.memref_squeeze %dma_wait3A_642 : memref<1x80xi32, #tpu.memory_space<vmem>> -> memref<80xi32, #tpu.memory_space<vmem>>
      %dma_wait3A_644 = arith.constant 0 : i32
      %dma_wait3A_645 = arith.constant 0 : i32
      %dma_wait3A_646 = tpu.memref_slice %arg2[%dma_wait3A_644, %dma_wait3A_645] : memref<10112x128xf32, #tpu.memory_space<hbm>> -> memref<10112x128xf32, #tpu.memory_space<hbm>>
      tpu.wait_indirect_dma semaphore(%arg12 : memref<!tpu.dma_semaphore, #tpu.memory_space<semaphore_mem>>) src(%dma_wait3A_646 : memref<10112x128xf32, #tpu.memory_space<hbm>>) dst(%arg9 : memref<80x128xf32, #tpu.memory_space<vmem>>)
      %add3A_647 = arith.constant 22 : i32
      %add3A_648 = arith.addi %mul3A_11, %add3A_647 : i32
      %dma_start3A_649 = arith.constant 0 : i32
      %dma_start3A_650 = tpu.memref_slice %arg7[%add3A_648, %dma_start3A_649] : memref<125x80xi32, #tpu.memory_space<vmem>> -> memref<1x80xi32, #tpu.memory_space<vmem>>
      %dma_start3A_651 = tpu.memref_squeeze %dma_start3A_650 : memref<1x80xi32, #tpu.memory_space<vmem>> -> memref<80xi32, #tpu.memory_space<vmem>>
      %dma_start3A_652 = arith.constant 0 : i32
      %dma_start3A_653 = arith.constant 0 : i32
      %dma_start3A_654 = tpu.memref_slice %arg11[%dma_start3A_652, %dma_start3A_653] : memref<10112x128xf32, #tpu.memory_space<vmem_shared>> -> memref<10112x128xf32, #tpu.memory_space<vmem_shared>>
      tpu.enqueue_indirect_dma source(%arg9 : memref<80x128xf32, #tpu.memory_space<vmem>>) target(%dma_start3A_654 : memref<10112x128xf32, #tpu.memory_space<vmem_shared>>) offsets(%dma_start3A_651 : memref<80xi32, #tpu.memory_space<vmem>>) semaphore(%arg14 : memref<!tpu.dma_semaphore, #tpu.memory_space<semaphore_mem>>) {add = true}
      %dma_wait3A_655 = arith.constant 0 : i32
      %dma_wait3A_656 = tpu.memref_slice %arg7[%add3A_648, %dma_wait3A_655] : memref<125x80xi32, #tpu.memory_space<vmem>> -> memref<1x80xi32, #tpu.memory_space<vmem>>
      %dma_wait3A_657 = tpu.memref_squeeze %dma_wait3A_656 : memref<1x80xi32, #tpu.memory_space<vmem>> -> memref<80xi32, #tpu.memory_space<vmem>>
      %dma_wait3A_658 = arith.constant 0 : i32
      %dma_wait3A_659 = arith.constant 0 : i32
      %dma_wait3A_660 = tpu.memref_slice %arg11[%dma_wait3A_658, %dma_wait3A_659] : memref<10112x128xf32, #tpu.memory_space<vmem_shared>> -> memref<10112x128xf32, #tpu.memory_space<vmem_shared>>
      tpu.wait_indirect_dma semaphore(%arg14 : memref<!tpu.dma_semaphore, #tpu.memory_space<semaphore_mem>>) src(%arg9 : memref<80x128xf32, #tpu.memory_space<vmem>>) dst(%dma_wait3A_660 : memref<10112x128xf32, #tpu.memory_space<vmem_shared>>)
      %dma_start3A_661 = arith.constant 24 : i32
      %dma_start3A_662 = arith.constant 0 : i32
      %dma_start3A_663 = tpu.memref_slice %arg8[%dma_start3A_661, %dma_start3A_662] : memref<25x80xi32, #tpu.memory_space<vmem>> -> memref<1x80xi32, #tpu.memory_space<vmem>>
      %dma_start3A_664 = tpu.memref_squeeze %dma_start3A_663 : memref<1x80xi32, #tpu.memory_space<vmem>> -> memref<80xi32, #tpu.memory_space<vmem>>
      %dma_start3A_665 = arith.constant 0 : i32
      %dma_start3A_666 = arith.constant 0 : i32
      %dma_start3A_667 = tpu.memref_slice %arg2[%dma_start3A_665, %dma_start3A_666] : memref<10112x128xf32, #tpu.memory_space<hbm>> -> memref<10112x128xf32, #tpu.memory_space<hbm>>
      tpu.enqueue_indirect_dma source(%dma_start3A_667 : memref<10112x128xf32, #tpu.memory_space<hbm>>) target(%arg9 : memref<80x128xf32, #tpu.memory_space<vmem>>) offsets(%dma_start3A_664 : memref<80xi32, #tpu.memory_space<vmem>>) semaphore(%arg12 : memref<!tpu.dma_semaphore, #tpu.memory_space<semaphore_mem>>)
      %dma_wait3A_668 = arith.constant 23 : i32
      %dma_wait3A_669 = arith.constant 0 : i32
      %dma_wait3A_670 = tpu.memref_slice %arg8[%dma_wait3A_668, %dma_wait3A_669] : memref<25x80xi32, #tpu.memory_space<vmem>> -> memref<1x80xi32, #tpu.memory_space<vmem>>
      %dma_wait3A_671 = tpu.memref_squeeze %dma_wait3A_670 : memref<1x80xi32, #tpu.memory_space<vmem>> -> memref<80xi32, #tpu.memory_space<vmem>>
      %dma_wait3A_672 = arith.constant 0 : i32
      %dma_wait3A_673 = arith.constant 0 : i32
      %dma_wait3A_674 = tpu.memref_slice %arg2[%dma_wait3A_672, %dma_wait3A_673] : memref<10112x128xf32, #tpu.memory_space<hbm>> -> memref<10112x128xf32, #tpu.memory_space<hbm>>
      tpu.wait_indirect_dma semaphore(%arg13 : memref<!tpu.dma_semaphore, #tpu.memory_space<semaphore_mem>>) src(%dma_wait3A_674 : memref<10112x128xf32, #tpu.memory_space<hbm>>) dst(%arg10 : memref<80x128xf32, #tpu.memory_space<vmem>>)
      %add3A_675 = arith.constant 23 : i32
      %add3A_676 = arith.addi %mul3A_11, %add3A_675 : i32
      %dma_start3A_677 = arith.constant 0 : i32
      %dma_start3A_678 = tpu.memref_slice %arg7[%add3A_676, %dma_start3A_677] : memref<125x80xi32, #tpu.memory_space<vmem>> -> memref<1x80xi32, #tpu.memory_space<vmem>>
      %dma_start3A_679 = tpu.memref_squeeze %dma_start3A_678 : memref<1x80xi32, #tpu.memory_space<vmem>> -> memref<80xi32, #tpu.memory_space<vmem>>
      %dma_start3A_680 = arith.constant 0 : i32
      %dma_start3A_681 = arith.constant 0 : i32
      %dma_start3A_682 = tpu.memref_slice %arg11[%dma_start3A_680, %dma_start3A_681] : memref<10112x128xf32, #tpu.memory_space<vmem_shared>> -> memref<10112x128xf32, #tpu.memory_space<vmem_shared>>
      tpu.enqueue_indirect_dma source(%arg10 : memref<80x128xf32, #tpu.memory_space<vmem>>) target(%dma_start3A_682 : memref<10112x128xf32, #tpu.memory_space<vmem_shared>>) offsets(%dma_start3A_679 : memref<80xi32, #tpu.memory_space<vmem>>) semaphore(%arg14 : memref<!tpu.dma_semaphore, #tpu.memory_space<semaphore_mem>>) {add = true}
      %dma_wait3A_683 = arith.constant 0 : i32
      %dma_wait3A_684 = tpu.memref_slice %arg7[%add3A_676, %dma_wait3A_683] : memref<125x80xi32, #tpu.memory_space<vmem>> -> memref<1x80xi32, #tpu.memory_space<vmem>>
      %dma_wait3A_685 = tpu.memref_squeeze %dma_wait3A_684 : memref<1x80xi32, #tpu.memory_space<vmem>> -> memref<80xi32, #tpu.memory_space<vmem>>
      %dma_wait3A_686 = arith.constant 0 : i32
      %dma_wait3A_687 = arith.constant 0 : i32
      %dma_wait3A_688 = tpu.memref_slice %arg11[%dma_wait3A_686, %dma_wait3A_687] : memref<10112x128xf32, #tpu.memory_space<vmem_shared>> -> memref<10112x128xf32, #tpu.memory_space<vmem_shared>>
      tpu.wait_indirect_dma semaphore(%arg14 : memref<!tpu.dma_semaphore, #tpu.memory_space<semaphore_mem>>) src(%arg10 : memref<80x128xf32, #tpu.memory_space<vmem>>) dst(%dma_wait3A_688 : memref<10112x128xf32, #tpu.memory_space<vmem_shared>>)
      %dma_wait3A_689 = arith.constant 24 : i32
      %dma_wait3A_690 = arith.constant 0 : i32
      %dma_wait3A_691 = tpu.memref_slice %arg8[%dma_wait3A_689, %dma_wait3A_690] : memref<25x80xi32, #tpu.memory_space<vmem>> -> memref<1x80xi32, #tpu.memory_space<vmem>>
      %dma_wait3A_692 = tpu.memref_squeeze %dma_wait3A_691 : memref<1x80xi32, #tpu.memory_space<vmem>> -> memref<80xi32, #tpu.memory_space<vmem>>
      %dma_wait3A_693 = arith.constant 0 : i32
      %dma_wait3A_694 = arith.constant 0 : i32
      %dma_wait3A_695 = tpu.memref_slice %arg2[%dma_wait3A_693, %dma_wait3A_694] : memref<10112x128xf32, #tpu.memory_space<hbm>> -> memref<10112x128xf32, #tpu.memory_space<hbm>>
      tpu.wait_indirect_dma semaphore(%arg12 : memref<!tpu.dma_semaphore, #tpu.memory_space<semaphore_mem>>) src(%dma_wait3A_695 : memref<10112x128xf32, #tpu.memory_space<hbm>>) dst(%arg9 : memref<80x128xf32, #tpu.memory_space<vmem>>)
      %add3A_696 = arith.constant 24 : i32
      %add3A_697 = arith.addi %mul3A_11, %add3A_696 : i32
      %dma_start3A_698 = arith.constant 0 : i32
      %dma_start3A_699 = tpu.memref_slice %arg7[%add3A_697, %dma_start3A_698] : memref<125x80xi32, #tpu.memory_space<vmem>> -> memref<1x80xi32, #tpu.memory_space<vmem>>
      %dma_start3A_700 = tpu.memref_squeeze %dma_start3A_699 : memref<1x80xi32, #tpu.memory_space<vmem>> -> memref<80xi32, #tpu.memory_space<vmem>>
      %dma_start3A_701 = arith.constant 0 : i32
      %dma_start3A_702 = arith.constant 0 : i32
      %dma_start3A_703 = tpu.memref_slice %arg11[%dma_start3A_701, %dma_start3A_702] : memref<10112x128xf32, #tpu.memory_space<vmem_shared>> -> memref<10112x128xf32, #tpu.memory_space<vmem_shared>>
      tpu.enqueue_indirect_dma source(%arg9 : memref<80x128xf32, #tpu.memory_space<vmem>>) target(%dma_start3A_703 : memref<10112x128xf32, #tpu.memory_space<vmem_shared>>) offsets(%dma_start3A_700 : memref<80xi32, #tpu.memory_space<vmem>>) semaphore(%arg14 : memref<!tpu.dma_semaphore, #tpu.memory_space<semaphore_mem>>) {add = true}
      %dma_wait3A_704 = arith.constant 0 : i32
      %dma_wait3A_705 = tpu.memref_slice %arg7[%add3A_697, %dma_wait3A_704] : memref<125x80xi32, #tpu.memory_space<vmem>> -> memref<1x80xi32, #tpu.memory_space<vmem>>
      %dma_wait3A_706 = tpu.memref_squeeze %dma_wait3A_705 : memref<1x80xi32, #tpu.memory_space<vmem>> -> memref<80xi32, #tpu.memory_space<vmem>>
      %dma_wait3A_707 = arith.constant 0 : i32
      %dma_wait3A_708 = arith.constant 0 : i32
      %dma_wait3A_709 = tpu.memref_slice %arg11[%dma_wait3A_707, %dma_wait3A_708] : memref<10112x128xf32, #tpu.memory_space<vmem_shared>> -> memref<10112x128xf32, #tpu.memory_space<vmem_shared>>
      tpu.wait_indirect_dma semaphore(%arg14 : memref<!tpu.dma_semaphore, #tpu.memory_space<semaphore_mem>>) src(%arg9 : memref<80x128xf32, #tpu.memory_space<vmem>>) dst(%dma_wait3A_709 : memref<10112x128xf32, #tpu.memory_space<vmem_shared>>)
    }
    %scan3A_7 = arith.constant 5 : i32
    %barrier3A_8 = arith.constant 0 : index
    tpu.barrier barrier_id(%barrier3A_8)
    "tpu.region"() ({
      %run_scoped3A = tpu.sem_alloc : memref<!tpu.dma_semaphore, #tpu.memory_space<semaphore_mem>>
      %dma_start3A = arith.constant 0 : i32
      %dma_start3A_9 = arith.constant 0 : i32
      %dma_start3A_10 = tpu.memref_slice %arg6[%arg0, %dma_start3A, %dma_start3A_9] : memref<2x10112x128xf32, #tpu.memory_space<hbm>> -> memref<1x10112x128xf32, #tpu.memory_space<hbm>>
      %dma_start3A_11 = tpu.memref_squeeze %dma_start3A_10 : memref<1x10112x128xf32, #tpu.memory_space<hbm>> -> memref<10112x128xf32, #tpu.memory_space<hbm>>
      %dma_start3A_12 = arith.constant 0 : i32
      %dma_start3A_13 = tpu.memref_slice %dma_start3A_11[%mul3A_2, %dma_start3A_12] : memref<10112x128xf32, #tpu.memory_space<hbm>> -> memref<632x128xf32, #tpu.memory_space<hbm>>
      %dma_start3A_14 = arith.constant 0 : i32
      %dma_start3A_15 = tpu.memref_slice %arg11[%mul3A_2, %dma_start3A_14] : memref<10112x128xf32, #tpu.memory_space<vmem_shared>> -> memref<632x128xf32, #tpu.memory_space<vmem_shared>>
      tpu.enqueue_dma source(%dma_start3A_15 : memref<632x128xf32, #tpu.memory_space<vmem_shared>>) target(%dma_start3A_13 : memref<632x128xf32, #tpu.memory_space<hbm>>) target_semaphore(%run_scoped3A : memref<!tpu.dma_semaphore, #tpu.memory_space<semaphore_mem>>)
      %dma_wait3A = arith.constant 0 : i32
      %dma_wait3A_16 = arith.constant 0 : i32
      %dma_wait3A_17 = tpu.memref_slice %arg6[%arg0, %dma_wait3A, %dma_wait3A_16] : memref<2x10112x128xf32, #tpu.memory_space<hbm>> -> memref<1x10112x128xf32, #tpu.memory_space<hbm>>
      %dma_wait3A_18 = tpu.memref_squeeze %dma_wait3A_17 : memref<1x10112x128xf32, #tpu.memory_space<hbm>> -> memref<10112x128xf32, #tpu.memory_space<hbm>>
      %dma_wait3A_19 = arith.constant 0 : i32
      %dma_wait3A_20 = tpu.memref_slice %dma_wait3A_18[%mul3A_2, %dma_wait3A_19] : memref<10112x128xf32, #tpu.memory_space<hbm>> -> memref<632x128xf32, #tpu.memory_space<hbm>>
      %dma_wait3A_21 = arith.constant 0 : i32
      %dma_wait3A_22 = tpu.memref_slice %arg11[%mul3A_2, %dma_wait3A_21] : memref<10112x128xf32, #tpu.memory_space<vmem_shared>> -> memref<632x128xf32, #tpu.memory_space<vmem_shared>>
      tpu.wait_dma2 semaphore(%run_scoped3A : memref<!tpu.dma_semaphore, #tpu.memory_space<semaphore_mem>>) src(%dma_wait3A_22 : memref<632x128xf32, #tpu.memory_space<vmem_shared>>) dst(%dma_wait3A_20 : memref<632x128xf32, #tpu.memory_space<hbm>>)
      tpu.yield
    }) : () -> ()
    return
  }
}

module attributes {stable_mosaic.version = 14 : i64} {
  func.func @_tc1_body(%arg0: i32, %arg1: memref<632x128xf32, #tpu.memory_space<vmem>>, %arg2: memref<128x128xf32, #tpu.memory_space<vmem>>, %arg3: memref<2x632x128xf32, #tpu.memory_space<vmem>>, %arg4: memref<632x128xf32, #tpu.memory_space<vmem>>, %arg5: memref<632x8xf32, #tpu.memory_space<vmem>>) attributes {dimension_semantics = [#tpu.dimension_semantics<arbitrary>], iteration_bounds = array<i64: 16>, scalar_prefetch = 0 : i64, scratch_operands = 0 : i64, tpu.core_type = #tpu.core_type<tc>, window_params = [{transform_indices = @transform_0, window_bounds = array<i64: 632, 128>}, {pipeline_mode = #tpu.pipeline_mode<synchronous>, transform_indices = @transform_1, window_bounds = array<i64: 128, 128>}, {transform_indices = @transform_2, window_bounds = array<i64: 2, 632, 128>}, {transform_indices = @transform_3, window_bounds = array<i64: 632, 128>}, {transform_indices = @transform_4, window_bounds = array<i64: 632, 8>}]} {
    %get3A = arith.constant 0 : index
    %get3A_0 = arith.constant 0 : index
    %get3A_1 = arith.constant 0 : index
    %get3A_2 = vector.load %arg3[%get3A, %get3A_0, %get3A_1] : memref<2x632x128xf32, #tpu.memory_space<vmem>>, vector<1x632x1xf32>
    %get3A_3 = vector.shape_cast %get3A_2 : vector<1x632x1xf32> to vector<632xf32>
    %get3A_4 = arith.constant 1 : index
    %get3A_5 = arith.constant 0 : index
    %get3A_6 = arith.constant 0 : index
    %get3A_7 = vector.load %arg3[%get3A_4, %get3A_5, %get3A_6] : memref<2x632x128xf32, #tpu.memory_space<vmem>>, vector<1x632x1xf32>
    %get3A_8 = vector.shape_cast %get3A_7 : vector<1x632x1xf32> to vector<632xf32>
    %add3A = arith.addf %get3A_3, %get3A_8 : vector<632xf32>
    %add3A_9 = arith.constant 1.000000e+00 : f32
    %add3A_10 = vector.broadcast %add3A_9 : f32 to vector<632xf32>
    %add3A_11 = arith.addf %add3A, %add3A_10 : vector<632xf32>
    %rsqrt3A = math.rsqrt %add3A_11 : vector<632xf32>
    %get3A_12 = arith.constant 0 : index
    %get3A_13 = arith.constant 0 : index
    %get3A_14 = vector.load %arg1[%get3A_12, %get3A_13] : memref<632x128xf32, #tpu.memory_space<vmem>>, vector<632x128xf32>
    %get3A_15 = arith.constant 0 : index
    %get3A_16 = arith.constant 0 : index
    %get3A_17 = vector.load %arg2[%get3A_15, %get3A_16] : memref<128x128xf32, #tpu.memory_space<vmem>>, vector<128x128xf32>
    %dot_general3A = arith.constant dense<0.000000e+00> : vector<632x128xf32>
    %dot_general3A_18 = tpu.matmul %get3A_14, %get3A_17, %dot_general3A {dimension_numbers = #tpu.dot_dimension_numbers<[1], [0], [0], [1], [0, 0, 1, 1], [], []>, transpose_lhs_hint = false} : vector<632x128xf32>, vector<128x128xf32>, vector<632x128xf32> -> vector<632x128xf32>
    %broadcast_in_dim3A = vector.shape_cast %rsqrt3A : vector<632xf32> to vector<632x1xf32>
    %mul3A = vector.broadcast %broadcast_in_dim3A : vector<632x1xf32> to vector<632x128xf32>
    %mul3A_19 = arith.mulf %dot_general3A_18, %mul3A : vector<632x128xf32>
    %swap3A = arith.constant 0 : index
    %swap3A_20 = arith.constant 0 : index
    %swap3A_21 = vector.load %arg4[%swap3A, %swap3A_20] : memref<632x128xf32, #tpu.memory_space<vmem>>, vector<632x128xf32>
    tpu.vector_store %arg4[%swap3A, %swap3A_20], %mul3A_19 {strides = array<i32>} : memref<632x128xf32, #tpu.memory_space<vmem>>, vector<632x128xf32>,
    %broadcast_in_dim3A_22 = vector.shape_cast %rsqrt3A : vector<632xf32> to vector<632x1xf32>
    %broadcast_in_dim3A_23 = vector.shape_cast %broadcast_in_dim3A_22 : vector<632x1xf32> to vector<632x1xf32>
    %broadcast_in_dim3A_24 = vector.broadcast %broadcast_in_dim3A_23 : vector<632x1xf32> to vector<632x8xf32>
    %swap3A_25 = arith.constant 0 : index
    %swap3A_26 = arith.constant 0 : index
    %swap3A_27 = vector.load %arg5[%swap3A_25, %swap3A_26] : memref<632x8xf32, #tpu.memory_space<vmem>>, vector<632x8xf32>
    tpu.vector_store %arg5[%swap3A_25, %swap3A_26], %broadcast_in_dim3A_24 {strides = array<i32>} : memref<632x8xf32, #tpu.memory_space<vmem>>, vector<632x8xf32>,
    return
  }
  func.func @transform_0(%arg0: i32) -> (i32, i32) {
    %c0_i32 = arith.constant 0 : i32
    %c0_i32_0 = arith.constant 0 : i32
    return %arg0, %c0_i32 : i32, i32
  }
  func.func @transform_1(%arg0: i32) -> (i32, i32) {
    %c0_i32 = arith.constant 0 : i32
    %c0_i32_0 = arith.constant 0 : i32
    %c0_i32_1 = arith.constant 0 : i32
    return %c0_i32, %c0_i32_0 : i32, i32
  }
  func.func @transform_2(%arg0: i32) -> (i32, i32, i32) {
    %c0_i32 = arith.constant 0 : i32
    %c0_i32_0 = arith.constant 0 : i32
    %c0_i32_1 = arith.constant 0 : i32
    return %c0_i32, %arg0, %c0_i32_0 : i32, i32, i32
  }
  func.func @transform_3(%arg0: i32) -> (i32, i32) {
    %c0_i32 = arith.constant 0 : i32
    %c0_i32_0 = arith.constant 0 : i32
    return %arg0, %c0_i32 : i32, i32
  }
  func.func @transform_4(%arg0: i32) -> (i32, i32) {
    %c0_i32 = arith.constant 0 : i32
    %c0_i32_0 = arith.constant 0 : i32
    return %arg0, %c0_i32 : i32, i32
  }
}

module attributes {stable_mosaic.version = 14 : i64} {
  func.func @_tc2_body(%arg0: i32, %arg1: memref<2x632x128xf32, #tpu.memory_space<vmem>>, %arg2: memref<632x128xf32, #tpu.memory_space<vmem>>, %arg3: memref<632x8xf32, #tpu.memory_space<vmem>>, %arg4: memref<1x128xf32, #tpu.memory_space<vmem>>, %arg5: memref<128x128xf32, #tpu.memory_space<vmem>>, %arg6: memref<632x128xf32, #tpu.memory_space<vmem>>) attributes {dimension_semantics = [#tpu.dimension_semantics<arbitrary>], iteration_bounds = array<i64: 16>, scalar_prefetch = 0 : i64, scratch_operands = 0 : i64, tpu.core_type = #tpu.core_type<tc>, window_params = [{transform_indices = @transform_0, window_bounds = array<i64: 2, 632, 128>}, {transform_indices = @transform_1, window_bounds = array<i64: 632, 128>}, {transform_indices = @transform_2, window_bounds = array<i64: 632, 8>}, {pipeline_mode = #tpu.pipeline_mode<synchronous>, transform_indices = @transform_3, window_bounds = array<i64: 1, 128>}, {pipeline_mode = #tpu.pipeline_mode<synchronous>, transform_indices = @transform_4, window_bounds = array<i64: 128, 128>}, {transform_indices = @transform_5, window_bounds = array<i64: 632, 128>}]} {
    %get3A = arith.constant 0 : index
    %get3A_0 = arith.constant 0 : index
    %get3A_1 = vector.load %arg3[%get3A, %get3A_0] : memref<632x8xf32, #tpu.memory_space<vmem>>, vector<632x1xf32>
    %get3A_2 = vector.shape_cast %get3A_1 : vector<632x1xf32> to vector<632xf32>
    %get3A_3 = arith.constant 0 : index
    %get3A_4 = arith.constant 0 : index
    %get3A_5 = arith.constant 0 : index
    %get3A_6 = vector.load %arg1[%get3A_3, %get3A_4, %get3A_5] : memref<2x632x128xf32, #tpu.memory_space<vmem>>, vector<1x632x128xf32>
    %get3A_7 = vector.shape_cast %get3A_6 : vector<1x632x128xf32> to vector<632x128xf32>
    %get3A_8 = arith.constant 1 : index
    %get3A_9 = arith.constant 0 : index
    %get3A_10 = arith.constant 0 : index
    %get3A_11 = vector.load %arg1[%get3A_8, %get3A_9, %get3A_10] : memref<2x632x128xf32, #tpu.memory_space<vmem>>, vector<1x632x128xf32>
    %get3A_12 = vector.shape_cast %get3A_11 : vector<1x632x128xf32> to vector<632x128xf32>
    %add3A = arith.addf %get3A_7, %get3A_12 : vector<632x128xf32>
    %get3A_13 = arith.constant 0 : index
    %get3A_14 = arith.constant 0 : index
    %get3A_15 = vector.load %arg2[%get3A_13, %get3A_14] : memref<632x128xf32, #tpu.memory_space<vmem>>, vector<632x128xf32>
    %add3A_16 = arith.addf %add3A, %get3A_15 : vector<632x128xf32>
    %broadcast_in_dim3A = vector.shape_cast %get3A_2 : vector<632xf32> to vector<632x1xf32>
    %mul3A = vector.broadcast %broadcast_in_dim3A : vector<632x1xf32> to vector<632x128xf32>
    %mul3A_17 = arith.mulf %add3A_16, %mul3A : vector<632x128xf32>
    %get3A_18 = arith.constant 0 : index
    %get3A_19 = arith.constant 0 : index
    %get3A_20 = vector.load %arg4[%get3A_18, %get3A_19] : memref<1x128xf32, #tpu.memory_space<vmem>>, vector<1x128xf32>
    %add3A_21 = vector.broadcast %get3A_20 : vector<1x128xf32> to vector<632x128xf32>
    %add3A_22 = arith.addf %mul3A_17, %add3A_21 : vector<632x128xf32>
    %max3A = arith.constant 0.000000e+00 : f32
    %max3A_23 = vector.broadcast %max3A : f32 to vector<632x128xf32>
    %max3A_24 = arith.maximumf %add3A_22, %max3A_23 : vector<632x128xf32>
    %get3A_25 = arith.constant 0 : index
    %get3A_26 = arith.constant 0 : index
    %get3A_27 = vector.load %arg5[%get3A_25, %get3A_26] : memref<128x128xf32, #tpu.memory_space<vmem>>, vector<128x128xf32>
    %dot_general3A = arith.constant dense<0.000000e+00> : vector<632x128xf32>
    %dot_general3A_28 = tpu.matmul %max3A_24, %get3A_27, %dot_general3A {dimension_numbers = #tpu.dot_dimension_numbers<[1], [0], [0], [1], [0, 0, 1, 1], [], []>, transpose_lhs_hint = false} : vector<632x128xf32>, vector<128x128xf32>, vector<632x128xf32> -> vector<632x128xf32>
    %broadcast_in_dim3A_29 = vector.shape_cast %get3A_2 : vector<632xf32> to vector<632x1xf32>
    %mul3A_30 = vector.broadcast %broadcast_in_dim3A_29 : vector<632x1xf32> to vector<632x128xf32>
    %mul3A_31 = arith.mulf %dot_general3A_28, %mul3A_30 : vector<632x128xf32>
    %swap3A = arith.constant 0 : index
    %swap3A_32 = arith.constant 0 : index
    %swap3A_33 = vector.load %arg6[%swap3A, %swap3A_32] : memref<632x128xf32, #tpu.memory_space<vmem>>, vector<632x128xf32>
    tpu.vector_store %arg6[%swap3A, %swap3A_32], %mul3A_31 {strides = array<i32>} : memref<632x128xf32, #tpu.memory_space<vmem>>, vector<632x128xf32>,
    return
  }
  func.func @transform_0(%arg0: i32) -> (i32, i32, i32) {
    %c0_i32 = arith.constant 0 : i32
    %c0_i32_0 = arith.constant 0 : i32
    %c0_i32_1 = arith.constant 0 : i32
    return %c0_i32, %arg0, %c0_i32_0 : i32, i32, i32
  }
  func.func @transform_1(%arg0: i32) -> (i32, i32) {
    %c0_i32 = arith.constant 0 : i32
    %c0_i32_0 = arith.constant 0 : i32
    return %arg0, %c0_i32 : i32, i32
  }
  func.func @transform_2(%arg0: i32) -> (i32, i32) {
    %c0_i32 = arith.constant 0 : i32
    %c0_i32_0 = arith.constant 0 : i32
    return %arg0, %c0_i32 : i32, i32
  }
  func.func @transform_3(%arg0: i32) -> (i32, i32) {
    %c0_i32 = arith.constant 0 : i32
    %c0_i32_0 = arith.constant 0 : i32
    %c0_i32_1 = arith.constant 0 : i32
    return %c0_i32, %c0_i32_0 : i32, i32
  }
  func.func @transform_4(%arg0: i32) -> (i32, i32) {
    %c0_i32 = arith.constant 0 : i32
    %c0_i32_0 = arith.constant 0 : i32
    %c0_i32_1 = arith.constant 0 : i32
    return %c0_i32, %c0_i32_0 : i32, i32
  }
  func.func @transform_5(%arg0: i32) -> (i32, i32) {
    %c0_i32 = arith.constant 0 : i32
    %c0_i32_0 = arith.constant 0 : i32
    return %arg0, %c0_i32 : i32, i32
  }
}

module attributes {stable_mosaic.version = 14 : i64} {
  func.func @_tc3_body(%arg0: i32, %arg1: memref<2x400x128xf32, #tpu.memory_space<vmem>>, %arg2: memref<400x128xf32, #tpu.memory_space<vmem>>, %arg3: memref<400x8xf32, #tpu.memory_space<vmem>>, %arg4: memref<1x128xf32, #tpu.memory_space<vmem>>, %arg5: memref<400x128xf32, #tpu.memory_space<vmem>>) attributes {dimension_semantics = [#tpu.dimension_semantics<arbitrary>], iteration_bounds = array<i64: 25>, scalar_prefetch = 0 : i64, scratch_operands = 0 : i64, tpu.core_type = #tpu.core_type<tc>, window_params = [{transform_indices = @transform_0, window_bounds = array<i64: 2, 400, 128>}, {transform_indices = @transform_1, window_bounds = array<i64: 400, 128>}, {transform_indices = @transform_2, window_bounds = array<i64: 400, 8>}, {pipeline_mode = #tpu.pipeline_mode<synchronous>, transform_indices = @transform_3, window_bounds = array<i64: 1, 128>}, {transform_indices = @transform_4, window_bounds = array<i64: 400, 128>}]} {
    %get3A = arith.constant 0 : index
    %get3A_0 = arith.constant 0 : index
    %get3A_1 = vector.load %arg3[%get3A, %get3A_0] : memref<400x8xf32, #tpu.memory_space<vmem>>, vector<400x1xf32>
    %get3A_2 = vector.shape_cast %get3A_1 : vector<400x1xf32> to vector<400xf32>
    %get3A_3 = arith.constant 0 : index
    %get3A_4 = arith.constant 0 : index
    %get3A_5 = arith.constant 0 : index
    %get3A_6 = vector.load %arg1[%get3A_3, %get3A_4, %get3A_5] : memref<2x400x128xf32, #tpu.memory_space<vmem>>, vector<1x400x128xf32>
    %get3A_7 = vector.shape_cast %get3A_6 : vector<1x400x128xf32> to vector<400x128xf32>
    %get3A_8 = arith.constant 1 : index
    %get3A_9 = arith.constant 0 : index
    %get3A_10 = arith.constant 0 : index
    %get3A_11 = vector.load %arg1[%get3A_8, %get3A_9, %get3A_10] : memref<2x400x128xf32, #tpu.memory_space<vmem>>, vector<1x400x128xf32>
    %get3A_12 = vector.shape_cast %get3A_11 : vector<1x400x128xf32> to vector<400x128xf32>
    %add3A = arith.addf %get3A_7, %get3A_12 : vector<400x128xf32>
    %get3A_13 = arith.constant 0 : index
    %get3A_14 = arith.constant 0 : index
    %get3A_15 = vector.load %arg2[%get3A_13, %get3A_14] : memref<400x128xf32, #tpu.memory_space<vmem>>, vector<400x128xf32>
    %add3A_16 = arith.addf %add3A, %get3A_15 : vector<400x128xf32>
    %broadcast_in_dim3A = vector.shape_cast %get3A_2 : vector<400xf32> to vector<400x1xf32>
    %mul3A = vector.broadcast %broadcast_in_dim3A : vector<400x1xf32> to vector<400x128xf32>
    %mul3A_17 = arith.mulf %add3A_16, %mul3A : vector<400x128xf32>
    %get3A_18 = arith.constant 0 : index
    %get3A_19 = arith.constant 0 : index
    %get3A_20 = vector.load %arg4[%get3A_18, %get3A_19] : memref<1x128xf32, #tpu.memory_space<vmem>>, vector<1x128xf32>
    %add3A_21 = vector.broadcast %get3A_20 : vector<1x128xf32> to vector<400x128xf32>
    %add3A_22 = arith.addf %mul3A_17, %add3A_21 : vector<400x128xf32>
    %reduce_max3A = arith.constant dense<0xFF800000> : vector<400xf32>
    %reduce_max3A_23 = vector.multi_reduction <maximumf>, %add3A_22, %reduce_max3A [1] : vector<400x128xf32> to vector<400xf32>
    %broadcast_in_dim3A_24 = vector.shape_cast %reduce_max3A_23 : vector<400xf32> to vector<400x1xf32>
    %sub3A = vector.broadcast %broadcast_in_dim3A_24 : vector<400x1xf32> to vector<400x128xf32>
    %sub3A_25 = arith.subf %add3A_22, %sub3A : vector<400x128xf32>
    %exp3A = math.exp %sub3A_25 : vector<400x128xf32>
    %reduce_sum3A = arith.constant dense<0.000000e+00> : vector<400xf32>
    %reduce_sum3A_26 = vector.multi_reduction <add>, %exp3A, %reduce_sum3A [1] : vector<400x128xf32> to vector<400xf32>
    %broadcast_in_dim3A_27 = vector.shape_cast %reduce_sum3A_26 : vector<400xf32> to vector<400x1xf32>
    %log3A = math.log %broadcast_in_dim3A_27 : vector<400x1xf32>
    %add3A_28 = arith.addf %log3A, %broadcast_in_dim3A_24 : vector<400x1xf32>
    %sub3A_29 = vector.broadcast %add3A_28 : vector<400x1xf32> to vector<400x128xf32>
    %sub3A_30 = arith.subf %add3A_22, %sub3A_29 : vector<400x128xf32>
    %swap3A = arith.constant 0 : index
    %swap3A_31 = arith.constant 0 : index
    %swap3A_32 = vector.load %arg5[%swap3A, %swap3A_31] : memref<400x128xf32, #tpu.memory_space<vmem>>, vector<400x128xf32>
    tpu.vector_store %arg5[%swap3A, %swap3A_31], %sub3A_30 {strides = array<i32>} : memref<400x128xf32, #tpu.memory_space<vmem>>, vector<400x128xf32>,
    return
  }
  func.func @transform_0(%arg0: i32) -> (i32, i32, i32) {
    %c0_i32 = arith.constant 0 : i32
    %c0_i32_0 = arith.constant 0 : i32
    %c0_i32_1 = arith.constant 0 : i32
    return %c0_i32, %arg0, %c0_i32_0 : i32, i32, i32
  }
  func.func @transform_1(%arg0: i32) -> (i32, i32) {
    %c0_i32 = arith.constant 0 : i32
    %c0_i32_0 = arith.constant 0 : i32
    return %arg0, %c0_i32 : i32, i32
  }
  func.func @transform_2(%arg0: i32) -> (i32, i32) {
    %c0_i32 = arith.constant 0 : i32
    %c0_i32_0 = arith.constant 0 : i32
    return %arg0, %c0_i32 : i32, i32
  }
  func.func @transform_3(%arg0: i32) -> (i32, i32) {
    %c0_i32 = arith.constant 0 : i32
    %c0_i32_0 = arith.constant 0 : i32
    %c0_i32_1 = arith.constant 0 : i32
    return %c0_i32, %c0_i32_0 : i32, i32
  }
  func.func @transform_4(%arg0: i32) -> (i32, i32) {
    %c0_i32 = arith.constant 0 : i32
    %c0_i32_0 = arith.constant 0 : i32
    return %arg0, %c0_i32 : i32, i32
  }
}

</mosaic_0001>

<sc_bundles>
// kernel: kernel.11.cloned.1.call-start
scs
__scs_entry_jumppad:
0x0: {  	(pc) =	sbr.rel $0x88, $3  }
0x1: {  	(tag) =	ssettag $0x0;
	lr =	simm.s32 $0x1  }
0x2: {  	[smem:$0x3F9B] =	sst lr;
	_ =	strace $0xD0000000  }
0x3: {  	_ = 	snop  }
0x4: {  	_ = 	snop  }
0x5: {  	_ = 	snop  }
0x6: {  	_ = 	snop  }
0x7: {  	_ = 	snop  }
__scs_overlays_trampoline_lowered:
0x8: {  	[smem:$0x3FAA] =	sst s0  }
0x9: {  	[smem:$0x3FAB] =	sst s1  }
0xa: {  	[smem:$0x3FAC] =	sst s2  }
0xb: {  	[smem:$0x3FAD] =	sst s3  }
0xc: {  	[smem:$0x3FAE] =	sst s4  }
0xd: {  	[smem:$0x3FAF] =	sst s5  }
0xe: {  	[smem:$0x3FB0] =	sst s6  }
0xf: {  	[smem:$0x3FB1] =	sst s7  }
0x10: {  	[smem:$0x3FB2] =	sst s8  }
0x11: {  	[smem:$0x3FB3] =	sst s9;
	s0 =	simm.s32 @!p0 $0x0  }
0x12: {  	s1 =	sld [smem:$0x3F99];
	s0 =	simm.s32 @p0 $0x1  }
0x13: {  	[smem:$0x3FB4] =	sst s0;
	s0 =	simm.s32 @!p1 $0x0  }
0x14: {  	s2 =	sld [smem:$0x3F98];
	s0 =	simm.s32 @p1 $0x1  }
0x15: {  	[smem:$0x3FB5] =	sst s0;
	s0 =	simm.s32 @!p2 $0x0  }
0x16: {  	s3 =	sld [smem:$0x3FDB];
	s0 =	simm.s32 @p2 $0x1  }
0x17: {  	s4 =	simm.s32 $0x1BF5;
	[smem:$0x3FB7] =	sst s0  }
0x18: {  	s0 =	sld [smem:$0x3F9A];
	_ =	swait.ge [sflag:s4], $0x0  }
0x19: {  	s7 =	sld [smem:$0x3F9B]  }
0x1a: {  	s8 =	sadd.s32 $0xFFFFE003, lr  }
0x1b: {  	s9 =	sadd.s32 $0xFFFFFEF7, lr;
	s5 =	simm.s32 $0xFFFFFFFF;
	p2 =	slt.u32 s8, $0xFFFFF086  }
0x1c: {  	p1 =	slt.u32 s9, $0xF7A;
	s5 =	simm.s32 @!p2 $0x0  }
0x1d: {  	s5 =	simm.s32 @p1 $0x1;
	p0 =	seq.s32 s7, s2  }
0x1e: {  	s7 =	smul.u32 @!p0 $0xF7A, s2;
	p2 =	seq.s32 @!p0 s5, $0x0  }
0x1f: {  	s9 =	smul.u32 $0xF7A, s1;
	s8 =	simm.s32 @!p0 $0x1BF5;
	p2 =	por !p2, p0  }
0x20: {  	[sflag:s8] =	ssyncset.s32 @!p0 $0xFFFFF086;
	s6 =	sadd.s32 @!p0 s3, s7;
	s7 =	simm.s32 @!p0 $0x108  }
0x21: {  	s3 =	sadd.s32 s3, s9;
	s6 =	sadd.s32 @!p0 $0x88, s6;
	s7 =	simm.s32 @p2 $0x1082  }
0x22: {  	[simem:s7], [sflag:s8] =	dma.local @!p0 [hbm:s6], $0xF7A  }
0x23: {  	s9 =	sor.u32 $0xD0000000, s2;
	s6 =	simm.s32 $0x108;
	_ =	swait.ge @!p0 [sflag:s8], $0x0  }
0x24: {  	s3 =	sadd.s32 $0x88, s3;
	s6 =	simm.s32 @!p1 $0x1082;
	[sflag:s4] =	ssyncset.s32 $0xFFFFF086  }
0x25: {  	[simem:s6], [sflag:s4] =	dma.local [hbm:s3], $0xF7A  }
0x26: {  	[smem:$0x3F9B] =	sst s1;
	(tag) =	ssettag s2;
	_ =	strace s9  }
0x27: {  	s1 =	sld [smem:$0x3FAB]  }
0x28: {  	s2 =	sld [smem:$0x3FAC]  }
0x29: {  	s4 =	sld [smem:$0x3FAE]  }
0x2a: {  	p0 =	seq.s32 s5, $0x0;
	s5 =	sld [smem:$0x3FAF]  }
0x2b: {  	s6 =	sld [smem:$0x3FB0]  }
0x2c: {  	s7 =	sld [smem:$0x3FB1]  }
0x2d: {  	s3 =	simm.s32 $0x108;
	s8 =	sld [smem:$0x3FB2]  }
0x2e: {  	s3 =	simm.s32 @!p0 $0x1082;
	s9 =	sld [smem:$0x3FB3]  }
0x2f: {  	lr =	sadd.s32 s0, s3;
	s0 =	sld [smem:$0x3FAA]  }
0x30: {  	s3 =	sld [smem:$0x3FAD]  }
0x31: {  	[smem:$0x3FB6] =	sst s10  }
0x32: {  	s10 =	sld [smem:$0x3FB4];
	_ =	sdelay $0x3  }
0x33: {  	p0 =	seq.s32 s10, $0x1;
	s10 =	sld [smem:$0x3FB6];
	_ =	sdelay $0x3  }
0x34: {  	[smem:$0x3FB6] =	sst s10  }
0x35: {  	s10 =	sld [smem:$0x3FB5];
	_ =	sdelay $0x3  }
0x36: {  	p1 =	seq.s32 s10, $0x1;
	s10 =	sld [smem:$0x3FB6];
	_ =	sdelay $0x3  }
0x37: {  	[smem:$0x3FB6] =	sst s10  }
0x38: {  	s10 =	sld [smem:$0x3FB7]  }
0x39: {  	_ = 	snop;
	(pc) =	sbr.ind lr, $3  }
0x3a: {  	_ = 	snop  }
0x3b: {  	_ = 	snop  }
0x3c: {  	p2 =	seq.s32 s10, $0x1;
	s10 =	sld [smem:$0x3FB6]  }
0x3d: {  	_ =	shalt  }
0x3e: {  	_ =	shalt  }
0x3f: {  	_ =	shalt  }
0x40: {  	_ =	shalt  }
0x41: {  	_ =	shalt  }
0x42: {  	_ =	shalt  }
0x43: {  	_ =	shalt  }
0x44: {  	_ =	shalt  }
0x45: {  	_ =	shalt  }
0x46: {  	_ =	shalt  }
0x47: {  	_ =	shalt  }
0x48: {  	_ =	shalt  }
0x49: {  	_ =	shalt  }
0x4a: {  	_ =	shalt  }
0x4b: {  	_ =	shalt  }
0x4c: {  	_ =	shalt  }
0x4d: {  	_ =	shalt  }
0x4e: {  	_ =	shalt  }
0x4f: {  	_ =	shalt  }
0x50: {  	_ =	shalt  }
0x51: {  	_ =	shalt  }
0x52: {  	_ =	shalt  }
0x53: {  	_ =	shalt  }
0x54: {  	_ =	shalt  }
0x55: {  	_ =	shalt  }
0x56: {  	_ =	shalt  }
0x57: {  	_ =	shalt  }
0x58: {  	_ =	shalt  }
0x59: {  	_ =	shalt  }
0x5a: {  	_ =	shalt  }
0x5b: {  	_ =	shalt  }
0x5c: {  	_ =	shalt  }
0x5d: {  	_ =	shalt  }
0x5e: {  	_ =	shalt  }
0x5f: {  	_ =	shalt  }
0x60: {  	_ =	shalt  }
0x61: {  	_ =	shalt  }
0x62: {  	_ =	shalt  }
0x63: {  	_ =	shalt  }
0x64: {  	_ =	shalt  }
0x65: {  	_ =	shalt  }
0x66: {  	_ =	shalt  }
0x67: {  	_ =	shalt  }
0x68: {  	_ =	shalt  }
0x69: {  	_ =	shalt  }
0x6a: {  	_ =	shalt  }
0x6b: {  	_ =	shalt  }
0x6c: {  	_ =	shalt  }
0x6d: {  	_ =	shalt  }
0x6e: {  	_ =	shalt  }
0x6f: {  	_ =	shalt  }
0x70: {  	_ =	shalt  }
0x71: {  	_ =	shalt  }
0x72: {  	_ =	shalt  }
0x73: {  	_ =	shalt  }
0x74: {  	_ =	shalt  }
0x75: {  	_ =	shalt  }
0x76: {  	_ =	shalt  }
0x77: {  	_ =	shalt  }
0x78: {  	_ =	shalt  }
0x79: {  	_ =	shalt  }
0x7a: {  	_ =	shalt  }
0x7b: {  	_ =	shalt  }
0x7c: {  	_ =	shalt  }
0x7d: {  	_ =	shalt  }
0x7e: {  	_ =	shalt  }
0x7f: {  	_ =	shalt  }
0x80: {  	_ =	shalt  }
0x81: {  	_ =	shalt  }
0x82: {  	_ =	shalt  }
0x83: {  	_ =	shalt  }
0x84: {  	_ =	shalt  }
0x85: {  	_ =	shalt  }
0x86: {  	_ =	shalt  }
0x87: {  	_ =	shalt  }
.Lfunc_end0:
.L_simem_size_0:
called_computation.1_lowered:
.L_overlay_start_0:
0x88: {  	s2 =	sld [smem:$0x3FD9]  }
0x89: {  	s3 =	sld [smem:$0x3FFE];
	_ =	sdelay $0x1  }
0x8a: {  	s1 =	srdreg.scid  }
0x8b: {  	s0 =	sand.u32 $0x1, s1  }
0x8c: {  	s17 =	sshll.u32 s0, $0xA;
	s2 =	sadd.s32 s3, s2  }
0x8d: {  	s2 =	sadd.s32 s2, s17  }
0x8e: {  	[smem:$0x3FC2] =	sst s2  }
0x8f: {  	_ = 	snop  }
0x90: {  	s2 =	sld [smem:$0x3FD0];
	(tm) =	ssettm $0x1  }
0x91: {  	s18 =	sld [smem:$0x3FFB];
	_ =	sdelay $0x3  }
0x92: {  	_ =	strace s18  }
0x93: {  	s3 =	sld [smem:$0x3FFC];
	_ =	sdelay $0x3  }
0x94: {  	_ =	strace s3  }
0x95: {  	s3 =	sld [smem:$0x3FFD];
	_ =	sdelay $0x3  }
0x96: {  	_ =	strace s3  }
0x97: {  	_ =	strace $0x8FFFFFFF  }
0x98: {  	s19 =	sld [smem:$0x3FDB];
	_ =	sdelay $0x1  }
0x99: {  	s4 =	simm.s32 $_scs_section_size  }
0x9a: {  	s5 =	simm.s32 $_size__tile_overlayer_lowered;
	s6 =	simm.s32 $_tile_overlayer_lowered  }
0x9b: {  	s22 =	simm.s32 $0x1BFF;
	s21 =	sshll.u32 s6, $0x1;
	s3 =	sadd.s32 s4, s19  }
0x9c: {  	s7 =	simm.s32 $0x0;
	s20 =	sshll.u32 s5, $0x1;
	s5 =	sadd.s32 s21, s3  }
0x9d: {  	[timem:s7], [sflag:s22] =	dma.local [hbm:s5], s20  }
0x9e: {  	_ =	swait.ge [sflag:s22], s20  }
0x9f: {  	s4 =	ssub.s32 $0x0, s20;
	[sflag:s22] =	ssyncset.done $0x0  }
0xa0: {  	[sflag:s22] =	ssyncadd.s32 s4;
	_ =	sdelay $0x1  }
0xa1: {  	s23 =	simm.s32 $0x1B8B  }
0xa2: {  	_ =	swait.ge [sflag:s23], $0x1  }
0xa3: {  	[sflag:s23] =	ssyncset.done $0x0  }
0xa4: {  	s25 =	simm.s32 $0x1B8E;
	s24 =	sld [smem:$0x3FFE];
	[sflag:s23] =	ssyncadd.s32 $0xFFFFFFFF  }
0xa5: {  	s26 =	simm.s32 $execute0_lowered;
	[smem:$0x3FD2] =	sst s25  }
0xa6: {  	s5 =	sshll.u32 s26, $0x1;
	_ =	strace $0x80000049;
	[dreg:$0x1] =	wrdreg $0xFFFFFFFF  }
0xa7: {  	s28 =	simm.s32 $_size_execute0_lowered;
	s3 =	sadd.s32 s3, s5;
	[dreg:$0x0] =	wrdreg $0x0  }
0xa8: {  	s5 =	sshll.u32 s28, $0x1;
	[dreg:$0x2] =	wrdreg s3  }
0xa9: {  	[dreg:$0x3] =	wrdreg s5  }
0xaa: {  	[dreg:$0x4] =	wrdreg $0xC0  }
0xab: {  	_ =	task [dreg:s7], $0x5FFFF  }
0xac: {  	[dreg:$0x1] =	wrdreg $0xFFFFFFFF  }
0xad: {  	[dreg:$0x0] =	wrdreg $0x60  }
0xae: {  	[dreg:$0x2] =	wrdreg s24  }
0xaf: {  	[dreg:$0x3] =	wrdreg s2  }
0xb0: {  	[dreg:$0x4] =	wrdreg $0xA0000  }
0xb1: {  	[dreg:$0x5] =	wrdreg $0x9  }
0xb2: {  	_ =	task.clear_ibuf [dreg:s7], $0x6FFFF;
	_ =	strace $0x90000049  }
0xb3: {  	s29 =	simm.s32 $0x9;
	_ =	strace $0x8000004B  }
0xb4: {  	_ =	swait.ge [sflag:s29], $0x1  }
0xb5: {  	[sflag:s29] =	ssyncadd.s32 $0xFFFFFFFF  }
0xb6: {  	_ =	strace $0x9000004B  }
0xb7: {  	_ =	sfence  }
0xb8: {  	s30 =	sld [smem:$0x0];
	_ =	sdelay $0x2  }
0xb9: {  	s31 =	sshll.u32 s1, $0xD;
	s1 =	sshrl.u32 s1, $0x2  }
0xba: {  	s3 =	sand.u32 $0x4000, s31;
	s1 =	sadd.s32 s1, s30  }
0xbb: {  	s0 =	sor.u32 s3, s0;
	s1 =	sshll.u32 s1, $0x11  }
0xbc: {  	s0 =	sor.u32 s1, s0  }
0xbd: {  	s0 =	sadd.s32 $0x8F2B, s0  }
0xbe: {  	[sflag:s0] =	ssyncadd.remote.s32 $0x1  }
0xbf: {  	_ =	sfence.sel $0xFFFF  }
0xc0: {  	[dreg:$0x0] =	wrdreg $0xFFFFFFFF;
	(pc) =	sbr.abs _section_cstart, $3  }
0xc1: {  	[dreg:$0x1] =	wrdreg $0xFFFFFFFF  }
0xc2: {  	_ =	task.clear_ibuf [dreg:s7], $0x2FFFF;
	_ =	strace $0x9FFFFFFF  }
0xc3: {  	(tm) =	ssettm $0x7FFFFFFF  }
tec
execute0_lowered:
.L_overlay_start_1:
0x0: {  	(tag) =	ssettag $0x1  }
0x1: {  	s6 =	rddreg [dreg:$0x0]  }
0x2: {  	s8 =	rddreg [dreg:$0x1]  }
0x3: {  	s0 =	srdreg.scid;
	s2 =	rddreg [dreg:$0x2]  }
0x4: {  	s3 =	simm.s32 $0x0;
	s7 =	sand.u32 $0x1, s0;
	s0 =	rddreg [dreg:$0x3]  }
0x5: {  	s29 =	simm.s32 $0x4080;
	[smem:$0x7FF] =	sst s3  }
0x6: {  	s30 =	simm.s32 $0x4100;
	_ =	strace $0x8000004A;
	[dreg:$0x4] =	wrdreg s29  }
0x7: {  	s31 =	simm.s32 $0x4180;
	[dreg:$0x5] =	wrdreg s30  }
0x8: {  	s14 =	simm.s32 $0x4200;
	[dreg:$0x6] =	wrdreg s31  }
0x9: {  	s15 =	simm.s32 $0x4280;
	[dreg:$0x7] =	wrdreg s14  }
0xa: {  	s17 =	simm.s32 $0x4300;
	[dreg:$0x8] =	wrdreg s15  }
0xb: {  	s18 =	simm.s32 $0x4380;
	[dreg:$0x9] =	wrdreg s17  }
0xc: {  	s20 =	simm.s32 $0x4480;
	[dreg:$0xa] =	wrdreg s18  }
0xd: {  	s21 =	simm.s32 $0x4500;
	[dreg:$0xc] =	wrdreg s20  }
0xe: {  	s22 =	simm.s32 $0x4580;
	[dreg:$0xd] =	wrdreg s21  }
0xf: {  	s1 =	stileid.u32;
	s23 =	simm.s32 $0x4600;
	[dreg:$0xe] =	wrdreg s22  }
0x10: {  	s24 =	simm.s32 $0x4680;
	s25 =	simm.s32 $0x4700;
	[dreg:$0xf] =	wrdreg s23  }
0x11: {  	s26 =	simm.s32 $0x4780;
	s28 =	simm.s32 $0x4800;
	[dreg:$0x10] =	wrdreg s24  }
0x12: {  	s13 =	smul.u32 $0x4F000, s1;
	s19 =	sshll.u32 s1, $0x6;
	[dreg:$0x11] =	wrdreg s25  }
0x13: {  	s4 =	sshll.u32 s7, $0x4;
	s10 =	smul.u32 $0x27800, s7;
	[dreg:$0x12] =	wrdreg s26  }
0x14: {  	s7 =	ssub.s32 $0x2, s7;
	s14 =	simm.s32 $0x4400;
	[dreg:$0x13] =	wrdreg s28  }
0x15: {  	s20 =	smul.u32 $0x2780, s1;
	s29 =	simm.s32 $0x4880;
	[dreg:$0xb] =	wrdreg s14  }
0x16: {  	s30 =	simm.s32 $0x4900;
	s15 =	simm.s32 $0x4980;
	[dreg:$0x14] =	wrdreg s29  }
0x17: {  	s17 =	simm.s32 $0x4A80;
	s18 =	simm.s32 $0x4B00;
	[dreg:$0x15] =	wrdreg s30  }
0x18: {  	s21 =	simm.s32 $0x4B80;
	s31 =	simm.s32 $0x4C00;
	[dreg:$0x16] =	wrdreg s15  }
0x19: {  	s9 =	sor.u32 s1, s4;
	s4 =	sadd.s32 $0x14E00, s6;
	[dreg:$0x18] =	wrdreg s17  }
0x1a: {  	s12 =	sshrl.u32 s7, $0x1;
	s16 =	sshrl.u32 s13, $0x2;
	[dreg:$0x19] =	wrdreg s18  }
0x1b: {  	s14 =	simm.s32 $0x5000;
	s15 =	simm.s32 $0x7800;
	[dreg:$0x1a] =	wrdreg s21  }
0x1c: {  	s17 =	simm.s32 $0x3;
	s18 =	simm.s32 $0x2;
	[dreg:$0x1b] =	wrdreg s31  }
0x1d: {  	s5 =	sshll.u32 s9, $0xB;
	s10 =	sadd.s32 s10, s6;
	s12 =	ssub.s32 s7, s12  }
0x1e: {  	s13 =	sadd.s32 s16, s2;
	s9 =	smul.u32 $0xA00, s9;
	s16 =	simm.s32 $0x4A00  }
0x1f: {  	s11 =	sadd.s32 s5, s6;
	s5 =	sadd.s32 $0x12600, s6;
	s6 =	sor.u32 $0x1C04, s19  }
0x20: {  	s19 =	sadd.s32 $0x3C600, s10;
	s10 =	sshrl.u32 s13, $0x3;
	s13 =	simm.s32 $0x50  }
0x21: {  	[dreg:$0x17] =	wrdreg s16;
	s16 =	simm.s32 $0x1;
	s7 =	sadd.s32 $0x2600, s11  }
0x22: {  	s8 =	sadd.s32 s8, s9;
	s9 =	smax.u32 s12, $0x1;
	s11 =	simm.s32 $0x4  }
0x23: {  	s12 =	simm.s32 $0x4000;
	s19 =	sadd.s32 s20, s19;
	s20 =	simm.s32 $0x0  }
.LBB2_1:
0x24: {  	[spmem:s10], [sflag:s6] =	dma.local [hbm:s5], $0x2780  }
0x25: {  	_ =	swait.ge [sflag:s11], $0x2780  }
0x26: {  	[sflag:s11] =	ssyncset.done $0x0  }
0x27: {  	[sflag:s11] =	ssyncadd.s32 $0xFFFFD880  }
0x28: {  	[tilespmem:s3], [sflag:$0x4] =	stream.linear.gather [hbm4b:s7+s3], $0x3E80, $0x38;
	[tilespmem:$0x1DC00] =	vst v63  }
0x29: {  	_ =	swait.ge [sflag:s11], $0x3E80  }
0x2a: {  	[sflag:s11] =	ssyncset.done $0x0  }
0x2b: {  	[sflag:s11] =	ssyncadd.s32 $0xFFFFC180  }
0x2c: {  	[bflag:$0x0] =	sbarrier.arrive $0xFFFF  }
0x2d: {  	[tilespmem:s12], [sflag:$0x4] =	stream.linear.gather [hbm4b:s8+s3], $0xC80, $0x38;
	[tilespmem:$0x1DC00] =	vst v63  }
0x2e: {  	_ =	swait.ge [sflag:s11], $0xC80  }
0x2f: {  	[sflag:s11] =	ssyncset.done $0x0  }
0x30: {  	[sflag:s11] =	ssyncadd.s32 $0xFFFFF380  }
0x31: {  	[tilespmem:s14], [sflag:$0x1] =	stream.indirect.gather [hbm4b:s4+s13], $0x80, s12, s13, $0xb8;
	[tilespmem:$0x1DC00] =	vst v63  }
0x32: {  	s21 =	rddreg [dreg:$0x4]  }
0x33: {  	[tilespmem:s15], [sflag:$0x2] =	stream.indirect.gather [hbm4b:s4+s13], $0x80, s21, s13, $0xb8;
	[tilespmem:$0x1DC00] =	vst v63  }
0x34: {  	_ =	swait.ge [sflag:s16], $0x2800  }
0x35: {  	[sflag:s16] =	ssyncset.done $0x0  }
0x36: {  	s29 =	simm.s32 $0x0;
	[sflag:s16] =	ssyncadd.s32 $0xFFFFD800  }
0x37: {  	[spmem:s2] =	stream.indirect.scatter.add.f32 [tilespmem:s14], [sflag:$0x3], $0x80, s29, s13, $0xb8;
	[tilespmem:$0x1DC00] =	vst v63  }
0x38: {  	_ =	swait.ge [sflag:s17], $0x2800  }
0x39: {  	[sflag:s17] =	ssyncset.done $0x0  }
0x3a: {  	s30 =	rddreg [dreg:$0x5];
	[sflag:s17] =	ssyncadd.s32 $0xFFFFD800  }
0x3b: {  	[tilespmem:s14], [sflag:$0x1] =	stream.indirect.gather [hbm4b:s4+s13], $0x80, s30, s13, $0xb8;
	[tilespmem:$0x1DC00] =	vst v63  }
0x3c: {  	_ =	swait.ge [sflag:s18], $0x2800  }
0x3d: {  	[sflag:s18] =	ssyncset.done $0x0  }
0x3e: {  	s31 =	simm.s32 $0x80;
	[sflag:s18] =	ssyncadd.s32 $0xFFFFD800  }
0x3f: {  	[spmem:s2] =	stream.indirect.scatter.add.f32 [tilespmem:s15], [sflag:$0x3], $0x80, s31, s13, $0xb8;
	[tilespmem:$0x1DC00] =	vst v63  }
0x40: {  	_ =	swait.ge [sflag:s17], $0x2800  }
0x41: {  	[sflag:s17] =	ssyncset.done $0x0  }
0x42: {  	s22 =	rddreg [dreg:$0x6];
	[sflag:s17] =	ssyncadd.s32 $0xFFFFD800  }
0x43: {  	[tilespmem:s15], [sflag:$0x2] =	stream.indirect.gather [hbm4b:s4+s13], $0x80, s22, s13, $0xb8;
	[tilespmem:$0x1DC00] =	vst v63  }
0x44: {  	_ =	swait.ge [sflag:s16], $0x2800  }
0x45: {  	[sflag:s16] =	ssyncset.done $0x0  }
0x46: {  	s23 =	simm.s32 $0x100;
	[sflag:s16] =	ssyncadd.s32 $0xFFFFD800  }
0x47: {  	[spmem:s2] =	stream.indirect.scatter.add.f32 [tilespmem:s14], [sflag:$0x3], $0x80, s23, s13, $0xb8;
	[tilespmem:$0x1DC00] =	vst v63  }
0x48: {  	_ =	swait.ge [sflag:s17], $0x2800  }
0x49: {  	[sflag:s17] =	ssyncset.done $0x0  }
0x4a: {  	s24 =	rddreg [dreg:$0x7];
	[sflag:s17] =	ssyncadd.s32 $0xFFFFD800  }
0x4b: {  	[tilespmem:s14], [sflag:$0x1] =	stream.indirect.gather [hbm4b:s4+s13], $0x80, s24, s13, $0xb8;
	[tilespmem:$0x1DC00] =	vst v63  }
0x4c: {  	_ =	swait.ge [sflag:s18], $0x2800  }
0x4d: {  	[sflag:s18] =	ssyncset.done $0x0  }
0x4e: {  	s25 =	simm.s32 $0x180;
	[sflag:s18] =	ssyncadd.s32 $0xFFFFD800  }
0x4f: {  	[spmem:s2] =	stream.indirect.scatter.add.f32 [tilespmem:s15], [sflag:$0x3], $0x80, s25, s13, $0xb8;
	[tilespmem:$0x1DC00] =	vst v63  }
0x50: {  	_ =	swait.ge [sflag:s17], $0x2800  }
0x51: {  	[sflag:s17] =	ssyncset.done $0x0  }
0x52: {  	s26 =	rddreg [dreg:$0x8];
	[sflag:s17] =	ssyncadd.s32 $0xFFFFD800  }
0x53: {  	[tilespmem:s15], [sflag:$0x2] =	stream.indirect.gather [hbm4b:s4+s13], $0x80, s26, s13, $0xb8;
	[tilespmem:$0x1DC00] =	vst v63  }
0x54: {  	_ =	swait.ge [sflag:s16], $0x2800  }
0x55: {  	[sflag:s16] =	ssyncset.done $0x0  }
0x56: {  	s28 =	simm.s32 $0x200;
	[sflag:s16] =	ssyncadd.s32 $0xFFFFD800  }
0x57: {  	[spmem:s2] =	stream.indirect.scatter.add.f32 [tilespmem:s14], [sflag:$0x3], $0x80, s28, s13, $0xb8;
	[tilespmem:$0x1DC00] =	vst v63  }
0x58: {  	_ =	swait.ge [sflag:s17], $0x2800  }
0x59: {  	[sflag:s17] =	ssyncset.done $0x0  }
0x5a: {  	s29 =	rddreg [dreg:$0x9];
	[sflag:s17] =	ssyncadd.s32 $0xFFFFD800  }
0x5b: {  	[tilespmem:s14], [sflag:$0x1] =	stream.indirect.gather [hbm4b:s4+s13], $0x80, s29, s13, $0xb8;
	[tilespmem:$0x1DC00] =	vst v63  }
0x5c: {  	_ =	swait.ge [sflag:s18], $0x2800  }
0x5d: {  	[sflag:s18] =	ssyncset.done $0x0  }
0x5e: {  	s30 =	simm.s32 $0x280;
	[sflag:s18] =	ssyncadd.s32 $0xFFFFD800  }
0x5f: {  	[spmem:s2] =	stream.indirect.scatter.add.f32 [tilespmem:s15], [sflag:$0x3], $0x80, s30, s13, $0xb8;
	[tilespmem:$0x1DC00] =	vst v63  }
0x60: {  	_ =	swait.ge [sflag:s17], $0x2800  }
0x61: {  	[sflag:s17] =	ssyncset.done $0x0  }
0x62: {  	s31 =	rddreg [dreg:$0xa];
	[sflag:s17] =	ssyncadd.s32 $0xFFFFD800  }
0x63: {  	[tilespmem:s15], [sflag:$0x2] =	stream.indirect.gather [hbm4b:s4+s13], $0x80, s31, s13, $0xb8;
	[tilespmem:$0x1DC00] =	vst v63  }
0x64: {  	_ =	swait.ge [sflag:s16], $0x2800  }
0x65: {  	[sflag:s16] =	ssyncset.done $0x0  }
0x66: {  	s22 =	simm.s32 $0x300;
	[sflag:s16] =	ssyncadd.s32 $0xFFFFD800  }
0x67: {  	[spmem:s2] =	stream.indirect.scatter.add.f32 [tilespmem:s14], [sflag:$0x3], $0x80, s22, s13, $0xb8;
	[tilespmem:$0x1DC00] =	vst v63  }
0x68: {  	_ =	swait.ge [sflag:s17], $0x2800  }
0x69: {  	[sflag:s17] =	ssyncset.done $0x0  }
0x6a: {  	s23 =	rddreg [dreg:$0xb];
	[sflag:s17] =	ssyncadd.s32 $0xFFFFD800  }
0x6b: {  	[tilespmem:s14], [sflag:$0x1] =	stream.indirect.gather [hbm4b:s4+s13], $0x80, s23, s13, $0xb8;
	[tilespmem:$0x1DC00] =	vst v63  }
0x6c: {  	_ =	swait.ge [sflag:s18], $0x2800  }
0x6d: {  	[sflag:s18] =	ssyncset.done $0x0  }
0x6e: {  	s24 =	simm.s32 $0x380;
	[sflag:s18] =	ssyncadd.s32 $0xFFFFD800  }
0x6f: {  	[spmem:s2] =	stream.indirect.scatter.add.f32 [tilespmem:s15], [sflag:$0x3], $0x80, s24, s13, $0xb8;
	[tilespmem:$0x1DC00] =	vst v63  }
0x70: {  	_ =	swait.ge [sflag:s17], $0x2800  }
0x71: {  	[sflag:s17] =	ssyncset.done $0x0  }
0x72: {  	s25 =	rddreg [dreg:$0xc];
	[sflag:s17] =	ssyncadd.s32 $0xFFFFD800  }
0x73: {  	[tilespmem:s15], [sflag:$0x2] =	stream.indirect.gather [hbm4b:s4+s13], $0x80, s25, s13, $0xb8;
	[tilespmem:$0x1DC00] =	vst v63  }
0x74: {  	_ =	swait.ge [sflag:s16], $0x2800  }
0x75: {  	[sflag:s16] =	ssyncset.done $0x0  }
0x76: {  	s26 =	simm.s32 $0x400;
	[sflag:s16] =	ssyncadd.s32 $0xFFFFD800  }
0x77: {  	[spmem:s2] =	stream.indirect.scatter.add.f32 [tilespmem:s14], [sflag:$0x3], $0x80, s26, s13, $0xb8;
	[tilespmem:$0x1DC00] =	vst v63  }
0x78: {  	_ =	swait.ge [sflag:s17], $0x2800  }
0x79: {  	[sflag:s17] =	ssyncset.done $0x0  }
0x7a: {  	s28 =	rddreg [dreg:$0xd];
	[sflag:s17] =	ssyncadd.s32 $0xFFFFD800  }
0x7b: {  	[tilespmem:s14], [sflag:$0x1] =	stream.indirect.gather [hbm4b:s4+s13], $0x80, s28, s13, $0xb8;
	[tilespmem:$0x1DC00] =	vst v63  }
0x7c: {  	_ =	swait.ge [sflag:s18], $0x2800  }
0x7d: {  	[sflag:s18] =	ssyncset.done $0x0  }
0x7e: {  	s29 =	simm.s32 $0x480;
	[sflag:s18] =	ssyncadd.s32 $0xFFFFD800  }
0x7f: {  	[spmem:s2] =	stream.indirect.scatter.add.f32 [tilespmem:s15], [sflag:$0x3], $0x80, s29, s13, $0xb8;
	[tilespmem:$0x1DC00] =	vst v63  }
0x80: {  	_ =	swait.ge [sflag:s17], $0x2800  }
0x81: {  	[sflag:s17] =	ssyncset.done $0x0  }
0x82: {  	s30 =	rddreg [dreg:$0xe];
	[sflag:s17] =	ssyncadd.s32 $0xFFFFD800  }
0x83: {  	[tilespmem:s15], [sflag:$0x2] =	stream.indirect.gather [hbm4b:s4+s13], $0x80, s30, s13, $0xb8;
	[tilespmem:$0x1DC00] =	vst v63  }
0x84: {  	_ =	swait.ge [sflag:s16], $0x2800  }
0x85: {  	[sflag:s16] =	ssyncset.done $0x0  }
0x86: {  	s31 =	simm.s32 $0x500;
	[sflag:s16] =	ssyncadd.s32 $0xFFFFD800  }
0x87: {  	[spmem:s2] =	stream.indirect.scatter.add.f32 [tilespmem:s14], [sflag:$0x3], $0x80, s31, s13, $0xb8;
	[tilespmem:$0x1DC00] =	vst v63  }
0x88: {  	_ =	swait.ge [sflag:s17], $0x2800  }
0x89: {  	[sflag:s17] =	ssyncset.done $0x0  }
0x8a: {  	s22 =	rddreg [dreg:$0xf];
	[sflag:s17] =	ssyncadd.s32 $0xFFFFD800  }
0x8b: {  	[tilespmem:s14], [sflag:$0x1] =	stream.indirect.gather [hbm4b:s4+s13], $0x80, s22, s13, $0xb8;
	[tilespmem:$0x1DC00] =	vst v63  }
0x8c: {  	_ =	swait.ge [sflag:s18], $0x2800  }
0x8d: {  	[sflag:s18] =	ssyncset.done $0x0  }
0x8e: {  	s23 =	simm.s32 $0x580;
	[sflag:s18] =	ssyncadd.s32 $0xFFFFD800  }
0x8f: {  	[spmem:s2] =	stream.indirect.scatter.add.f32 [tilespmem:s15], [sflag:$0x3], $0x80, s23, s13, $0xb8;
	[tilespmem:$0x1DC00] =	vst v63  }
0x90: {  	_ =	swait.ge [sflag:s17], $0x2800  }
0x91: {  	[sflag:s17] =	ssyncset.done $0x0  }
0x92: {  	s24 =	rddreg [dreg:$0x10];
	[sflag:s17] =	ssyncadd.s32 $0xFFFFD800  }
0x93: {  	[tilespmem:s15], [sflag:$0x2] =	stream.indirect.gather [hbm4b:s4+s13], $0x80, s24, s13, $0xb8;
	[tilespmem:$0x1DC00] =	vst v63  }
0x94: {  	_ =	swait.ge [sflag:s16], $0x2800  }
0x95: {  	[sflag:s16] =	ssyncset.done $0x0  }
0x96: {  	s25 =	simm.s32 $0x600;
	[sflag:s16] =	ssyncadd.s32 $0xFFFFD800  }
0x97: {  	[spmem:s2] =	stream.indirect.scatter.add.f32 [tilespmem:s14], [sflag:$0x3], $0x80, s25, s13, $0xb8;
	[tilespmem:$0x1DC00] =	vst v63  }
0x98: {  	_ =	swait.ge [sflag:s17], $0x2800  }
0x99: {  	[sflag:s17] =	ssyncset.done $0x0  }
0x9a: {  	s26 =	rddreg [dreg:$0x11];
	[sflag:s17] =	ssyncadd.s32 $0xFFFFD800  }
0x9b: {  	[tilespmem:s14], [sflag:$0x1] =	stream.indirect.gather [hbm4b:s4+s13], $0x80, s26, s13, $0xb8;
	[tilespmem:$0x1DC00] =	vst v63  }
0x9c: {  	_ =	swait.ge [sflag:s18], $0x2800  }
0x9d: {  	[sflag:s18] =	ssyncset.done $0x0  }
0x9e: {  	s28 =	simm.s32 $0x680;
	[sflag:s18] =	ssyncadd.s32 $0xFFFFD800  }
0x9f: {  	[spmem:s2] =	stream.indirect.scatter.add.f32 [tilespmem:s15], [sflag:$0x3], $0x80, s28, s13, $0xb8;
	[tilespmem:$0x1DC00] =	vst v63  }
0xa0: {  	_ =	swait.ge [sflag:s17], $0x2800  }
0xa1: {  	[sflag:s17] =	ssyncset.done $0x0  }
0xa2: {  	s29 =	rddreg [dreg:$0x12];
	[sflag:s17] =	ssyncadd.s32 $0xFFFFD800  }
0xa3: {  	[tilespmem:s15], [sflag:$0x2] =	stream.indirect.gather [hbm4b:s4+s13], $0x80, s29, s13, $0xb8;
	[tilespmem:$0x1DC00] =	vst v63  }
0xa4: {  	_ =	swait.ge [sflag:s16], $0x2800  }
0xa5: {  	[sflag:s16] =	ssyncset.done $0x0  }
0xa6: {  	s30 =	simm.s32 $0x700;
	[sflag:s16] =	ssyncadd.s32 $0xFFFFD800  }
0xa7: {  	[spmem:s2] =	stream.indirect.scatter.add.f32 [tilespmem:s14], [sflag:$0x3], $0x80, s30, s13, $0xb8;
	[tilespmem:$0x1DC00] =	vst v63  }
0xa8: {  	_ =	swait.ge [sflag:s17], $0x2800  }
0xa9: {  	[sflag:s17] =	ssyncset.done $0x0  }
0xaa: {  	s31 =	rddreg [dreg:$0x13];
	[sflag:s17] =	ssyncadd.s32 $0xFFFFD800  }
0xab: {  	[tilespmem:s14], [sflag:$0x1] =	stream.indirect.gather [hbm4b:s4+s13], $0x80, s31, s13, $0xb8;
	[tilespmem:$0x1DC00] =	vst v63  }
0xac: {  	_ =	swait.ge [sflag:s18], $0x2800  }
0xad: {  	[sflag:s18] =	ssyncset.done $0x0  }
0xae: {  	s22 =	simm.s32 $0x780;
	[sflag:s18] =	ssyncadd.s32 $0xFFFFD800  }
0xaf: {  	[spmem:s2] =	stream.indirect.scatter.add.f32 [tilespmem:s15], [sflag:$0x3], $0x80, s22, s13, $0xb8;
	[tilespmem:$0x1DC00] =	vst v63  }
0xb0: {  	_ =	swait.ge [sflag:s17], $0x2800  }
0xb1: {  	[sflag:s17] =	ssyncset.done $0x0  }
0xb2: {  	s23 =	rddreg [dreg:$0x14];
	[sflag:s17] =	ssyncadd.s32 $0xFFFFD800  }
0xb3: {  	[tilespmem:s15], [sflag:$0x2] =	stream.indirect.gather [hbm4b:s4+s13], $0x80, s23, s13, $0xb8;
	[tilespmem:$0x1DC00] =	vst v63  }
0xb4: {  	_ =	swait.ge [sflag:s16], $0x2800  }
0xb5: {  	[sflag:s16] =	ssyncset.done $0x0  }
0xb6: {  	s24 =	simm.s32 $0x800;
	[sflag:s16] =	ssyncadd.s32 $0xFFFFD800  }
0xb7: {  	[spmem:s2] =	stream.indirect.scatter.add.f32 [tilespmem:s14], [sflag:$0x3], $0x80, s24, s13, $0xb8;
	[tilespmem:$0x1DC00] =	vst v63  }
0xb8: {  	_ =	swait.ge [sflag:s17], $0x2800  }
0xb9: {  	[sflag:s17] =	ssyncset.done $0x0  }
0xba: {  	s25 =	rddreg [dreg:$0x15];
	[sflag:s17] =	ssyncadd.s32 $0xFFFFD800  }
0xbb: {  	[tilespmem:s14], [sflag:$0x1] =	stream.indirect.gather [hbm4b:s4+s13], $0x80, s25, s13, $0xb8;
	[tilespmem:$0x1DC00] =	vst v63  }
0xbc: {  	_ =	swait.ge [sflag:s18], $0x2800  }
0xbd: {  	[sflag:s18] =	ssyncset.done $0x0  }
0xbe: {  	s26 =	simm.s32 $0x880;
	[sflag:s18] =	ssyncadd.s32 $0xFFFFD800  }
0xbf: {  	[spmem:s2] =	stream.indirect.scatter.add.f32 [tilespmem:s15], [sflag:$0x3], $0x80, s26, s13, $0xb8;
	[tilespmem:$0x1DC00] =	vst v63  }
0xc0: {  	_ =	swait.ge [sflag:s17], $0x2800  }
0xc1: {  	[sflag:s17] =	ssyncset.done $0x0  }
0xc2: {  	s28 =	rddreg [dreg:$0x16];
	[sflag:s17] =	ssyncadd.s32 $0xFFFFD800  }
0xc3: {  	[tilespmem:s15], [sflag:$0x2] =	stream.indirect.gather [hbm4b:s4+s13], $0x80, s28, s13, $0xb8;
	[tilespmem:$0x1DC00] =	vst v63  }
0xc4: {  	_ =	swait.ge [sflag:s16], $0x2800  }
0xc5: {  	[sflag:s16] =	ssyncset.done $0x0  }
0xc6: {  	s29 =	simm.s32 $0x900;
	[sflag:s16] =	ssyncadd.s32 $0xFFFFD800  }
0xc7: {  	[spmem:s2] =	stream.indirect.scatter.add.f32 [tilespmem:s14], [sflag:$0x3], $0x80, s29, s13, $0xb8;
	[tilespmem:$0x1DC00] =	vst v63  }
0xc8: {  	_ =	swait.ge [sflag:s17], $0x2800  }
0xc9: {  	[sflag:s17] =	ssyncset.done $0x0  }
0xca: {  	s30 =	rddreg [dreg:$0x17];
	[sflag:s17] =	ssyncadd.s32 $0xFFFFD800  }
0xcb: {  	[tilespmem:s14], [sflag:$0x1] =	stream.indirect.gather [hbm4b:s4+s13], $0x80, s30, s13, $0xb8;
	[tilespmem:$0x1DC00] =	vst v63  }
0xcc: {  	_ =	swait.ge [sflag:s18], $0x2800  }
0xcd: {  	[sflag:s18] =	ssyncset.done $0x0  }
0xce: {  	s31 =	simm.s32 $0x980;
	[sflag:s18] =	ssyncadd.s32 $0xFFFFD800  }
0xcf: {  	[spmem:s2] =	stream.indirect.scatter.add.f32 [tilespmem:s15], [sflag:$0x3], $0x80, s31, s13, $0xb8;
	[tilespmem:$0x1DC00] =	vst v63  }
0xd0: {  	_ =	swait.ge [sflag:s17], $0x2800  }
0xd1: {  	[sflag:s17] =	ssyncset.done $0x0  }
0xd2: {  	s22 =	rddreg [dreg:$0x18];
	[sflag:s17] =	ssyncadd.s32 $0xFFFFD800  }
0xd3: {  	[tilespmem:s15], [sflag:$0x2] =	stream.indirect.gather [hbm4b:s4+s13], $0x80, s22, s13, $0xb8;
	[tilespmem:$0x1DC00] =	vst v63  }
0xd4: {  	_ =	swait.ge [sflag:s16], $0x2800  }
0xd5: {  	[sflag:s16] =	ssyncset.done $0x0  }
0xd6: {  	s23 =	simm.s32 $0xA00;
	[sflag:s16] =	ssyncadd.s32 $0xFFFFD800  }
0xd7: {  	[spmem:s2] =	stream.indirect.scatter.add.f32 [tilespmem:s14], [sflag:$0x3], $0x80, s23, s13, $0xb8;
	[tilespmem:$0x1DC00] =	vst v63  }
0xd8: {  	_ =	swait.ge [sflag:s17], $0x2800  }
0xd9: {  	[sflag:s17] =	ssyncset.done $0x0  }
0xda: {  	s24 =	rddreg [dreg:$0x19];
	[sflag:s17] =	ssyncadd.s32 $0xFFFFD800  }
0xdb: {  	[tilespmem:s14], [sflag:$0x1] =	stream.indirect.gather [hbm4b:s4+s13], $0x80, s24, s13, $0xb8;
	[tilespmem:$0x1DC00] =	vst v63  }
0xdc: {  	_ =	swait.ge [sflag:s18], $0x2800  }
0xdd: {  	[sflag:s18] =	ssyncset.done $0x0  }
0xde: {  	s25 =	simm.s32 $0xA80;
	[sflag:s18] =	ssyncadd.s32 $0xFFFFD800  }
0xdf: {  	[spmem:s2] =	stream.indirect.scatter.add.f32 [tilespmem:s15], [sflag:$0x3], $0x80, s25, s13, $0xb8;
	[tilespmem:$0x1DC00] =	vst v63  }
0xe0: {  	_ =	swait.ge [sflag:s17], $0x2800  }
0xe1: {  	[sflag:s17] =	ssyncset.done $0x0  }
0xe2: {  	s26 =	rddreg [dreg:$0x1a];
	[sflag:s17] =	ssyncadd.s32 $0xFFFFD800  }
0xe3: {  	[tilespmem:s15], [sflag:$0x2] =	stream.indirect.gather [hbm4b:s4+s13], $0x80, s26, s13, $0xb8;
	[tilespmem:$0x1DC00] =	vst v63  }
0xe4: {  	_ =	swait.ge [sflag:s16], $0x2800  }
0xe5: {  	[sflag:s16] =	ssyncset.done $0x0  }
0xe6: {  	s28 =	simm.s32 $0xB00;
	[sflag:s16] =	ssyncadd.s32 $0xFFFFD800  }
0xe7: {  	[spmem:s2] =	stream.indirect.scatter.add.f32 [tilespmem:s14], [sflag:$0x3], $0x80, s28, s13, $0xb8;
	[tilespmem:$0x1DC00] =	vst v63  }
0xe8: {  	_ =	swait.ge [sflag:s17], $0x2800  }
0xe9: {  	[sflag:s17] =	ssyncset.done $0x0  }
0xea: {  	s29 =	rddreg [dreg:$0x1b];
	[sflag:s17] =	ssyncadd.s32 $0xFFFFD800  }
0xeb: {  	[tilespmem:s14], [sflag:$0x1] =	stream.indirect.gather [hbm4b:s4+s13], $0x80, s29, s13, $0xb8;
	[tilespmem:$0x1DC00] =	vst v63  }
0xec: {  	_ =	swait.ge [sflag:s18], $0x2800  }
0xed: {  	[sflag:s18] =	ssyncset.done $0x0  }
0xee: {  	s30 =	simm.s32 $0xB80;
	[sflag:s18] =	ssyncadd.s32 $0xFFFFD800  }
0xef: {  	[spmem:s2] =	stream.indirect.scatter.add.f32 [tilespmem:s15], [sflag:$0x3], $0x80, s30, s13, $0xb8;
	[tilespmem:$0x1DC00] =	vst v63  }
0xf0: {  	_ =	swait.ge [sflag:s17], $0x2800  }
0xf1: {  	[sflag:s17] =	ssyncset.done $0x0  }
0xf2: {  	[sflag:s17] =	ssyncadd.s32 $0xFFFFD800  }
0xf3: {  	_ =	swait.ge [sflag:s16], $0x2800  }
0xf4: {  	[sflag:s16] =	ssyncset.done $0x0  }
0xf5: {  	s31 =	simm.s32 $0xC00;
	[sflag:s16] =	ssyncadd.s32 $0xFFFFD800  }
0xf6: {  	[spmem:s2] =	stream.indirect.scatter.add.f32 [tilespmem:s14], [sflag:$0x3], $0x80, s31, s13, $0xb8;
	[tilespmem:$0x1DC00] =	vst v63  }
0xf7: {  	_ =	swait.ge [sflag:s17], $0x2800  }
0xf8: {  	s21 =	simm.s32 $0x3200;
	s22 =	smov.u32 s8;
	[sflag:s17] =	ssyncset.done $0x0  }
.LBB2_2:
0xf9: {  	[sflag:s17] =	ssyncadd.s32 $0xFFFFD800;
	s22 =	sadd.s32 $0x200, s22  }
0xfa: {  	[tilespmem:s12], [sflag:$0x4] =	stream.linear.gather [hbm4b:s22+s3], $0xC80, $0x38;
	[tilespmem:$0x1DC00] =	vst v63  }
0xfb: {  	_ =	swait.ge [sflag:s11], $0xC80  }
0xfc: {  	[sflag:s11] =	ssyncset.done $0x0  }
0xfd: {  	[sflag:s11] =	ssyncadd.s32 $0xFFFFF380  }
0xfe: {  	[tilespmem:s14], [sflag:$0x1] =	stream.indirect.gather [hbm4b:s4+s13], $0x80, s12, s13, $0xb8;
	[tilespmem:$0x1DC00] =	vst v63  }
0xff: {  	s24 =	rddreg [dreg:$0x4]  }
0x100: {  	[tilespmem:s15], [sflag:$0x2] =	stream.indirect.gather [hbm4b:s4+s13], $0x80, s24, s13, $0xb8;
	[tilespmem:$0x1DC00] =	vst v63  }
0x101: {  	_ =	swait.ge [sflag:s16], $0x2800  }
0x102: {  	s23 =	smov.u32 s21;
	[sflag:s16] =	ssyncset.done $0x0  }
0x103: {  	s23 =	sshra.s32 s23, $0x2;
	[sflag:s16] =	ssyncadd.s32 $0xFFFFD800  }
0x104: {  	[spmem:s2] =	stream.indirect.scatter.add.f32 [tilespmem:s14], [sflag:$0x3], $0x80, s23, s13, $0xb8;
	[tilespmem:$0x1DC00] =	vst v63  }
0x105: {  	_ =	swait.ge [sflag:s17], $0x2800  }
0x106: {  	[sflag:s17] =	ssyncset.done $0x0  }
0x107: {  	s28 =	rddreg [dreg:$0x5];
	[sflag:s17] =	ssyncadd.s32 $0xFFFFD800  }
0x108: {  	[tilespmem:s14], [sflag:$0x1] =	stream.indirect.gather [hbm4b:s4+s13], $0x80, s28, s13, $0xb8;
	[tilespmem:$0x1DC00] =	vst v63  }
0x109: {  	_ =	swait.ge [sflag:s18], $0x2800  }
0x10a: {  	[sflag:s18] =	ssyncset.done $0x0  }
0x10b: {  	s29 =	sadd.s32 $0x80, s23;
	[sflag:s18] =	ssyncadd.s32 $0xFFFFD800  }
0x10c: {  	[spmem:s2] =	stream.indirect.scatter.add.f32 [tilespmem:s15], [sflag:$0x3], $0x80, s29, s13, $0xb8;
	[tilespmem:$0x1DC00] =	vst v63  }
0x10d: {  	_ =	swait.ge [sflag:s17], $0x2800  }
0x10e: {  	[sflag:s17] =	ssyncset.done $0x0  }
0x10f: {  	s30 =	rddreg [dreg:$0x6];
	[sflag:s17] =	ssyncadd.s32 $0xFFFFD800  }
0x110: {  	[tilespmem:s15], [sflag:$0x2] =	stream.indirect.gather [hbm4b:s4+s13], $0x80, s30, s13, $0xb8;
	[tilespmem:$0x1DC00] =	vst v63  }
0x111: {  	_ =	swait.ge [sflag:s16], $0x2800  }
0x112: {  	[sflag:s16] =	ssyncset.done $0x0  }
0x113: {  	s31 =	sadd.s32 $0x100, s23;
	[sflag:s16] =	ssyncadd.s32 $0xFFFFD800  }
0x114: {  	[spmem:s2] =	stream.indirect.scatter.add.f32 [tilespmem:s14], [sflag:$0x3], $0x80, s31, s13, $0xb8;
	[tilespmem:$0x1DC00] =	vst v63  }
0x115: {  	_ =	swait.ge [sflag:s17], $0x2800  }
0x116: {  	[sflag:s17] =	ssyncset.done $0x0  }
0x117: {  	s25 =	rddreg [dreg:$0x7];
	[sflag:s17] =	ssyncadd.s32 $0xFFFFD800  }
0x118: {  	[tilespmem:s14], [sflag:$0x1] =	stream.indirect.gather [hbm4b:s4+s13], $0x80, s25, s13, $0xb8;
	[tilespmem:$0x1DC00] =	vst v63  }
0x119: {  	_ =	swait.ge [sflag:s18], $0x2800  }
0x11a: {  	[sflag:s18] =	ssyncset.done $0x0  }
0x11b: {  	s26 =	sadd.s32 $0x180, s23;
	[sflag:s18] =	ssyncadd.s32 $0xFFFFD800  }
0x11c: {  	[spmem:s2] =	stream.indirect.scatter.add.f32 [tilespmem:s15], [sflag:$0x3], $0x80, s26, s13, $0xb8;
	[tilespmem:$0x1DC00] =	vst v63  }
0x11d: {  	_ =	swait.ge [sflag:s17], $0x2800  }
0x11e: {  	[sflag:s17] =	ssyncset.done $0x0  }
0x11f: {  	s28 =	rddreg [dreg:$0x8];
	[sflag:s17] =	ssyncadd.s32 $0xFFFFD800  }
0x120: {  	[tilespmem:s15], [sflag:$0x2] =	stream.indirect.gather [hbm4b:s4+s13], $0x80, s28, s13, $0xb8;
	[tilespmem:$0x1DC00] =	vst v63  }
0x121: {  	_ =	swait.ge [sflag:s16], $0x2800  }
0x122: {  	[sflag:s16] =	ssyncset.done $0x0  }
0x123: {  	s29 =	sadd.s32 $0x200, s23;
	[sflag:s16] =	ssyncadd.s32 $0xFFFFD800  }
0x124: {  	[spmem:s2] =	stream.indirect.scatter.add.f32 [tilespmem:s14], [sflag:$0x3], $0x80, s29, s13, $0xb8;
	[tilespmem:$0x1DC00] =	vst v63  }
0x125: {  	_ =	swait.ge [sflag:s17], $0x2800  }
0x126: {  	[sflag:s17] =	ssyncset.done $0x0  }
0x127: {  	s30 =	rddreg [dreg:$0x9];
	[sflag:s17] =	ssyncadd.s32 $0xFFFFD800  }
0x128: {  	[tilespmem:s14], [sflag:$0x1] =	stream.indirect.gather [hbm4b:s4+s13], $0x80, s30, s13, $0xb8;
	[tilespmem:$0x1DC00] =	vst v63  }
0x129: {  	_ =	swait.ge [sflag:s18], $0x2800  }
0x12a: {  	[sflag:s18] =	ssyncset.done $0x0  }
0x12b: {  	s31 =	sadd.s32 $0x280, s23;
	[sflag:s18] =	ssyncadd.s32 $0xFFFFD800  }
0x12c: {  	[spmem:s2] =	stream.indirect.scatter.add.f32 [tilespmem:s15], [sflag:$0x3], $0x80, s31, s13, $0xb8;
	[tilespmem:$0x1DC00] =	vst v63  }
0x12d: {  	_ =	swait.ge [sflag:s17], $0x2800  }
0x12e: {  	[sflag:s17] =	ssyncset.done $0x0  }
0x12f: {  	s25 =	rddreg [dreg:$0xa];
	[sflag:s17] =	ssyncadd.s32 $0xFFFFD800  }
0x130: {  	[tilespmem:s15], [sflag:$0x2] =	stream.indirect.gather [hbm4b:s4+s13], $0x80, s25, s13, $0xb8;
	[tilespmem:$0x1DC00] =	vst v63  }
0x131: {  	_ =	swait.ge [sflag:s16], $0x2800  }
0x132: {  	[sflag:s16] =	ssyncset.done $0x0  }
0x133: {  	s26 =	sadd.s32 $0x300, s23;
	[sflag:s16] =	ssyncadd.s32 $0xFFFFD800  }
0x134: {  	[spmem:s2] =	stream.indirect.scatter.add.f32 [tilespmem:s14], [sflag:$0x3], $0x80, s26, s13, $0xb8;
	[tilespmem:$0x1DC00] =	vst v63  }
0x135: {  	_ =	swait.ge [sflag:s17], $0x2800  }
0x136: {  	[sflag:s17] =	ssyncset.done $0x0  }
0x137: {  	s28 =	rddreg [dreg:$0xb];
	[sflag:s17] =	ssyncadd.s32 $0xFFFFD800  }
0x138: {  	[tilespmem:s14], [sflag:$0x1] =	stream.indirect.gather [hbm4b:s4+s13], $0x80, s28, s13, $0xb8;
	[tilespmem:$0x1DC00] =	vst v63  }
0x139: {  	_ =	swait.ge [sflag:s18], $0x2800  }
0x13a: {  	[sflag:s18] =	ssyncset.done $0x0  }
0x13b: {  	s29 =	sadd.s32 $0x380, s23;
	[sflag:s18] =	ssyncadd.s32 $0xFFFFD800  }
0x13c: {  	[spmem:s2] =	stream.indirect.scatter.add.f32 [tilespmem:s15], [sflag:$0x3], $0x80, s29, s13, $0xb8;
	[tilespmem:$0x1DC00] =	vst v63  }
0x13d: {  	_ =	swait.ge [sflag:s17], $0x2800  }
0x13e: {  	[sflag:s17] =	ssyncset.done $0x0  }
0x13f: {  	s30 =	rddreg [dreg:$0xc];
	[sflag:s17] =	ssyncadd.s32 $0xFFFFD800  }
0x140: {  	[tilespmem:s15], [sflag:$0x2] =	stream.indirect.gather [hbm4b:s4+s13], $0x80, s30, s13, $0xb8;
	[tilespmem:$0x1DC00] =	vst v63  }
0x141: {  	_ =	swait.ge [sflag:s16], $0x2800  }
0x142: {  	[sflag:s16] =	ssyncset.done $0x0  }
0x143: {  	s31 =	sadd.s32 $0x400, s23;
	[sflag:s16] =	ssyncadd.s32 $0xFFFFD800  }
0x144: {  	[spmem:s2] =	stream.indirect.scatter.add.f32 [tilespmem:s14], [sflag:$0x3], $0x80, s31, s13, $0xb8;
	[tilespmem:$0x1DC00] =	vst v63  }
0x145: {  	_ =	swait.ge [sflag:s17], $0x2800  }
0x146: {  	[sflag:s17] =	ssyncset.done $0x0  }
0x147: {  	s25 =	rddreg [dreg:$0xd];
	[sflag:s17] =	ssyncadd.s32 $0xFFFFD800  }
0x148: {  	[tilespmem:s14], [sflag:$0x1] =	stream.indirect.gather [hbm4b:s4+s13], $0x80, s25, s13, $0xb8;
	[tilespmem:$0x1DC00] =	vst v63  }
0x149: {  	_ =	swait.ge [sflag:s18], $0x2800  }
0x14a: {  	[sflag:s18] =	ssyncset.done $0x0  }
0x14b: {  	s26 =	sadd.s32 $0x480, s23;
	[sflag:s18] =	ssyncadd.s32 $0xFFFFD800  }
0x14c: {  	[spmem:s2] =	stream.indirect.scatter.add.f32 [tilespmem:s15], [sflag:$0x3], $0x80, s26, s13, $0xb8;
	[tilespmem:$0x1DC00] =	vst v63  }
0x14d: {  	_ =	swait.ge [sflag:s17], $0x2800  }
0x14e: {  	[sflag:s17] =	ssyncset.done $0x0  }
0x14f: {  	s28 =	rddreg [dreg:$0xe];
	[sflag:s17] =	ssyncadd.s32 $0xFFFFD800  }
0x150: {  	[tilespmem:s15], [sflag:$0x2] =	stream.indirect.gather [hbm4b:s4+s13], $0x80, s28, s13, $0xb8;
	[tilespmem:$0x1DC00] =	vst v63  }
0x151: {  	_ =	swait.ge [sflag:s16], $0x2800  }
0x152: {  	[sflag:s16] =	ssyncset.done $0x0  }
0x153: {  	s29 =	sadd.s32 $0x500, s23;
	[sflag:s16] =	ssyncadd.s32 $0xFFFFD800  }
0x154: {  	[spmem:s2] =	stream.indirect.scatter.add.f32 [tilespmem:s14], [sflag:$0x3], $0x80, s29, s13, $0xb8;
	[tilespmem:$0x1DC00] =	vst v63  }
0x155: {  	_ =	swait.ge [sflag:s17], $0x2800  }
0x156: {  	[sflag:s17] =	ssyncset.done $0x0  }
0x157: {  	s30 =	rddreg [dreg:$0xf];
	[sflag:s17] =	ssyncadd.s32 $0xFFFFD800  }
0x158: {  	[tilespmem:s14], [sflag:$0x1] =	stream.indirect.gather [hbm4b:s4+s13], $0x80, s30, s13, $0xb8;
	[tilespmem:$0x1DC00] =	vst v63  }
0x159: {  	_ =	swait.ge [sflag:s18], $0x2800  }
0x15a: {  	[sflag:s18] =	ssyncset.done $0x0  }
0x15b: {  	s31 =	sadd.s32 $0x580, s23;
	[sflag:s18] =	ssyncadd.s32 $0xFFFFD800  }
0x15c: {  	[spmem:s2] =	stream.indirect.scatter.add.f32 [tilespmem:s15], [sflag:$0x3], $0x80, s31, s13, $0xb8;
	[tilespmem:$0x1DC00] =	vst v63  }
0x15d: {  	_ =	swait.ge [sflag:s17], $0x2800  }
0x15e: {  	[sflag:s17] =	ssyncset.done $0x0  }
0x15f: {  	s25 =	rddreg [dreg:$0x10];
	[sflag:s17] =	ssyncadd.s32 $0xFFFFD800  }
0x160: {  	[tilespmem:s15], [sflag:$0x2] =	stream.indirect.gather [hbm4b:s4+s13], $0x80, s25, s13, $0xb8;
	[tilespmem:$0x1DC00] =	vst v63  }
0x161: {  	_ =	swait.ge [sflag:s16], $0x2800  }
0x162: {  	[sflag:s16] =	ssyncset.done $0x0  }
0x163: {  	s26 =	sadd.s32 $0x600, s23;
	[sflag:s16] =	ssyncadd.s32 $0xFFFFD800  }
0x164: {  	[spmem:s2] =	stream.indirect.scatter.add.f32 [tilespmem:s14], [sflag:$0x3], $0x80, s26, s13, $0xb8;
	[tilespmem:$0x1DC00] =	vst v63  }
0x165: {  	_ =	swait.ge [sflag:s17], $0x2800  }
0x166: {  	[sflag:s17] =	ssyncset.done $0x0  }
0x167: {  	s28 =	rddreg [dreg:$0x11];
	[sflag:s17] =	ssyncadd.s32 $0xFFFFD800  }
0x168: {  	[tilespmem:s14], [sflag:$0x1] =	stream.indirect.gather [hbm4b:s4+s13], $0x80, s28, s13, $0xb8;
	[tilespmem:$0x1DC00] =	vst v63  }
0x169: {  	_ =	swait.ge [sflag:s18], $0x2800  }
0x16a: {  	[sflag:s18] =	ssyncset.done $0x0  }
0x16b: {  	s29 =	sadd.s32 $0x680, s23;
	[sflag:s18] =	ssyncadd.s32 $0xFFFFD800  }
0x16c: {  	[spmem:s2] =	stream.indirect.scatter.add.f32 [tilespmem:s15], [sflag:$0x3], $0x80, s29, s13, $0xb8;
	[tilespmem:$0x1DC00] =	vst v63  }
0x16d: {  	_ =	swait.ge [sflag:s17], $0x2800  }
0x16e: {  	[sflag:s17] =	ssyncset.done $0x0  }
0x16f: {  	s30 =	rddreg [dreg:$0x12];
	[sflag:s17] =	ssyncadd.s32 $0xFFFFD800  }
0x170: {  	[tilespmem:s15], [sflag:$0x2] =	stream.indirect.gather [hbm4b:s4+s13], $0x80, s30, s13, $0xb8;
	[tilespmem:$0x1DC00] =	vst v63  }
0x171: {  	_ =	swait.ge [sflag:s16], $0x2800  }
0x172: {  	[sflag:s16] =	ssyncset.done $0x0  }
0x173: {  	s31 =	sadd.s32 $0x700, s23;
	[sflag:s16] =	ssyncadd.s32 $0xFFFFD800  }
0x174: {  	[spmem:s2] =	stream.indirect.scatter.add.f32 [tilespmem:s14], [sflag:$0x3], $0x80, s31, s13, $0xb8;
	[tilespmem:$0x1DC00] =	vst v63  }
0x175: {  	_ =	swait.ge [sflag:s17], $0x2800  }
0x176: {  	[sflag:s17] =	ssyncset.done $0x0  }
0x177: {  	s25 =	rddreg [dreg:$0x13];
	[sflag:s17] =	ssyncadd.s32 $0xFFFFD800  }
0x178: {  	[tilespmem:s14], [sflag:$0x1] =	stream.indirect.gather [hbm4b:s4+s13], $0x80, s25, s13, $0xb8;
	[tilespmem:$0x1DC00] =	vst v63  }
0x179: {  	_ =	swait.ge [sflag:s18], $0x2800  }
0x17a: {  	[sflag:s18] =	ssyncset.done $0x0  }
0x17b: {  	s26 =	sadd.s32 $0x780, s23;
	[sflag:s18] =	ssyncadd.s32 $0xFFFFD800  }
0x17c: {  	[spmem:s2] =	stream.indirect.scatter.add.f32 [tilespmem:s15], [sflag:$0x3], $0x80, s26, s13, $0xb8;
	[tilespmem:$0x1DC00] =	vst v63  }
0x17d: {  	_ =	swait.ge [sflag:s17], $0x2800  }
0x17e: {  	[sflag:s17] =	ssyncset.done $0x0  }
0x17f: {  	s28 =	rddreg [dreg:$0x14];
	[sflag:s17] =	ssyncadd.s32 $0xFFFFD800  }
0x180: {  	[tilespmem:s15], [sflag:$0x2] =	stream.indirect.gather [hbm4b:s4+s13], $0x80, s28, s13, $0xb8;
	[tilespmem:$0x1DC00] =	vst v63  }
0x181: {  	_ =	swait.ge [sflag:s16], $0x2800  }
0x182: {  	[sflag:s16] =	ssyncset.done $0x0  }
0x183: {  	s29 =	sadd.s32 $0x800, s23;
	[sflag:s16] =	ssyncadd.s32 $0xFFFFD800  }
0x184: {  	[spmem:s2] =	stream.indirect.scatter.add.f32 [tilespmem:s14], [sflag:$0x3], $0x80, s29, s13, $0xb8;
	[tilespmem:$0x1DC00] =	vst v63  }
0x185: {  	_ =	swait.ge [sflag:s17], $0x2800  }
0x186: {  	[sflag:s17] =	ssyncset.done $0x0  }
0x187: {  	s30 =	rddreg [dreg:$0x15];
	[sflag:s17] =	ssyncadd.s32 $0xFFFFD800  }
0x188: {  	[tilespmem:s14], [sflag:$0x1] =	stream.indirect.gather [hbm4b:s4+s13], $0x80, s30, s13, $0xb8;
	[tilespmem:$0x1DC00] =	vst v63  }
0x189: {  	_ =	swait.ge [sflag:s18], $0x2800  }
0x18a: {  	[sflag:s18] =	ssyncset.done $0x0  }
0x18b: {  	s31 =	sadd.s32 $0x880, s23;
	[sflag:s18] =	ssyncadd.s32 $0xFFFFD800  }
0x18c: {  	[spmem:s2] =	stream.indirect.scatter.add.f32 [tilespmem:s15], [sflag:$0x3], $0x80, s31, s13, $0xb8;
	[tilespmem:$0x1DC00] =	vst v63  }
0x18d: {  	_ =	swait.ge [sflag:s17], $0x2800  }
0x18e: {  	[sflag:s17] =	ssyncset.done $0x0  }
0x18f: {  	s25 =	rddreg [dreg:$0x16];
	[sflag:s17] =	ssyncadd.s32 $0xFFFFD800  }
0x190: {  	[tilespmem:s15], [sflag:$0x2] =	stream.indirect.gather [hbm4b:s4+s13], $0x80, s25, s13, $0xb8;
	[tilespmem:$0x1DC00] =	vst v63  }
0x191: {  	_ =	swait.ge [sflag:s16], $0x2800  }
0x192: {  	[sflag:s16] =	ssyncset.done $0x0  }
0x193: {  	s26 =	sadd.s32 $0x900, s23;
	[sflag:s16] =	ssyncadd.s32 $0xFFFFD800  }
0x194: {  	[spmem:s2] =	stream.indirect.scatter.add.f32 [tilespmem:s14], [sflag:$0x3], $0x80, s26, s13, $0xb8;
	[tilespmem:$0x1DC00] =	vst v63  }
0x195: {  	_ =	swait.ge [sflag:s17], $0x2800  }
0x196: {  	[sflag:s17] =	ssyncset.done $0x0  }
0x197: {  	s28 =	rddreg [dreg:$0x17];
	[sflag:s17] =	ssyncadd.s32 $0xFFFFD800  }
0x198: {  	[tilespmem:s14], [sflag:$0x1] =	stream.indirect.gather [hbm4b:s4+s13], $0x80, s28, s13, $0xb8;
	[tilespmem:$0x1DC00] =	vst v63  }
0x199: {  	_ =	swait.ge [sflag:s18], $0x2800  }
0x19a: {  	[sflag:s18] =	ssyncset.done $0x0  }
0x19b: {  	s29 =	sadd.s32 $0x980, s23;
	[sflag:s18] =	ssyncadd.s32 $0xFFFFD800  }
0x19c: {  	[spmem:s2] =	stream.indirect.scatter.add.f32 [tilespmem:s15], [sflag:$0x3], $0x80, s29, s13, $0xb8;
	[tilespmem:$0x1DC00] =	vst v63  }
0x19d: {  	_ =	swait.ge [sflag:s17], $0x2800  }
0x19e: {  	[sflag:s17] =	ssyncset.done $0x0  }
0x19f: {  	s30 =	rddreg [dreg:$0x18];
	[sflag:s17] =	ssyncadd.s32 $0xFFFFD800  }
0x1a0: {  	[tilespmem:s15], [sflag:$0x2] =	stream.indirect.gather [hbm4b:s4+s13], $0x80, s30, s13, $0xb8;
	[tilespmem:$0x1DC00] =	vst v63  }
0x1a1: {  	_ =	swait.ge [sflag:s16], $0x2800  }
0x1a2: {  	[sflag:s16] =	ssyncset.done $0x0  }
0x1a3: {  	s31 =	sadd.s32 $0xA00, s23;
	[sflag:s16] =	ssyncadd.s32 $0xFFFFD800  }
0x1a4: {  	[spmem:s2] =	stream.indirect.scatter.add.f32 [tilespmem:s14], [sflag:$0x3], $0x80, s31, s13, $0xb8;
	[tilespmem:$0x1DC00] =	vst v63  }
0x1a5: {  	_ =	swait.ge [sflag:s17], $0x2800  }
0x1a6: {  	[sflag:s17] =	ssyncset.done $0x0  }
0x1a7: {  	s25 =	rddreg [dreg:$0x19];
	[sflag:s17] =	ssyncadd.s32 $0xFFFFD800  }
0x1a8: {  	[tilespmem:s14], [sflag:$0x1] =	stream.indirect.gather [hbm4b:s4+s13], $0x80, s25, s13, $0xb8;
	[tilespmem:$0x1DC00] =	vst v63  }
0x1a9: {  	_ =	swait.ge [sflag:s18], $0x2800  }
0x1aa: {  	[sflag:s18] =	ssyncset.done $0x0  }
0x1ab: {  	s26 =	sadd.s32 $0xA80, s23;
	[sflag:s18] =	ssyncadd.s32 $0xFFFFD800  }
0x1ac: {  	[spmem:s2] =	stream.indirect.scatter.add.f32 [tilespmem:s15], [sflag:$0x3], $0x80, s26, s13, $0xb8;
	[tilespmem:$0x1DC00] =	vst v63  }
0x1ad: {  	_ =	swait.ge [sflag:s17], $0x2800  }
0x1ae: {  	[sflag:s17] =	ssyncset.done $0x0  }
0x1af: {  	s28 =	rddreg [dreg:$0x1a];
	[sflag:s17] =	ssyncadd.s32 $0xFFFFD800  }
0x1b0: {  	[tilespmem:s15], [sflag:$0x2] =	stream.indirect.gather [hbm4b:s4+s13], $0x80, s28, s13, $0xb8;
	[tilespmem:$0x1DC00] =	vst v63  }
0x1b1: {  	_ =	swait.ge [sflag:s16], $0x2800  }
0x1b2: {  	[sflag:s16] =	ssyncset.done $0x0  }
0x1b3: {  	s29 =	sadd.s32 $0xB00, s23;
	[sflag:s16] =	ssyncadd.s32 $0xFFFFD800  }
0x1b4: {  	[spmem:s2] =	stream.indirect.scatter.add.f32 [tilespmem:s14], [sflag:$0x3], $0x80, s29, s13, $0xb8;
	[tilespmem:$0x1DC00] =	vst v63  }
0x1b5: {  	_ =	swait.ge [sflag:s17], $0x2800  }
0x1b6: {  	[sflag:s17] =	ssyncset.done $0x0  }
0x1b7: {  	s30 =	rddreg [dreg:$0x1b];
	[sflag:s17] =	ssyncadd.s32 $0xFFFFD800  }
0x1b8: {  	[tilespmem:s14], [sflag:$0x1] =	stream.indirect.gather [hbm4b:s4+s13], $0x80, s30, s13, $0xb8;
	[tilespmem:$0x1DC00] =	vst v63  }
0x1b9: {  	_ =	swait.ge [sflag:s18], $0x2800  }
0x1ba: {  	[sflag:s18] =	ssyncset.done $0x0  }
0x1bb: {  	s31 =	sadd.s32 $0xB80, s23;
	[sflag:s18] =	ssyncadd.s32 $0xFFFFD800  }
0x1bc: {  	[spmem:s2] =	stream.indirect.scatter.add.f32 [tilespmem:s15], [sflag:$0x3], $0x80, s31, s13, $0xb8;
	[tilespmem:$0x1DC00] =	vst v63  }
0x1bd: {  	_ =	swait.ge [sflag:s17], $0x2800  }
0x1be: {  	[sflag:s17] =	ssyncset.done $0x0  }
0x1bf: {  	[sflag:s17] =	ssyncadd.s32 $0xFFFFD800  }
0x1c0: {  	p0 =	sne.s32 s21, $0xC800;
	_ =	swait.ge [sflag:s16], $0x2800  }
.Ltmp0:
0x1c1: {  	[sflag:s16] =	ssyncset.done $0x0;
	(pc) =	sbr.rel @p0 .LBB2_2-.Ltmp0, $4  }
0x1c2: {  	s23 =	sadd.s32 $0xC00, s23;
	[sflag:s16] =	ssyncadd.s32 $0xFFFFD800  }
0x1c3: {  	[spmem:s2] =	stream.indirect.scatter.add.f32 [tilespmem:s14], [sflag:$0x3], $0x80, s23, s13, $0xb8;
	[tilespmem:$0x1DC00] =	vst v63  }
0x1c4: {  	_ =	swait.ge [sflag:s17], $0x2800  }
0x1c5: {  	s21 =	sadd.s32 $0x3200, s21;
	[sflag:s17] =	ssyncset.done $0x0  }
0x1c6: {  	s20 =	sadd.s32 $0x1, s20  }
0x1c7: {  	[sflag:s17] =	ssyncadd.s32 $0xFFFFD800;
	p0 =	sne.s32 s20, s9  }
.Ltmp1:
0x1c8: {  	[bflag:$0x0] =	sbarrier.arrive $0xFFFF;
	(pc) =	sbr.rel @p0 .LBB2_1-.Ltmp1, $4  }
0x1c9: {  	[hbm:s19], [sflag:s6] =	dma.local [spmem:s10], $0x2780  }
0x1ca: {  	_ =	swait.ge [sflag:s11], $0x2780  }
0x1cb: {  	[sflag:s11] =	ssyncset.done $0x0  }
0x1cc: {  	[sflag:s11] =	ssyncadd.s32 $0xFFFFD880  }
0x1cd: {  	_ =	sfence.sel $0x180000  }
0x1ce: {  	[bflag:$0x0] =	sbarrier.arrive $0xFFFF  }
0x1cf: {  	p0 =	sne.s32 s1, $0x0;
	_ =	strace $0x9000004A  }
0x1d0: {  	s0 =	sadd.s32 @!p0 $0x100000, s0;
	[bflag:$0x2] =	sbarrier.arrive $0xFFFF  }
0x1d1: {  	[sflag:s0] =	ssyncadd.tile.s32 @!p0 $0x1;
	_ =	shalt  }
.Lfunc_end2:
_tile_overlayer_lowered:
.L_overlay_start_2:
0x1d2: {  	(tag) =	ssettag $0x2  }
0x1d3: {  	s0 =	rddreg [dreg:$0x0];
	s2 =	stileid.u32  }
0x1d4: {  	s1 =	rddreg [dreg:$0x1];
	p0 =	sne.s32 s2, $0x0  }
0x1d5: {  	s3 =	rddreg [dreg:$0x2];
	[bflag:$0x3] =	sbarrier.arrive $0xFFFF;
	s2 =	simm.s32 @!p0 $0x1C04  }
0x1d6: {  	[timem:s3], [sflag:s2] =	dma.local @!p0 [hbm:s0], s1  }
0x1d7: {  	s0 =	simm.s32 @!p0 $0x4  }
0x1d8: {  	_ =	swait.ge @!p0 [sflag:s0], s1  }
0x1d9: {  	s1 =	ssub.s32 @!p0 $0x0, s1;
	[sflag:s0] =	ssyncset.done @!p0 $0x0  }
0x1da: {  	[sflag:s0] =	ssyncadd.s32 @!p0 s1  }
0x1db: {  	[bflag:$0x3] =	sbarrier.arrive $0xFFFF  }
0x1dc: {  	_ =	shalt  }

// kernel: kernel.14.cloned.1.call-start
scs
__scs_entry_jumppad:
0x0: {  	(pc) =	sbr.rel $0x88, $3  }
0x1: {  	(tag) =	ssettag $0x0;
	lr =	simm.s32 $0x1  }
0x2: {  	[smem:$0x3F9B] =	sst lr;
	_ =	strace $0xD0000000  }
0x3: {  	_ = 	snop  }
0x4: {  	_ = 	snop  }
0x5: {  	_ = 	snop  }
0x6: {  	_ = 	snop  }
0x7: {  	_ = 	snop  }
__scs_overlays_trampoline_lowered:
0x8: {  	[smem:$0x3FAA] =	sst s0  }
0x9: {  	[smem:$0x3FAB] =	sst s1  }
0xa: {  	[smem:$0x3FAC] =	sst s2  }
0xb: {  	[smem:$0x3FAD] =	sst s3  }
0xc: {  	[smem:$0x3FAE] =	sst s4  }
0xd: {  	[smem:$0x3FAF] =	sst s5  }
0xe: {  	[smem:$0x3FB0] =	sst s6  }
0xf: {  	[smem:$0x3FB1] =	sst s7  }
0x10: {  	[smem:$0x3FB2] =	sst s8  }
0x11: {  	[smem:$0x3FB3] =	sst s9;
	s0 =	simm.s32 @!p0 $0x0  }
0x12: {  	s1 =	sld [smem:$0x3F99];
	s0 =	simm.s32 @p0 $0x1  }
0x13: {  	[smem:$0x3FB4] =	sst s0;
	s0 =	simm.s32 @!p1 $0x0  }
0x14: {  	s2 =	sld [smem:$0x3F98];
	s0 =	simm.s32 @p1 $0x1  }
0x15: {  	[smem:$0x3FB5] =	sst s0;
	s0 =	simm.s32 @!p2 $0x0  }
0x16: {  	s3 =	sld [smem:$0x3FDB];
	s0 =	simm.s32 @p2 $0x1  }
0x17: {  	s4 =	simm.s32 $0x1BF5;
	[smem:$0x3FB7] =	sst s0  }
0x18: {  	s0 =	sld [smem:$0x3F9A];
	_ =	swait.ge [sflag:s4], $0x0  }
0x19: {  	s7 =	sld [smem:$0x3F9B]  }
0x1a: {  	s8 =	sadd.s32 $0xFFFFE003, lr  }
0x1b: {  	s9 =	sadd.s32 $0xFFFFFEF7, lr;
	s5 =	simm.s32 $0xFFFFFFFF;
	p2 =	slt.u32 s8, $0xFFFFF086  }
0x1c: {  	p1 =	slt.u32 s9, $0xF7A;
	s5 =	simm.s32 @!p2 $0x0  }
0x1d: {  	s5 =	simm.s32 @p1 $0x1;
	p0 =	seq.s32 s7, s2  }
0x1e: {  	s7 =	smul.u32 @!p0 $0xF7A, s2;
	p2 =	seq.s32 @!p0 s5, $0x0  }
0x1f: {  	s9 =	smul.u32 $0xF7A, s1;
	s8 =	simm.s32 @!p0 $0x1BF5;
	p2 =	por !p2, p0  }
0x20: {  	[sflag:s8] =	ssyncset.s32 @!p0 $0xFFFFF086;
	s6 =	sadd.s32 @!p0 s3, s7;
	s7 =	simm.s32 @!p0 $0x108  }
0x21: {  	s3 =	sadd.s32 s3, s9;
	s6 =	sadd.s32 @!p0 $0x88, s6;
	s7 =	simm.s32 @p2 $0x1082  }
0x22: {  	[simem:s7], [sflag:s8] =	dma.local @!p0 [hbm:s6], $0xF7A  }
0x23: {  	s9 =	sor.u32 $0xD0000000, s2;
	s6 =	simm.s32 $0x108;
	_ =	swait.ge @!p0 [sflag:s8], $0x0  }
0x24: {  	s3 =	sadd.s32 $0x88, s3;
	s6 =	simm.s32 @!p1 $0x1082;
	[sflag:s4] =	ssyncset.s32 $0xFFFFF086  }
0x25: {  	[simem:s6], [sflag:s4] =	dma.local [hbm:s3], $0xF7A  }
0x26: {  	[smem:$0x3F9B] =	sst s1;
	(tag) =	ssettag s2;
	_ =	strace s9  }
0x27: {  	s1 =	sld [smem:$0x3FAB]  }
0x28: {  	s2 =	sld [smem:$0x3FAC]  }
0x29: {  	s4 =	sld [smem:$0x3FAE]  }
0x2a: {  	p0 =	seq.s32 s5, $0x0;
	s5 =	sld [smem:$0x3FAF]  }
0x2b: {  	s6 =	sld [smem:$0x3FB0]  }
0x2c: {  	s7 =	sld [smem:$0x3FB1]  }
0x2d: {  	s3 =	simm.s32 $0x108;
	s8 =	sld [smem:$0x3FB2]  }
0x2e: {  	s3 =	simm.s32 @!p0 $0x1082;
	s9 =	sld [smem:$0x3FB3]  }
0x2f: {  	lr =	sadd.s32 s0, s3;
	s0 =	sld [smem:$0x3FAA]  }
0x30: {  	s3 =	sld [smem:$0x3FAD]  }
0x31: {  	[smem:$0x3FB6] =	sst s10  }
0x32: {  	s10 =	sld [smem:$0x3FB4];
	_ =	sdelay $0x3  }
0x33: {  	p0 =	seq.s32 s10, $0x1;
	s10 =	sld [smem:$0x3FB6];
	_ =	sdelay $0x3  }
0x34: {  	[smem:$0x3FB6] =	sst s10  }
0x35: {  	s10 =	sld [smem:$0x3FB5];
	_ =	sdelay $0x3  }
0x36: {  	p1 =	seq.s32 s10, $0x1;
	s10 =	sld [smem:$0x3FB6];
	_ =	sdelay $0x3  }
0x37: {  	[smem:$0x3FB6] =	sst s10  }
0x38: {  	s10 =	sld [smem:$0x3FB7]  }
0x39: {  	_ = 	snop;
	(pc) =	sbr.ind lr, $3  }
0x3a: {  	_ = 	snop  }
0x3b: {  	_ = 	snop  }
0x3c: {  	p2 =	seq.s32 s10, $0x1;
	s10 =	sld [smem:$0x3FB6]  }
0x3d: {  	_ =	shalt  }
0x3e: {  	_ =	shalt  }
0x3f: {  	_ =	shalt  }
0x40: {  	_ =	shalt  }
0x41: {  	_ =	shalt  }
0x42: {  	_ =	shalt  }
0x43: {  	_ =	shalt  }
0x44: {  	_ =	shalt  }
0x45: {  	_ =	shalt  }
0x46: {  	_ =	shalt  }
0x47: {  	_ =	shalt  }
0x48: {  	_ =	shalt  }
0x49: {  	_ =	shalt  }
0x4a: {  	_ =	shalt  }
0x4b: {  	_ =	shalt  }
0x4c: {  	_ =	shalt  }
0x4d: {  	_ =	shalt  }
0x4e: {  	_ =	shalt  }
0x4f: {  	_ =	shalt  }
0x50: {  	_ =	shalt  }
0x51: {  	_ =	shalt  }
0x52: {  	_ =	shalt  }
0x53: {  	_ =	shalt  }
0x54: {  	_ =	shalt  }
0x55: {  	_ =	shalt  }
0x56: {  	_ =	shalt  }
0x57: {  	_ =	shalt  }
0x58: {  	_ =	shalt  }
0x59: {  	_ =	shalt  }
0x5a: {  	_ =	shalt  }
0x5b: {  	_ =	shalt  }
0x5c: {  	_ =	shalt  }
0x5d: {  	_ =	shalt  }
0x5e: {  	_ =	shalt  }
0x5f: {  	_ =	shalt  }
0x60: {  	_ =	shalt  }
0x61: {  	_ =	shalt  }
0x62: {  	_ =	shalt  }
0x63: {  	_ =	shalt  }
0x64: {  	_ =	shalt  }
0x65: {  	_ =	shalt  }
0x66: {  	_ =	shalt  }
0x67: {  	_ =	shalt  }
0x68: {  	_ =	shalt  }
0x69: {  	_ =	shalt  }
0x6a: {  	_ =	shalt  }
0x6b: {  	_ =	shalt  }
0x6c: {  	_ =	shalt  }
0x6d: {  	_ =	shalt  }
0x6e: {  	_ =	shalt  }
0x6f: {  	_ =	shalt  }
0x70: {  	_ =	shalt  }
0x71: {  	_ =	shalt  }
0x72: {  	_ =	shalt  }
0x73: {  	_ =	shalt  }
0x74: {  	_ =	shalt  }
0x75: {  	_ =	shalt  }
0x76: {  	_ =	shalt  }
0x77: {  	_ =	shalt  }
0x78: {  	_ =	shalt  }
0x79: {  	_ =	shalt  }
0x7a: {  	_ =	shalt  }
0x7b: {  	_ =	shalt  }
0x7c: {  	_ =	shalt  }
0x7d: {  	_ =	shalt  }
0x7e: {  	_ =	shalt  }
0x7f: {  	_ =	shalt  }
0x80: {  	_ =	shalt  }
0x81: {  	_ =	shalt  }
0x82: {  	_ =	shalt  }
0x83: {  	_ =	shalt  }
0x84: {  	_ =	shalt  }
0x85: {  	_ =	shalt  }
0x86: {  	_ =	shalt  }
0x87: {  	_ =	shalt  }
.Lfunc_end0:
.L_simem_size_0:
called_computation.2_lowered:
.L_overlay_start_0:
0x88: {  	s2 =	sld [smem:$0x3FD9]  }
0x89: {  	s3 =	sld [smem:$0x3FFE];
	_ =	sdelay $0x1  }
0x8a: {  	s1 =	srdreg.scid  }
0x8b: {  	s0 =	sand.u32 $0x1, s1  }
0x8c: {  	s17 =	sshll.u32 s0, $0xA;
	s2 =	sadd.s32 s3, s2  }
0x8d: {  	s2 =	sadd.s32 s2, s17  }
0x8e: {  	[smem:$0x3FC2] =	sst s2  }
0x8f: {  	_ = 	snop  }
0x90: {  	s2 =	sld [smem:$0x3FD0];
	(tm) =	ssettm $0x1  }
0x91: {  	s18 =	sld [smem:$0x3FFB];
	_ =	sdelay $0x3  }
0x92: {  	_ =	strace s18  }
0x93: {  	s3 =	sld [smem:$0x3FFC];
	_ =	sdelay $0x3  }
0x94: {  	_ =	strace s3  }
0x95: {  	s3 =	sld [smem:$0x3FFD];
	_ =	sdelay $0x3  }
0x96: {  	_ =	strace s3  }
0x97: {  	_ =	strace $0x8FFFFFFF  }
0x98: {  	s19 =	sld [smem:$0x3FDB];
	_ =	sdelay $0x1  }
0x99: {  	s4 =	simm.s32 $_scs_section_size  }
0x9a: {  	s5 =	simm.s32 $_size__tile_overlayer_lowered;
	s6 =	simm.s32 $_tile_overlayer_lowered  }
0x9b: {  	s22 =	simm.s32 $0x1BFF;
	s21 =	sshll.u32 s6, $0x1;
	s3 =	sadd.s32 s4, s19  }
0x9c: {  	s7 =	simm.s32 $0x0;
	s20 =	sshll.u32 s5, $0x1;
	s5 =	sadd.s32 s21, s3  }
0x9d: {  	[timem:s7], [sflag:s22] =	dma.local [hbm:s5], s20  }
0x9e: {  	_ =	swait.ge [sflag:s22], s20  }
0x9f: {  	s4 =	ssub.s32 $0x0, s20;
	[sflag:s22] =	ssyncset.done $0x0  }
0xa0: {  	[sflag:s22] =	ssyncadd.s32 s4;
	_ =	sdelay $0x1  }
0xa1: {  	s23 =	simm.s32 $0x1B8B  }
0xa2: {  	_ =	swait.ge [sflag:s23], $0x1  }
0xa3: {  	[sflag:s23] =	ssyncset.done $0x0  }
0xa4: {  	s25 =	simm.s32 $0x1B8E;
	s24 =	sld [smem:$0x3FFE];
	[sflag:s23] =	ssyncadd.s32 $0xFFFFFFFF  }
0xa5: {  	s26 =	simm.s32 $execute0_lowered;
	[smem:$0x3FD2] =	sst s25  }
0xa6: {  	s5 =	sshll.u32 s26, $0x1;
	_ =	strace $0x8000004C;
	[dreg:$0x1] =	wrdreg $0xFFFFFFFF  }
0xa7: {  	s28 =	simm.s32 $_size_execute0_lowered;
	s3 =	sadd.s32 s3, s5;
	[dreg:$0x0] =	wrdreg $0x0  }
0xa8: {  	s5 =	sshll.u32 s28, $0x1;
	[dreg:$0x2] =	wrdreg s3  }
0xa9: {  	[dreg:$0x3] =	wrdreg s5  }
0xaa: {  	[dreg:$0x4] =	wrdreg $0xC0  }
0xab: {  	_ =	task [dreg:s7], $0x5FFFF  }
0xac: {  	[dreg:$0x1] =	wrdreg $0xFFFFFFFF  }
0xad: {  	[dreg:$0x0] =	wrdreg $0x60  }
0xae: {  	[dreg:$0x2] =	wrdreg s24  }
0xaf: {  	[dreg:$0x3] =	wrdreg s2  }
0xb0: {  	[dreg:$0x4] =	wrdreg $0xA0000  }
0xb1: {  	[dreg:$0x5] =	wrdreg $0x9  }
0xb2: {  	_ =	task.clear_ibuf [dreg:s7], $0x6FFFF;
	_ =	strace $0x9000004C  }
0xb3: {  	s29 =	simm.s32 $0x9;
	_ =	strace $0x8000004E  }
0xb4: {  	_ =	swait.ge [sflag:s29], $0x1  }
0xb5: {  	[sflag:s29] =	ssyncadd.s32 $0xFFFFFFFF  }
0xb6: {  	_ =	strace $0x9000004E  }
0xb7: {  	_ =	sfence  }
0xb8: {  	s30 =	sld [smem:$0x0];
	_ =	sdelay $0x2  }
0xb9: {  	s31 =	sshll.u32 s1, $0xD;
	s1 =	sshrl.u32 s1, $0x2  }
0xba: {  	s3 =	sand.u32 $0x4000, s31;
	s1 =	sadd.s32 s1, s30  }
0xbb: {  	s0 =	sor.u32 s3, s0;
	s1 =	sshll.u32 s1, $0x11  }
0xbc: {  	s0 =	sor.u32 s1, s0  }
0xbd: {  	s0 =	sadd.s32 $0x8F2B, s0  }
0xbe: {  	[sflag:s0] =	ssyncadd.remote.s32 $0x1  }
0xbf: {  	_ =	sfence.sel $0xFFFF  }
0xc0: {  	[dreg:$0x0] =	wrdreg $0xFFFFFFFF;
	(pc) =	sbr.abs _section_cstart, $3  }
0xc1: {  	[dreg:$0x1] =	wrdreg $0xFFFFFFFF  }
0xc2: {  	_ =	task.clear_ibuf [dreg:s7], $0x2FFFF;
	_ =	strace $0x9FFFFFFF  }
0xc3: {  	(tm) =	ssettm $0x7FFFFFFF  }
tec
execute0_lowered:
.L_overlay_start_1:
0x0: {  	(tag) =	ssettag $0x1  }
0x1: {  	s6 =	rddreg [dreg:$0x0]  }
0x2: {  	s8 =	rddreg [dreg:$0x1]  }
0x3: {  	s0 =	srdreg.scid;
	s2 =	rddreg [dreg:$0x2]  }
0x4: {  	s3 =	simm.s32 $0x0;
	s7 =	sand.u32 $0x1, s0;
	s0 =	rddreg [dreg:$0x3]  }
0x5: {  	s29 =	simm.s32 $0x4080;
	[smem:$0x7FF] =	sst s3  }
0x6: {  	s30 =	simm.s32 $0x4100;
	_ =	strace $0x8000004D;
	[dreg:$0x4] =	wrdreg s29  }
0x7: {  	s31 =	simm.s32 $0x4180;
	[dreg:$0x5] =	wrdreg s30  }
0x8: {  	s14 =	simm.s32 $0x4200;
	[dreg:$0x6] =	wrdreg s31  }
0x9: {  	s15 =	simm.s32 $0x4280;
	[dreg:$0x7] =	wrdreg s14  }
0xa: {  	s17 =	simm.s32 $0x4300;
	[dreg:$0x8] =	wrdreg s15  }
0xb: {  	s18 =	simm.s32 $0x4380;
	[dreg:$0x9] =	wrdreg s17  }
0xc: {  	s20 =	simm.s32 $0x4480;
	[dreg:$0xa] =	wrdreg s18  }
0xd: {  	s21 =	simm.s32 $0x4500;
	[dreg:$0xc] =	wrdreg s20  }
0xe: {  	s22 =	simm.s32 $0x4580;
	[dreg:$0xd] =	wrdreg s21  }
0xf: {  	s1 =	stileid.u32;
	s23 =	simm.s32 $0x4600;
	[dreg:$0xe] =	wrdreg s22  }
0x10: {  	s24 =	simm.s32 $0x4680;
	s25 =	simm.s32 $0x4700;
	[dreg:$0xf] =	wrdreg s23  }
0x11: {  	s26 =	simm.s32 $0x4780;
	s28 =	simm.s32 $0x4800;
	[dreg:$0x10] =	wrdreg s24  }
0x12: {  	s13 =	smul.u32 $0x4F000, s1;
	s19 =	sshll.u32 s1, $0x6;
	[dreg:$0x11] =	wrdreg s25  }
0x13: {  	s4 =	sshll.u32 s7, $0x4;
	s10 =	smul.u32 $0x27800, s7;
	[dreg:$0x12] =	wrdreg s26  }
0x14: {  	s7 =	ssub.s32 $0x2, s7;
	s14 =	simm.s32 $0x4400;
	[dreg:$0x13] =	wrdreg s28  }
0x15: {  	s20 =	smul.u32 $0x2780, s1;
	s29 =	simm.s32 $0x4880;
	[dreg:$0xb] =	wrdreg s14  }
0x16: {  	s30 =	simm.s32 $0x4900;
	s15 =	simm.s32 $0x4980;
	[dreg:$0x14] =	wrdreg s29  }
0x17: {  	s17 =	simm.s32 $0x4A80;
	s18 =	simm.s32 $0x4B00;
	[dreg:$0x15] =	wrdreg s30  }
0x18: {  	s21 =	simm.s32 $0x4B80;
	s31 =	simm.s32 $0x4C00;
	[dreg:$0x16] =	wrdreg s15  }
0x19: {  	s9 =	sor.u32 s1, s4;
	s4 =	sadd.s32 $0x14E00, s6;
	[dreg:$0x18] =	wrdreg s17  }
0x1a: {  	s12 =	sshrl.u32 s7, $0x1;
	s16 =	sshrl.u32 s13, $0x2;
	[dreg:$0x19] =	wrdreg s18  }
0x1b: {  	s14 =	simm.s32 $0x5000;
	s15 =	simm.s32 $0x7800;
	[dreg:$0x1a] =	wrdreg s21  }
0x1c: {  	s17 =	simm.s32 $0x3;
	s18 =	simm.s32 $0x2;
	[dreg:$0x1b] =	wrdreg s31  }
0x1d: {  	s5 =	sshll.u32 s9, $0xB;
	s10 =	sadd.s32 s10, s6;
	s12 =	ssub.s32 s7, s12  }
0x1e: {  	s13 =	sadd.s32 s16, s2;
	s9 =	smul.u32 $0xA00, s9;
	s16 =	simm.s32 $0x4A00  }
0x1f: {  	s11 =	sadd.s32 s5, s6;
	s5 =	sadd.s32 $0x12600, s6;
	s6 =	sor.u32 $0x1C04, s19  }
0x20: {  	s19 =	sadd.s32 $0x3C600, s10;
	s10 =	sshrl.u32 s13, $0x3;
	s13 =	simm.s32 $0x50  }
0x21: {  	[dreg:$0x17] =	wrdreg s16;
	s16 =	simm.s32 $0x1;
	s7 =	sadd.s32 $0x2600, s11  }
0x22: {  	s8 =	sadd.s32 s8, s9;
	s9 =	smax.u32 s12, $0x1;
	s11 =	simm.s32 $0x4  }
0x23: {  	s12 =	simm.s32 $0x4000;
	s19 =	sadd.s32 s20, s19;
	s20 =	simm.s32 $0x0  }
.LBB2_1:
0x24: {  	[spmem:s10], [sflag:s6] =	dma.local [hbm:s5], $0x2780  }
0x25: {  	_ =	swait.ge [sflag:s11], $0x2780  }
0x26: {  	[sflag:s11] =	ssyncset.done $0x0  }
0x27: {  	[sflag:s11] =	ssyncadd.s32 $0xFFFFD880  }
0x28: {  	[tilespmem:s3], [sflag:$0x4] =	stream.linear.gather [hbm4b:s7+s3], $0x3E80, $0x38;
	[tilespmem:$0x1DC00] =	vst v63  }
0x29: {  	_ =	swait.ge [sflag:s11], $0x3E80  }
0x2a: {  	[sflag:s11] =	ssyncset.done $0x0  }
0x2b: {  	[sflag:s11] =	ssyncadd.s32 $0xFFFFC180  }
0x2c: {  	[bflag:$0x0] =	sbarrier.arrive $0xFFFF  }
0x2d: {  	[tilespmem:s12], [sflag:$0x4] =	stream.linear.gather [hbm4b:s8+s3], $0xC80, $0x38;
	[tilespmem:$0x1DC00] =	vst v63  }
0x2e: {  	_ =	swait.ge [sflag:s11], $0xC80  }
0x2f: {  	[sflag:s11] =	ssyncset.done $0x0  }
0x30: {  	[sflag:s11] =	ssyncadd.s32 $0xFFFFF380  }
0x31: {  	[tilespmem:s14], [sflag:$0x1] =	stream.indirect.gather [hbm4b:s4+s13], $0x80, s12, s13, $0xb8;
	[tilespmem:$0x1DC00] =	vst v63  }
0x32: {  	s21 =	rddreg [dreg:$0x4]  }
0x33: {  	[tilespmem:s15], [sflag:$0x2] =	stream.indirect.gather [hbm4b:s4+s13], $0x80, s21, s13, $0xb8;
	[tilespmem:$0x1DC00] =	vst v63  }
0x34: {  	_ =	swait.ge [sflag:s16], $0x2800  }
0x35: {  	[sflag:s16] =	ssyncset.done $0x0  }
0x36: {  	s29 =	simm.s32 $0x0;
	[sflag:s16] =	ssyncadd.s32 $0xFFFFD800  }
0x37: {  	[spmem:s2] =	stream.indirect.scatter.add.f32 [tilespmem:s14], [sflag:$0x3], $0x80, s29, s13, $0xb8;
	[tilespmem:$0x1DC00] =	vst v63  }
0x38: {  	_ =	swait.ge [sflag:s17], $0x2800  }
0x39: {  	[sflag:s17] =	ssyncset.done $0x0  }
0x3a: {  	s30 =	rddreg [dreg:$0x5];
	[sflag:s17] =	ssyncadd.s32 $0xFFFFD800  }
0x3b: {  	[tilespmem:s14], [sflag:$0x1] =	stream.indirect.gather [hbm4b:s4+s13], $0x80, s30, s13, $0xb8;
	[tilespmem:$0x1DC00] =	vst v63  }
0x3c: {  	_ =	swait.ge [sflag:s18], $0x2800  }
0x3d: {  	[sflag:s18] =	ssyncset.done $0x0  }
0x3e: {  	s31 =	simm.s32 $0x80;
	[sflag:s18] =	ssyncadd.s32 $0xFFFFD800  }
0x3f: {  	[spmem:s2] =	stream.indirect.scatter.add.f32 [tilespmem:s15], [sflag:$0x3], $0x80, s31, s13, $0xb8;
	[tilespmem:$0x1DC00] =	vst v63  }
0x40: {  	_ =	swait.ge [sflag:s17], $0x2800  }
0x41: {  	[sflag:s17] =	ssyncset.done $0x0  }
0x42: {  	s22 =	rddreg [dreg:$0x6];
	[sflag:s17] =	ssyncadd.s32 $0xFFFFD800  }
0x43: {  	[tilespmem:s15], [sflag:$0x2] =	stream.indirect.gather [hbm4b:s4+s13], $0x80, s22, s13, $0xb8;
	[tilespmem:$0x1DC00] =	vst v63  }
0x44: {  	_ =	swait.ge [sflag:s16], $0x2800  }
0x45: {  	[sflag:s16] =	ssyncset.done $0x0  }
0x46: {  	s23 =	simm.s32 $0x100;
	[sflag:s16] =	ssyncadd.s32 $0xFFFFD800  }
0x47: {  	[spmem:s2] =	stream.indirect.scatter.add.f32 [tilespmem:s14], [sflag:$0x3], $0x80, s23, s13, $0xb8;
	[tilespmem:$0x1DC00] =	vst v63  }
0x48: {  	_ =	swait.ge [sflag:s17], $0x2800  }
0x49: {  	[sflag:s17] =	ssyncset.done $0x0  }
0x4a: {  	s24 =	rddreg [dreg:$0x7];
	[sflag:s17] =	ssyncadd.s32 $0xFFFFD800  }
0x4b: {  	[tilespmem:s14], [sflag:$0x1] =	stream.indirect.gather [hbm4b:s4+s13], $0x80, s24, s13, $0xb8;
	[tilespmem:$0x1DC00] =	vst v63  }
0x4c: {  	_ =	swait.ge [sflag:s18], $0x2800  }
0x4d: {  	[sflag:s18] =	ssyncset.done $0x0  }
0x4e: {  	s25 =	simm.s32 $0x180;
	[sflag:s18] =	ssyncadd.s32 $0xFFFFD800  }
0x4f: {  	[spmem:s2] =	stream.indirect.scatter.add.f32 [tilespmem:s15], [sflag:$0x3], $0x80, s25, s13, $0xb8;
	[tilespmem:$0x1DC00] =	vst v63  }
0x50: {  	_ =	swait.ge [sflag:s17], $0x2800  }
0x51: {  	[sflag:s17] =	ssyncset.done $0x0  }
0x52: {  	s26 =	rddreg [dreg:$0x8];
	[sflag:s17] =	ssyncadd.s32 $0xFFFFD800  }
0x53: {  	[tilespmem:s15], [sflag:$0x2] =	stream.indirect.gather [hbm4b:s4+s13], $0x80, s26, s13, $0xb8;
	[tilespmem:$0x1DC00] =	vst v63  }
0x54: {  	_ =	swait.ge [sflag:s16], $0x2800  }
0x55: {  	[sflag:s16] =	ssyncset.done $0x0  }
0x56: {  	s28 =	simm.s32 $0x200;
	[sflag:s16] =	ssyncadd.s32 $0xFFFFD800  }
0x57: {  	[spmem:s2] =	stream.indirect.scatter.add.f32 [tilespmem:s14], [sflag:$0x3], $0x80, s28, s13, $0xb8;
	[tilespmem:$0x1DC00] =	vst v63  }
0x58: {  	_ =	swait.ge [sflag:s17], $0x2800  }
0x59: {  	[sflag:s17] =	ssyncset.done $0x0  }
0x5a: {  	s29 =	rddreg [dreg:$0x9];
	[sflag:s17] =	ssyncadd.s32 $0xFFFFD800  }
0x5b: {  	[tilespmem:s14], [sflag:$0x1] =	stream.indirect.gather [hbm4b:s4+s13], $0x80, s29, s13, $0xb8;
	[tilespmem:$0x1DC00] =	vst v63  }
0x5c: {  	_ =	swait.ge [sflag:s18], $0x2800  }
0x5d: {  	[sflag:s18] =	ssyncset.done $0x0  }
0x5e: {  	s30 =	simm.s32 $0x280;
	[sflag:s18] =	ssyncadd.s32 $0xFFFFD800  }
0x5f: {  	[spmem:s2] =	stream.indirect.scatter.add.f32 [tilespmem:s15], [sflag:$0x3], $0x80, s30, s13, $0xb8;
	[tilespmem:$0x1DC00] =	vst v63  }
0x60: {  	_ =	swait.ge [sflag:s17], $0x2800  }
0x61: {  	[sflag:s17] =	ssyncset.done $0x0  }
0x62: {  	s31 =	rddreg [dreg:$0xa];
	[sflag:s17] =	ssyncadd.s32 $0xFFFFD800  }
0x63: {  	[tilespmem:s15], [sflag:$0x2] =	stream.indirect.gather [hbm4b:s4+s13], $0x80, s31, s13, $0xb8;
	[tilespmem:$0x1DC00] =	vst v63  }
0x64: {  	_ =	swait.ge [sflag:s16], $0x2800  }
0x65: {  	[sflag:s16] =	ssyncset.done $0x0  }
0x66: {  	s22 =	simm.s32 $0x300;
	[sflag:s16] =	ssyncadd.s32 $0xFFFFD800  }
0x67: {  	[spmem:s2] =	stream.indirect.scatter.add.f32 [tilespmem:s14], [sflag:$0x3], $0x80, s22, s13, $0xb8;
	[tilespmem:$0x1DC00] =	vst v63  }
0x68: {  	_ =	swait.ge [sflag:s17], $0x2800  }
0x69: {  	[sflag:s17] =	ssyncset.done $0x0  }
0x6a: {  	s23 =	rddreg [dreg:$0xb];
	[sflag:s17] =	ssyncadd.s32 $0xFFFFD800  }
0x6b: {  	[tilespmem:s14], [sflag:$0x1] =	stream.indirect.gather [hbm4b:s4+s13], $0x80, s23, s13, $0xb8;
	[tilespmem:$0x1DC00] =	vst v63  }
0x6c: {  	_ =	swait.ge [sflag:s18], $0x2800  }
0x6d: {  	[sflag:s18] =	ssyncset.done $0x0  }
0x6e: {  	s24 =	simm.s32 $0x380;
	[sflag:s18] =	ssyncadd.s32 $0xFFFFD800  }
0x6f: {  	[spmem:s2] =	stream.indirect.scatter.add.f32 [tilespmem:s15], [sflag:$0x3], $0x80, s24, s13, $0xb8;
	[tilespmem:$0x1DC00] =	vst v63  }
0x70: {  	_ =	swait.ge [sflag:s17], $0x2800  }
0x71: {  	[sflag:s17] =	ssyncset.done $0x0  }
0x72: {  	s25 =	rddreg [dreg:$0xc];
	[sflag:s17] =	ssyncadd.s32 $0xFFFFD800  }
0x73: {  	[tilespmem:s15], [sflag:$0x2] =	stream.indirect.gather [hbm4b:s4+s13], $0x80, s25, s13, $0xb8;
	[tilespmem:$0x1DC00] =	vst v63  }
0x74: {  	_ =	swait.ge [sflag:s16], $0x2800  }
0x75: {  	[sflag:s16] =	ssyncset.done $0x0  }
0x76: {  	s26 =	simm.s32 $0x400;
	[sflag:s16] =	ssyncadd.s32 $0xFFFFD800  }
0x77: {  	[spmem:s2] =	stream.indirect.scatter.add.f32 [tilespmem:s14], [sflag:$0x3], $0x80, s26, s13, $0xb8;
	[tilespmem:$0x1DC00] =	vst v63  }
0x78: {  	_ =	swait.ge [sflag:s17], $0x2800  }
0x79: {  	[sflag:s17] =	ssyncset.done $0x0  }
0x7a: {  	s28 =	rddreg [dreg:$0xd];
	[sflag:s17] =	ssyncadd.s32 $0xFFFFD800  }
0x7b: {  	[tilespmem:s14], [sflag:$0x1] =	stream.indirect.gather [hbm4b:s4+s13], $0x80, s28, s13, $0xb8;
	[tilespmem:$0x1DC00] =	vst v63  }
0x7c: {  	_ =	swait.ge [sflag:s18], $0x2800  }
0x7d: {  	[sflag:s18] =	ssyncset.done $0x0  }
0x7e: {  	s29 =	simm.s32 $0x480;
	[sflag:s18] =	ssyncadd.s32 $0xFFFFD800  }
0x7f: {  	[spmem:s2] =	stream.indirect.scatter.add.f32 [tilespmem:s15], [sflag:$0x3], $0x80, s29, s13, $0xb8;
	[tilespmem:$0x1DC00] =	vst v63  }
0x80: {  	_ =	swait.ge [sflag:s17], $0x2800  }
0x81: {  	[sflag:s17] =	ssyncset.done $0x0  }
0x82: {  	s30 =	rddreg [dreg:$0xe];
	[sflag:s17] =	ssyncadd.s32 $0xFFFFD800  }
0x83: {  	[tilespmem:s15], [sflag:$0x2] =	stream.indirect.gather [hbm4b:s4+s13], $0x80, s30, s13, $0xb8;
	[tilespmem:$0x1DC00] =	vst v63  }
0x84: {  	_ =	swait.ge [sflag:s16], $0x2800  }
0x85: {  	[sflag:s16] =	ssyncset.done $0x0  }
0x86: {  	s31 =	simm.s32 $0x500;
	[sflag:s16] =	ssyncadd.s32 $0xFFFFD800  }
0x87: {  	[spmem:s2] =	stream.indirect.scatter.add.f32 [tilespmem:s14], [sflag:$0x3], $0x80, s31, s13, $0xb8;
	[tilespmem:$0x1DC00] =	vst v63  }
0x88: {  	_ =	swait.ge [sflag:s17], $0x2800  }
0x89: {  	[sflag:s17] =	ssyncset.done $0x0  }
0x8a: {  	s22 =	rddreg [dreg:$0xf];
	[sflag:s17] =	ssyncadd.s32 $0xFFFFD800  }
0x8b: {  	[tilespmem:s14], [sflag:$0x1] =	stream.indirect.gather [hbm4b:s4+s13], $0x80, s22, s13, $0xb8;
	[tilespmem:$0x1DC00] =	vst v63  }
0x8c: {  	_ =	swait.ge [sflag:s18], $0x2800  }
0x8d: {  	[sflag:s18] =	ssyncset.done $0x0  }
0x8e: {  	s23 =	simm.s32 $0x580;
	[sflag:s18] =	ssyncadd.s32 $0xFFFFD800  }
0x8f: {  	[spmem:s2] =	stream.indirect.scatter.add.f32 [tilespmem:s15], [sflag:$0x3], $0x80, s23, s13, $0xb8;
	[tilespmem:$0x1DC00] =	vst v63  }
0x90: {  	_ =	swait.ge [sflag:s17], $0x2800  }
0x91: {  	[sflag:s17] =	ssyncset.done $0x0  }
0x92: {  	s24 =	rddreg [dreg:$0x10];
	[sflag:s17] =	ssyncadd.s32 $0xFFFFD800  }
0x93: {  	[tilespmem:s15], [sflag:$0x2] =	stream.indirect.gather [hbm4b:s4+s13], $0x80, s24, s13, $0xb8;
	[tilespmem:$0x1DC00] =	vst v63  }
0x94: {  	_ =	swait.ge [sflag:s16], $0x2800  }
0x95: {  	[sflag:s16] =	ssyncset.done $0x0  }
0x96: {  	s25 =	simm.s32 $0x600;
	[sflag:s16] =	ssyncadd.s32 $0xFFFFD800  }
0x97: {  	[spmem:s2] =	stream.indirect.scatter.add.f32 [tilespmem:s14], [sflag:$0x3], $0x80, s25, s13, $0xb8;
	[tilespmem:$0x1DC00] =	vst v63  }
0x98: {  	_ =	swait.ge [sflag:s17], $0x2800  }
0x99: {  	[sflag:s17] =	ssyncset.done $0x0  }
0x9a: {  	s26 =	rddreg [dreg:$0x11];
	[sflag:s17] =	ssyncadd.s32 $0xFFFFD800  }
0x9b: {  	[tilespmem:s14], [sflag:$0x1] =	stream.indirect.gather [hbm4b:s4+s13], $0x80, s26, s13, $0xb8;
	[tilespmem:$0x1DC00] =	vst v63  }
0x9c: {  	_ =	swait.ge [sflag:s18], $0x2800  }
0x9d: {  	[sflag:s18] =	ssyncset.done $0x0  }
0x9e: {  	s28 =	simm.s32 $0x680;
	[sflag:s18] =	ssyncadd.s32 $0xFFFFD800  }
0x9f: {  	[spmem:s2] =	stream.indirect.scatter.add.f32 [tilespmem:s15], [sflag:$0x3], $0x80, s28, s13, $0xb8;
	[tilespmem:$0x1DC00] =	vst v63  }
0xa0: {  	_ =	swait.ge [sflag:s17], $0x2800  }
0xa1: {  	[sflag:s17] =	ssyncset.done $0x0  }
0xa2: {  	s29 =	rddreg [dreg:$0x12];
	[sflag:s17] =	ssyncadd.s32 $0xFFFFD800  }
0xa3: {  	[tilespmem:s15], [sflag:$0x2] =	stream.indirect.gather [hbm4b:s4+s13], $0x80, s29, s13, $0xb8;
	[tilespmem:$0x1DC00] =	vst v63  }
0xa4: {  	_ =	swait.ge [sflag:s16], $0x2800  }
0xa5: {  	[sflag:s16] =	ssyncset.done $0x0  }
0xa6: {  	s30 =	simm.s32 $0x700;
	[sflag:s16] =	ssyncadd.s32 $0xFFFFD800  }
0xa7: {  	[spmem:s2] =	stream.indirect.scatter.add.f32 [tilespmem:s14], [sflag:$0x3], $0x80, s30, s13, $0xb8;
	[tilespmem:$0x1DC00] =	vst v63  }
0xa8: {  	_ =	swait.ge [sflag:s17], $0x2800  }
0xa9: {  	[sflag:s17] =	ssyncset.done $0x0  }
0xaa: {  	s31 =	rddreg [dreg:$0x13];
	[sflag:s17] =	ssyncadd.s32 $0xFFFFD800  }
0xab: {  	[tilespmem:s14], [sflag:$0x1] =	stream.indirect.gather [hbm4b:s4+s13], $0x80, s31, s13, $0xb8;
	[tilespmem:$0x1DC00] =	vst v63  }
0xac: {  	_ =	swait.ge [sflag:s18], $0x2800  }
0xad: {  	[sflag:s18] =	ssyncset.done $0x0  }
0xae: {  	s22 =	simm.s32 $0x780;
	[sflag:s18] =	ssyncadd.s32 $0xFFFFD800  }
0xaf: {  	[spmem:s2] =	stream.indirect.scatter.add.f32 [tilespmem:s15], [sflag:$0x3], $0x80, s22, s13, $0xb8;
	[tilespmem:$0x1DC00] =	vst v63  }
0xb0: {  	_ =	swait.ge [sflag:s17], $0x2800  }
0xb1: {  	[sflag:s17] =	ssyncset.done $0x0  }
0xb2: {  	s23 =	rddreg [dreg:$0x14];
	[sflag:s17] =	ssyncadd.s32 $0xFFFFD800  }
0xb3: {  	[tilespmem:s15], [sflag:$0x2] =	stream.indirect.gather [hbm4b:s4+s13], $0x80, s23, s13, $0xb8;
	[tilespmem:$0x1DC00] =	vst v63  }
0xb4: {  	_ =	swait.ge [sflag:s16], $0x2800  }
0xb5: {  	[sflag:s16] =	ssyncset.done $0x0  }
0xb6: {  	s24 =	simm.s32 $0x800;
	[sflag:s16] =	ssyncadd.s32 $0xFFFFD800  }
0xb7: {  	[spmem:s2] =	stream.indirect.scatter.add.f32 [tilespmem:s14], [sflag:$0x3], $0x80, s24, s13, $0xb8;
	[tilespmem:$0x1DC00] =	vst v63  }
0xb8: {  	_ =	swait.ge [sflag:s17], $0x2800  }
0xb9: {  	[sflag:s17] =	ssyncset.done $0x0  }
0xba: {  	s25 =	rddreg [dreg:$0x15];
	[sflag:s17] =	ssyncadd.s32 $0xFFFFD800  }
0xbb: {  	[tilespmem:s14], [sflag:$0x1] =	stream.indirect.gather [hbm4b:s4+s13], $0x80, s25, s13, $0xb8;
	[tilespmem:$0x1DC00] =	vst v63  }
0xbc: {  	_ =	swait.ge [sflag:s18], $0x2800  }
0xbd: {  	[sflag:s18] =	ssyncset.done $0x0  }
0xbe: {  	s26 =	simm.s32 $0x880;
	[sflag:s18] =	ssyncadd.s32 $0xFFFFD800  }
0xbf: {  	[spmem:s2] =	stream.indirect.scatter.add.f32 [tilespmem:s15], [sflag:$0x3], $0x80, s26, s13, $0xb8;
	[tilespmem:$0x1DC00] =	vst v63  }
0xc0: {  	_ =	swait.ge [sflag:s17], $0x2800  }
0xc1: {  	[sflag:s17] =	ssyncset.done $0x0  }
0xc2: {  	s28 =	rddreg [dreg:$0x16];
	[sflag:s17] =	ssyncadd.s32 $0xFFFFD800  }
0xc3: {  	[tilespmem:s15], [sflag:$0x2] =	stream.indirect.gather [hbm4b:s4+s13], $0x80, s28, s13, $0xb8;
	[tilespmem:$0x1DC00] =	vst v63  }
0xc4: {  	_ =	swait.ge [sflag:s16], $0x2800  }
0xc5: {  	[sflag:s16] =	ssyncset.done $0x0  }
0xc6: {  	s29 =	simm.s32 $0x900;
	[sflag:s16] =	ssyncadd.s32 $0xFFFFD800  }
0xc7: {  	[spmem:s2] =	stream.indirect.scatter.add.f32 [tilespmem:s14], [sflag:$0x3], $0x80, s29, s13, $0xb8;
	[tilespmem:$0x1DC00] =	vst v63  }
0xc8: {  	_ =	swait.ge [sflag:s17], $0x2800  }
0xc9: {  	[sflag:s17] =	ssyncset.done $0x0  }
0xca: {  	s30 =	rddreg [dreg:$0x17];
	[sflag:s17] =	ssyncadd.s32 $0xFFFFD800  }
0xcb: {  	[tilespmem:s14], [sflag:$0x1] =	stream.indirect.gather [hbm4b:s4+s13], $0x80, s30, s13, $0xb8;
	[tilespmem:$0x1DC00] =	vst v63  }
0xcc: {  	_ =	swait.ge [sflag:s18], $0x2800  }
0xcd: {  	[sflag:s18] =	ssyncset.done $0x0  }
0xce: {  	s31 =	simm.s32 $0x980;
	[sflag:s18] =	ssyncadd.s32 $0xFFFFD800  }
0xcf: {  	[spmem:s2] =	stream.indirect.scatter.add.f32 [tilespmem:s15], [sflag:$0x3], $0x80, s31, s13, $0xb8;
	[tilespmem:$0x1DC00] =	vst v63  }
0xd0: {  	_ =	swait.ge [sflag:s17], $0x2800  }
0xd1: {  	[sflag:s17] =	ssyncset.done $0x0  }
0xd2: {  	s22 =	rddreg [dreg:$0x18];
	[sflag:s17] =	ssyncadd.s32 $0xFFFFD800  }
0xd3: {  	[tilespmem:s15], [sflag:$0x2] =	stream.indirect.gather [hbm4b:s4+s13], $0x80, s22, s13, $0xb8;
	[tilespmem:$0x1DC00] =	vst v63  }
0xd4: {  	_ =	swait.ge [sflag:s16], $0x2800  }
0xd5: {  	[sflag:s16] =	ssyncset.done $0x0  }
0xd6: {  	s23 =	simm.s32 $0xA00;
	[sflag:s16] =	ssyncadd.s32 $0xFFFFD800  }
0xd7: {  	[spmem:s2] =	stream.indirect.scatter.add.f32 [tilespmem:s14], [sflag:$0x3], $0x80, s23, s13, $0xb8;
	[tilespmem:$0x1DC00] =	vst v63  }
0xd8: {  	_ =	swait.ge [sflag:s17], $0x2800  }
0xd9: {  	[sflag:s17] =	ssyncset.done $0x0  }
0xda: {  	s24 =	rddreg [dreg:$0x19];
	[sflag:s17] =	ssyncadd.s32 $0xFFFFD800  }
0xdb: {  	[tilespmem:s14], [sflag:$0x1] =	stream.indirect.gather [hbm4b:s4+s13], $0x80, s24, s13, $0xb8;
	[tilespmem:$0x1DC00] =	vst v63  }
0xdc: {  	_ =	swait.ge [sflag:s18], $0x2800  }
0xdd: {  	[sflag:s18] =	ssyncset.done $0x0  }
0xde: {  	s25 =	simm.s32 $0xA80;
	[sflag:s18] =	ssyncadd.s32 $0xFFFFD800  }
0xdf: {  	[spmem:s2] =	stream.indirect.scatter.add.f32 [tilespmem:s15], [sflag:$0x3], $0x80, s25, s13, $0xb8;
	[tilespmem:$0x1DC00] =	vst v63  }
0xe0: {  	_ =	swait.ge [sflag:s17], $0x2800  }
0xe1: {  	[sflag:s17] =	ssyncset.done $0x0  }
0xe2: {  	s26 =	rddreg [dreg:$0x1a];
	[sflag:s17] =	ssyncadd.s32 $0xFFFFD800  }
0xe3: {  	[tilespmem:s15], [sflag:$0x2] =	stream.indirect.gather [hbm4b:s4+s13], $0x80, s26, s13, $0xb8;
	[tilespmem:$0x1DC00] =	vst v63  }
0xe4: {  	_ =	swait.ge [sflag:s16], $0x2800  }
0xe5: {  	[sflag:s16] =	ssyncset.done $0x0  }
0xe6: {  	s28 =	simm.s32 $0xB00;
	[sflag:s16] =	ssyncadd.s32 $0xFFFFD800  }
0xe7: {  	[spmem:s2] =	stream.indirect.scatter.add.f32 [tilespmem:s14], [sflag:$0x3], $0x80, s28, s13, $0xb8;
	[tilespmem:$0x1DC00] =	vst v63  }
0xe8: {  	_ =	swait.ge [sflag:s17], $0x2800  }
0xe9: {  	[sflag:s17] =	ssyncset.done $0x0  }
0xea: {  	s29 =	rddreg [dreg:$0x1b];
	[sflag:s17] =	ssyncadd.s32 $0xFFFFD800  }
0xeb: {  	[tilespmem:s14], [sflag:$0x1] =	stream.indirect.gather [hbm4b:s4+s13], $0x80, s29, s13, $0xb8;
	[tilespmem:$0x1DC00] =	vst v63  }
0xec: {  	_ =	swait.ge [sflag:s18], $0x2800  }
0xed: {  	[sflag:s18] =	ssyncset.done $0x0  }
0xee: {  	s30 =	simm.s32 $0xB80;
	[sflag:s18] =	ssyncadd.s32 $0xFFFFD800  }
0xef: {  	[spmem:s2] =	stream.indirect.scatter.add.f32 [tilespmem:s15], [sflag:$0x3], $0x80, s30, s13, $0xb8;
	[tilespmem:$0x1DC00] =	vst v63  }
0xf0: {  	_ =	swait.ge [sflag:s17], $0x2800  }
0xf1: {  	[sflag:s17] =	ssyncset.done $0x0  }
0xf2: {  	[sflag:s17] =	ssyncadd.s32 $0xFFFFD800  }
0xf3: {  	_ =	swait.ge [sflag:s16], $0x2800  }
0xf4: {  	[sflag:s16] =	ssyncset.done $0x0  }
0xf5: {  	s31 =	simm.s32 $0xC00;
	[sflag:s16] =	ssyncadd.s32 $0xFFFFD800  }
0xf6: {  	[spmem:s2] =	stream.indirect.scatter.add.f32 [tilespmem:s14], [sflag:$0x3], $0x80, s31, s13, $0xb8;
	[tilespmem:$0x1DC00] =	vst v63  }
0xf7: {  	_ =	swait.ge [sflag:s17], $0x2800  }
0xf8: {  	s21 =	simm.s32 $0x3200;
	s22 =	smov.u32 s8;
	[sflag:s17] =	ssyncset.done $0x0  }
.LBB2_2:
0xf9: {  	[sflag:s17] =	ssyncadd.s32 $0xFFFFD800;
	s22 =	sadd.s32 $0x200, s22  }
0xfa: {  	[tilespmem:s12], [sflag:$0x4] =	stream.linear.gather [hbm4b:s22+s3], $0xC80, $0x38;
	[tilespmem:$0x1DC00] =	vst v63  }
0xfb: {  	_ =	swait.ge [sflag:s11], $0xC80  }
0xfc: {  	[sflag:s11] =	ssyncset.done $0x0  }
0xfd: {  	[sflag:s11] =	ssyncadd.s32 $0xFFFFF380  }
0xfe: {  	[tilespmem:s14], [sflag:$0x1] =	stream.indirect.gather [hbm4b:s4+s13], $0x80, s12, s13, $0xb8;
	[tilespmem:$0x1DC00] =	vst v63  }
0xff: {  	s24 =	rddreg [dreg:$0x4]  }
0x100: {  	[tilespmem:s15], [sflag:$0x2] =	stream.indirect.gather [hbm4b:s4+s13], $0x80, s24, s13, $0xb8;
	[tilespmem:$0x1DC00] =	vst v63  }
0x101: {  	_ =	swait.ge [sflag:s16], $0x2800  }
0x102: {  	s23 =	smov.u32 s21;
	[sflag:s16] =	ssyncset.done $0x0  }
0x103: {  	s23 =	sshra.s32 s23, $0x2;
	[sflag:s16] =	ssyncadd.s32 $0xFFFFD800  }
0x104: {  	[spmem:s2] =	stream.indirect.scatter.add.f32 [tilespmem:s14], [sflag:$0x3], $0x80, s23, s13, $0xb8;
	[tilespmem:$0x1DC00] =	vst v63  }
0x105: {  	_ =	swait.ge [sflag:s17], $0x2800  }
0x106: {  	[sflag:s17] =	ssyncset.done $0x0  }
0x107: {  	s28 =	rddreg [dreg:$0x5];
	[sflag:s17] =	ssyncadd.s32 $0xFFFFD800  }
0x108: {  	[tilespmem:s14], [sflag:$0x1] =	stream.indirect.gather [hbm4b:s4+s13], $0x80, s28, s13, $0xb8;
	[tilespmem:$0x1DC00] =	vst v63  }
0x109: {  	_ =	swait.ge [sflag:s18], $0x2800  }
0x10a: {  	[sflag:s18] =	ssyncset.done $0x0  }
0x10b: {  	s29 =	sadd.s32 $0x80, s23;
	[sflag:s18] =	ssyncadd.s32 $0xFFFFD800  }
0x10c: {  	[spmem:s2] =	stream.indirect.scatter.add.f32 [tilespmem:s15], [sflag:$0x3], $0x80, s29, s13, $0xb8;
	[tilespmem:$0x1DC00] =	vst v63  }
0x10d: {  	_ =	swait.ge [sflag:s17], $0x2800  }
0x10e: {  	[sflag:s17] =	ssyncset.done $0x0  }
0x10f: {  	s30 =	rddreg [dreg:$0x6];
	[sflag:s17] =	ssyncadd.s32 $0xFFFFD800  }
0x110: {  	[tilespmem:s15], [sflag:$0x2] =	stream.indirect.gather [hbm4b:s4+s13], $0x80, s30, s13, $0xb8;
	[tilespmem:$0x1DC00] =	vst v63  }
0x111: {  	_ =	swait.ge [sflag:s16], $0x2800  }
0x112: {  	[sflag:s16] =	ssyncset.done $0x0  }
0x113: {  	s31 =	sadd.s32 $0x100, s23;
	[sflag:s16] =	ssyncadd.s32 $0xFFFFD800  }
0x114: {  	[spmem:s2] =	stream.indirect.scatter.add.f32 [tilespmem:s14], [sflag:$0x3], $0x80, s31, s13, $0xb8;
	[tilespmem:$0x1DC00] =	vst v63  }
0x115: {  	_ =	swait.ge [sflag:s17], $0x2800  }
0x116: {  	[sflag:s17] =	ssyncset.done $0x0  }
0x117: {  	s25 =	rddreg [dreg:$0x7];
	[sflag:s17] =	ssyncadd.s32 $0xFFFFD800  }
0x118: {  	[tilespmem:s14], [sflag:$0x1] =	stream.indirect.gather [hbm4b:s4+s13], $0x80, s25, s13, $0xb8;
	[tilespmem:$0x1DC00] =	vst v63  }
0x119: {  	_ =	swait.ge [sflag:s18], $0x2800  }
0x11a: {  	[sflag:s18] =	ssyncset.done $0x0  }
0x11b: {  	s26 =	sadd.s32 $0x180, s23;
	[sflag:s18] =	ssyncadd.s32 $0xFFFFD800  }
0x11c: {  	[spmem:s2] =	stream.indirect.scatter.add.f32 [tilespmem:s15], [sflag:$0x3], $0x80, s26, s13, $0xb8;
	[tilespmem:$0x1DC00] =	vst v63  }
0x11d: {  	_ =	swait.ge [sflag:s17], $0x2800  }
0x11e: {  	[sflag:s17] =	ssyncset.done $0x0  }
0x11f: {  	s28 =	rddreg [dreg:$0x8];
	[sflag:s17] =	ssyncadd.s32 $0xFFFFD800  }
0x120: {  	[tilespmem:s15], [sflag:$0x2] =	stream.indirect.gather [hbm4b:s4+s13], $0x80, s28, s13, $0xb8;
	[tilespmem:$0x1DC00] =	vst v63  }
0x121: {  	_ =	swait.ge [sflag:s16], $0x2800  }
0x122: {  	[sflag:s16] =	ssyncset.done $0x0  }
0x123: {  	s29 =	sadd.s32 $0x200, s23;
	[sflag:s16] =	ssyncadd.s32 $0xFFFFD800  }
0x124: {  	[spmem:s2] =	stream.indirect.scatter.add.f32 [tilespmem:s14], [sflag:$0x3], $0x80, s29, s13, $0xb8;
	[tilespmem:$0x1DC00] =	vst v63  }
0x125: {  	_ =	swait.ge [sflag:s17], $0x2800  }
0x126: {  	[sflag:s17] =	ssyncset.done $0x0  }
0x127: {  	s30 =	rddreg [dreg:$0x9];
	[sflag:s17] =	ssyncadd.s32 $0xFFFFD800  }
0x128: {  	[tilespmem:s14], [sflag:$0x1] =	stream.indirect.gather [hbm4b:s4+s13], $0x80, s30, s13, $0xb8;
	[tilespmem:$0x1DC00] =	vst v63  }
0x129: {  	_ =	swait.ge [sflag:s18], $0x2800  }
0x12a: {  	[sflag:s18] =	ssyncset.done $0x0  }
0x12b: {  	s31 =	sadd.s32 $0x280, s23;
	[sflag:s18] =	ssyncadd.s32 $0xFFFFD800  }
0x12c: {  	[spmem:s2] =	stream.indirect.scatter.add.f32 [tilespmem:s15], [sflag:$0x3], $0x80, s31, s13, $0xb8;
	[tilespmem:$0x1DC00] =	vst v63  }
0x12d: {  	_ =	swait.ge [sflag:s17], $0x2800  }
0x12e: {  	[sflag:s17] =	ssyncset.done $0x0  }
0x12f: {  	s25 =	rddreg [dreg:$0xa];
	[sflag:s17] =	ssyncadd.s32 $0xFFFFD800  }
0x130: {  	[tilespmem:s15], [sflag:$0x2] =	stream.indirect.gather [hbm4b:s4+s13], $0x80, s25, s13, $0xb8;
	[tilespmem:$0x1DC00] =	vst v63  }
0x131: {  	_ =	swait.ge [sflag:s16], $0x2800  }
0x132: {  	[sflag:s16] =	ssyncset.done $0x0  }
0x133: {  	s26 =	sadd.s32 $0x300, s23;
	[sflag:s16] =	ssyncadd.s32 $0xFFFFD800  }
0x134: {  	[spmem:s2] =	stream.indirect.scatter.add.f32 [tilespmem:s14], [sflag:$0x3], $0x80, s26, s13, $0xb8;
	[tilespmem:$0x1DC00] =	vst v63  }
0x135: {  	_ =	swait.ge [sflag:s17], $0x2800  }
0x136: {  	[sflag:s17] =	ssyncset.done $0x0  }
0x137: {  	s28 =	rddreg [dreg:$0xb];
	[sflag:s17] =	ssyncadd.s32 $0xFFFFD800  }
0x138: {  	[tilespmem:s14], [sflag:$0x1] =	stream.indirect.gather [hbm4b:s4+s13], $0x80, s28, s13, $0xb8;
	[tilespmem:$0x1DC00] =	vst v63  }
0x139: {  	_ =	swait.ge [sflag:s18], $0x2800  }
0x13a: {  	[sflag:s18] =	ssyncset.done $0x0  }
0x13b: {  	s29 =	sadd.s32 $0x380, s23;
	[sflag:s18] =	ssyncadd.s32 $0xFFFFD800  }
0x13c: {  	[spmem:s2] =	stream.indirect.scatter.add.f32 [tilespmem:s15], [sflag:$0x3], $0x80, s29, s13, $0xb8;
	[tilespmem:$0x1DC00] =	vst v63  }
0x13d: {  	_ =	swait.ge [sflag:s17], $0x2800  }
0x13e: {  	[sflag:s17] =	ssyncset.done $0x0  }
0x13f: {  	s30 =	rddreg [dreg:$0xc];
	[sflag:s17] =	ssyncadd.s32 $0xFFFFD800  }
0x140: {  	[tilespmem:s15], [sflag:$0x2] =	stream.indirect.gather [hbm4b:s4+s13], $0x80, s30, s13, $0xb8;
	[tilespmem:$0x1DC00] =	vst v63  }
0x141: {  	_ =	swait.ge [sflag:s16], $0x2800  }
0x142: {  	[sflag:s16] =	ssyncset.done $0x0  }
0x143: {  	s31 =	sadd.s32 $0x400, s23;
	[sflag:s16] =	ssyncadd.s32 $0xFFFFD800  }
0x144: {  	[spmem:s2] =	stream.indirect.scatter.add.f32 [tilespmem:s14], [sflag:$0x3], $0x80, s31, s13, $0xb8;
	[tilespmem:$0x1DC00] =	vst v63  }
0x145: {  	_ =	swait.ge [sflag:s17], $0x2800  }
0x146: {  	[sflag:s17] =	ssyncset.done $0x0  }
0x147: {  	s25 =	rddreg [dreg:$0xd];
	[sflag:s17] =	ssyncadd.s32 $0xFFFFD800  }
0x148: {  	[tilespmem:s14], [sflag:$0x1] =	stream.indirect.gather [hbm4b:s4+s13], $0x80, s25, s13, $0xb8;
	[tilespmem:$0x1DC00] =	vst v63  }
0x149: {  	_ =	swait.ge [sflag:s18], $0x2800  }
0x14a: {  	[sflag:s18] =	ssyncset.done $0x0  }
0x14b: {  	s26 =	sadd.s32 $0x480, s23;
	[sflag:s18] =	ssyncadd.s32 $0xFFFFD800  }
0x14c: {  	[spmem:s2] =	stream.indirect.scatter.add.f32 [tilespmem:s15], [sflag:$0x3], $0x80, s26, s13, $0xb8;
	[tilespmem:$0x1DC00] =	vst v63  }
0x14d: {  	_ =	swait.ge [sflag:s17], $0x2800  }
0x14e: {  	[sflag:s17] =	ssyncset.done $0x0  }
0x14f: {  	s28 =	rddreg [dreg:$0xe];
	[sflag:s17] =	ssyncadd.s32 $0xFFFFD800  }
0x150: {  	[tilespmem:s15], [sflag:$0x2] =	stream.indirect.gather [hbm4b:s4+s13], $0x80, s28, s13, $0xb8;
	[tilespmem:$0x1DC00] =	vst v63  }
0x151: {  	_ =	swait.ge [sflag:s16], $0x2800  }
0x152: {  	[sflag:s16] =	ssyncset.done $0x0  }
0x153: {  	s29 =	sadd.s32 $0x500, s23;
	[sflag:s16] =	ssyncadd.s32 $0xFFFFD800  }
0x154: {  	[spmem:s2] =	stream.indirect.scatter.add.f32 [tilespmem:s14], [sflag:$0x3], $0x80, s29, s13, $0xb8;
	[tilespmem:$0x1DC00] =	vst v63  }
0x155: {  	_ =	swait.ge [sflag:s17], $0x2800  }
0x156: {  	[sflag:s17] =	ssyncset.done $0x0  }
0x157: {  	s30 =	rddreg [dreg:$0xf];
	[sflag:s17] =	ssyncadd.s32 $0xFFFFD800  }
0x158: {  	[tilespmem:s14], [sflag:$0x1] =	stream.indirect.gather [hbm4b:s4+s13], $0x80, s30, s13, $0xb8;
	[tilespmem:$0x1DC00] =	vst v63  }
0x159: {  	_ =	swait.ge [sflag:s18], $0x2800  }
0x15a: {  	[sflag:s18] =	ssyncset.done $0x0  }
0x15b: {  	s31 =	sadd.s32 $0x580, s23;
	[sflag:s18] =	ssyncadd.s32 $0xFFFFD800  }
0x15c: {  	[spmem:s2] =	stream.indirect.scatter.add.f32 [tilespmem:s15], [sflag:$0x3], $0x80, s31, s13, $0xb8;
	[tilespmem:$0x1DC00] =	vst v63  }
0x15d: {  	_ =	swait.ge [sflag:s17], $0x2800  }
0x15e: {  	[sflag:s17] =	ssyncset.done $0x0  }
0x15f: {  	s25 =	rddreg [dreg:$0x10];
	[sflag:s17] =	ssyncadd.s32 $0xFFFFD800  }
0x160: {  	[tilespmem:s15], [sflag:$0x2] =	stream.indirect.gather [hbm4b:s4+s13], $0x80, s25, s13, $0xb8;
	[tilespmem:$0x1DC00] =	vst v63  }
0x161: {  	_ =	swait.ge [sflag:s16], $0x2800  }
0x162: {  	[sflag:s16] =	ssyncset.done $0x0  }
0x163: {  	s26 =	sadd.s32 $0x600, s23;
	[sflag:s16] =	ssyncadd.s32 $0xFFFFD800  }
0x164: {  	[spmem:s2] =	stream.indirect.scatter.add.f32 [tilespmem:s14], [sflag:$0x3], $0x80, s26, s13, $0xb8;
	[tilespmem:$0x1DC00] =	vst v63  }
0x165: {  	_ =	swait.ge [sflag:s17], $0x2800  }
0x166: {  	[sflag:s17] =	ssyncset.done $0x0  }
0x167: {  	s28 =	rddreg [dreg:$0x11];
	[sflag:s17] =	ssyncadd.s32 $0xFFFFD800  }
0x168: {  	[tilespmem:s14], [sflag:$0x1] =	stream.indirect.gather [hbm4b:s4+s13], $0x80, s28, s13, $0xb8;
	[tilespmem:$0x1DC00] =	vst v63  }
0x169: {  	_ =	swait.ge [sflag:s18], $0x2800  }
0x16a: {  	[sflag:s18] =	ssyncset.done $0x0  }
0x16b: {  	s29 =	sadd.s32 $0x680, s23;
	[sflag:s18] =	ssyncadd.s32 $0xFFFFD800  }
0x16c: {  	[spmem:s2] =	stream.indirect.scatter.add.f32 [tilespmem:s15], [sflag:$0x3], $0x80, s29, s13, $0xb8;
	[tilespmem:$0x1DC00] =	vst v63  }
0x16d: {  	_ =	swait.ge [sflag:s17], $0x2800  }
0x16e: {  	[sflag:s17] =	ssyncset.done $0x0  }
0x16f: {  	s30 =	rddreg [dreg:$0x12];
	[sflag:s17] =	ssyncadd.s32 $0xFFFFD800  }
0x170: {  	[tilespmem:s15], [sflag:$0x2] =	stream.indirect.gather [hbm4b:s4+s13], $0x80, s30, s13, $0xb8;
	[tilespmem:$0x1DC00] =	vst v63  }
0x171: {  	_ =	swait.ge [sflag:s16], $0x2800  }
0x172: {  	[sflag:s16] =	ssyncset.done $0x0  }
0x173: {  	s31 =	sadd.s32 $0x700, s23;
	[sflag:s16] =	ssyncadd.s32 $0xFFFFD800  }
0x174: {  	[spmem:s2] =	stream.indirect.scatter.add.f32 [tilespmem:s14], [sflag:$0x3], $0x80, s31, s13, $0xb8;
	[tilespmem:$0x1DC00] =	vst v63  }
0x175: {  	_ =	swait.ge [sflag:s17], $0x2800  }
0x176: {  	[sflag:s17] =	ssyncset.done $0x0  }
0x177: {  	s25 =	rddreg [dreg:$0x13];
	[sflag:s17] =	ssyncadd.s32 $0xFFFFD800  }
0x178: {  	[tilespmem:s14], [sflag:$0x1] =	stream.indirect.gather [hbm4b:s4+s13], $0x80, s25, s13, $0xb8;
	[tilespmem:$0x1DC00] =	vst v63  }
0x179: {  	_ =	swait.ge [sflag:s18], $0x2800  }
0x17a: {  	[sflag:s18] =	ssyncset.done $0x0  }
0x17b: {  	s26 =	sadd.s32 $0x780, s23;
	[sflag:s18] =	ssyncadd.s32 $0xFFFFD800  }
0x17c: {  	[spmem:s2] =	stream.indirect.scatter.add.f32 [tilespmem:s15], [sflag:$0x3], $0x80, s26, s13, $0xb8;
	[tilespmem:$0x1DC00] =	vst v63  }
0x17d: {  	_ =	swait.ge [sflag:s17], $0x2800  }
0x17e: {  	[sflag:s17] =	ssyncset.done $0x0  }
0x17f: {  	s28 =	rddreg [dreg:$0x14];
	[sflag:s17] =	ssyncadd.s32 $0xFFFFD800  }
0x180: {  	[tilespmem:s15], [sflag:$0x2] =	stream.indirect.gather [hbm4b:s4+s13], $0x80, s28, s13, $0xb8;
	[tilespmem:$0x1DC00] =	vst v63  }
0x181: {  	_ =	swait.ge [sflag:s16], $0x2800  }
0x182: {  	[sflag:s16] =	ssyncset.done $0x0  }
0x183: {  	s29 =	sadd.s32 $0x800, s23;
	[sflag:s16] =	ssyncadd.s32 $0xFFFFD800  }
0x184: {  	[spmem:s2] =	stream.indirect.scatter.add.f32 [tilespmem:s14], [sflag:$0x3], $0x80, s29, s13, $0xb8;
	[tilespmem:$0x1DC00] =	vst v63  }
0x185: {  	_ =	swait.ge [sflag:s17], $0x2800  }
0x186: {  	[sflag:s17] =	ssyncset.done $0x0  }
0x187: {  	s30 =	rddreg [dreg:$0x15];
	[sflag:s17] =	ssyncadd.s32 $0xFFFFD800  }
0x188: {  	[tilespmem:s14], [sflag:$0x1] =	stream.indirect.gather [hbm4b:s4+s13], $0x80, s30, s13, $0xb8;
	[tilespmem:$0x1DC00] =	vst v63  }
0x189: {  	_ =	swait.ge [sflag:s18], $0x2800  }
0x18a: {  	[sflag:s18] =	ssyncset.done $0x0  }
0x18b: {  	s31 =	sadd.s32 $0x880, s23;
	[sflag:s18] =	ssyncadd.s32 $0xFFFFD800  }
0x18c: {  	[spmem:s2] =	stream.indirect.scatter.add.f32 [tilespmem:s15], [sflag:$0x3], $0x80, s31, s13, $0xb8;
	[tilespmem:$0x1DC00] =	vst v63  }
0x18d: {  	_ =	swait.ge [sflag:s17], $0x2800  }
0x18e: {  	[sflag:s17] =	ssyncset.done $0x0  }
0x18f: {  	s25 =	rddreg [dreg:$0x16];
	[sflag:s17] =	ssyncadd.s32 $0xFFFFD800  }
0x190: {  	[tilespmem:s15], [sflag:$0x2] =	stream.indirect.gather [hbm4b:s4+s13], $0x80, s25, s13, $0xb8;
	[tilespmem:$0x1DC00] =	vst v63  }
0x191: {  	_ =	swait.ge [sflag:s16], $0x2800  }
0x192: {  	[sflag:s16] =	ssyncset.done $0x0  }
0x193: {  	s26 =	sadd.s32 $0x900, s23;
	[sflag:s16] =	ssyncadd.s32 $0xFFFFD800  }
0x194: {  	[spmem:s2] =	stream.indirect.scatter.add.f32 [tilespmem:s14], [sflag:$0x3], $0x80, s26, s13, $0xb8;
	[tilespmem:$0x1DC00] =	vst v63  }
0x195: {  	_ =	swait.ge [sflag:s17], $0x2800  }
0x196: {  	[sflag:s17] =	ssyncset.done $0x0  }
0x197: {  	s28 =	rddreg [dreg:$0x17];
	[sflag:s17] =	ssyncadd.s32 $0xFFFFD800  }
0x198: {  	[tilespmem:s14], [sflag:$0x1] =	stream.indirect.gather [hbm4b:s4+s13], $0x80, s28, s13, $0xb8;
	[tilespmem:$0x1DC00] =	vst v63  }
0x199: {  	_ =	swait.ge [sflag:s18], $0x2800  }
0x19a: {  	[sflag:s18] =	ssyncset.done $0x0  }
0x19b: {  	s29 =	sadd.s32 $0x980, s23;
	[sflag:s18] =	ssyncadd.s32 $0xFFFFD800  }
0x19c: {  	[spmem:s2] =	stream.indirect.scatter.add.f32 [tilespmem:s15], [sflag:$0x3], $0x80, s29, s13, $0xb8;
	[tilespmem:$0x1DC00] =	vst v63  }
0x19d: {  	_ =	swait.ge [sflag:s17], $0x2800  }
0x19e: {  	[sflag:s17] =	ssyncset.done $0x0  }
0x19f: {  	s30 =	rddreg [dreg:$0x18];
	[sflag:s17] =	ssyncadd.s32 $0xFFFFD800  }
0x1a0: {  	[tilespmem:s15], [sflag:$0x2] =	stream.indirect.gather [hbm4b:s4+s13], $0x80, s30, s13, $0xb8;
	[tilespmem:$0x1DC00] =	vst v63  }
0x1a1: {  	_ =	swait.ge [sflag:s16], $0x2800  }
0x1a2: {  	[sflag:s16] =	ssyncset.done $0x0  }
0x1a3: {  	s31 =	sadd.s32 $0xA00, s23;
	[sflag:s16] =	ssyncadd.s32 $0xFFFFD800  }
0x1a4: {  	[spmem:s2] =	stream.indirect.scatter.add.f32 [tilespmem:s14], [sflag:$0x3], $0x80, s31, s13, $0xb8;
	[tilespmem:$0x1DC00] =	vst v63  }
0x1a5: {  	_ =	swait.ge [sflag:s17], $0x2800  }
0x1a6: {  	[sflag:s17] =	ssyncset.done $0x0  }
0x1a7: {  	s25 =	rddreg [dreg:$0x19];
	[sflag:s17] =	ssyncadd.s32 $0xFFFFD800  }
0x1a8: {  	[tilespmem:s14], [sflag:$0x1] =	stream.indirect.gather [hbm4b:s4+s13], $0x80, s25, s13, $0xb8;
	[tilespmem:$0x1DC00] =	vst v63  }
0x1a9: {  	_ =	swait.ge [sflag:s18], $0x2800  }
0x1aa: {  	[sflag:s18] =	ssyncset.done $0x0  }
0x1ab: {  	s26 =	sadd.s32 $0xA80, s23;
	[sflag:s18] =	ssyncadd.s32 $0xFFFFD800  }
0x1ac: {  	[spmem:s2] =	stream.indirect.scatter.add.f32 [tilespmem:s15], [sflag:$0x3], $0x80, s26, s13, $0xb8;
	[tilespmem:$0x1DC00] =	vst v63  }
0x1ad: {  	_ =	swait.ge [sflag:s17], $0x2800  }
0x1ae: {  	[sflag:s17] =	ssyncset.done $0x0  }
0x1af: {  	s28 =	rddreg [dreg:$0x1a];
	[sflag:s17] =	ssyncadd.s32 $0xFFFFD800  }
0x1b0: {  	[tilespmem:s15], [sflag:$0x2] =	stream.indirect.gather [hbm4b:s4+s13], $0x80, s28, s13, $0xb8;
	[tilespmem:$0x1DC00] =	vst v63  }
0x1b1: {  	_ =	swait.ge [sflag:s16], $0x2800  }
0x1b2: {  	[sflag:s16] =	ssyncset.done $0x0  }
0x1b3: {  	s29 =	sadd.s32 $0xB00, s23;
	[sflag:s16] =	ssyncadd.s32 $0xFFFFD800  }
0x1b4: {  	[spmem:s2] =	stream.indirect.scatter.add.f32 [tilespmem:s14], [sflag:$0x3], $0x80, s29, s13, $0xb8;
	[tilespmem:$0x1DC00] =	vst v63  }
0x1b5: {  	_ =	swait.ge [sflag:s17], $0x2800  }
0x1b6: {  	[sflag:s17] =	ssyncset.done $0x0  }
0x1b7: {  	s30 =	rddreg [dreg:$0x1b];
	[sflag:s17] =	ssyncadd.s32 $0xFFFFD800  }
0x1b8: {  	[tilespmem:s14], [sflag:$0x1] =	stream.indirect.gather [hbm4b:s4+s13], $0x80, s30, s13, $0xb8;
	[tilespmem:$0x1DC00] =	vst v63  }
0x1b9: {  	_ =	swait.ge [sflag:s18], $0x2800  }
0x1ba: {  	[sflag:s18] =	ssyncset.done $0x0  }
0x1bb: {  	s31 =	sadd.s32 $0xB80, s23;
	[sflag:s18] =	ssyncadd.s32 $0xFFFFD800  }
0x1bc: {  	[spmem:s2] =	stream.indirect.scatter.add.f32 [tilespmem:s15], [sflag:$0x3], $0x80, s31, s13, $0xb8;
	[tilespmem:$0x1DC00] =	vst v63  }
0x1bd: {  	_ =	swait.ge [sflag:s17], $0x2800  }
0x1be: {  	[sflag:s17] =	ssyncset.done $0x0  }
0x1bf: {  	[sflag:s17] =	ssyncadd.s32 $0xFFFFD800  }
0x1c0: {  	p0 =	sne.s32 s21, $0xC800;
	_ =	swait.ge [sflag:s16], $0x2800  }
.Ltmp0:
0x1c1: {  	[sflag:s16] =	ssyncset.done $0x0;
	(pc) =	sbr.rel @p0 .LBB2_2-.Ltmp0, $4  }
0x1c2: {  	s23 =	sadd.s32 $0xC00, s23;
	[sflag:s16] =	ssyncadd.s32 $0xFFFFD800  }
0x1c3: {  	[spmem:s2] =	stream.indirect.scatter.add.f32 [tilespmem:s14], [sflag:$0x3], $0x80, s23, s13, $0xb8;
	[tilespmem:$0x1DC00] =	vst v63  }
0x1c4: {  	_ =	swait.ge [sflag:s17], $0x2800  }
0x1c5: {  	s21 =	sadd.s32 $0x3200, s21;
	[sflag:s17] =	ssyncset.done $0x0  }
0x1c6: {  	s20 =	sadd.s32 $0x1, s20  }
0x1c7: {  	[sflag:s17] =	ssyncadd.s32 $0xFFFFD800;
	p0 =	sne.s32 s20, s9  }
.Ltmp1:
0x1c8: {  	[bflag:$0x0] =	sbarrier.arrive $0xFFFF;
	(pc) =	sbr.rel @p0 .LBB2_1-.Ltmp1, $4  }
0x1c9: {  	[hbm:s19], [sflag:s6] =	dma.local [spmem:s10], $0x2780  }
0x1ca: {  	_ =	swait.ge [sflag:s11], $0x2780  }
0x1cb: {  	[sflag:s11] =	ssyncset.done $0x0  }
0x1cc: {  	[sflag:s11] =	ssyncadd.s32 $0xFFFFD880  }
0x1cd: {  	_ =	sfence.sel $0x180000  }
0x1ce: {  	[bflag:$0x0] =	sbarrier.arrive $0xFFFF  }
0x1cf: {  	p0 =	sne.s32 s1, $0x0;
	_ =	strace $0x9000004D  }
0x1d0: {  	s0 =	sadd.s32 @!p0 $0x100000, s0;
	[bflag:$0x2] =	sbarrier.arrive $0xFFFF  }
0x1d1: {  	[sflag:s0] =	ssyncadd.tile.s32 @!p0 $0x1;
	_ =	shalt  }
.Lfunc_end2:
_tile_overlayer_lowered:
.L_overlay_start_2:
0x1d2: {  	(tag) =	ssettag $0x2  }
0x1d3: {  	s0 =	rddreg [dreg:$0x0];
	s2 =	stileid.u32  }
0x1d4: {  	s1 =	rddreg [dreg:$0x1];
	p0 =	sne.s32 s2, $0x0  }
0x1d5: {  	s3 =	rddreg [dreg:$0x2];
	[bflag:$0x3] =	sbarrier.arrive $0xFFFF;
	s2 =	simm.s32 @!p0 $0x1C04  }
0x1d6: {  	[timem:s3], [sflag:s2] =	dma.local @!p0 [hbm:s0], s1  }
0x1d7: {  	s0 =	simm.s32 @!p0 $0x4  }
0x1d8: {  	_ =	swait.ge @!p0 [sflag:s0], s1  }
0x1d9: {  	s1 =	ssub.s32 @!p0 $0x0, s1;
	[sflag:s0] =	ssyncset.done @!p0 $0x0  }
0x1da: {  	[sflag:s0] =	ssyncadd.s32 @!p0 s1  }
0x1db: {  	[bflag:$0x3] =	sbarrier.arrive $0xFFFF  }
0x1dc: {  	_ =	shalt  }

// kernel: kernel.8.cloned.1.call-start
scs
__scs_entry_jumppad:
0x0: {  	(pc) =	sbr.rel $0x88, $3  }
0x1: {  	(tag) =	ssettag $0x0;
	lr =	simm.s32 $0x1  }
0x2: {  	[smem:$0x3F9B] =	sst lr;
	_ =	strace $0xD0000000  }
0x3: {  	_ = 	snop  }
0x4: {  	_ = 	snop  }
0x5: {  	_ = 	snop  }
0x6: {  	_ = 	snop  }
0x7: {  	_ = 	snop  }
__scs_overlays_trampoline_lowered:
0x8: {  	[smem:$0x3FAA] =	sst s0  }
0x9: {  	[smem:$0x3FAB] =	sst s1  }
0xa: {  	[smem:$0x3FAC] =	sst s2  }
0xb: {  	[smem:$0x3FAD] =	sst s3  }
0xc: {  	[smem:$0x3FAE] =	sst s4  }
0xd: {  	[smem:$0x3FAF] =	sst s5  }
0xe: {  	[smem:$0x3FB0] =	sst s6  }
0xf: {  	[smem:$0x3FB1] =	sst s7  }
0x10: {  	[smem:$0x3FB2] =	sst s8  }
0x11: {  	[smem:$0x3FB3] =	sst s9;
	s0 =	simm.s32 @!p0 $0x0  }
0x12: {  	s1 =	sld [smem:$0x3F99];
	s0 =	simm.s32 @p0 $0x1  }
0x13: {  	[smem:$0x3FB4] =	sst s0;
	s0 =	simm.s32 @!p1 $0x0  }
0x14: {  	s2 =	sld [smem:$0x3F98];
	s0 =	simm.s32 @p1 $0x1  }
0x15: {  	[smem:$0x3FB5] =	sst s0;
	s0 =	simm.s32 @!p2 $0x0  }
0x16: {  	s3 =	sld [smem:$0x3FDB];
	s0 =	simm.s32 @p2 $0x1  }
0x17: {  	s4 =	simm.s32 $0x1BF5;
	[smem:$0x3FB7] =	sst s0  }
0x18: {  	s0 =	sld [smem:$0x3F9A];
	_ =	swait.ge [sflag:s4], $0x0  }
0x19: {  	s7 =	sld [smem:$0x3F9B]  }
0x1a: {  	s8 =	sadd.s32 $0xFFFFE003, lr  }
0x1b: {  	s9 =	sadd.s32 $0xFFFFFEF7, lr;
	s5 =	simm.s32 $0xFFFFFFFF;
	p2 =	slt.u32 s8, $0xFFFFF086  }
0x1c: {  	p1 =	slt.u32 s9, $0xF7A;
	s5 =	simm.s32 @!p2 $0x0  }
0x1d: {  	s5 =	simm.s32 @p1 $0x1;
	p0 =	seq.s32 s7, s2  }
0x1e: {  	s7 =	smul.u32 @!p0 $0xF7A, s2;
	p2 =	seq.s32 @!p0 s5, $0x0  }
0x1f: {  	s9 =	smul.u32 $0xF7A, s1;
	s8 =	simm.s32 @!p0 $0x1BF5;
	p2 =	por !p2, p0  }
0x20: {  	[sflag:s8] =	ssyncset.s32 @!p0 $0xFFFFF086;
	s6 =	sadd.s32 @!p0 s3, s7;
	s7 =	simm.s32 @!p0 $0x108  }
0x21: {  	s3 =	sadd.s32 s3, s9;
	s6 =	sadd.s32 @!p0 $0x88, s6;
	s7 =	simm.s32 @p2 $0x1082  }
0x22: {  	[simem:s7], [sflag:s8] =	dma.local @!p0 [hbm:s6], $0xF7A  }
0x23: {  	s9 =	sor.u32 $0xD0000000, s2;
	s6 =	simm.s32 $0x108;
	_ =	swait.ge @!p0 [sflag:s8], $0x0  }
0x24: {  	s3 =	sadd.s32 $0x88, s3;
	s6 =	simm.s32 @!p1 $0x1082;
	[sflag:s4] =	ssyncset.s32 $0xFFFFF086  }
0x25: {  	[simem:s6], [sflag:s4] =	dma.local [hbm:s3], $0xF7A  }
0x26: {  	[smem:$0x3F9B] =	sst s1;
	(tag) =	ssettag s2;
	_ =	strace s9  }
0x27: {  	s1 =	sld [smem:$0x3FAB]  }
0x28: {  	s2 =	sld [smem:$0x3FAC]  }
0x29: {  	s4 =	sld [smem:$0x3FAE]  }
0x2a: {  	p0 =	seq.s32 s5, $0x0;
	s5 =	sld [smem:$0x3FAF]  }
0x2b: {  	s6 =	sld [smem:$0x3FB0]  }
0x2c: {  	s7 =	sld [smem:$0x3FB1]  }
0x2d: {  	s3 =	simm.s32 $0x108;
	s8 =	sld [smem:$0x3FB2]  }
0x2e: {  	s3 =	simm.s32 @!p0 $0x1082;
	s9 =	sld [smem:$0x3FB3]  }
0x2f: {  	lr =	sadd.s32 s0, s3;
	s0 =	sld [smem:$0x3FAA]  }
0x30: {  	s3 =	sld [smem:$0x3FAD]  }
0x31: {  	[smem:$0x3FB6] =	sst s10  }
0x32: {  	s10 =	sld [smem:$0x3FB4];
	_ =	sdelay $0x3  }
0x33: {  	p0 =	seq.s32 s10, $0x1;
	s10 =	sld [smem:$0x3FB6];
	_ =	sdelay $0x3  }
0x34: {  	[smem:$0x3FB6] =	sst s10  }
0x35: {  	s10 =	sld [smem:$0x3FB5];
	_ =	sdelay $0x3  }
0x36: {  	p1 =	seq.s32 s10, $0x1;
	s10 =	sld [smem:$0x3FB6];
	_ =	sdelay $0x3  }
0x37: {  	[smem:$0x3FB6] =	sst s10  }
0x38: {  	s10 =	sld [smem:$0x3FB7]  }
0x39: {  	_ = 	snop;
	(pc) =	sbr.ind lr, $3  }
0x3a: {  	_ = 	snop  }
0x3b: {  	_ = 	snop  }
0x3c: {  	p2 =	seq.s32 s10, $0x1;
	s10 =	sld [smem:$0x3FB6]  }
0x3d: {  	_ =	shalt  }
0x3e: {  	_ =	shalt  }
0x3f: {  	_ =	shalt  }
0x40: {  	_ =	shalt  }
0x41: {  	_ =	shalt  }
0x42: {  	_ =	shalt  }
0x43: {  	_ =	shalt  }
0x44: {  	_ =	shalt  }
0x45: {  	_ =	shalt  }
0x46: {  	_ =	shalt  }
0x47: {  	_ =	shalt  }
0x48: {  	_ =	shalt  }
0x49: {  	_ =	shalt  }
0x4a: {  	_ =	shalt  }
0x4b: {  	_ =	shalt  }
0x4c: {  	_ =	shalt  }
0x4d: {  	_ =	shalt  }
0x4e: {  	_ =	shalt  }
0x4f: {  	_ =	shalt  }
0x50: {  	_ =	shalt  }
0x51: {  	_ =	shalt  }
0x52: {  	_ =	shalt  }
0x53: {  	_ =	shalt  }
0x54: {  	_ =	shalt  }
0x55: {  	_ =	shalt  }
0x56: {  	_ =	shalt  }
0x57: {  	_ =	shalt  }
0x58: {  	_ =	shalt  }
0x59: {  	_ =	shalt  }
0x5a: {  	_ =	shalt  }
0x5b: {  	_ =	shalt  }
0x5c: {  	_ =	shalt  }
0x5d: {  	_ =	shalt  }
0x5e: {  	_ =	shalt  }
0x5f: {  	_ =	shalt  }
0x60: {  	_ =	shalt  }
0x61: {  	_ =	shalt  }
0x62: {  	_ =	shalt  }
0x63: {  	_ =	shalt  }
0x64: {  	_ =	shalt  }
0x65: {  	_ =	shalt  }
0x66: {  	_ =	shalt  }
0x67: {  	_ =	shalt  }
0x68: {  	_ =	shalt  }
0x69: {  	_ =	shalt  }
0x6a: {  	_ =	shalt  }
0x6b: {  	_ =	shalt  }
0x6c: {  	_ =	shalt  }
0x6d: {  	_ =	shalt  }
0x6e: {  	_ =	shalt  }
0x6f: {  	_ =	shalt  }
0x70: {  	_ =	shalt  }
0x71: {  	_ =	shalt  }
0x72: {  	_ =	shalt  }
0x73: {  	_ =	shalt  }
0x74: {  	_ =	shalt  }
0x75: {  	_ =	shalt  }
0x76: {  	_ =	shalt  }
0x77: {  	_ =	shalt  }
0x78: {  	_ =	shalt  }
0x79: {  	_ =	shalt  }
0x7a: {  	_ =	shalt  }
0x7b: {  	_ =	shalt  }
0x7c: {  	_ =	shalt  }
0x7d: {  	_ =	shalt  }
0x7e: {  	_ =	shalt  }
0x7f: {  	_ =	shalt  }
0x80: {  	_ =	shalt  }
0x81: {  	_ =	shalt  }
0x82: {  	_ =	shalt  }
0x83: {  	_ =	shalt  }
0x84: {  	_ =	shalt  }
0x85: {  	_ =	shalt  }
0x86: {  	_ =	shalt  }
0x87: {  	_ =	shalt  }
.Lfunc_end0:
.L_simem_size_0:
called_computation_lowered:
.L_overlay_start_0:
0x88: {  	s2 =	sld [smem:$0x3FD9]  }
0x89: {  	s3 =	sld [smem:$0x3FFE];
	_ =	sdelay $0x1  }
0x8a: {  	s1 =	srdreg.scid  }
0x8b: {  	s0 =	sand.u32 $0x1, s1  }
0x8c: {  	s16 =	sshll.u32 s0, $0xA;
	s2 =	sadd.s32 s3, s2  }
0x8d: {  	s2 =	sadd.s32 s2, s16  }
0x8e: {  	[smem:$0x3FC2] =	sst s2  }
0x8f: {  	_ = 	snop  }
0x90: {  	(tm) =	ssettm $0x1  }
0x91: {  	s17 =	sld [smem:$0x3FFB];
	_ =	sdelay $0x3  }
0x92: {  	_ =	strace s17  }
0x93: {  	s2 =	sld [smem:$0x3FFC];
	_ =	sdelay $0x3  }
0x94: {  	_ =	strace s2  }
0x95: {  	s2 =	sld [smem:$0x3FFD];
	_ =	sdelay $0x3  }
0x96: {  	_ =	strace s2  }
0x97: {  	_ =	strace $0x8FFFFFFF  }
0x98: {  	s18 =	sld [smem:$0x3FDB];
	_ =	sdelay $0x1  }
0x99: {  	s19 =	simm.s32 $_scs_section_size  }
0x9a: {  	s4 =	simm.s32 $_size__tile_overlayer_lowered;
	s5 =	simm.s32 $_tile_overlayer_lowered  }
0x9b: {  	s22 =	simm.s32 $0x1BFF;
	s21 =	sshll.u32 s5, $0x1;
	s2 =	sadd.s32 s19, s18  }
0x9c: {  	s6 =	simm.s32 $0x0;
	s20 =	sshll.u32 s4, $0x1;
	s4 =	sadd.s32 s21, s2  }
0x9d: {  	[timem:s6], [sflag:s22] =	dma.local [hbm:s4], s20  }
0x9e: {  	_ =	swait.ge [sflag:s22], s20  }
0x9f: {  	s3 =	ssub.s32 $0x0, s20;
	[sflag:s22] =	ssyncset.done $0x0  }
0xa0: {  	[sflag:s22] =	ssyncadd.s32 s3;
	_ =	sdelay $0x1  }
0xa1: {  	s23 =	simm.s32 $0x1B8B  }
0xa2: {  	_ =	swait.ge [sflag:s23], $0x1  }
0xa3: {  	[sflag:s23] =	ssyncset.done $0x0  }
0xa4: {  	s25 =	simm.s32 $0x1B8E;
	s24 =	sld [smem:$0x3FFE];
	[sflag:s23] =	ssyncadd.s32 $0xFFFFFFFF  }
0xa5: {  	s26 =	simm.s32 $execute0_lowered;
	[smem:$0x3FD2] =	sst s25  }
0xa6: {  	s4 =	sshll.u32 s26, $0x1;
	_ =	strace $0x80000046;
	[dreg:$0x1] =	wrdreg $0xFFFFFFFF  }
0xa7: {  	s28 =	simm.s32 $_size_execute0_lowered;
	s2 =	sadd.s32 s2, s4;
	[dreg:$0x0] =	wrdreg $0x0  }
0xa8: {  	s4 =	sshll.u32 s28, $0x1;
	[dreg:$0x2] =	wrdreg s2  }
0xa9: {  	[dreg:$0x3] =	wrdreg s4  }
0xaa: {  	[dreg:$0x4] =	wrdreg $0xC0  }
0xab: {  	_ =	task [dreg:s6], $0x5FFFF  }
0xac: {  	[dreg:$0x1] =	wrdreg $0xFFFFFFFF  }
0xad: {  	[dreg:$0x0] =	wrdreg $0x60  }
0xae: {  	[dreg:$0x2] =	wrdreg s24  }
0xaf: {  	[dreg:$0x3] =	wrdreg $0x68000  }
0xb0: {  	[dreg:$0x4] =	wrdreg $0x9  }
0xb1: {  	_ =	task.clear_ibuf [dreg:s6], $0x5FFFF;
	_ =	strace $0x90000046  }
0xb2: {  	s29 =	simm.s32 $0x9;
	_ =	strace $0x80000048  }
0xb3: {  	_ =	swait.ge [sflag:s29], $0x1  }
0xb4: {  	[sflag:s29] =	ssyncadd.s32 $0xFFFFFFFF  }
0xb5: {  	_ =	strace $0x90000048  }
0xb6: {  	_ =	sfence  }
0xb7: {  	s30 =	sld [smem:$0x0];
	_ =	sdelay $0x2  }
0xb8: {  	s31 =	sshll.u32 s1, $0xD;
	s1 =	sshrl.u32 s1, $0x2  }
0xb9: {  	s3 =	sand.u32 $0x4000, s31;
	s1 =	sadd.s32 s1, s30  }
0xba: {  	s0 =	sor.u32 s3, s0;
	s1 =	sshll.u32 s1, $0x11  }
0xbb: {  	s0 =	sor.u32 s1, s0  }
0xbc: {  	s0 =	sadd.s32 $0x8F2B, s0  }
0xbd: {  	[sflag:s0] =	ssyncadd.remote.s32 $0x1  }
0xbe: {  	_ =	sfence.sel $0xFFFF  }
0xbf: {  	[dreg:$0x0] =	wrdreg $0xFFFFFFFF;
	(pc) =	sbr.abs _section_cstart, $3  }
0xc0: {  	[dreg:$0x1] =	wrdreg $0xFFFFFFFF  }
0xc1: {  	_ =	task.clear_ibuf [dreg:s6], $0x2FFFF;
	_ =	strace $0x9FFFFFFF  }
0xc2: {  	(tm) =	ssettm $0x7FFFFFFF  }
0xc3: {  	_ =	shalt  }
tec
execute0_lowered:
.L_overlay_start_1:
0x0: {  	(tag) =	ssettag $0x1  }
0x1: {  	s6 =	rddreg [dreg:$0x0]  }
0x2: {  	s2 =	rddreg [dreg:$0x1]  }
0x3: {  	s0 =	rddreg [dreg:$0x2];
	s3 =	simm.s32 $0x0  }
0x4: {  	s1 =	stileid.u32;
	s4 =	srdreg.scid;
	s13 =	simm.s32 $0x1  }
0x5: {  	s14 =	simm.s32 $0x2;
	[smem:$0x7FF] =	sst s3;
	s5 =	sshll.u32 s1, $0xB  }
0x6: {  	s7 =	sand.u32 $0x1, s4;
	s4 =	sadd.s32 $0x12600, s6;
	s12 =	smul.u32 $0x4F000, s1  }
0x7: {  	s31 =	sshll.u32 s1, $0x6;
	s16 =	smul.u32 $0x2780, s1;
	_ =	strace $0x80000047  }
0x8: {  	s8 =	sadd.s32 s5, s6;
	s9 =	smul.u32 $0x27800, s7;
	s10 =	ssub.s32 $0x2, s7  }
0x9: {  	s5 =	sadd.s32 $0x14E00, s6;
	s7 =	sshll.u32 s7, $0xF;
	s11 =	sshrl.u32 s10, $0x1  }
0xa: {  	s30 =	sshrl.u32 s12, $0x2;
	s7 =	sadd.s32 s7, s8;
	s9 =	sadd.s32 s9, s6  }
0xb: {  	s10 =	ssub.s32 s10, s11;
	s12 =	sadd.s32 s30, s2;
	s6 =	sor.u32 $0x1C03, s31  }
0xc: {  	s7 =	sadd.s32 $0x2600, s7;
	s11 =	simm.s32 $0x4000;
	s15 =	sadd.s32 $0x15400, s9  }
0xd: {  	s8 =	smax.u32 s10, $0x1;
	s9 =	sshrl.u32 s12, $0x3;
	s10 =	simm.s32 $0x3  }
0xe: {  	s12 =	simm.s32 $0x50;
	s15 =	sadd.s32 s16, s15;
	s16 =	simm.s32 $0x0  }
.LBB2_1:
0xf: {  	[spmem:s9], [sflag:s6] =	dma.local [hbm:s4], $0x2780  }
0x10: {  	_ =	swait.ge [sflag:s10], $0x2780  }
0x11: {  	[sflag:s10] =	ssyncset.done $0x0  }
0x12: {  	[sflag:s10] =	ssyncadd.s32 $0xFFFFD880  }
0x13: {  	[tilespmem:s3], [sflag:$0x3] =	stream.linear.gather [hbm4b:s7+s3], $0x3E80, $0x38;
	[tilespmem:$0x1A400] =	vst v63  }
0x14: {  	_ =	swait.ge [sflag:s10], $0x3E80  }
0x15: {  	[sflag:s10] =	ssyncset.done $0x0  }
0x16: {  	[sflag:s10] =	ssyncadd.s32 $0xFFFFC180  }
0x17: {  	[tilespmem:s11], [sflag:$0x3] =	stream.linear.gather [hbm4b:s5+s3], $0x2800, $0x38;
	[tilespmem:$0x1A400] =	vst v63  }
0x18: {  	_ =	swait.ge [sflag:s10], $0x2800  }
0x19: {  	[sflag:s10] =	ssyncset.done $0x0  }
0x1a: {  	[sflag:s10] =	ssyncadd.s32 $0xFFFFD800  }
0x1b: {  	s17 =	simm.s32 $0x0;
	[bflag:$0x0] =	sbarrier.arrive $0xFFFF  }
0x1c: {  	[spmem:s2] =	stream.indirect.scatter.add.f32 [tilespmem:s11], [sflag:$0x1], $0x80, s17, s12, $0xb8;
	[tilespmem:$0x1A400] =	vst v63  }
0x1d: {  	s20 =	simm.s32 $0x80  }
0x1e: {  	[spmem:s2] =	stream.indirect.scatter.add.f32 [tilespmem:s11], [sflag:$0x2], $0x80, s20, s12, $0xb8;
	[tilespmem:$0x1A400] =	vst v63  }
0x1f: {  	_ =	swait.ge [sflag:s13], $0x2800  }
0x20: {  	[sflag:s13] =	ssyncset.done $0x0  }
0x21: {  	s21 =	simm.s32 $0x100;
	[sflag:s13] =	ssyncadd.s32 $0xFFFFD800  }
0x22: {  	[spmem:s2] =	stream.indirect.scatter.add.f32 [tilespmem:s11], [sflag:$0x1], $0x80, s21, s12, $0xb8;
	[tilespmem:$0x1A400] =	vst v63  }
0x23: {  	_ =	swait.ge [sflag:s14], $0x2800  }
0x24: {  	[sflag:s14] =	ssyncset.done $0x0  }
0x25: {  	s22 =	simm.s32 $0x180;
	[sflag:s14] =	ssyncadd.s32 $0xFFFFD800  }
0x26: {  	[spmem:s2] =	stream.indirect.scatter.add.f32 [tilespmem:s11], [sflag:$0x2], $0x80, s22, s12, $0xb8;
	[tilespmem:$0x1A400] =	vst v63  }
0x27: {  	_ =	swait.ge [sflag:s13], $0x2800  }
0x28: {  	[sflag:s13] =	ssyncset.done $0x0  }
0x29: {  	s23 =	simm.s32 $0x200;
	[sflag:s13] =	ssyncadd.s32 $0xFFFFD800  }
0x2a: {  	[spmem:s2] =	stream.indirect.scatter.add.f32 [tilespmem:s11], [sflag:$0x1], $0x80, s23, s12, $0xb8;
	[tilespmem:$0x1A400] =	vst v63  }
0x2b: {  	_ =	swait.ge [sflag:s14], $0x2800  }
0x2c: {  	[sflag:s14] =	ssyncset.done $0x0  }
0x2d: {  	s24 =	simm.s32 $0x280;
	[sflag:s14] =	ssyncadd.s32 $0xFFFFD800  }
0x2e: {  	[spmem:s2] =	stream.indirect.scatter.add.f32 [tilespmem:s11], [sflag:$0x2], $0x80, s24, s12, $0xb8;
	[tilespmem:$0x1A400] =	vst v63  }
0x2f: {  	_ =	swait.ge [sflag:s13], $0x2800  }
0x30: {  	[sflag:s13] =	ssyncset.done $0x0  }
0x31: {  	s25 =	simm.s32 $0x300;
	[sflag:s13] =	ssyncadd.s32 $0xFFFFD800  }
0x32: {  	[spmem:s2] =	stream.indirect.scatter.add.f32 [tilespmem:s11], [sflag:$0x1], $0x80, s25, s12, $0xb8;
	[tilespmem:$0x1A400] =	vst v63  }
0x33: {  	_ =	swait.ge [sflag:s14], $0x2800  }
0x34: {  	[sflag:s14] =	ssyncset.done $0x0  }
0x35: {  	s26 =	simm.s32 $0x380;
	[sflag:s14] =	ssyncadd.s32 $0xFFFFD800  }
0x36: {  	[spmem:s2] =	stream.indirect.scatter.add.f32 [tilespmem:s11], [sflag:$0x2], $0x80, s26, s12, $0xb8;
	[tilespmem:$0x1A400] =	vst v63  }
0x37: {  	_ =	swait.ge [sflag:s13], $0x2800  }
0x38: {  	[sflag:s13] =	ssyncset.done $0x0  }
0x39: {  	s28 =	simm.s32 $0x400;
	[sflag:s13] =	ssyncadd.s32 $0xFFFFD800  }
0x3a: {  	[spmem:s2] =	stream.indirect.scatter.add.f32 [tilespmem:s11], [sflag:$0x1], $0x80, s28, s12, $0xb8;
	[tilespmem:$0x1A400] =	vst v63  }
0x3b: {  	_ =	swait.ge [sflag:s14], $0x2800  }
0x3c: {  	[sflag:s14] =	ssyncset.done $0x0  }
0x3d: {  	s29 =	simm.s32 $0x480;
	[sflag:s14] =	ssyncadd.s32 $0xFFFFD800  }
0x3e: {  	[spmem:s2] =	stream.indirect.scatter.add.f32 [tilespmem:s11], [sflag:$0x2], $0x80, s29, s12, $0xb8;
	[tilespmem:$0x1A400] =	vst v63  }
0x3f: {  	_ =	swait.ge [sflag:s13], $0x2800  }
0x40: {  	[sflag:s13] =	ssyncset.done $0x0  }
0x41: {  	s30 =	simm.s32 $0x500;
	[sflag:s13] =	ssyncadd.s32 $0xFFFFD800  }
0x42: {  	[spmem:s2] =	stream.indirect.scatter.add.f32 [tilespmem:s11], [sflag:$0x1], $0x80, s30, s12, $0xb8;
	[tilespmem:$0x1A400] =	vst v63  }
0x43: {  	_ =	swait.ge [sflag:s14], $0x2800  }
0x44: {  	[sflag:s14] =	ssyncset.done $0x0  }
0x45: {  	s31 =	simm.s32 $0x580;
	[sflag:s14] =	ssyncadd.s32 $0xFFFFD800  }
0x46: {  	[spmem:s2] =	stream.indirect.scatter.add.f32 [tilespmem:s11], [sflag:$0x2], $0x80, s31, s12, $0xb8;
	[tilespmem:$0x1A400] =	vst v63  }
0x47: {  	_ =	swait.ge [sflag:s13], $0x2800  }
0x48: {  	[sflag:s13] =	ssyncset.done $0x0  }
0x49: {  	s18 =	simm.s32 $0x600;
	[sflag:s13] =	ssyncadd.s32 $0xFFFFD800  }
0x4a: {  	[spmem:s2] =	stream.indirect.scatter.add.f32 [tilespmem:s11], [sflag:$0x1], $0x80, s18, s12, $0xb8;
	[tilespmem:$0x1A400] =	vst v63  }
0x4b: {  	_ =	swait.ge [sflag:s14], $0x2800  }
0x4c: {  	[sflag:s14] =	ssyncset.done $0x0  }
0x4d: {  	s19 =	simm.s32 $0x680;
	[sflag:s14] =	ssyncadd.s32 $0xFFFFD800  }
0x4e: {  	[spmem:s2] =	stream.indirect.scatter.add.f32 [tilespmem:s11], [sflag:$0x2], $0x80, s19, s12, $0xb8;
	[tilespmem:$0x1A400] =	vst v63  }
0x4f: {  	_ =	swait.ge [sflag:s13], $0x2800  }
0x50: {  	[sflag:s13] =	ssyncset.done $0x0  }
0x51: {  	s20 =	simm.s32 $0x700;
	[sflag:s13] =	ssyncadd.s32 $0xFFFFD800  }
0x52: {  	[spmem:s2] =	stream.indirect.scatter.add.f32 [tilespmem:s11], [sflag:$0x1], $0x80, s20, s12, $0xb8;
	[tilespmem:$0x1A400] =	vst v63  }
0x53: {  	_ =	swait.ge [sflag:s14], $0x2800  }
0x54: {  	[sflag:s14] =	ssyncset.done $0x0  }
0x55: {  	s21 =	simm.s32 $0x780;
	[sflag:s14] =	ssyncadd.s32 $0xFFFFD800  }
0x56: {  	[spmem:s2] =	stream.indirect.scatter.add.f32 [tilespmem:s11], [sflag:$0x2], $0x80, s21, s12, $0xb8;
	[tilespmem:$0x1A400] =	vst v63  }
0x57: {  	_ =	swait.ge [sflag:s13], $0x2800  }
0x58: {  	[sflag:s13] =	ssyncset.done $0x0  }
0x59: {  	s22 =	simm.s32 $0x800;
	[sflag:s13] =	ssyncadd.s32 $0xFFFFD800  }
0x5a: {  	[spmem:s2] =	stream.indirect.scatter.add.f32 [tilespmem:s11], [sflag:$0x1], $0x80, s22, s12, $0xb8;
	[tilespmem:$0x1A400] =	vst v63  }
0x5b: {  	_ =	swait.ge [sflag:s14], $0x2800  }
0x5c: {  	[sflag:s14] =	ssyncset.done $0x0  }
0x5d: {  	s23 =	simm.s32 $0x880;
	[sflag:s14] =	ssyncadd.s32 $0xFFFFD800  }
0x5e: {  	[spmem:s2] =	stream.indirect.scatter.add.f32 [tilespmem:s11], [sflag:$0x2], $0x80, s23, s12, $0xb8;
	[tilespmem:$0x1A400] =	vst v63  }
0x5f: {  	_ =	swait.ge [sflag:s13], $0x2800  }
0x60: {  	[sflag:s13] =	ssyncset.done $0x0  }
0x61: {  	s24 =	simm.s32 $0x900;
	[sflag:s13] =	ssyncadd.s32 $0xFFFFD800  }
0x62: {  	[spmem:s2] =	stream.indirect.scatter.add.f32 [tilespmem:s11], [sflag:$0x1], $0x80, s24, s12, $0xb8;
	[tilespmem:$0x1A400] =	vst v63  }
0x63: {  	_ =	swait.ge [sflag:s14], $0x2800  }
0x64: {  	[sflag:s14] =	ssyncset.done $0x0  }
0x65: {  	s25 =	simm.s32 $0x980;
	[sflag:s14] =	ssyncadd.s32 $0xFFFFD800  }
0x66: {  	[spmem:s2] =	stream.indirect.scatter.add.f32 [tilespmem:s11], [sflag:$0x2], $0x80, s25, s12, $0xb8;
	[tilespmem:$0x1A400] =	vst v63  }
0x67: {  	_ =	swait.ge [sflag:s13], $0x2800  }
0x68: {  	[sflag:s13] =	ssyncset.done $0x0  }
0x69: {  	s26 =	simm.s32 $0xA00;
	[sflag:s13] =	ssyncadd.s32 $0xFFFFD800  }
0x6a: {  	[spmem:s2] =	stream.indirect.scatter.add.f32 [tilespmem:s11], [sflag:$0x1], $0x80, s26, s12, $0xb8;
	[tilespmem:$0x1A400] =	vst v63  }
0x6b: {  	_ =	swait.ge [sflag:s14], $0x2800  }
0x6c: {  	[sflag:s14] =	ssyncset.done $0x0  }
0x6d: {  	s28 =	simm.s32 $0xA80;
	[sflag:s14] =	ssyncadd.s32 $0xFFFFD800  }
0x6e: {  	[spmem:s2] =	stream.indirect.scatter.add.f32 [tilespmem:s11], [sflag:$0x2], $0x80, s28, s12, $0xb8;
	[tilespmem:$0x1A400] =	vst v63  }
0x6f: {  	_ =	swait.ge [sflag:s13], $0x2800  }
0x70: {  	[sflag:s13] =	ssyncset.done $0x0  }
0x71: {  	s29 =	simm.s32 $0xB00;
	[sflag:s13] =	ssyncadd.s32 $0xFFFFD800  }
0x72: {  	[spmem:s2] =	stream.indirect.scatter.add.f32 [tilespmem:s11], [sflag:$0x1], $0x80, s29, s12, $0xb8;
	[tilespmem:$0x1A400] =	vst v63  }
0x73: {  	_ =	swait.ge [sflag:s14], $0x2800  }
0x74: {  	[sflag:s14] =	ssyncset.done $0x0  }
0x75: {  	s30 =	simm.s32 $0xB80;
	[sflag:s14] =	ssyncadd.s32 $0xFFFFD800  }
0x76: {  	[spmem:s2] =	stream.indirect.scatter.add.f32 [tilespmem:s11], [sflag:$0x2], $0x80, s30, s12, $0xb8;
	[tilespmem:$0x1A400] =	vst v63  }
0x77: {  	_ =	swait.ge [sflag:s13], $0x2800  }
0x78: {  	[sflag:s13] =	ssyncset.done $0x0  }
0x79: {  	s31 =	simm.s32 $0xC00;
	[sflag:s13] =	ssyncadd.s32 $0xFFFFD800  }
0x7a: {  	[spmem:s2] =	stream.indirect.scatter.add.f32 [tilespmem:s11], [sflag:$0x1], $0x80, s31, s12, $0xb8;
	[tilespmem:$0x1A400] =	vst v63  }
0x7b: {  	_ =	swait.ge [sflag:s14], $0x2800  }
0x7c: {  	[sflag:s14] =	ssyncset.done $0x0  }
0x7d: {  	[sflag:s14] =	ssyncadd.s32 $0xFFFFD800  }
0x7e: {  	_ =	swait.ge [sflag:s13], $0x2800  }
0x7f: {  	s17 =	simm.s32 $0x3200;
	s20 =	simm.s32 $0x6400;
	[sflag:s13] =	ssyncset.done $0x0  }
.LBB2_2:
0x80: {  	s19 =	sshra.s32 s17, $0x2  }
0x81: {  	[sflag:s13] =	ssyncadd.s32 $0xFFFFD800;
	s17 =	smov.u32 s20;
	s18 =	sadd.s32 $0x3200, s20  }
0x82: {  	[spmem:s2] =	stream.indirect.scatter.add.f32 [tilespmem:s11], [sflag:$0x1], $0x80, s19, s12, $0xb8;
	[tilespmem:$0x1A400] =	vst v63  }
0x83: {  	p0 =	sne.s32 s20, $0xC800;
	s20 =	sadd.s32 $0x80, s19  }
0x84: {  	[spmem:s2] =	stream.indirect.scatter.add.f32 [tilespmem:s11], [sflag:$0x2], $0x80, s20, s12, $0xb8;
	[tilespmem:$0x1A400] =	vst v63  }
0x85: {  	_ =	swait.ge [sflag:s13], $0x2800  }
0x86: {  	[sflag:s13] =	ssyncset.done $0x0  }
0x87: {  	s20 =	sadd.s32 $0x100, s19;
	[sflag:s13] =	ssyncadd.s32 $0xFFFFD800  }
0x88: {  	[spmem:s2] =	stream.indirect.scatter.add.f32 [tilespmem:s11], [sflag:$0x1], $0x80, s20, s12, $0xb8;
	[tilespmem:$0x1A400] =	vst v63  }
0x89: {  	_ =	swait.ge [sflag:s14], $0x2800  }
0x8a: {  	[sflag:s14] =	ssyncset.done $0x0  }
0x8b: {  	s20 =	sadd.s32 $0x180, s19;
	[sflag:s14] =	ssyncadd.s32 $0xFFFFD800  }
0x8c: {  	[spmem:s2] =	stream.indirect.scatter.add.f32 [tilespmem:s11], [sflag:$0x2], $0x80, s20, s12, $0xb8;
	[tilespmem:$0x1A400] =	vst v63  }
0x8d: {  	_ =	swait.ge [sflag:s13], $0x2800  }
0x8e: {  	[sflag:s13] =	ssyncset.done $0x0  }
0x8f: {  	s20 =	sadd.s32 $0x200, s19;
	[sflag:s13] =	ssyncadd.s32 $0xFFFFD800  }
0x90: {  	[spmem:s2] =	stream.indirect.scatter.add.f32 [tilespmem:s11], [sflag:$0x1], $0x80, s20, s12, $0xb8;
	[tilespmem:$0x1A400] =	vst v63  }
0x91: {  	_ =	swait.ge [sflag:s14], $0x2800  }
0x92: {  	[sflag:s14] =	ssyncset.done $0x0  }
0x93: {  	s20 =	sadd.s32 $0x280, s19;
	[sflag:s14] =	ssyncadd.s32 $0xFFFFD800  }
0x94: {  	[spmem:s2] =	stream.indirect.scatter.add.f32 [tilespmem:s11], [sflag:$0x2], $0x80, s20, s12, $0xb8;
	[tilespmem:$0x1A400] =	vst v63  }
0x95: {  	_ =	swait.ge [sflag:s13], $0x2800  }
0x96: {  	[sflag:s13] =	ssyncset.done $0x0  }
0x97: {  	s20 =	sadd.s32 $0x300, s19;
	[sflag:s13] =	ssyncadd.s32 $0xFFFFD800  }
0x98: {  	[spmem:s2] =	stream.indirect.scatter.add.f32 [tilespmem:s11], [sflag:$0x1], $0x80, s20, s12, $0xb8;
	[tilespmem:$0x1A400] =	vst v63  }
0x99: {  	_ =	swait.ge [sflag:s14], $0x2800  }
0x9a: {  	[sflag:s14] =	ssyncset.done $0x0  }
0x9b: {  	s20 =	sadd.s32 $0x380, s19;
	[sflag:s14] =	ssyncadd.s32 $0xFFFFD800  }
0x9c: {  	[spmem:s2] =	stream.indirect.scatter.add.f32 [tilespmem:s11], [sflag:$0x2], $0x80, s20, s12, $0xb8;
	[tilespmem:$0x1A400] =	vst v63  }
0x9d: {  	_ =	swait.ge [sflag:s13], $0x2800  }
0x9e: {  	[sflag:s13] =	ssyncset.done $0x0  }
0x9f: {  	s20 =	sadd.s32 $0x400, s19;
	[sflag:s13] =	ssyncadd.s32 $0xFFFFD800  }
0xa0: {  	[spmem:s2] =	stream.indirect.scatter.add.f32 [tilespmem:s11], [sflag:$0x1], $0x80, s20, s12, $0xb8;
	[tilespmem:$0x1A400] =	vst v63  }
0xa1: {  	_ =	swait.ge [sflag:s14], $0x2800  }
0xa2: {  	[sflag:s14] =	ssyncset.done $0x0  }
0xa3: {  	s20 =	sadd.s32 $0x480, s19;
	[sflag:s14] =	ssyncadd.s32 $0xFFFFD800  }
0xa4: {  	[spmem:s2] =	stream.indirect.scatter.add.f32 [tilespmem:s11], [sflag:$0x2], $0x80, s20, s12, $0xb8;
	[tilespmem:$0x1A400] =	vst v63  }
0xa5: {  	_ =	swait.ge [sflag:s13], $0x2800  }
0xa6: {  	[sflag:s13] =	ssyncset.done $0x0  }
0xa7: {  	s20 =	sadd.s32 $0x500, s19;
	[sflag:s13] =	ssyncadd.s32 $0xFFFFD800  }
0xa8: {  	[spmem:s2] =	stream.indirect.scatter.add.f32 [tilespmem:s11], [sflag:$0x1], $0x80, s20, s12, $0xb8;
	[tilespmem:$0x1A400] =	vst v63  }
0xa9: {  	_ =	swait.ge [sflag:s14], $0x2800  }
0xaa: {  	[sflag:s14] =	ssyncset.done $0x0  }
0xab: {  	s20 =	sadd.s32 $0x580, s19;
	[sflag:s14] =	ssyncadd.s32 $0xFFFFD800  }
0xac: {  	[spmem:s2] =	stream.indirect.scatter.add.f32 [tilespmem:s11], [sflag:$0x2], $0x80, s20, s12, $0xb8;
	[tilespmem:$0x1A400] =	vst v63  }
0xad: {  	_ =	swait.ge [sflag:s13], $0x2800  }
0xae: {  	[sflag:s13] =	ssyncset.done $0x0  }
0xaf: {  	s20 =	sadd.s32 $0x600, s19;
	[sflag:s13] =	ssyncadd.s32 $0xFFFFD800  }
0xb0: {  	[spmem:s2] =	stream.indirect.scatter.add.f32 [tilespmem:s11], [sflag:$0x1], $0x80, s20, s12, $0xb8;
	[tilespmem:$0x1A400] =	vst v63  }
0xb1: {  	_ =	swait.ge [sflag:s14], $0x2800  }
0xb2: {  	[sflag:s14] =	ssyncset.done $0x0  }
0xb3: {  	s20 =	sadd.s32 $0x680, s19;
	[sflag:s14] =	ssyncadd.s32 $0xFFFFD800  }
0xb4: {  	[spmem:s2] =	stream.indirect.scatter.add.f32 [tilespmem:s11], [sflag:$0x2], $0x80, s20, s12, $0xb8;
	[tilespmem:$0x1A400] =	vst v63  }
0xb5: {  	_ =	swait.ge [sflag:s13], $0x2800  }
0xb6: {  	[sflag:s13] =	ssyncset.done $0x0  }
0xb7: {  	s20 =	sadd.s32 $0x700, s19;
	[sflag:s13] =	ssyncadd.s32 $0xFFFFD800  }
0xb8: {  	[spmem:s2] =	stream.indirect.scatter.add.f32 [tilespmem:s11], [sflag:$0x1], $0x80, s20, s12, $0xb8;
	[tilespmem:$0x1A400] =	vst v63  }
0xb9: {  	_ =	swait.ge [sflag:s14], $0x2800  }
0xba: {  	[sflag:s14] =	ssyncset.done $0x0  }
0xbb: {  	s20 =	sadd.s32 $0x780, s19;
	[sflag:s14] =	ssyncadd.s32 $0xFFFFD800  }
0xbc: {  	[spmem:s2] =	stream.indirect.scatter.add.f32 [tilespmem:s11], [sflag:$0x2], $0x80, s20, s12, $0xb8;
	[tilespmem:$0x1A400] =	vst v63  }
0xbd: {  	_ =	swait.ge [sflag:s13], $0x2800  }
0xbe: {  	[sflag:s13] =	ssyncset.done $0x0  }
0xbf: {  	s20 =	sadd.s32 $0x800, s19;
	[sflag:s13] =	ssyncadd.s32 $0xFFFFD800  }
0xc0: {  	[spmem:s2] =	stream.indirect.scatter.add.f32 [tilespmem:s11], [sflag:$0x1], $0x80, s20, s12, $0xb8;
	[tilespmem:$0x1A400] =	vst v63  }
0xc1: {  	_ =	swait.ge [sflag:s14], $0x2800  }
0xc2: {  	[sflag:s14] =	ssyncset.done $0x0  }
0xc3: {  	s20 =	sadd.s32 $0x880, s19;
	[sflag:s14] =	ssyncadd.s32 $0xFFFFD800  }
0xc4: {  	[spmem:s2] =	stream.indirect.scatter.add.f32 [tilespmem:s11], [sflag:$0x2], $0x80, s20, s12, $0xb8;
	[tilespmem:$0x1A400] =	vst v63  }
0xc5: {  	_ =	swait.ge [sflag:s13], $0x2800  }
0xc6: {  	[sflag:s13] =	ssyncset.done $0x0  }
0xc7: {  	s20 =	sadd.s32 $0x900, s19;
	[sflag:s13] =	ssyncadd.s32 $0xFFFFD800  }
0xc8: {  	[spmem:s2] =	stream.indirect.scatter.add.f32 [tilespmem:s11], [sflag:$0x1], $0x80, s20, s12, $0xb8;
	[tilespmem:$0x1A400] =	vst v63  }
0xc9: {  	_ =	swait.ge [sflag:s14], $0x2800  }
0xca: {  	[sflag:s14] =	ssyncset.done $0x0  }
0xcb: {  	s20 =	sadd.s32 $0x980, s19;
	[sflag:s14] =	ssyncadd.s32 $0xFFFFD800  }
0xcc: {  	[spmem:s2] =	stream.indirect.scatter.add.f32 [tilespmem:s11], [sflag:$0x2], $0x80, s20, s12, $0xb8;
	[tilespmem:$0x1A400] =	vst v63  }
0xcd: {  	_ =	swait.ge [sflag:s13], $0x2800  }
0xce: {  	[sflag:s13] =	ssyncset.done $0x0  }
0xcf: {  	s20 =	sadd.s32 $0xA00, s19;
	[sflag:s13] =	ssyncadd.s32 $0xFFFFD800  }
0xd0: {  	[spmem:s2] =	stream.indirect.scatter.add.f32 [tilespmem:s11], [sflag:$0x1], $0x80, s20, s12, $0xb8;
	[tilespmem:$0x1A400] =	vst v63  }
0xd1: {  	_ =	swait.ge [sflag:s14], $0x2800  }
0xd2: {  	[sflag:s14] =	ssyncset.done $0x0  }
0xd3: {  	s20 =	sadd.s32 $0xA80, s19;
	[sflag:s14] =	ssyncadd.s32 $0xFFFFD800  }
0xd4: {  	[spmem:s2] =	stream.indirect.scatter.add.f32 [tilespmem:s11], [sflag:$0x2], $0x80, s20, s12, $0xb8;
	[tilespmem:$0x1A400] =	vst v63  }
0xd5: {  	_ =	swait.ge [sflag:s13], $0x2800  }
0xd6: {  	[sflag:s13] =	ssyncset.done $0x0  }
0xd7: {  	s20 =	sadd.s32 $0xB00, s19;
	[sflag:s13] =	ssyncadd.s32 $0xFFFFD800  }
0xd8: {  	[spmem:s2] =	stream.indirect.scatter.add.f32 [tilespmem:s11], [sflag:$0x1], $0x80, s20, s12, $0xb8;
	[tilespmem:$0x1A400] =	vst v63  }
0xd9: {  	_ =	swait.ge [sflag:s14], $0x2800  }
0xda: {  	[sflag:s14] =	ssyncset.done $0x0  }
0xdb: {  	s20 =	sadd.s32 $0xB80, s19;
	[sflag:s14] =	ssyncadd.s32 $0xFFFFD800  }
0xdc: {  	[spmem:s2] =	stream.indirect.scatter.add.f32 [tilespmem:s11], [sflag:$0x2], $0x80, s20, s12, $0xb8;
	[tilespmem:$0x1A400] =	vst v63  }
0xdd: {  	_ =	swait.ge [sflag:s13], $0x2800  }
0xde: {  	[sflag:s13] =	ssyncset.done $0x0  }
0xdf: {  	s19 =	sadd.s32 $0xC00, s19;
	[sflag:s13] =	ssyncadd.s32 $0xFFFFD800  }
0xe0: {  	[spmem:s2] =	stream.indirect.scatter.add.f32 [tilespmem:s11], [sflag:$0x1], $0x80, s19, s12, $0xb8;
	[tilespmem:$0x1A400] =	vst v63  }
.Ltmp0:
0xe1: {  	_ =	swait.ge [sflag:s14], $0x2800;
	(pc) =	sbr.rel @p0 .LBB2_2-.Ltmp0, $4  }
0xe2: {  	[sflag:s14] =	ssyncset.done $0x0  }
0xe3: {  	[sflag:s14] =	ssyncadd.s32 $0xFFFFD800  }
0xe4: {  	_ =	swait.ge [sflag:s13], $0x2800  }
0xe5: {  	s20 =	smov.u32 s18;
	[sflag:s13] =	ssyncset.done $0x0  }
0xe6: {  	s17 =	sshra.s32 s17, $0x2;
	[sflag:s13] =	ssyncadd.s32 $0xFFFFD800  }
0xe7: {  	[spmem:s2] =	stream.indirect.scatter.add.f32 [tilespmem:s11], [sflag:$0x1], $0x80, s17, s12, $0xb8;
	[tilespmem:$0x1A400] =	vst v63  }
0xe8: {  	s18 =	sadd.s32 $0x80, s17  }
0xe9: {  	[spmem:s2] =	stream.indirect.scatter.add.f32 [tilespmem:s11], [sflag:$0x2], $0x80, s18, s12, $0xb8;
	[tilespmem:$0x1A400] =	vst v63  }
0xea: {  	_ =	swait.ge [sflag:s13], $0x2800  }
0xeb: {  	[sflag:s13] =	ssyncset.done $0x0  }
0xec: {  	s21 =	sadd.s32 $0x100, s17;
	[sflag:s13] =	ssyncadd.s32 $0xFFFFD800  }
0xed: {  	[spmem:s2] =	stream.indirect.scatter.add.f32 [tilespmem:s11], [sflag:$0x1], $0x80, s21, s12, $0xb8;
	[tilespmem:$0x1A400] =	vst v63  }
0xee: {  	_ =	swait.ge [sflag:s14], $0x2800  }
0xef: {  	[sflag:s14] =	ssyncset.done $0x0  }
0xf0: {  	s22 =	sadd.s32 $0x180, s17;
	[sflag:s14] =	ssyncadd.s32 $0xFFFFD800  }
0xf1: {  	[spmem:s2] =	stream.indirect.scatter.add.f32 [tilespmem:s11], [sflag:$0x2], $0x80, s22, s12, $0xb8;
	[tilespmem:$0x1A400] =	vst v63  }
0xf2: {  	_ =	swait.ge [sflag:s13], $0x2800  }
0xf3: {  	[sflag:s13] =	ssyncset.done $0x0  }
0xf4: {  	s23 =	sadd.s32 $0x200, s17;
	[sflag:s13] =	ssyncadd.s32 $0xFFFFD800  }
0xf5: {  	[spmem:s2] =	stream.indirect.scatter.add.f32 [tilespmem:s11], [sflag:$0x1], $0x80, s23, s12, $0xb8;
	[tilespmem:$0x1A400] =	vst v63  }
0xf6: {  	_ =	swait.ge [sflag:s14], $0x2800  }
0xf7: {  	[sflag:s14] =	ssyncset.done $0x0  }
0xf8: {  	s24 =	sadd.s32 $0x280, s17;
	[sflag:s14] =	ssyncadd.s32 $0xFFFFD800  }
0xf9: {  	[spmem:s2] =	stream.indirect.scatter.add.f32 [tilespmem:s11], [sflag:$0x2], $0x80, s24, s12, $0xb8;
	[tilespmem:$0x1A400] =	vst v63  }
0xfa: {  	_ =	swait.ge [sflag:s13], $0x2800  }
0xfb: {  	[sflag:s13] =	ssyncset.done $0x0  }
0xfc: {  	s25 =	sadd.s32 $0x300, s17;
	[sflag:s13] =	ssyncadd.s32 $0xFFFFD800  }
0xfd: {  	[spmem:s2] =	stream.indirect.scatter.add.f32 [tilespmem:s11], [sflag:$0x1], $0x80, s25, s12, $0xb8;
	[tilespmem:$0x1A400] =	vst v63  }
0xfe: {  	_ =	swait.ge [sflag:s14], $0x2800  }
0xff: {  	[sflag:s14] =	ssyncset.done $0x0  }
0x100: {  	s26 =	sadd.s32 $0x380, s17;
	[sflag:s14] =	ssyncadd.s32 $0xFFFFD800  }
0x101: {  	[spmem:s2] =	stream.indirect.scatter.add.f32 [tilespmem:s11], [sflag:$0x2], $0x80, s26, s12, $0xb8;
	[tilespmem:$0x1A400] =	vst v63  }
0x102: {  	_ =	swait.ge [sflag:s13], $0x2800  }
0x103: {  	[sflag:s13] =	ssyncset.done $0x0  }
0x104: {  	s28 =	sadd.s32 $0x400, s17;
	[sflag:s13] =	ssyncadd.s32 $0xFFFFD800  }
0x105: {  	[spmem:s2] =	stream.indirect.scatter.add.f32 [tilespmem:s11], [sflag:$0x1], $0x80, s28, s12, $0xb8;
	[tilespmem:$0x1A400] =	vst v63  }
0x106: {  	_ =	swait.ge [sflag:s14], $0x2800  }
0x107: {  	[sflag:s14] =	ssyncset.done $0x0  }
0x108: {  	s29 =	sadd.s32 $0x480, s17;
	[sflag:s14] =	ssyncadd.s32 $0xFFFFD800  }
0x109: {  	[spmem:s2] =	stream.indirect.scatter.add.f32 [tilespmem:s11], [sflag:$0x2], $0x80, s29, s12, $0xb8;
	[tilespmem:$0x1A400] =	vst v63  }
0x10a: {  	_ =	swait.ge [sflag:s13], $0x2800  }
0x10b: {  	[sflag:s13] =	ssyncset.done $0x0  }
0x10c: {  	s30 =	sadd.s32 $0x500, s17;
	[sflag:s13] =	ssyncadd.s32 $0xFFFFD800  }
0x10d: {  	[spmem:s2] =	stream.indirect.scatter.add.f32 [tilespmem:s11], [sflag:$0x1], $0x80, s30, s12, $0xb8;
	[tilespmem:$0x1A400] =	vst v63  }
0x10e: {  	_ =	swait.ge [sflag:s14], $0x2800  }
0x10f: {  	[sflag:s14] =	ssyncset.done $0x0  }
0x110: {  	s31 =	sadd.s32 $0x580, s17;
	[sflag:s14] =	ssyncadd.s32 $0xFFFFD800  }
0x111: {  	[spmem:s2] =	stream.indirect.scatter.add.f32 [tilespmem:s11], [sflag:$0x2], $0x80, s31, s12, $0xb8;
	[tilespmem:$0x1A400] =	vst v63  }
0x112: {  	_ =	swait.ge [sflag:s13], $0x2800  }
0x113: {  	[sflag:s13] =	ssyncset.done $0x0  }
0x114: {  	s19 =	sadd.s32 $0x600, s17;
	[sflag:s13] =	ssyncadd.s32 $0xFFFFD800  }
0x115: {  	[spmem:s2] =	stream.indirect.scatter.add.f32 [tilespmem:s11], [sflag:$0x1], $0x80, s19, s12, $0xb8;
	[tilespmem:$0x1A400] =	vst v63  }
0x116: {  	_ =	swait.ge [sflag:s14], $0x2800  }
0x117: {  	[sflag:s14] =	ssyncset.done $0x0  }
0x118: {  	s20 =	sadd.s32 $0x680, s17;
	[sflag:s14] =	ssyncadd.s32 $0xFFFFD800  }
0x119: {  	[spmem:s2] =	stream.indirect.scatter.add.f32 [tilespmem:s11], [sflag:$0x2], $0x80, s20, s12, $0xb8;
	[tilespmem:$0x1A400] =	vst v63  }
0x11a: {  	_ =	swait.ge [sflag:s13], $0x2800  }
0x11b: {  	[sflag:s13] =	ssyncset.done $0x0  }
0x11c: {  	s21 =	sadd.s32 $0x700, s17;
	[sflag:s13] =	ssyncadd.s32 $0xFFFFD800  }
0x11d: {  	[spmem:s2] =	stream.indirect.scatter.add.f32 [tilespmem:s11], [sflag:$0x1], $0x80, s21, s12, $0xb8;
	[tilespmem:$0x1A400] =	vst v63  }
0x11e: {  	_ =	swait.ge [sflag:s14], $0x2800  }
0x11f: {  	[sflag:s14] =	ssyncset.done $0x0  }
0x120: {  	s22 =	sadd.s32 $0x780, s17;
	[sflag:s14] =	ssyncadd.s32 $0xFFFFD800  }
0x121: {  	[spmem:s2] =	stream.indirect.scatter.add.f32 [tilespmem:s11], [sflag:$0x2], $0x80, s22, s12, $0xb8;
	[tilespmem:$0x1A400] =	vst v63  }
0x122: {  	_ =	swait.ge [sflag:s13], $0x2800  }
0x123: {  	[sflag:s13] =	ssyncset.done $0x0  }
0x124: {  	s23 =	sadd.s32 $0x800, s17;
	[sflag:s13] =	ssyncadd.s32 $0xFFFFD800  }
0x125: {  	[spmem:s2] =	stream.indirect.scatter.add.f32 [tilespmem:s11], [sflag:$0x1], $0x80, s23, s12, $0xb8;
	[tilespmem:$0x1A400] =	vst v63  }
0x126: {  	_ =	swait.ge [sflag:s14], $0x2800  }
0x127: {  	[sflag:s14] =	ssyncset.done $0x0  }
0x128: {  	s24 =	sadd.s32 $0x880, s17;
	[sflag:s14] =	ssyncadd.s32 $0xFFFFD800  }
0x129: {  	[spmem:s2] =	stream.indirect.scatter.add.f32 [tilespmem:s11], [sflag:$0x2], $0x80, s24, s12, $0xb8;
	[tilespmem:$0x1A400] =	vst v63  }
0x12a: {  	_ =	swait.ge [sflag:s13], $0x2800  }
0x12b: {  	[sflag:s13] =	ssyncset.done $0x0  }
0x12c: {  	s25 =	sadd.s32 $0x900, s17;
	[sflag:s13] =	ssyncadd.s32 $0xFFFFD800  }
0x12d: {  	[spmem:s2] =	stream.indirect.scatter.add.f32 [tilespmem:s11], [sflag:$0x1], $0x80, s25, s12, $0xb8;
	[tilespmem:$0x1A400] =	vst v63  }
0x12e: {  	_ =	swait.ge [sflag:s14], $0x2800  }
0x12f: {  	[sflag:s14] =	ssyncset.done $0x0  }
0x130: {  	s26 =	sadd.s32 $0x980, s17;
	[sflag:s14] =	ssyncadd.s32 $0xFFFFD800  }
0x131: {  	[spmem:s2] =	stream.indirect.scatter.add.f32 [tilespmem:s11], [sflag:$0x2], $0x80, s26, s12, $0xb8;
	[tilespmem:$0x1A400] =	vst v63  }
0x132: {  	_ =	swait.ge [sflag:s13], $0x2800  }
0x133: {  	[sflag:s13] =	ssyncset.done $0x0  }
0x134: {  	s28 =	sadd.s32 $0xA00, s17;
	[sflag:s13] =	ssyncadd.s32 $0xFFFFD800  }
0x135: {  	[spmem:s2] =	stream.indirect.scatter.add.f32 [tilespmem:s11], [sflag:$0x1], $0x80, s28, s12, $0xb8;
	[tilespmem:$0x1A400] =	vst v63  }
0x136: {  	_ =	swait.ge [sflag:s14], $0x2800  }
0x137: {  	[sflag:s14] =	ssyncset.done $0x0  }
0x138: {  	s29 =	sadd.s32 $0xA80, s17;
	[sflag:s14] =	ssyncadd.s32 $0xFFFFD800  }
0x139: {  	[spmem:s2] =	stream.indirect.scatter.add.f32 [tilespmem:s11], [sflag:$0x2], $0x80, s29, s12, $0xb8;
	[tilespmem:$0x1A400] =	vst v63  }
0x13a: {  	_ =	swait.ge [sflag:s13], $0x2800  }
0x13b: {  	[sflag:s13] =	ssyncset.done $0x0  }
0x13c: {  	s30 =	sadd.s32 $0xB00, s17;
	[sflag:s13] =	ssyncadd.s32 $0xFFFFD800  }
0x13d: {  	[spmem:s2] =	stream.indirect.scatter.add.f32 [tilespmem:s11], [sflag:$0x1], $0x80, s30, s12, $0xb8;
	[tilespmem:$0x1A400] =	vst v63  }
0x13e: {  	_ =	swait.ge [sflag:s14], $0x2800  }
0x13f: {  	[sflag:s14] =	ssyncset.done $0x0  }
0x140: {  	s31 =	sadd.s32 $0xB80, s17;
	[sflag:s14] =	ssyncadd.s32 $0xFFFFD800  }
0x141: {  	[spmem:s2] =	stream.indirect.scatter.add.f32 [tilespmem:s11], [sflag:$0x2], $0x80, s31, s12, $0xb8;
	[tilespmem:$0x1A400] =	vst v63  }
0x142: {  	_ =	swait.ge [sflag:s13], $0x2800  }
0x143: {  	[sflag:s13] =	ssyncset.done $0x0  }
0x144: {  	s17 =	sadd.s32 $0xC00, s17;
	[sflag:s13] =	ssyncadd.s32 $0xFFFFD800  }
0x145: {  	[spmem:s2] =	stream.indirect.scatter.add.f32 [tilespmem:s11], [sflag:$0x1], $0x80, s17, s12, $0xb8;
	[tilespmem:$0x1A400] =	vst v63  }
0x146: {  	_ =	swait.ge [sflag:s14], $0x2800  }
0x147: {  	[sflag:s14] =	ssyncset.done $0x0  }
0x148: {  	[sflag:s14] =	ssyncadd.s32 $0xFFFFD800  }
0x149: {  	_ =	swait.ge [sflag:s13], $0x2800  }
0x14a: {  	s16 =	sadd.s32 $0x1, s16;
	[sflag:s13] =	ssyncset.done $0x0  }
0x14b: {  	p0 =	sne.s32 s16, s8;
	[sflag:s13] =	ssyncadd.s32 $0xFFFFD800  }
.Ltmp1:
0x14c: {  	[bflag:$0x0] =	sbarrier.arrive $0xFFFF;
	(pc) =	sbr.rel @p0 .LBB2_1-.Ltmp1, $4  }
0x14d: {  	[hbm:s15], [sflag:s6] =	dma.local [spmem:s9], $0x2780  }
0x14e: {  	_ =	swait.ge [sflag:s10], $0x2780  }
0x14f: {  	[sflag:s10] =	ssyncset.done $0x0  }
0x150: {  	[sflag:s10] =	ssyncadd.s32 $0xFFFFD880  }
0x151: {  	_ =	sfence.sel $0x180000  }
0x152: {  	[bflag:$0x0] =	sbarrier.arrive $0xFFFF  }
0x153: {  	p0 =	sne.s32 s1, $0x0;
	_ =	strace $0x90000047  }
0x154: {  	s0 =	sadd.s32 @!p0 $0x100000, s0;
	[bflag:$0x2] =	sbarrier.arrive $0xFFFF  }
0x155: {  	[sflag:s0] =	ssyncadd.tile.s32 @!p0 $0x1;
	_ =	shalt  }
.Lfunc_end2:
_tile_overlayer_lowered:
.L_overlay_start_2:
0x156: {  	(tag) =	ssettag $0x2  }
0x157: {  	s0 =	rddreg [dreg:$0x0];
	s2 =	stileid.u32  }
0x158: {  	s1 =	rddreg [dreg:$0x1];
	p0 =	sne.s32 s2, $0x0  }
0x159: {  	s3 =	rddreg [dreg:$0x2];
	[bflag:$0x3] =	sbarrier.arrive $0xFFFF;
	s2 =	simm.s32 @!p0 $0x1C03  }
0x15a: {  	[timem:s3], [sflag:s2] =	dma.local @!p0 [hbm:s0], s1  }
0x15b: {  	s0 =	simm.s32 @!p0 $0x3  }
0x15c: {  	_ =	swait.ge @!p0 [sflag:s0], s1  }
0x15d: {  	s1 =	ssub.s32 @!p0 $0x0, s1;
	[sflag:s0] =	ssyncset.done @!p0 $0x0  }
0x15e: {  	[sflag:s0] =	ssyncadd.s32 @!p0 s1  }
0x15f: {  	[bflag:$0x3] =	sbarrier.arrive $0xFFFF  }
0x160: {  	_ =	shalt  }

</sc_bundles>
